<compile_context>
chip_gen: v7x
topology: tpu7x:2x2x1
jax: 0.10.2.dev20260603
libtpu: 0.0.44.dev20260713+nightly
codegen_flags: <defaults>
</compile_context>

<pallas_src>
import functools

import jax
import jax.numpy as jnp
from jax import lax
from jax.experimental import pallas as pl
from jax.experimental.pallas import tpu as pltpu
from jax.experimental.pallas import tpu_sc as plsc

NC = 2
NS = 16
NW = NC * NS
LANES = 16


def _mesh():
    return plsc.VectorSubcoreMesh(
        core_axis_name="c", subcore_axis_name="s",
        num_cores=NC, num_subcores=NS)


def _edge_chunk(per):
    for c in range(128, 0, -8):
        if per % c == 0:
            return c
    raise ValueError(f"per-worker edge count {per} has no 8-multiple divisor")



def _deg_kernel(E, NP2):
    per = E // NW
    C = 128
    NF = per // C
    T = per - NF * C
    RPS = NP2 // NS

    @functools.partial(
        pl.kernel,
        out_type=jax.ShapeDtypeStruct((NC * NP2,), jnp.float32),
        mesh=_mesh(),
        scratch_types=[
            pltpu.VMEM((C,), jnp.int32),
            pltpu.VMEM((C,), jnp.int32),
            pltpu.VMEM((max(T, 8),), jnp.int32),
            pltpu.VMEM((C,), jnp.float32),
            pltpu.VMEM((max(T, LANES),), jnp.float32),
            pltpu.VMEM((RPS,), jnp.float32),
            pltpu.VMEM_SHARED((NP2,), jnp.float32),
            pltpu.SemaphoreType.DMA,
            pltpu.SemaphoreType.DMA,
        ],
    )
    def deg(dst_hbm, out_hbm, didx0, didx1, tidx, ones, tones, zb, acc,
            isem0, isem1):
        cid = lax.axis_index("c")
        sid = lax.axis_index("s")
        wid = cid * NS + sid
        wbase = wid * per
        fbase = wbase + T
        for k in range(C // LANES):
            ones[pl.ds(k * LANES, LANES)] = jnp.full((LANES,), 1.0, jnp.float32)

        def zb_body(k, carry):
            zb[pl.ds(k * LANES, LANES)] = jnp.zeros((LANES,), jnp.float32)
            return carry
        lax.fori_loop(0, RPS // LANES, zb_body, 0)
        pltpu.sync_copy(zb, acc.at[pl.ds(sid * RPS, RPS)])
        plsc.subcore_barrier()

        if T:
            for k in range(max(T, LANES) // LANES):
                tones[pl.ds(k * LANES, LANES)] = jnp.full((LANES,), 1.0, jnp.float32)
            pltpu.sync_copy(dst_hbm.at[pl.ds(wbase, T)], tidx)
            pltpu.sync_copy(tones, acc.at[tidx], add=True)
        pltpu.sync_copy(dst_hbm.at[pl.ds(fbase, C)], didx0)
        pltpu.sync_copy(ones, acc.at[didx0], add=True)

        NP_ = NF - 1
        pltpu.async_copy(dst_hbm.at[pl.ds(fbase + C, C)], didx0, isem0)

        def body(jj, carry):
            q0 = 2 * jj + 1
            pltpu.async_copy(dst_hbm.at[pl.ds(fbase + (q0 + 1) * C, C)], didx1, isem1)
            pltpu.make_async_copy(dst_hbm.at[pl.ds(fbase, C)], didx0, isem0).wait()
            pltpu.sync_copy(ones, acc.at[didx0], add=True)
            pltpu.async_copy(dst_hbm.at[pl.ds(fbase + (q0 + 2) * C, C)], didx0, isem0)
            pltpu.make_async_copy(dst_hbm.at[pl.ds(fbase, C)], didx1, isem1).wait()
            pltpu.sync_copy(ones, acc.at[didx1], add=True)
            return carry
        assert NP_ % 2 == 1
        lax.fori_loop(0, (NP_ - 1) // 2, body, 0)

        pltpu.make_async_copy(dst_hbm.at[pl.ds(fbase, C)], didx0, isem0).wait()
        pltpu.sync_copy(ones, acc.at[didx0], add=True)
        plsc.subcore_barrier()

        pltpu.sync_copy(acc.at[pl.ds(sid * RPS, RPS)], zb)
        pltpu.sync_copy(zb, out_hbm.at[pl.ds(cid * NP2 + sid * RPS, RPS)])

    return deg



def _edge_kernel(N, D, E, NPAD):
    per = E // NW
    C = 128
    NF = per // C
    T = per - NF * C
    RPS = NPAD // NS
    CP = C
    assert RPS % CP == 0 and NF % 2 == 0 and T % 8 == 0

    @functools.partial(
        pl.kernel,
        out_type=jax.ShapeDtypeStruct((NC * NPAD, D), jnp.float32),
        mesh=_mesh(),
        scratch_types=[
            pltpu.VMEM((per,), jnp.int32),
            pltpu.VMEM((C,), jnp.int32),
            pltpu.VMEM((C,), jnp.int32),
            pltpu.VMEM((max(T, 8),), jnp.int32),
            pltpu.VMEM((max(T, 8),), jnp.int32),
            pltpu.VMEM((max(T, 8), D), jnp.float32),
            pltpu.VMEM((C, D), jnp.float32),
            pltpu.VMEM((C, D), jnp.float32),
            pltpu.VMEM_SHARED((NPAD, D), jnp.float32),
            pltpu.SemaphoreType.DMA,
            pltpu.SemaphoreType.DMA,
            pltpu.SemaphoreType.DMA,
            pltpu.SemaphoreType.DMA,
        ],
    )
    def edges(hs_hbm, src_hbm, dst_hbm, out_hbm, sidx, didx0, didx1, tidx,
              tsidx, trow, rows0, rows1, acc, sem0, sem1, isem0, isem1):
        cid = lax.axis_index("c")
        sid = lax.axis_index("s")
        wid = cid * NS + sid
        wbase = wid * per
        fbase = wbase + T

        pltpu.async_copy(src_hbm.at[pl.ds(wbase, per)], sidx, isem0)

        def zb_body(r, carry):
            for k in range(D // LANES):
                rows0[r, pl.ds(k * LANES, LANES)] = jnp.zeros((LANES,), jnp.float32)
            return carry
        lax.fori_loop(0, CP, zb_body, 0)

        for kk in range(RPS // CP):
            pltpu.async_copy(rows0, acc.at[pl.ds(sid * RPS + kk * CP, CP)], sem0)
        pltpu.make_async_copy(src_hbm.at[pl.ds(wbase, per)], sidx, isem0).wait()
        for kk in range(RPS // CP):
            pltpu.make_async_copy(rows0, acc.at[pl.ds(sid * RPS, CP)], sem0).wait()
        plsc.subcore_barrier()

        if T:
            pltpu.sync_copy(dst_hbm.at[pl.ds(wbase, T)], tidx)
            pltpu.sync_copy(src_hbm.at[pl.ds(wbase, T)], tsidx)
            pltpu.async_copy(hs_hbm.at[tsidx], trow, sem0)
            pltpu.make_async_copy(hs_hbm.at[tsidx], trow, sem0).wait()
            pltpu.sync_copy(trow, acc.at[tidx], add=True)

        pltpu.sync_copy(dst_hbm.at[pl.ds(fbase, C)], didx0)
        pltpu.async_copy(hs_hbm.at[sidx.at[pl.ds(T, C)]], rows0, sem0)
        pltpu.make_async_copy(hs_hbm.at[sidx.at[pl.ds(T, C)]], rows0, sem0).wait()
        pltpu.sync_copy(rows0, acc.at[didx0], add=True)

        NP_ = NF - 1
        pltpu.async_copy(hs_hbm.at[sidx.at[pl.ds(T + C, C)]], rows0, sem0)
        pltpu.async_copy(dst_hbm.at[pl.ds(fbase + C, C)], didx0, isem0)

        def body(jj, carry):
            q0 = 2 * jj + 1
            pltpu.async_copy(hs_hbm.at[sidx.at[pl.ds(T + (q0 + 1) * C, C)]], rows1, sem1)
            pltpu.async_copy(dst_hbm.at[pl.ds(fbase + (q0 + 1) * C, C)], didx1, isem1)
            pltpu.make_async_copy(hs_hbm.at[sidx.at[pl.ds(T, C)]], rows0, sem0).wait()
            pltpu.make_async_copy(dst_hbm.at[pl.ds(fbase, C)], didx0, isem0).wait()
            pltpu.sync_copy(rows0, acc.at[didx0], add=True)
            pltpu.async_copy(hs_hbm.at[sidx.at[pl.ds(T + (q0 + 2) * C, C)]], rows0, sem0)
            pltpu.async_copy(dst_hbm.at[pl.ds(fbase + (q0 + 2) * C, C)], didx0, isem0)
            pltpu.make_async_copy(hs_hbm.at[sidx.at[pl.ds(T, C)]], rows1, sem1).wait()
            pltpu.make_async_copy(dst_hbm.at[pl.ds(fbase, C)], didx1, isem1).wait()
            pltpu.sync_copy(rows1, acc.at[didx1], add=True)
            return carry
        assert NP_ % 2 == 1
        lax.fori_loop(0, (NP_ - 1) // 2, body, 0)

        pltpu.make_async_copy(hs_hbm.at[sidx.at[pl.ds(T, C)]], rows0, sem0).wait()
        pltpu.make_async_copy(dst_hbm.at[pl.ds(fbase, C)], didx0, isem0).wait()
        pltpu.sync_copy(rows0, acc.at[didx0], add=True)
        plsc.subcore_barrier()

        nco = RPS // CP
        for kk in range(nco):
            buf = rows0 if kk % 2 == 0 else rows1
            sem = sem0 if kk % 2 == 0 else sem1
            if kk >= 2:
                pltpu.make_async_copy(buf, out_hbm.at[pl.ds(cid * NPAD, CP)], sem).wait()
            r0 = sid * RPS + kk * CP
            pltpu.sync_copy(acc.at[pl.ds(r0, CP)], buf)
            pltpu.async_copy(buf, out_hbm.at[pl.ds(cid * NPAD + r0, CP)], sem)
        for kk in (nco - 2, nco - 1):
            buf = rows0 if kk % 2 == 0 else rows1
            sem = sem0 if kk % 2 == 0 else sem1
            pltpu.make_async_copy(buf, out_hbm.at[pl.ds(cid * NPAD, CP)], sem).wait()

    return edges



def _tc_mm(x, W, BM=2000):
    M, K = x.shape
    DO = W.shape[1]

    def body(x_ref, w_ref, h_ref):
        h_ref[...] = jnp.dot(x_ref[...], w_ref[...],
                             preferred_element_type=jnp.float32)

    return pl.pallas_call(
        body,
        grid=(M // BM,),
        in_specs=[
            pl.BlockSpec((BM, K), lambda i: (i, 0)),
            pl.BlockSpec((K, DO), lambda i: (0, 0)),
        ],
        out_specs=pl.BlockSpec((BM, DO), lambda i: (i, 0)),
        out_shape=jax.ShapeDtypeStruct((M, DO), jnp.float32),
    )(x, W)


def _tc_scale(h, d0, d1, BM=2000):
    M, DO = h.shape

    def body(h_ref, d0_ref, d1_ref, hs_ref, dinv_ref):
        dinv = lax.rsqrt(d0_ref[...] + d1_ref[...] + 1.0)
        hs_ref[...] = h_ref[...] * dinv
        dinv_ref[...] = dinv

    return pl.pallas_call(
        body,
        grid=(M // BM,),
        in_specs=[
            pl.BlockSpec((BM, DO), lambda i: (i, 0)),
            pl.BlockSpec((BM, 1), lambda i: (i, 0)),
            pl.BlockSpec((BM, 1), lambda i: (i, 0)),
        ],
        out_specs=[
            pl.BlockSpec((BM, DO), lambda i: (i, 0)),
            pl.BlockSpec((BM, 1), lambda i: (i, 0)),
        ],
        out_shape=[
            jax.ShapeDtypeStruct((M, DO), jnp.float32),
            jax.ShapeDtypeStruct((M, 1), jnp.float32),
        ],
    )(h, d0, d1)


def _tc_mid(a0, a1, hsp, dinv, b, W, BM=2000):
    M, K = hsp.shape
    DO = W.shape[1]

    def body(a0_ref, a1_ref, hsp_ref, dinv_ref, b_ref, w_ref, hs_ref):
        x = (a0_ref[...] + a1_ref[...] + hsp_ref[...]) * dinv_ref[...] + b_ref[...]
        x = jnp.maximum(x, 0.0)
        h = jnp.dot(x, w_ref[...], preferred_element_type=jnp.float32)
        hs_ref[...] = h * dinv_ref[...]

    return pl.pallas_call(
        body,
        grid=(M // BM,),
        in_specs=[
            pl.BlockSpec((BM, K), lambda i: (i, 0)),
            pl.BlockSpec((BM, K), lambda i: (i, 0)),
            pl.BlockSpec((BM, K), lambda i: (i, 0)),
            pl.BlockSpec((BM, 1), lambda i: (i, 0)),
            pl.BlockSpec((1, K), lambda i: (0, 0)),
            pl.BlockSpec((K, DO), lambda i: (0, 0)),
        ],
        out_specs=pl.BlockSpec((BM, DO), lambda i: (i, 0)),
        out_shape=jax.ShapeDtypeStruct((M, DO), jnp.float32),
    )(a0, a1, hsp, dinv, b, W)


def _tc_final(a0, a1, hsp, dinv, b, BM=2000):
    M, K = hsp.shape

    def body(a0_ref, a1_ref, hsp_ref, dinv_ref, b_ref, out_ref):
        t = (a0_ref[...] + a1_ref[...] + hsp_ref[...]) * dinv_ref[...] + b_ref[...]
        m = jnp.max(t, axis=1, keepdims=True)
        lse = jnp.log(jnp.sum(jnp.exp(t - m), axis=1, keepdims=True)) + m
        out_ref[...] = t - lse

    return pl.pallas_call(
        body,
        grid=(M // BM,),
        in_specs=[
            pl.BlockSpec((BM, K), lambda i: (i, 0)),
            pl.BlockSpec((BM, K), lambda i: (i, 0)),
            pl.BlockSpec((BM, K), lambda i: (i, 0)),
            pl.BlockSpec((BM, 1), lambda i: (i, 0)),
            pl.BlockSpec((1, K), lambda i: (0, 0)),
        ],
        out_specs=pl.BlockSpec((BM, K), lambda i: (i, 0)),
        out_shape=jax.ShapeDtypeStruct((M, K), jnp.float32),
    )(a0, a1, hsp, dinv, b)



def kernel(features, adj, W1, b1, W2, b2, W3, b3):
    N, _ = features.shape
    E = adj.shape[1]
    per = E // NW
    C = _edge_chunk(per)
    NCH = per // C
    src = adj[0]
    dst = adj[1]

    NP2 = ((N + NS * 8 - 1) // (NS * 8)) * (NS * 8)
    NPAD = ((N + NS * 128 - 1) // (NS * 128)) * (NS * 128)

    h1 = _tc_mm(features, W1)
    deg2 = _deg_kernel(E, NP2)(dst)
    d0 = deg2[:N].reshape(N, 1)
    d1 = deg2[NP2:NP2 + N].reshape(N, 1)

    b1r = b1.reshape(1, -1)
    b2r = b2.reshape(1, -1)
    b3r = b3.reshape(1, -1)

    hs1, dinv = _tc_scale(h1, d0, d1)
    D = hs1.shape[1]
    edge_fn = _edge_kernel(N, D, E, NPAD)

    acc1 = edge_fn(hs1, src, dst)
    hs2 = _tc_mid(acc1[:N], acc1[NPAD:NPAD + N], hs1, dinv, b1r, W2)
    acc2 = edge_fn(hs2, src, dst)
    hs3 = _tc_mid(acc2[:N], acc2[NPAD:NPAD + N], hs2, dinv, b2r, W3)
    acc3 = edge_fn(hs3, src, dst)
    return _tc_final(acc3[:N], acc3[NPAD:NPAD + N], hs3, dinv, b3r)

# --- scband reference (transcript-rebuilt; emitter-appended) ---
"""Pipeline reference for scband-gcn-57930518888455 (READ-ONLY COPY).

The authoritative reference and input builder live on the scoring server;
editing this copy changes nothing except your own understanding.
"""

import jax, jax.numpy as jnp
import numpy as np

N = 10000
E = 320000
D_IN = 128
D_HID = 128
D_OUT = 128


def gcn_conv(x, edge_index, W, b):
    # PyG GCNConv: add self-loops, symmetric normalization D^-1/2 (A+I) D^-1/2 X W + b
    n = x.shape[0]
    loop = jnp.arange(n, dtype=edge_index.dtype)
    src = jnp.concatenate([edge_index[0], loop])
    dst = jnp.concatenate([edge_index[1], loop])
    deg = jnp.zeros((n,), dtype=x.dtype).at[dst].add(1.0)
    dinv = jnp.where(deg > 0, jax.lax.rsqrt(deg), 0.0)
    norm = dinv[src] * dinv[dst]
    h = x @ W
    msgs = h[src] * norm[:, None]
    out = jnp.zeros((n, h.shape[1]), dtype=h.dtype).at[dst].add(msgs)
    return out + b


def setup_inputs(seed: int = 0) -> dict:
    key = jax.random.key(seed)
    ks = jax.random.split(key, 8)
    features = jax.random.normal(ks[0], (N, D_IN), dtype=jnp.float32)
    adj = jax.random.randint(ks[1], (2, E), 0, N, dtype=jnp.int32)
    W1 = jax.random.normal(ks[2], (D_IN, D_HID), dtype=jnp.float32) * (1.0 / np.sqrt(D_IN))
    b1 = jnp.zeros((D_HID,), dtype=jnp.float32)
    W2 = jax.random.normal(ks[3], (D_HID, D_HID), dtype=jnp.float32) * (1.0 / np.sqrt(D_HID))
    b2 = jnp.zeros((D_HID,), dtype=jnp.float32)
    W3 = jax.random.normal(ks[4], (D_HID, D_OUT), dtype=jnp.float32) * (1.0 / np.sqrt(D_HID))
    b3 = jnp.zeros((D_OUT,), dtype=jnp.float32)
    return {"features": features, "adj": adj, "W1": W1, "b1": b1, "W2": W2, "b2": b2, "W3": W3, "b3": b3}


def reference(features, adj, W1, b1, W2, b2, W3, b3):
    # eval mode: dropout is identity
    x = gcn_conv(features, adj, W1, b1)
    x = jax.nn.relu(x)
    x = gcn_conv(x, adj, W2, b2)
    x = jax.nn.relu(x)
    x = gcn_conv(x, adj, W3, b3)
    return jax.nn.log_softmax(x, axis=1)

if __name__ == "__main__":
    import jax
    _d = setup_inputs()
    print(jax.jit(kernel)(*tuple(_d.values())))

</pallas_src>

<mosaic_0001>
#map = affine_map<(d0, d1) -> (0, 0)>
#map1 = affine_map<(d0, d1) -> (0)>
module attributes {stable_mosaic.version = 14 : i64} {
  func.func @edges(%arg0: i32, %arg1: i32, %arg2: memref<10000x128xf32, #tpu.memory_space<hbm>>, %arg3: memref<320000xi32, #tpu.memory_space<hbm>>, %arg4: memref<320000xi32, #tpu.memory_space<hbm>>, %arg5: memref<20480x128xf32, #tpu.memory_space<hbm>>, %arg6: memref<10000xi32, #tpu.memory_space<vmem>>, %arg7: memref<128xi32, #tpu.memory_space<vmem>>, %arg8: memref<128xi32, #tpu.memory_space<vmem>>, %arg9: memref<16xi32, #tpu.memory_space<vmem>>, %arg10: memref<16xi32, #tpu.memory_space<vmem>>, %arg11: memref<16x128xf32, #tpu.memory_space<vmem>>, %arg12: memref<128x128xf32, #tpu.memory_space<vmem>>, %arg13: memref<128x128xf32, #tpu.memory_space<vmem>>, %arg14: memref<10240x128xf32, #tpu.memory_space<vmem_shared>>, %arg15: memref<!tpu.dma_semaphore, #tpu.memory_space<semaphore_mem>>, %arg16: memref<!tpu.dma_semaphore, #tpu.memory_space<semaphore_mem>>, %arg17: memref<!tpu.dma_semaphore, #tpu.memory_space<semaphore_mem>>, %arg18: memref<!tpu.dma_semaphore, #tpu.memory_space<semaphore_mem>>) attributes {dimension_semantics = [#tpu.dimension_semantics<core_parallel>, #tpu.dimension_semantics<subcore_parallel>], iteration_bounds = array<i64: 2, 16>, scalar_prefetch = 0 : i64, scratch_operands = 13 : i64, tpu.core_type = #tpu.core_type<sc_vector_subcore>, window_params = [{transform_indices = #map}, {transform_indices = #map1}, {transform_indices = #map1}, {transform_indices = #map}]} {
    %mul3A = arith.constant 16 : i32
    %mul3A_0 = arith.muli %arg0, %mul3A : i32
    %add3A = arith.addi %mul3A_0, %arg1 : i32
    %mul3A_1 = arith.constant 10000 : i32
    %mul3A_2 = arith.muli %add3A, %mul3A_1 : i32
    %add3A_3 = arith.constant 16 : i32
    %add3A_4 = arith.addi %mul3A_2, %add3A_3 : i32
    %dma_start3A = tpu.memref_slice %arg3[%mul3A_2] : memref<320000xi32, #tpu.memory_space<hbm>> -> memref<10000xi32, #tpu.memory_space<hbm>>
    %dma_start3A_5 = tpu.memref_slice %arg3[%mul3A_2] : memref<320000xi32, #tpu.memory_space<hbm>> -> memref<10000xi32, #tpu.memory_space<hbm>>
    tpu.enqueue_dma source(%dma_start3A_5 : memref<10000xi32, #tpu.memory_space<hbm>>) target(%arg6 : memref<10000xi32, #tpu.memory_space<vmem>>) target_semaphore(%arg17 : memref<!tpu.dma_semaphore, #tpu.memory_space<semaphore_mem>>)
    %scan3A = arith.constant 0 : i32
    %scan3A_6 = arith.constant 0 : i32
    %scan3A_7 = arith.constant 128 : i32
    %scan3A_8 = arith.addi %scan3A_6, %scan3A_7 : i32
    %scan3A_9 = arith.constant 1 : i32
    scf.for %scan3A_206 = %scan3A_6 to %scan3A_8 step %scan3A_9  : i32 {
      %broadcast_in_dim3A = arith.constant 0.000000e+00 : f32
      %broadcast_in_dim3A_207 = vector.broadcast %broadcast_in_dim3A : f32 to vector<16xf32>
      %swap3A = arith.index_cast %scan3A_206 : i32 to index
      %swap3A_208 = arith.constant 0 : index
      %swap3A_209 = tpu.vector_load %arg12[%swap3A, %swap3A_208] {strides = array<i32>} : memref<128x128xf32, #tpu.memory_space<vmem>>, vector<1x16xf32>,
      %swap3A_210 = vector.shape_cast %swap3A_209 : vector<1x16xf32> to vector<16xf32>
      %swap3A_211 = vector.shape_cast %broadcast_in_dim3A_207 : vector<16xf32> to vector<1x16xf32>
      tpu.vector_store %arg12[%swap3A, %swap3A_208], %swap3A_211 {strides = array<i32>} : memref<128x128xf32, #tpu.memory_space<vmem>>, vector<1x16xf32>,
      %broadcast_in_dim3A_212 = arith.constant 0.000000e+00 : f32
      %broadcast_in_dim3A_213 = vector.broadcast %broadcast_in_dim3A_212 : f32 to vector<16xf32>
      %swap3A_214 = arith.index_cast %scan3A_206 : i32 to index
      %swap3A_215 = arith.constant 16 : index
      %swap3A_216 = tpu.vector_load %arg12[%swap3A_214, %swap3A_215] {strides = array<i32>} : memref<128x128xf32, #tpu.memory_space<vmem>>, vector<1x16xf32>,
      %swap3A_217 = vector.shape_cast %swap3A_216 : vector<1x16xf32> to vector<16xf32>
      %swap3A_218 = vector.shape_cast %broadcast_in_dim3A_213 : vector<16xf32> to vector<1x16xf32>
      tpu.vector_store %arg12[%swap3A_214, %swap3A_215], %swap3A_218 {strides = array<i32>} : memref<128x128xf32, #tpu.memory_space<vmem>>, vector<1x16xf32>,
      %broadcast_in_dim3A_219 = arith.constant 0.000000e+00 : f32
      %broadcast_in_dim3A_220 = vector.broadcast %broadcast_in_dim3A_219 : f32 to vector<16xf32>
      %swap3A_221 = arith.index_cast %scan3A_206 : i32 to index
      %swap3A_222 = arith.constant 32 : index
      %swap3A_223 = tpu.vector_load %arg12[%swap3A_221, %swap3A_222] {strides = array<i32>} : memref<128x128xf32, #tpu.memory_space<vmem>>, vector<1x16xf32>,
      %swap3A_224 = vector.shape_cast %swap3A_223 : vector<1x16xf32> to vector<16xf32>
      %swap3A_225 = vector.shape_cast %broadcast_in_dim3A_220 : vector<16xf32> to vector<1x16xf32>
      tpu.vector_store %arg12[%swap3A_221, %swap3A_222], %swap3A_225 {strides = array<i32>} : memref<128x128xf32, #tpu.memory_space<vmem>>, vector<1x16xf32>,
      %broadcast_in_dim3A_226 = arith.constant 0.000000e+00 : f32
      %broadcast_in_dim3A_227 = vector.broadcast %broadcast_in_dim3A_226 : f32 to vector<16xf32>
      %swap3A_228 = arith.index_cast %scan3A_206 : i32 to index
      %swap3A_229 = arith.constant 48 : index
      %swap3A_230 = tpu.vector_load %arg12[%swap3A_228, %swap3A_229] {strides = array<i32>} : memref<128x128xf32, #tpu.memory_space<vmem>>, vector<1x16xf32>,
      %swap3A_231 = vector.shape_cast %swap3A_230 : vector<1x16xf32> to vector<16xf32>
      %swap3A_232 = vector.shape_cast %broadcast_in_dim3A_227 : vector<16xf32> to vector<1x16xf32>
      tpu.vector_store %arg12[%swap3A_228, %swap3A_229], %swap3A_232 {strides = array<i32>} : memref<128x128xf32, #tpu.memory_space<vmem>>, vector<1x16xf32>,
      %broadcast_in_dim3A_233 = arith.constant 0.000000e+00 : f32
      %broadcast_in_dim3A_234 = vector.broadcast %broadcast_in_dim3A_233 : f32 to vector<16xf32>
      %swap3A_235 = arith.index_cast %scan3A_206 : i32 to index
      %swap3A_236 = arith.constant 64 : index
      %swap3A_237 = tpu.vector_load %arg12[%swap3A_235, %swap3A_236] {strides = array<i32>} : memref<128x128xf32, #tpu.memory_space<vmem>>, vector<1x16xf32>,
      %swap3A_238 = vector.shape_cast %swap3A_237 : vector<1x16xf32> to vector<16xf32>
      %swap3A_239 = vector.shape_cast %broadcast_in_dim3A_234 : vector<16xf32> to vector<1x16xf32>
      tpu.vector_store %arg12[%swap3A_235, %swap3A_236], %swap3A_239 {strides = array<i32>} : memref<128x128xf32, #tpu.memory_space<vmem>>, vector<1x16xf32>,
      %broadcast_in_dim3A_240 = arith.constant 0.000000e+00 : f32
      %broadcast_in_dim3A_241 = vector.broadcast %broadcast_in_dim3A_240 : f32 to vector<16xf32>
      %swap3A_242 = arith.index_cast %scan3A_206 : i32 to index
      %swap3A_243 = arith.constant 80 : index
      %swap3A_244 = tpu.vector_load %arg12[%swap3A_242, %swap3A_243] {strides = array<i32>} : memref<128x128xf32, #tpu.memory_space<vmem>>, vector<1x16xf32>,
      %swap3A_245 = vector.shape_cast %swap3A_244 : vector<1x16xf32> to vector<16xf32>
      %swap3A_246 = vector.shape_cast %broadcast_in_dim3A_241 : vector<16xf32> to vector<1x16xf32>
      tpu.vector_store %arg12[%swap3A_242, %swap3A_243], %swap3A_246 {strides = array<i32>} : memref<128x128xf32, #tpu.memory_space<vmem>>, vector<1x16xf32>,
      %broadcast_in_dim3A_247 = arith.constant 0.000000e+00 : f32
      %broadcast_in_dim3A_248 = vector.broadcast %broadcast_in_dim3A_247 : f32 to vector<16xf32>
      %swap3A_249 = arith.index_cast %scan3A_206 : i32 to index
      %swap3A_250 = arith.constant 96 : index
      %swap3A_251 = tpu.vector_load %arg12[%swap3A_249, %swap3A_250] {strides = array<i32>} : memref<128x128xf32, #tpu.memory_space<vmem>>, vector<1x16xf32>,
      %swap3A_252 = vector.shape_cast %swap3A_251 : vector<1x16xf32> to vector<16xf32>
      %swap3A_253 = vector.shape_cast %broadcast_in_dim3A_248 : vector<16xf32> to vector<1x16xf32>
      tpu.vector_store %arg12[%swap3A_249, %swap3A_250], %swap3A_253 {strides = array<i32>} : memref<128x128xf32, #tpu.memory_space<vmem>>, vector<1x16xf32>,
      %broadcast_in_dim3A_254 = arith.constant 0.000000e+00 : f32
      %broadcast_in_dim3A_255 = vector.broadcast %broadcast_in_dim3A_254 : f32 to vector<16xf32>
      %swap3A_256 = arith.index_cast %scan3A_206 : i32 to index
      %swap3A_257 = arith.constant 112 : index
      %swap3A_258 = tpu.vector_load %arg12[%swap3A_256, %swap3A_257] {strides = array<i32>} : memref<128x128xf32, #tpu.memory_space<vmem>>, vector<1x16xf32>,
      %swap3A_259 = vector.shape_cast %swap3A_258 : vector<1x16xf32> to vector<16xf32>
      %swap3A_260 = vector.shape_cast %broadcast_in_dim3A_255 : vector<16xf32> to vector<1x16xf32>
      tpu.vector_store %arg12[%swap3A_256, %swap3A_257], %swap3A_260 {strides = array<i32>} : memref<128x128xf32, #tpu.memory_space<vmem>>, vector<1x16xf32>,
    }
    %scan3A_10 = arith.constant 128 : i32
    %mul3A_11 = arith.constant 640 : i32
    %mul3A_12 = arith.muli %arg1, %mul3A_11 : i32
    %add3A_13 = arith.constant 0 : i32
    %add3A_14 = arith.addi %mul3A_12, %add3A_13 : i32
    %dma_start3A_15 = arith.constant 0 : i32
    %dma_start3A_16 = tpu.memref_slice %arg14[%add3A_14, %dma_start3A_15] : memref<10240x128xf32, #tpu.memory_space<vmem_shared>> -> memref<128x128xf32, #tpu.memory_space<vmem_shared>>
    %dma_start3A_17 = arith.constant 0 : i32
    %dma_start3A_18 = tpu.memref_slice %arg14[%add3A_14, %dma_start3A_17] : memref<10240x128xf32, #tpu.memory_space<vmem_shared>> -> memref<128x128xf32, #tpu.memory_space<vmem_shared>>
    tpu.enqueue_dma source(%arg12 : memref<128x128xf32, #tpu.memory_space<vmem>>) target(%dma_start3A_18 : memref<128x128xf32, #tpu.memory_space<vmem_shared>>) target_semaphore(%arg15 : memref<!tpu.dma_semaphore, #tpu.memory_space<semaphore_mem>>)
    %mul3A_19 = arith.constant 640 : i32
    %mul3A_20 = arith.muli %arg1, %mul3A_19 : i32
    %add3A_21 = arith.constant 128 : i32
    %add3A_22 = arith.addi %mul3A_20, %add3A_21 : i32
    %dma_start3A_23 = arith.constant 0 : i32
    %dma_start3A_24 = tpu.memref_slice %arg14[%add3A_22, %dma_start3A_23] : memref<10240x128xf32, #tpu.memory_space<vmem_shared>> -> memref<128x128xf32, #tpu.memory_space<vmem_shared>>
    %dma_start3A_25 = arith.constant 0 : i32
    %dma_start3A_26 = tpu.memref_slice %arg14[%add3A_22, %dma_start3A_25] : memref<10240x128xf32, #tpu.memory_space<vmem_shared>> -> memref<128x128xf32, #tpu.memory_space<vmem_shared>>
    tpu.enqueue_dma source(%arg12 : memref<128x128xf32, #tpu.memory_space<vmem>>) target(%dma_start3A_26 : memref<128x128xf32, #tpu.memory_space<vmem_shared>>) target_semaphore(%arg15 : memref<!tpu.dma_semaphore, #tpu.memory_space<semaphore_mem>>)
    %mul3A_27 = arith.constant 640 : i32
    %mul3A_28 = arith.muli %arg1, %mul3A_27 : i32
    %add3A_29 = arith.constant 256 : i32
    %add3A_30 = arith.addi %mul3A_28, %add3A_29 : i32
    %dma_start3A_31 = arith.constant 0 : i32
    %dma_start3A_32 = tpu.memref_slice %arg14[%add3A_30, %dma_start3A_31] : memref<10240x128xf32, #tpu.memory_space<vmem_shared>> -> memref<128x128xf32, #tpu.memory_space<vmem_shared>>
    %dma_start3A_33 = arith.constant 0 : i32
    %dma_start3A_34 = tpu.memref_slice %arg14[%add3A_30, %dma_start3A_33] : memref<10240x128xf32, #tpu.memory_space<vmem_shared>> -> memref<128x128xf32, #tpu.memory_space<vmem_shared>>
    tpu.enqueue_dma source(%arg12 : memref<128x128xf32, #tpu.memory_space<vmem>>) target(%dma_start3A_34 : memref<128x128xf32, #tpu.memory_space<vmem_shared>>) target_semaphore(%arg15 : memref<!tpu.dma_semaphore, #tpu.memory_space<semaphore_mem>>)
    %mul3A_35 = arith.constant 640 : i32
    %mul3A_36 = arith.muli %arg1, %mul3A_35 : i32
    %add3A_37 = arith.constant 384 : i32
    %add3A_38 = arith.addi %mul3A_36, %add3A_37 : i32
    %dma_start3A_39 = arith.constant 0 : i32
    %dma_start3A_40 = tpu.memref_slice %arg14[%add3A_38, %dma_start3A_39] : memref<10240x128xf32, #tpu.memory_space<vmem_shared>> -> memref<128x128xf32, #tpu.memory_space<vmem_shared>>
    %dma_start3A_41 = arith.constant 0 : i32
    %dma_start3A_42 = tpu.memref_slice %arg14[%add3A_38, %dma_start3A_41] : memref<10240x128xf32, #tpu.memory_space<vmem_shared>> -> memref<128x128xf32, #tpu.memory_space<vmem_shared>>
    tpu.enqueue_dma source(%arg12 : memref<128x128xf32, #tpu.memory_space<vmem>>) target(%dma_start3A_42 : memref<128x128xf32, #tpu.memory_space<vmem_shared>>) target_semaphore(%arg15 : memref<!tpu.dma_semaphore, #tpu.memory_space<semaphore_mem>>)
    %mul3A_43 = arith.constant 640 : i32
    %mul3A_44 = arith.muli %arg1, %mul3A_43 : i32
    %add3A_45 = arith.constant 512 : i32
    %add3A_46 = arith.addi %mul3A_44, %add3A_45 : i32
    %dma_start3A_47 = arith.constant 0 : i32
    %dma_start3A_48 = tpu.memref_slice %arg14[%add3A_46, %dma_start3A_47] : memref<10240x128xf32, #tpu.memory_space<vmem_shared>> -> memref<128x128xf32, #tpu.memory_space<vmem_shared>>
    %dma_start3A_49 = arith.constant 0 : i32
    %dma_start3A_50 = tpu.memref_slice %arg14[%add3A_46, %dma_start3A_49] : memref<10240x128xf32, #tpu.memory_space<vmem_shared>> -> memref<128x128xf32, #tpu.memory_space<vmem_shared>>
    tpu.enqueue_dma source(%arg12 : memref<128x128xf32, #tpu.memory_space<vmem>>) target(%dma_start3A_50 : memref<128x128xf32, #tpu.memory_space<vmem_shared>>) target_semaphore(%arg15 : memref<!tpu.dma_semaphore, #tpu.memory_space<semaphore_mem>>)
    %dma_wait3A = tpu.memref_slice %arg3[%mul3A_2] : memref<320000xi32, #tpu.memory_space<hbm>> -> memref<10000xi32, #tpu.memory_space<hbm>>
    %dma_wait3A_51 = tpu.memref_slice %arg3[%mul3A_2] : memref<320000xi32, #tpu.memory_space<hbm>> -> memref<10000xi32, #tpu.memory_space<hbm>>
    tpu.wait_dma2 semaphore(%arg17 : memref<!tpu.dma_semaphore, #tpu.memory_space<semaphore_mem>>) src(%dma_wait3A_51 : memref<10000xi32, #tpu.memory_space<hbm>>) dst(%arg6 : memref<10000xi32, #tpu.memory_space<vmem>>)
    %mul3A_52 = arith.constant 640 : i32
    %mul3A_53 = arith.muli %arg1, %mul3A_52 : i32
    %dma_wait3A_54 = arith.constant 0 : i32
    %dma_wait3A_55 = tpu.memref_slice %arg14[%mul3A_53, %dma_wait3A_54] : memref<10240x128xf32, #tpu.memory_space<vmem_shared>> -> memref<128x128xf32, #tpu.memory_space<vmem_shared>>
    %dma_wait3A_56 = arith.constant 0 : i32
    %dma_wait3A_57 = tpu.memref_slice %arg14[%mul3A_53, %dma_wait3A_56] : memref<10240x128xf32, #tpu.memory_space<vmem_shared>> -> memref<128x128xf32, #tpu.memory_space<vmem_shared>>
    tpu.wait_dma2 semaphore(%arg15 : memref<!tpu.dma_semaphore, #tpu.memory_space<semaphore_mem>>) src(%arg12 : memref<128x128xf32, #tpu.memory_space<vmem>>) dst(%dma_wait3A_57 : memref<128x128xf32, #tpu.memory_space<vmem_shared>>)
    %mul3A_58 = arith.constant 640 : i32
    %mul3A_59 = arith.muli %arg1, %mul3A_58 : i32
    %dma_wait3A_60 = arith.constant 0 : i32
    %dma_wait3A_61 = tpu.memref_slice %arg14[%mul3A_59, %dma_wait3A_60] : memref<10240x128xf32, #tpu.memory_space<vmem_shared>> -> memref<128x128xf32, #tpu.memory_space<vmem_shared>>
    %dma_wait3A_62 = arith.constant 0 : i32
    %dma_wait3A_63 = tpu.memref_slice %arg14[%mul3A_59, %dma_wait3A_62] : memref<10240x128xf32, #tpu.memory_space<vmem_shared>> -> memref<128x128xf32, #tpu.memory_space<vmem_shared>>
    tpu.wait_dma2 semaphore(%arg15 : memref<!tpu.dma_semaphore, #tpu.memory_space<semaphore_mem>>) src(%arg12 : memref<128x128xf32, #tpu.memory_space<vmem>>) dst(%dma_wait3A_63 : memref<128x128xf32, #tpu.memory_space<vmem_shared>>)
    %mul3A_64 = arith.constant 640 : i32
    %mul3A_65 = arith.muli %arg1, %mul3A_64 : i32
    %dma_wait3A_66 = arith.constant 0 : i32
    %dma_wait3A_67 = tpu.memref_slice %arg14[%mul3A_65, %dma_wait3A_66] : memref<10240x128xf32, #tpu.memory_space<vmem_shared>> -> memref<128x128xf32, #tpu.memory_space<vmem_shared>>
    %dma_wait3A_68 = arith.constant 0 : i32
    %dma_wait3A_69 = tpu.memref_slice %arg14[%mul3A_65, %dma_wait3A_68] : memref<10240x128xf32, #tpu.memory_space<vmem_shared>> -> memref<128x128xf32, #tpu.memory_space<vmem_shared>>
    tpu.wait_dma2 semaphore(%arg15 : memref<!tpu.dma_semaphore, #tpu.memory_space<semaphore_mem>>) src(%arg12 : memref<128x128xf32, #tpu.memory_space<vmem>>) dst(%dma_wait3A_69 : memref<128x128xf32, #tpu.memory_space<vmem_shared>>)
    %mul3A_70 = arith.constant 640 : i32
    %mul3A_71 = arith.muli %arg1, %mul3A_70 : i32
    %dma_wait3A_72 = arith.constant 0 : i32
    %dma_wait3A_73 = tpu.memref_slice %arg14[%mul3A_71, %dma_wait3A_72] : memref<10240x128xf32, #tpu.memory_space<vmem_shared>> -> memref<128x128xf32, #tpu.memory_space<vmem_shared>>
    %dma_wait3A_74 = arith.constant 0 : i32
    %dma_wait3A_75 = tpu.memref_slice %arg14[%mul3A_71, %dma_wait3A_74] : memref<10240x128xf32, #tpu.memory_space<vmem_shared>> -> memref<128x128xf32, #tpu.memory_space<vmem_shared>>
    tpu.wait_dma2 semaphore(%arg15 : memref<!tpu.dma_semaphore, #tpu.memory_space<semaphore_mem>>) src(%arg12 : memref<128x128xf32, #tpu.memory_space<vmem>>) dst(%dma_wait3A_75 : memref<128x128xf32, #tpu.memory_space<vmem_shared>>)
    %mul3A_76 = arith.constant 640 : i32
    %mul3A_77 = arith.muli %arg1, %mul3A_76 : i32
    %dma_wait3A_78 = arith.constant 0 : i32
    %dma_wait3A_79 = tpu.memref_slice %arg14[%mul3A_77, %dma_wait3A_78] : memref<10240x128xf32, #tpu.memory_space<vmem_shared>> -> memref<128x128xf32, #tpu.memory_space<vmem_shared>>
    %dma_wait3A_80 = arith.constant 0 : i32
    %dma_wait3A_81 = tpu.memref_slice %arg14[%mul3A_77, %dma_wait3A_80] : memref<10240x128xf32, #tpu.memory_space<vmem_shared>> -> memref<128x128xf32, #tpu.memory_space<vmem_shared>>
    tpu.wait_dma2 semaphore(%arg15 : memref<!tpu.dma_semaphore, #tpu.memory_space<semaphore_mem>>) src(%arg12 : memref<128x128xf32, #tpu.memory_space<vmem>>) dst(%dma_wait3A_81 : memref<128x128xf32, #tpu.memory_space<vmem_shared>>)
    %barrier3A = arith.constant 0 : index
    tpu.barrier barrier_id(%barrier3A)
    "tpu.region"() ({
      %run_scoped3A = tpu.sem_alloc : memref<!tpu.dma_semaphore, #tpu.memory_space<semaphore_mem>>
      %dma_start3A_206 = tpu.memref_slice %arg4[%mul3A_2] : memref<320000xi32, #tpu.memory_space<hbm>> -> memref<16xi32, #tpu.memory_space<hbm>>
      %dma_start3A_207 = tpu.memref_slice %arg4[%mul3A_2] : memref<320000xi32, #tpu.memory_space<hbm>> -> memref<16xi32, #tpu.memory_space<hbm>>
      tpu.enqueue_dma source(%dma_start3A_207 : memref<16xi32, #tpu.memory_space<hbm>>) target(%arg9 : memref<16xi32, #tpu.memory_space<vmem>>) target_semaphore(%run_scoped3A : memref<!tpu.dma_semaphore, #tpu.memory_space<semaphore_mem>>)
      %dma_wait3A_208 = tpu.memref_slice %arg4[%mul3A_2] : memref<320000xi32, #tpu.memory_space<hbm>> -> memref<16xi32, #tpu.memory_space<hbm>>
      %dma_wait3A_209 = tpu.memref_slice %arg4[%mul3A_2] : memref<320000xi32, #tpu.memory_space<hbm>> -> memref<16xi32, #tpu.memory_space<hbm>>
      tpu.wait_dma2 semaphore(%run_scoped3A : memref<!tpu.dma_semaphore, #tpu.memory_space<semaphore_mem>>) src(%dma_wait3A_209 : memref<16xi32, #tpu.memory_space<hbm>>) dst(%arg9 : memref<16xi32, #tpu.memory_space<vmem>>)
      tpu.yield
    }) : () -> ()
    "tpu.region"() ({
      %run_scoped3A = tpu.sem_alloc : memref<!tpu.dma_semaphore, #tpu.memory_space<semaphore_mem>>
      %dma_start3A_206 = tpu.memref_slice %arg3[%mul3A_2] : memref<320000xi32, #tpu.memory_space<hbm>> -> memref<16xi32, #tpu.memory_space<hbm>>
      %dma_start3A_207 = tpu.memref_slice %arg3[%mul3A_2] : memref<320000xi32, #tpu.memory_space<hbm>> -> memref<16xi32, #tpu.memory_space<hbm>>
      tpu.enqueue_dma source(%dma_start3A_207 : memref<16xi32, #tpu.memory_space<hbm>>) target(%arg10 : memref<16xi32, #tpu.memory_space<vmem>>) target_semaphore(%run_scoped3A : memref<!tpu.dma_semaphore, #tpu.memory_space<semaphore_mem>>)
      %dma_wait3A_208 = tpu.memref_slice %arg3[%mul3A_2] : memref<320000xi32, #tpu.memory_space<hbm>> -> memref<16xi32, #tpu.memory_space<hbm>>
      %dma_wait3A_209 = tpu.memref_slice %arg3[%mul3A_2] : memref<320000xi32, #tpu.memory_space<hbm>> -> memref<16xi32, #tpu.memory_space<hbm>>
      tpu.wait_dma2 semaphore(%run_scoped3A : memref<!tpu.dma_semaphore, #tpu.memory_space<semaphore_mem>>) src(%dma_wait3A_209 : memref<16xi32, #tpu.memory_space<hbm>>) dst(%arg10 : memref<16xi32, #tpu.memory_space<vmem>>)
      tpu.yield
    }) : () -> ()
    %dma_start3A_82 = arith.constant 0 : i32
    %dma_start3A_83 = arith.constant 0 : i32
    %dma_start3A_84 = tpu.memref_slice %arg2[%dma_start3A_82, %dma_start3A_83] : memref<10000x128xf32, #tpu.memory_space<hbm>> -> memref<10000x128xf32, #tpu.memory_space<hbm>>
    tpu.enqueue_indirect_dma source(%dma_start3A_84 : memref<10000x128xf32, #tpu.memory_space<hbm>>) target(%arg11 : memref<16x128xf32, #tpu.memory_space<vmem>>) offsets(%arg10 : memref<16xi32, #tpu.memory_space<vmem>>) semaphore(%arg15 : memref<!tpu.dma_semaphore, #tpu.memory_space<semaphore_mem>>)
    %dma_wait3A_85 = arith.constant 0 : i32
    %dma_wait3A_86 = arith.constant 0 : i32
    %dma_wait3A_87 = tpu.memref_slice %arg2[%dma_wait3A_85, %dma_wait3A_86] : memref<10000x128xf32, #tpu.memory_space<hbm>> -> memref<10000x128xf32, #tpu.memory_space<hbm>>
    tpu.wait_indirect_dma semaphore(%arg15 : memref<!tpu.dma_semaphore, #tpu.memory_space<semaphore_mem>>) src(%dma_wait3A_87 : memref<10000x128xf32, #tpu.memory_space<hbm>>) dst(%arg11 : memref<16x128xf32, #tpu.memory_space<vmem>>)
    "tpu.region"() ({
      %run_scoped3A = tpu.sem_alloc : memref<!tpu.dma_semaphore, #tpu.memory_space<semaphore_mem>>
      %dma_start3A_206 = arith.constant 0 : i32
      %dma_start3A_207 = arith.constant 0 : i32
      %dma_start3A_208 = tpu.memref_slice %arg14[%dma_start3A_206, %dma_start3A_207] : memref<10240x128xf32, #tpu.memory_space<vmem_shared>> -> memref<10240x128xf32, #tpu.memory_space<vmem_shared>>
      tpu.enqueue_indirect_dma source(%arg11 : memref<16x128xf32, #tpu.memory_space<vmem>>) target(%dma_start3A_208 : memref<10240x128xf32, #tpu.memory_space<vmem_shared>>) offsets(%arg9 : memref<16xi32, #tpu.memory_space<vmem>>) semaphore(%run_scoped3A : memref<!tpu.dma_semaphore, #tpu.memory_space<semaphore_mem>>) {add = true}
      %dma_wait3A_209 = arith.constant 0 : i32
      %dma_wait3A_210 = arith.constant 0 : i32
      %dma_wait3A_211 = tpu.memref_slice %arg14[%dma_wait3A_209, %dma_wait3A_210] : memref<10240x128xf32, #tpu.memory_space<vmem_shared>> -> memref<10240x128xf32, #tpu.memory_space<vmem_shared>>
      tpu.wait_indirect_dma semaphore(%run_scoped3A : memref<!tpu.dma_semaphore, #tpu.memory_space<semaphore_mem>>) src(%arg11 : memref<16x128xf32, #tpu.memory_space<vmem>>) dst(%dma_wait3A_211 : memref<10240x128xf32, #tpu.memory_space<vmem_shared>>)
      tpu.yield
    }) : () -> ()
    "tpu.region"() ({
      %run_scoped3A = tpu.sem_alloc : memref<!tpu.dma_semaphore, #tpu.memory_space<semaphore_mem>>
      %dma_start3A_206 = tpu.memref_slice %arg4[%add3A_4] : memref<320000xi32, #tpu.memory_space<hbm>> -> memref<128xi32, #tpu.memory_space<hbm>>
      %dma_start3A_207 = tpu.memref_slice %arg4[%add3A_4] : memref<320000xi32, #tpu.memory_space<hbm>> -> memref<128xi32, #tpu.memory_space<hbm>>
      tpu.enqueue_dma source(%dma_start3A_207 : memref<128xi32, #tpu.memory_space<hbm>>) target(%arg7 : memref<128xi32, #tpu.memory_space<vmem>>) target_semaphore(%run_scoped3A : memref<!tpu.dma_semaphore, #tpu.memory_space<semaphore_mem>>)
      %dma_wait3A_208 = tpu.memref_slice %arg4[%add3A_4] : memref<320000xi32, #tpu.memory_space<hbm>> -> memref<128xi32, #tpu.memory_space<hbm>>
      %dma_wait3A_209 = tpu.memref_slice %arg4[%add3A_4] : memref<320000xi32, #tpu.memory_space<hbm>> -> memref<128xi32, #tpu.memory_space<hbm>>
      tpu.wait_dma2 semaphore(%run_scoped3A : memref<!tpu.dma_semaphore, #tpu.memory_space<semaphore_mem>>) src(%dma_wait3A_209 : memref<128xi32, #tpu.memory_space<hbm>>) dst(%arg7 : memref<128xi32, #tpu.memory_space<vmem>>)
      tpu.yield
    }) : () -> ()
    %dma_start3A_88 = arith.constant 16 : i32
    %dma_start3A_89 = tpu.memref_slice %arg6[%dma_start3A_88] : memref<10000xi32, #tpu.memory_space<vmem>> -> memref<128xi32, #tpu.memory_space<vmem>>
    %dma_start3A_90 = arith.constant 0 : i32
    %dma_start3A_91 = arith.constant 0 : i32
    %dma_start3A_92 = tpu.memref_slice %arg2[%dma_start3A_90, %dma_start3A_91] : memref<10000x128xf32, #tpu.memory_space<hbm>> -> memref<10000x128xf32, #tpu.memory_space<hbm>>
    tpu.enqueue_indirect_dma source(%dma_start3A_92 : memref<10000x128xf32, #tpu.memory_space<hbm>>) target(%arg12 : memref<128x128xf32, #tpu.memory_space<vmem>>) offsets(%dma_start3A_89 : memref<128xi32, #tpu.memory_space<vmem>>) semaphore(%arg15 : memref<!tpu.dma_semaphore, #tpu.memory_space<semaphore_mem>>)
    %dma_wait3A_93 = arith.constant 16 : i32
    %dma_wait3A_94 = tpu.memref_slice %arg6[%dma_wait3A_93] : memref<10000xi32, #tpu.memory_space<vmem>> -> memref<128xi32, #tpu.memory_space<vmem>>
    %dma_wait3A_95 = arith.constant 0 : i32
    %dma_wait3A_96 = arith.constant 0 : i32
    %dma_wait3A_97 = tpu.memref_slice %arg2[%dma_wait3A_95, %dma_wait3A_96] : memref<10000x128xf32, #tpu.memory_space<hbm>> -> memref<10000x128xf32, #tpu.memory_space<hbm>>
    tpu.wait_indirect_dma semaphore(%arg15 : memref<!tpu.dma_semaphore, #tpu.memory_space<semaphore_mem>>) src(%dma_wait3A_97 : memref<10000x128xf32, #tpu.memory_space<hbm>>) dst(%arg12 : memref<128x128xf32, #tpu.memory_space<vmem>>)
    "tpu.region"() ({
      %run_scoped3A = tpu.sem_alloc : memref<!tpu.dma_semaphore, #tpu.memory_space<semaphore_mem>>
      %dma_start3A_206 = arith.constant 0 : i32
      %dma_start3A_207 = arith.constant 0 : i32
      %dma_start3A_208 = tpu.memref_slice %arg14[%dma_start3A_206, %dma_start3A_207] : memref<10240x128xf32, #tpu.memory_space<vmem_shared>> -> memref<10240x128xf32, #tpu.memory_space<vmem_shared>>
      tpu.enqueue_indirect_dma source(%arg12 : memref<128x128xf32, #tpu.memory_space<vmem>>) target(%dma_start3A_208 : memref<10240x128xf32, #tpu.memory_space<vmem_shared>>) offsets(%arg7 : memref<128xi32, #tpu.memory_space<vmem>>) semaphore(%run_scoped3A : memref<!tpu.dma_semaphore, #tpu.memory_space<semaphore_mem>>) {add = true}
      %dma_wait3A_209 = arith.constant 0 : i32
      %dma_wait3A_210 = arith.constant 0 : i32
      %dma_wait3A_211 = tpu.memref_slice %arg14[%dma_wait3A_209, %dma_wait3A_210] : memref<10240x128xf32, #tpu.memory_space<vmem_shared>> -> memref<10240x128xf32, #tpu.memory_space<vmem_shared>>
      tpu.wait_indirect_dma semaphore(%run_scoped3A : memref<!tpu.dma_semaphore, #tpu.memory_space<semaphore_mem>>) src(%arg12 : memref<128x128xf32, #tpu.memory_space<vmem>>) dst(%dma_wait3A_211 : memref<10240x128xf32, #tpu.memory_space<vmem_shared>>)
      tpu.yield
    }) : () -> ()
    %dma_start3A_98 = arith.constant 144 : i32
    %dma_start3A_99 = tpu.memref_slice %arg6[%dma_start3A_98] : memref<10000xi32, #tpu.memory_space<vmem>> -> memref<128xi32, #tpu.memory_space<vmem>>
    %dma_start3A_100 = arith.constant 0 : i32
    %dma_start3A_101 = arith.constant 0 : i32
    %dma_start3A_102 = tpu.memref_slice %arg2[%dma_start3A_100, %dma_start3A_101] : memref<10000x128xf32, #tpu.memory_space<hbm>> -> memref<10000x128xf32, #tpu.memory_space<hbm>>
    tpu.enqueue_indirect_dma source(%dma_start3A_102 : memref<10000x128xf32, #tpu.memory_space<hbm>>) target(%arg12 : memref<128x128xf32, #tpu.memory_space<vmem>>) offsets(%dma_start3A_99 : memref<128xi32, #tpu.memory_space<vmem>>) semaphore(%arg15 : memref<!tpu.dma_semaphore, #tpu.memory_space<semaphore_mem>>)
    %add3A_103 = arith.constant 128 : i32
    %add3A_104 = arith.addi %add3A_4, %add3A_103 : i32
    %dma_start3A_105 = tpu.memref_slice %arg4[%add3A_104] : memref<320000xi32, #tpu.memory_space<hbm>> -> memref<128xi32, #tpu.memory_space<hbm>>
    %dma_start3A_106 = tpu.memref_slice %arg4[%add3A_104] : memref<320000xi32, #tpu.memory_space<hbm>> -> memref<128xi32, #tpu.memory_space<hbm>>
    tpu.enqueue_dma source(%dma_start3A_106 : memref<128xi32, #tpu.memory_space<hbm>>) target(%arg7 : memref<128xi32, #tpu.memory_space<vmem>>) target_semaphore(%arg17 : memref<!tpu.dma_semaphore, #tpu.memory_space<semaphore_mem>>)
    %scan3A_107 = arith.constant 0 : i32
    %scan3A_108 = arith.constant 0 : i32
    %scan3A_109 = arith.constant 38 : i32
    %scan3A_110 = arith.addi %scan3A_108, %scan3A_109 : i32
    %scan3A_111 = arith.constant 1 : i32
    scf.for %scan3A_206 = %scan3A_108 to %scan3A_110 step %scan3A_111  : i32 {
      %mul3A_207 = arith.constant 2 : i32
      %mul3A_208 = arith.muli %mul3A_207, %scan3A_206 : i32
      %add3A_209 = arith.constant 1 : i32
      %add3A_210 = arith.addi %mul3A_208, %add3A_209 : i32
      %add3A_211 = arith.constant 1 : i32
      %add3A_212 = arith.addi %add3A_210, %add3A_211 : i32
      %mul3A_213 = arith.constant 128 : i32
      %mul3A_214 = arith.muli %add3A_212, %mul3A_213 : i32
      %add3A_215 = arith.constant 16 : i32
      %add3A_216 = arith.addi %add3A_215, %mul3A_214 : i32
      %dma_start3A_217 = tpu.memref_slice %arg6[%add3A_216] : memref<10000xi32, #tpu.memory_space<vmem>> -> memref<128xi32, #tpu.memory_space<vmem>>
      %dma_start3A_218 = arith.constant 0 : i32
      %dma_start3A_219 = arith.constant 0 : i32
      %dma_start3A_220 = tpu.memref_slice %arg2[%dma_start3A_218, %dma_start3A_219] : memref<10000x128xf32, #tpu.memory_space<hbm>> -> memref<10000x128xf32, #tpu.memory_space<hbm>>
      tpu.enqueue_indirect_dma source(%dma_start3A_220 : memref<10000x128xf32, #tpu.memory_space<hbm>>) target(%arg13 : memref<128x128xf32, #tpu.memory_space<vmem>>) offsets(%dma_start3A_217 : memref<128xi32, #tpu.memory_space<vmem>>) semaphore(%arg16 : memref<!tpu.dma_semaphore, #tpu.memory_space<semaphore_mem>>)
      %add3A_221 = arith.constant 1 : i32
      %add3A_222 = arith.addi %add3A_210, %add3A_221 : i32
      %mul3A_223 = arith.constant 128 : i32
      %mul3A_224 = arith.muli %add3A_222, %mul3A_223 : i32
      %add3A_225 = arith.addi %add3A_4, %mul3A_224 : i32
      %dma_start3A_226 = tpu.memref_slice %arg4[%add3A_225] : memref<320000xi32, #tpu.memory_space<hbm>> -> memref<128xi32, #tpu.memory_space<hbm>>
      %dma_start3A_227 = tpu.memref_slice %arg4[%add3A_225] : memref<320000xi32, #tpu.memory_space<hbm>> -> memref<128xi32, #tpu.memory_space<hbm>>
      tpu.enqueue_dma source(%dma_start3A_227 : memref<128xi32, #tpu.memory_space<hbm>>) target(%arg8 : memref<128xi32, #tpu.memory_space<vmem>>) target_semaphore(%arg18 : memref<!tpu.dma_semaphore, #tpu.memory_space<semaphore_mem>>)
      %dma_wait3A_228 = arith.constant 16 : i32
      %dma_wait3A_229 = tpu.memref_slice %arg6[%dma_wait3A_228] : memref<10000xi32, #tpu.memory_space<vmem>> -> memref<128xi32, #tpu.memory_space<vmem>>
      %dma_wait3A_230 = arith.constant 0 : i32
      %dma_wait3A_231 = arith.constant 0 : i32
      %dma_wait3A_232 = tpu.memref_slice %arg2[%dma_wait3A_230, %dma_wait3A_231] : memref<10000x128xf32, #tpu.memory_space<hbm>> -> memref<10000x128xf32, #tpu.memory_space<hbm>>
      tpu.wait_indirect_dma semaphore(%arg15 : memref<!tpu.dma_semaphore, #tpu.memory_space<semaphore_mem>>) src(%dma_wait3A_232 : memref<10000x128xf32, #tpu.memory_space<hbm>>) dst(%arg12 : memref<128x128xf32, #tpu.memory_space<vmem>>)
      %dma_wait3A_233 = tpu.memref_slice %arg4[%add3A_4] : memref<320000xi32, #tpu.memory_space<hbm>> -> memref<128xi32, #tpu.memory_space<hbm>>
      %dma_wait3A_234 = tpu.memref_slice %arg4[%add3A_4] : memref<320000xi32, #tpu.memory_space<hbm>> -> memref<128xi32, #tpu.memory_space<hbm>>
      tpu.wait_dma2 semaphore(%arg17 : memref<!tpu.dma_semaphore, #tpu.memory_space<semaphore_mem>>) src(%dma_wait3A_234 : memref<128xi32, #tpu.memory_space<hbm>>) dst(%arg7 : memref<128xi32, #tpu.memory_space<vmem>>)
      "tpu.region"() ({
        %run_scoped3A = tpu.sem_alloc : memref<!tpu.dma_semaphore, #tpu.memory_space<semaphore_mem>>
        %dma_start3A_259 = arith.constant 0 : i32
        %dma_start3A_260 = arith.constant 0 : i32
        %dma_start3A_261 = tpu.memref_slice %arg14[%dma_start3A_259, %dma_start3A_260] : memref<10240x128xf32, #tpu.memory_space<vmem_shared>> -> memref<10240x128xf32, #tpu.memory_space<vmem_shared>>
        tpu.enqueue_indirect_dma source(%arg12 : memref<128x128xf32, #tpu.memory_space<vmem>>) target(%dma_start3A_261 : memref<10240x128xf32, #tpu.memory_space<vmem_shared>>) offsets(%arg7 : memref<128xi32, #tpu.memory_space<vmem>>) semaphore(%run_scoped3A : memref<!tpu.dma_semaphore, #tpu.memory_space<semaphore_mem>>) {add = true}
        %dma_wait3A_262 = arith.constant 0 : i32
        %dma_wait3A_263 = arith.constant 0 : i32
        %dma_wait3A_264 = tpu.memref_slice %arg14[%dma_wait3A_262, %dma_wait3A_263] : memref<10240x128xf32, #tpu.memory_space<vmem_shared>> -> memref<10240x128xf32, #tpu.memory_space<vmem_shared>>
        tpu.wait_indirect_dma semaphore(%run_scoped3A : memref<!tpu.dma_semaphore, #tpu.memory_space<semaphore_mem>>) src(%arg12 : memref<128x128xf32, #tpu.memory_space<vmem>>) dst(%dma_wait3A_264 : memref<10240x128xf32, #tpu.memory_space<vmem_shared>>)
        tpu.yield
      }) : () -> ()
      %add3A_235 = arith.constant 2 : i32
      %add3A_236 = arith.addi %add3A_210, %add3A_235 : i32
      %mul3A_237 = arith.constant 128 : i32
      %mul3A_238 = arith.muli %add3A_236, %mul3A_237 : i32
      %add3A_239 = arith.constant 16 : i32
      %add3A_240 = arith.addi %add3A_239, %mul3A_238 : i32
      %dma_start3A_241 = tpu.memref_slice %arg6[%add3A_240] : memref<10000xi32, #tpu.memory_space<vmem>> -> memref<128xi32, #tpu.memory_space<vmem>>
      %dma_start3A_242 = arith.constant 0 : i32
      %dma_start3A_243 = arith.constant 0 : i32
      %dma_start3A_244 = tpu.memref_slice %arg2[%dma_start3A_242, %dma_start3A_243] : memref<10000x128xf32, #tpu.memory_space<hbm>> -> memref<10000x128xf32, #tpu.memory_space<hbm>>
      tpu.enqueue_indirect_dma source(%dma_start3A_244 : memref<10000x128xf32, #tpu.memory_space<hbm>>) target(%arg12 : memref<128x128xf32, #tpu.memory_space<vmem>>) offsets(%dma_start3A_241 : memref<128xi32, #tpu.memory_space<vmem>>) semaphore(%arg15 : memref<!tpu.dma_semaphore, #tpu.memory_space<semaphore_mem>>)
      %add3A_245 = arith.constant 2 : i32
      %add3A_246 = arith.addi %add3A_210, %add3A_245 : i32
      %mul3A_247 = arith.constant 128 : i32
      %mul3A_248 = arith.muli %add3A_246, %mul3A_247 : i32
      %add3A_249 = arith.addi %add3A_4, %mul3A_248 : i32
      %dma_start3A_250 = tpu.memref_slice %arg4[%add3A_249] : memref<320000xi32, #tpu.memory_space<hbm>> -> memref<128xi32, #tpu.memory_space<hbm>>
      %dma_start3A_251 = tpu.memref_slice %arg4[%add3A_249] : memref<320000xi32, #tpu.memory_space<hbm>> -> memref<128xi32, #tpu.memory_space<hbm>>
      tpu.enqueue_dma source(%dma_start3A_251 : memref<128xi32, #tpu.memory_space<hbm>>) target(%arg7 : memref<128xi32, #tpu.memory_space<vmem>>) target_semaphore(%arg17 : memref<!tpu.dma_semaphore, #tpu.memory_space<semaphore_mem>>)
      %dma_wait3A_252 = arith.constant 16 : i32
      %dma_wait3A_253 = tpu.memref_slice %arg6[%dma_wait3A_252] : memref<10000xi32, #tpu.memory_space<vmem>> -> memref<128xi32, #tpu.memory_space<vmem>>
      %dma_wait3A_254 = arith.constant 0 : i32
      %dma_wait3A_255 = arith.constant 0 : i32
      %dma_wait3A_256 = tpu.memref_slice %arg2[%dma_wait3A_254, %dma_wait3A_255] : memref<10000x128xf32, #tpu.memory_space<hbm>> -> memref<10000x128xf32, #tpu.memory_space<hbm>>
      tpu.wait_indirect_dma semaphore(%arg16 : memref<!tpu.dma_semaphore, #tpu.memory_space<semaphore_mem>>) src(%dma_wait3A_256 : memref<10000x128xf32, #tpu.memory_space<hbm>>) dst(%arg13 : memref<128x128xf32, #tpu.memory_space<vmem>>)
      %dma_wait3A_257 = tpu.memref_slice %arg4[%add3A_4] : memref<320000xi32, #tpu.memory_space<hbm>> -> memref<128xi32, #tpu.memory_space<hbm>>
      %dma_wait3A_258 = tpu.memref_slice %arg4[%add3A_4] : memref<320000xi32, #tpu.memory_space<hbm>> -> memref<128xi32, #tpu.memory_space<hbm>>
      tpu.wait_dma2 semaphore(%arg18 : memref<!tpu.dma_semaphore, #tpu.memory_space<semaphore_mem>>) src(%dma_wait3A_258 : memref<128xi32, #tpu.memory_space<hbm>>) dst(%arg8 : memref<128xi32, #tpu.memory_space<vmem>>)
      "tpu.region"() ({
        %run_scoped3A = tpu.sem_alloc : memref<!tpu.dma_semaphore, #tpu.memory_space<semaphore_mem>>
        %dma_start3A_259 = arith.constant 0 : i32
        %dma_start3A_260 = arith.constant 0 : i32
        %dma_start3A_261 = tpu.memref_slice %arg14[%dma_start3A_259, %dma_start3A_260] : memref<10240x128xf32, #tpu.memory_space<vmem_shared>> -> memref<10240x128xf32, #tpu.memory_space<vmem_shared>>
        tpu.enqueue_indirect_dma source(%arg13 : memref<128x128xf32, #tpu.memory_space<vmem>>) target(%dma_start3A_261 : memref<10240x128xf32, #tpu.memory_space<vmem_shared>>) offsets(%arg8 : memref<128xi32, #tpu.memory_space<vmem>>) semaphore(%run_scoped3A : memref<!tpu.dma_semaphore, #tpu.memory_space<semaphore_mem>>) {add = true}
        %dma_wait3A_262 = arith.constant 0 : i32
        %dma_wait3A_263 = arith.constant 0 : i32
        %dma_wait3A_264 = tpu.memref_slice %arg14[%dma_wait3A_262, %dma_wait3A_263] : memref<10240x128xf32, #tpu.memory_space<vmem_shared>> -> memref<10240x128xf32, #tpu.memory_space<vmem_shared>>
        tpu.wait_indirect_dma semaphore(%run_scoped3A : memref<!tpu.dma_semaphore, #tpu.memory_space<semaphore_mem>>) src(%arg13 : memref<128x128xf32, #tpu.memory_space<vmem>>) dst(%dma_wait3A_264 : memref<10240x128xf32, #tpu.memory_space<vmem_shared>>)
        tpu.yield
      }) : () -> ()
    }
    %scan3A_112 = arith.constant 38 : i32
    %dma_wait3A_113 = arith.constant 16 : i32
    %dma_wait3A_114 = tpu.memref_slice %arg6[%dma_wait3A_113] : memref<10000xi32, #tpu.memory_space<vmem>> -> memref<128xi32, #tpu.memory_space<vmem>>
    %dma_wait3A_115 = arith.constant 0 : i32
    %dma_wait3A_116 = arith.constant 0 : i32
    %dma_wait3A_117 = tpu.memref_slice %arg2[%dma_wait3A_115, %dma_wait3A_116] : memref<10000x128xf32, #tpu.memory_space<hbm>> -> memref<10000x128xf32, #tpu.memory_space<hbm>>
    tpu.wait_indirect_dma semaphore(%arg15 : memref<!tpu.dma_semaphore, #tpu.memory_space<semaphore_mem>>) src(%dma_wait3A_117 : memref<10000x128xf32, #tpu.memory_space<hbm>>) dst(%arg12 : memref<128x128xf32, #tpu.memory_space<vmem>>)
    %dma_wait3A_118 = tpu.memref_slice %arg4[%add3A_4] : memref<320000xi32, #tpu.memory_space<hbm>> -> memref<128xi32, #tpu.memory_space<hbm>>
    %dma_wait3A_119 = tpu.memref_slice %arg4[%add3A_4] : memref<320000xi32, #tpu.memory_space<hbm>> -> memref<128xi32, #tpu.memory_space<hbm>>
    tpu.wait_dma2 semaphore(%arg17 : memref<!tpu.dma_semaphore, #tpu.memory_space<semaphore_mem>>) src(%dma_wait3A_119 : memref<128xi32, #tpu.memory_space<hbm>>) dst(%arg7 : memref<128xi32, #tpu.memory_space<vmem>>)
    "tpu.region"() ({
      %run_scoped3A = tpu.sem_alloc : memref<!tpu.dma_semaphore, #tpu.memory_space<semaphore_mem>>
      %dma_start3A_206 = arith.constant 0 : i32
      %dma_start3A_207 = arith.constant 0 : i32
      %dma_start3A_208 = tpu.memref_slice %arg14[%dma_start3A_206, %dma_start3A_207] : memref<10240x128xf32, #tpu.memory_space<vmem_shared>> -> memref<10240x128xf32, #tpu.memory_space<vmem_shared>>
      tpu.enqueue_indirect_dma source(%arg12 : memref<128x128xf32, #tpu.memory_space<vmem>>) target(%dma_start3A_208 : memref<10240x128xf32, #tpu.memory_space<vmem_shared>>) offsets(%arg7 : memref<128xi32, #tpu.memory_space<vmem>>) semaphore(%run_scoped3A : memref<!tpu.dma_semaphore, #tpu.memory_space<semaphore_mem>>) {add = true}
      %dma_wait3A_209 = arith.constant 0 : i32
      %dma_wait3A_210 = arith.constant 0 : i32
      %dma_wait3A_211 = tpu.memref_slice %arg14[%dma_wait3A_209, %dma_wait3A_210] : memref<10240x128xf32, #tpu.memory_space<vmem_shared>> -> memref<10240x128xf32, #tpu.memory_space<vmem_shared>>
      tpu.wait_indirect_dma semaphore(%run_scoped3A : memref<!tpu.dma_semaphore, #tpu.memory_space<semaphore_mem>>) src(%arg12 : memref<128x128xf32, #tpu.memory_space<vmem>>) dst(%dma_wait3A_211 : memref<10240x128xf32, #tpu.memory_space<vmem_shared>>)
      tpu.yield
    }) : () -> ()
    %barrier3A_120 = arith.constant 0 : index
    tpu.barrier barrier_id(%barrier3A_120)
    %mul3A_121 = arith.constant 640 : i32
    %mul3A_122 = arith.muli %arg1, %mul3A_121 : i32
    %add3A_123 = arith.constant 0 : i32
    %add3A_124 = arith.addi %mul3A_122, %add3A_123 : i32
    "tpu.region"() ({
      %run_scoped3A = tpu.sem_alloc : memref<!tpu.dma_semaphore, #tpu.memory_space<semaphore_mem>>
      %dma_start3A_206 = arith.constant 0 : i32
      %dma_start3A_207 = tpu.memref_slice %arg14[%add3A_124, %dma_start3A_206] : memref<10240x128xf32, #tpu.memory_space<vmem_shared>> -> memref<128x128xf32, #tpu.memory_space<vmem_shared>>
      %dma_start3A_208 = arith.constant 0 : i32
      %dma_start3A_209 = tpu.memref_slice %arg14[%add3A_124, %dma_start3A_208] : memref<10240x128xf32, #tpu.memory_space<vmem_shared>> -> memref<128x128xf32, #tpu.memory_space<vmem_shared>>
      tpu.enqueue_dma source(%dma_start3A_209 : memref<128x128xf32, #tpu.memory_space<vmem_shared>>) target(%arg12 : memref<128x128xf32, #tpu.memory_space<vmem>>) target_semaphore(%run_scoped3A : memref<!tpu.dma_semaphore, #tpu.memory_space<semaphore_mem>>)
      %dma_wait3A_210 = arith.constant 0 : i32
      %dma_wait3A_211 = tpu.memref_slice %arg14[%add3A_124, %dma_wait3A_210] : memref<10240x128xf32, #tpu.memory_space<vmem_shared>> -> memref<128x128xf32, #tpu.memory_space<vmem_shared>>
      %dma_wait3A_212 = arith.constant 0 : i32
      %dma_wait3A_213 = tpu.memref_slice %arg14[%add3A_124, %dma_wait3A_212] : memref<10240x128xf32, #tpu.memory_space<vmem_shared>> -> memref<128x128xf32, #tpu.memory_space<vmem_shared>>
      tpu.wait_dma2 semaphore(%run_scoped3A : memref<!tpu.dma_semaphore, #tpu.memory_space<semaphore_mem>>) src(%dma_wait3A_213 : memref<128x128xf32, #tpu.memory_space<vmem_shared>>) dst(%arg12 : memref<128x128xf32, #tpu.memory_space<vmem>>)
      tpu.yield
    }) : () -> ()
    %mul3A_125 = arith.constant 10240 : i32
    %mul3A_126 = arith.muli %arg0, %mul3A_125 : i32
    %add3A_127 = arith.addi %mul3A_126, %add3A_124 : i32
    %dma_start3A_128 = arith.constant 0 : i32
    %dma_start3A_129 = tpu.memref_slice %arg5[%add3A_127, %dma_start3A_128] : memref<20480x128xf32, #tpu.memory_space<hbm>> -> memref<128x128xf32, #tpu.memory_space<hbm>>
    %dma_start3A_130 = arith.constant 0 : i32
    %dma_start3A_131 = tpu.memref_slice %arg5[%add3A_127, %dma_start3A_130] : memref<20480x128xf32, #tpu.memory_space<hbm>> -> memref<128x128xf32, #tpu.memory_space<hbm>>
    tpu.enqueue_dma source(%arg12 : memref<128x128xf32, #tpu.memory_space<vmem>>) target(%dma_start3A_131 : memref<128x128xf32, #tpu.memory_space<hbm>>) target_semaphore(%arg15 : memref<!tpu.dma_semaphore, #tpu.memory_space<semaphore_mem>>)
    %mul3A_132 = arith.constant 640 : i32
    %mul3A_133 = arith.muli %arg1, %mul3A_132 : i32
    %add3A_134 = arith.constant 128 : i32
    %add3A_135 = arith.addi %mul3A_133, %add3A_134 : i32
    "tpu.region"() ({
      %run_scoped3A = tpu.sem_alloc : memref<!tpu.dma_semaphore, #tpu.memory_space<semaphore_mem>>
      %dma_start3A_206 = arith.constant 0 : i32
      %dma_start3A_207 = tpu.memref_slice %arg14[%add3A_135, %dma_start3A_206] : memref<10240x128xf32, #tpu.memory_space<vmem_shared>> -> memref<128x128xf32, #tpu.memory_space<vmem_shared>>
      %dma_start3A_208 = arith.constant 0 : i32
      %dma_start3A_209 = tpu.memref_slice %arg14[%add3A_135, %dma_start3A_208] : memref<10240x128xf32, #tpu.memory_space<vmem_shared>> -> memref<128x128xf32, #tpu.memory_space<vmem_shared>>
      tpu.enqueue_dma source(%dma_start3A_209 : memref<128x128xf32, #tpu.memory_space<vmem_shared>>) target(%arg13 : memref<128x128xf32, #tpu.memory_space<vmem>>) target_semaphore(%run_scoped3A : memref<!tpu.dma_semaphore, #tpu.memory_space<semaphore_mem>>)
      %dma_wait3A_210 = arith.constant 0 : i32
      %dma_wait3A_211 = tpu.memref_slice %arg14[%add3A_135, %dma_wait3A_210] : memref<10240x128xf32, #tpu.memory_space<vmem_shared>> -> memref<128x128xf32, #tpu.memory_space<vmem_shared>>
      %dma_wait3A_212 = arith.constant 0 : i32
      %dma_wait3A_213 = tpu.memref_slice %arg14[%add3A_135, %dma_wait3A_212] : memref<10240x128xf32, #tpu.memory_space<vmem_shared>> -> memref<128x128xf32, #tpu.memory_space<vmem_shared>>
      tpu.wait_dma2 semaphore(%run_scoped3A : memref<!tpu.dma_semaphore, #tpu.memory_space<semaphore_mem>>) src(%dma_wait3A_213 : memref<128x128xf32, #tpu.memory_space<vmem_shared>>) dst(%arg13 : memref<128x128xf32, #tpu.memory_space<vmem>>)
      tpu.yield
    }) : () -> ()
    %mul3A_136 = arith.constant 10240 : i32
    %mul3A_137 = arith.muli %arg0, %mul3A_136 : i32
    %add3A_138 = arith.addi %mul3A_137, %add3A_135 : i32
    %dma_start3A_139 = arith.constant 0 : i32
    %dma_start3A_140 = tpu.memref_slice %arg5[%add3A_138, %dma_start3A_139] : memref<20480x128xf32, #tpu.memory_space<hbm>> -> memref<128x128xf32, #tpu.memory_space<hbm>>
    %dma_start3A_141 = arith.constant 0 : i32
    %dma_start3A_142 = tpu.memref_slice %arg5[%add3A_138, %dma_start3A_141] : memref<20480x128xf32, #tpu.memory_space<hbm>> -> memref<128x128xf32, #tpu.memory_space<hbm>>
    tpu.enqueue_dma source(%arg13 : memref<128x128xf32, #tpu.memory_space<vmem>>) target(%dma_start3A_142 : memref<128x128xf32, #tpu.memory_space<hbm>>) target_semaphore(%arg16 : memref<!tpu.dma_semaphore, #tpu.memory_space<semaphore_mem>>)
    %mul3A_143 = arith.constant 10240 : i32
    %mul3A_144 = arith.muli %arg0, %mul3A_143 : i32
    %dma_wait3A_145 = arith.constant 0 : i32
    %dma_wait3A_146 = tpu.memref_slice %arg5[%mul3A_144, %dma_wait3A_145] : memref<20480x128xf32, #tpu.memory_space<hbm>> -> memref<128x128xf32, #tpu.memory_space<hbm>>
    %dma_wait3A_147 = arith.constant 0 : i32
    %dma_wait3A_148 = tpu.memref_slice %arg5[%mul3A_144, %dma_wait3A_147] : memref<20480x128xf32, #tpu.memory_space<hbm>> -> memref<128x128xf32, #tpu.memory_space<hbm>>
    tpu.wait_dma2 semaphore(%arg15 : memref<!tpu.dma_semaphore, #tpu.memory_space<semaphore_mem>>) src(%arg12 : memref<128x128xf32, #tpu.memory_space<vmem>>) dst(%dma_wait3A_148 : memref<128x128xf32, #tpu.memory_space<hbm>>)
    %mul3A_149 = arith.constant 640 : i32
    %mul3A_150 = arith.muli %arg1, %mul3A_149 : i32
    %add3A_151 = arith.constant 256 : i32
    %add3A_152 = arith.addi %mul3A_150, %add3A_151 : i32
    "tpu.region"() ({
      %run_scoped3A = tpu.sem_alloc : memref<!tpu.dma_semaphore, #tpu.memory_space<semaphore_mem>>
      %dma_start3A_206 = arith.constant 0 : i32
      %dma_start3A_207 = tpu.memref_slice %arg14[%add3A_152, %dma_start3A_206] : memref<10240x128xf32, #tpu.memory_space<vmem_shared>> -> memref<128x128xf32, #tpu.memory_space<vmem_shared>>
      %dma_start3A_208 = arith.constant 0 : i32
      %dma_start3A_209 = tpu.memref_slice %arg14[%add3A_152, %dma_start3A_208] : memref<10240x128xf32, #tpu.memory_space<vmem_shared>> -> memref<128x128xf32, #tpu.memory_space<vmem_shared>>
      tpu.enqueue_dma source(%dma_start3A_209 : memref<128x128xf32, #tpu.memory_space<vmem_shared>>) target(%arg12 : memref<128x128xf32, #tpu.memory_space<vmem>>) target_semaphore(%run_scoped3A : memref<!tpu.dma_semaphore, #tpu.memory_space<semaphore_mem>>)
      %dma_wait3A_210 = arith.constant 0 : i32
      %dma_wait3A_211 = tpu.memref_slice %arg14[%add3A_152, %dma_wait3A_210] : memref<10240x128xf32, #tpu.memory_space<vmem_shared>> -> memref<128x128xf32, #tpu.memory_space<vmem_shared>>
      %dma_wait3A_212 = arith.constant 0 : i32
      %dma_wait3A_213 = tpu.memref_slice %arg14[%add3A_152, %dma_wait3A_212] : memref<10240x128xf32, #tpu.memory_space<vmem_shared>> -> memref<128x128xf32, #tpu.memory_space<vmem_shared>>
      tpu.wait_dma2 semaphore(%run_scoped3A : memref<!tpu.dma_semaphore, #tpu.memory_space<semaphore_mem>>) src(%dma_wait3A_213 : memref<128x128xf32, #tpu.memory_space<vmem_shared>>) dst(%arg12 : memref<128x128xf32, #tpu.memory_space<vmem>>)
      tpu.yield
    }) : () -> ()
    %mul3A_153 = arith.constant 10240 : i32
    %mul3A_154 = arith.muli %arg0, %mul3A_153 : i32
    %add3A_155 = arith.addi %mul3A_154, %add3A_152 : i32
    %dma_start3A_156 = arith.constant 0 : i32
    %dma_start3A_157 = tpu.memref_slice %arg5[%add3A_155, %dma_start3A_156] : memref<20480x128xf32, #tpu.memory_space<hbm>> -> memref<128x128xf32, #tpu.memory_space<hbm>>
    %dma_start3A_158 = arith.constant 0 : i32
    %dma_start3A_159 = tpu.memref_slice %arg5[%add3A_155, %dma_start3A_158] : memref<20480x128xf32, #tpu.memory_space<hbm>> -> memref<128x128xf32, #tpu.memory_space<hbm>>
    tpu.enqueue_dma source(%arg12 : memref<128x128xf32, #tpu.memory_space<vmem>>) target(%dma_start3A_159 : memref<128x128xf32, #tpu.memory_space<hbm>>) target_semaphore(%arg15 : memref<!tpu.dma_semaphore, #tpu.memory_space<semaphore_mem>>)
    %mul3A_160 = arith.constant 10240 : i32
    %mul3A_161 = arith.muli %arg0, %mul3A_160 : i32
    %dma_wait3A_162 = arith.constant 0 : i32
    %dma_wait3A_163 = tpu.memref_slice %arg5[%mul3A_161, %dma_wait3A_162] : memref<20480x128xf32, #tpu.memory_space<hbm>> -> memref<128x128xf32, #tpu.memory_space<hbm>>
    %dma_wait3A_164 = arith.constant 0 : i32
    %dma_wait3A_165 = tpu.memref_slice %arg5[%mul3A_161, %dma_wait3A_164] : memref<20480x128xf32, #tpu.memory_space<hbm>> -> memref<128x128xf32, #tpu.memory_space<hbm>>
    tpu.wait_dma2 semaphore(%arg16 : memref<!tpu.dma_semaphore, #tpu.memory_space<semaphore_mem>>) src(%arg13 : memref<128x128xf32, #tpu.memory_space<vmem>>) dst(%dma_wait3A_165 : memref<128x128xf32, #tpu.memory_space<hbm>>)
    %mul3A_166 = arith.constant 640 : i32
    %mul3A_167 = arith.muli %arg1, %mul3A_166 : i32
    %add3A_168 = arith.constant 384 : i32
    %add3A_169 = arith.addi %mul3A_167, %add3A_168 : i32
    "tpu.region"() ({
      %run_scoped3A = tpu.sem_alloc : memref<!tpu.dma_semaphore, #tpu.memory_space<semaphore_mem>>
      %dma_start3A_206 = arith.constant 0 : i32
      %dma_start3A_207 = tpu.memref_slice %arg14[%add3A_169, %dma_start3A_206] : memref<10240x128xf32, #tpu.memory_space<vmem_shared>> -> memref<128x128xf32, #tpu.memory_space<vmem_shared>>
      %dma_start3A_208 = arith.constant 0 : i32
      %dma_start3A_209 = tpu.memref_slice %arg14[%add3A_169, %dma_start3A_208] : memref<10240x128xf32, #tpu.memory_space<vmem_shared>> -> memref<128x128xf32, #tpu.memory_space<vmem_shared>>
      tpu.enqueue_dma source(%dma_start3A_209 : memref<128x128xf32, #tpu.memory_space<vmem_shared>>) target(%arg13 : memref<128x128xf32, #tpu.memory_space<vmem>>) target_semaphore(%run_scoped3A : memref<!tpu.dma_semaphore, #tpu.memory_space<semaphore_mem>>)
      %dma_wait3A_210 = arith.constant 0 : i32
      %dma_wait3A_211 = tpu.memref_slice %arg14[%add3A_169, %dma_wait3A_210] : memref<10240x128xf32, #tpu.memory_space<vmem_shared>> -> memref<128x128xf32, #tpu.memory_space<vmem_shared>>
      %dma_wait3A_212 = arith.constant 0 : i32
      %dma_wait3A_213 = tpu.memref_slice %arg14[%add3A_169, %dma_wait3A_212] : memref<10240x128xf32, #tpu.memory_space<vmem_shared>> -> memref<128x128xf32, #tpu.memory_space<vmem_shared>>
      tpu.wait_dma2 semaphore(%run_scoped3A : memref<!tpu.dma_semaphore, #tpu.memory_space<semaphore_mem>>) src(%dma_wait3A_213 : memref<128x128xf32, #tpu.memory_space<vmem_shared>>) dst(%arg13 : memref<128x128xf32, #tpu.memory_space<vmem>>)
      tpu.yield
    }) : () -> ()
    %mul3A_170 = arith.constant 10240 : i32
    %mul3A_171 = arith.muli %arg0, %mul3A_170 : i32
    %add3A_172 = arith.addi %mul3A_171, %add3A_169 : i32
    %dma_start3A_173 = arith.constant 0 : i32
    %dma_start3A_174 = tpu.memref_slice %arg5[%add3A_172, %dma_start3A_173] : memref<20480x128xf32, #tpu.memory_space<hbm>> -> memref<128x128xf32, #tpu.memory_space<hbm>>
    %dma_start3A_175 = arith.constant 0 : i32
    %dma_start3A_176 = tpu.memref_slice %arg5[%add3A_172, %dma_start3A_175] : memref<20480x128xf32, #tpu.memory_space<hbm>> -> memref<128x128xf32, #tpu.memory_space<hbm>>
    tpu.enqueue_dma source(%arg13 : memref<128x128xf32, #tpu.memory_space<vmem>>) target(%dma_start3A_176 : memref<128x128xf32, #tpu.memory_space<hbm>>) target_semaphore(%arg16 : memref<!tpu.dma_semaphore, #tpu.memory_space<semaphore_mem>>)
    %mul3A_177 = arith.constant 10240 : i32
    %mul3A_178 = arith.muli %arg0, %mul3A_177 : i32
    %dma_wait3A_179 = arith.constant 0 : i32
    %dma_wait3A_180 = tpu.memref_slice %arg5[%mul3A_178, %dma_wait3A_179] : memref<20480x128xf32, #tpu.memory_space<hbm>> -> memref<128x128xf32, #tpu.memory_space<hbm>>
    %dma_wait3A_181 = arith.constant 0 : i32
    %dma_wait3A_182 = tpu.memref_slice %arg5[%mul3A_178, %dma_wait3A_181] : memref<20480x128xf32, #tpu.memory_space<hbm>> -> memref<128x128xf32, #tpu.memory_space<hbm>>
    tpu.wait_dma2 semaphore(%arg15 : memref<!tpu.dma_semaphore, #tpu.memory_space<semaphore_mem>>) src(%arg12 : memref<128x128xf32, #tpu.memory_space<vmem>>) dst(%dma_wait3A_182 : memref<128x128xf32, #tpu.memory_space<hbm>>)
    %mul3A_183 = arith.constant 640 : i32
    %mul3A_184 = arith.muli %arg1, %mul3A_183 : i32
    %add3A_185 = arith.constant 512 : i32
    %add3A_186 = arith.addi %mul3A_184, %add3A_185 : i32
    "tpu.region"() ({
      %run_scoped3A = tpu.sem_alloc : memref<!tpu.dma_semaphore, #tpu.memory_space<semaphore_mem>>
      %dma_start3A_206 = arith.constant 0 : i32
      %dma_start3A_207 = tpu.memref_slice %arg14[%add3A_186, %dma_start3A_206] : memref<10240x128xf32, #tpu.memory_space<vmem_shared>> -> memref<128x128xf32, #tpu.memory_space<vmem_shared>>
      %dma_start3A_208 = arith.constant 0 : i32
      %dma_start3A_209 = tpu.memref_slice %arg14[%add3A_186, %dma_start3A_208] : memref<10240x128xf32, #tpu.memory_space<vmem_shared>> -> memref<128x128xf32, #tpu.memory_space<vmem_shared>>
      tpu.enqueue_dma source(%dma_start3A_209 : memref<128x128xf32, #tpu.memory_space<vmem_shared>>) target(%arg12 : memref<128x128xf32, #tpu.memory_space<vmem>>) target_semaphore(%run_scoped3A : memref<!tpu.dma_semaphore, #tpu.memory_space<semaphore_mem>>)
      %dma_wait3A_210 = arith.constant 0 : i32
      %dma_wait3A_211 = tpu.memref_slice %arg14[%add3A_186, %dma_wait3A_210] : memref<10240x128xf32, #tpu.memory_space<vmem_shared>> -> memref<128x128xf32, #tpu.memory_space<vmem_shared>>
      %dma_wait3A_212 = arith.constant 0 : i32
      %dma_wait3A_213 = tpu.memref_slice %arg14[%add3A_186, %dma_wait3A_212] : memref<10240x128xf32, #tpu.memory_space<vmem_shared>> -> memref<128x128xf32, #tpu.memory_space<vmem_shared>>
      tpu.wait_dma2 semaphore(%run_scoped3A : memref<!tpu.dma_semaphore, #tpu.memory_space<semaphore_mem>>) src(%dma_wait3A_213 : memref<128x128xf32, #tpu.memory_space<vmem_shared>>) dst(%arg12 : memref<128x128xf32, #tpu.memory_space<vmem>>)
      tpu.yield
    }) : () -> ()
    %mul3A_187 = arith.constant 10240 : i32
    %mul3A_188 = arith.muli %arg0, %mul3A_187 : i32
    %add3A_189 = arith.addi %mul3A_188, %add3A_186 : i32
    %dma_start3A_190 = arith.constant 0 : i32
    %dma_start3A_191 = tpu.memref_slice %arg5[%add3A_189, %dma_start3A_190] : memref<20480x128xf32, #tpu.memory_space<hbm>> -> memref<128x128xf32, #tpu.memory_space<hbm>>
    %dma_start3A_192 = arith.constant 0 : i32
    %dma_start3A_193 = tpu.memref_slice %arg5[%add3A_189, %dma_start3A_192] : memref<20480x128xf32, #tpu.memory_space<hbm>> -> memref<128x128xf32, #tpu.memory_space<hbm>>
    tpu.enqueue_dma source(%arg12 : memref<128x128xf32, #tpu.memory_space<vmem>>) target(%dma_start3A_193 : memref<128x128xf32, #tpu.memory_space<hbm>>) target_semaphore(%arg15 : memref<!tpu.dma_semaphore, #tpu.memory_space<semaphore_mem>>)
    %mul3A_194 = arith.constant 10240 : i32
    %mul3A_195 = arith.muli %arg0, %mul3A_194 : i32
    %dma_wait3A_196 = arith.constant 0 : i32
    %dma_wait3A_197 = tpu.memref_slice %arg5[%mul3A_195, %dma_wait3A_196] : memref<20480x128xf32, #tpu.memory_space<hbm>> -> memref<128x128xf32, #tpu.memory_space<hbm>>
    %dma_wait3A_198 = arith.constant 0 : i32
    %dma_wait3A_199 = tpu.memref_slice %arg5[%mul3A_195, %dma_wait3A_198] : memref<20480x128xf32, #tpu.memory_space<hbm>> -> memref<128x128xf32, #tpu.memory_space<hbm>>
    tpu.wait_dma2 semaphore(%arg16 : memref<!tpu.dma_semaphore, #tpu.memory_space<semaphore_mem>>) src(%arg13 : memref<128x128xf32, #tpu.memory_space<vmem>>) dst(%dma_wait3A_199 : memref<128x128xf32, #tpu.memory_space<hbm>>)
    %mul3A_200 = arith.constant 10240 : i32
    %mul3A_201 = arith.muli %arg0, %mul3A_200 : i32
    %dma_wait3A_202 = arith.constant 0 : i32
    %dma_wait3A_203 = tpu.memref_slice %arg5[%mul3A_201, %dma_wait3A_202] : memref<20480x128xf32, #tpu.memory_space<hbm>> -> memref<128x128xf32, #tpu.memory_space<hbm>>
    %dma_wait3A_204 = arith.constant 0 : i32
    %dma_wait3A_205 = tpu.memref_slice %arg5[%mul3A_201, %dma_wait3A_204] : memref<20480x128xf32, #tpu.memory_space<hbm>> -> memref<128x128xf32, #tpu.memory_space<hbm>>
    tpu.wait_dma2 semaphore(%arg15 : memref<!tpu.dma_semaphore, #tpu.memory_space<semaphore_mem>>) src(%arg12 : memref<128x128xf32, #tpu.memory_space<vmem>>) dst(%dma_wait3A_205 : memref<128x128xf32, #tpu.memory_space<hbm>>)
    return
  }
}

#map = affine_map<(d0, d1) -> (0)>
module attributes {stable_mosaic.version = 14 : i64} {
  func.func @deg(%arg0: i32, %arg1: i32, %arg2: memref<320000xi32, #tpu.memory_space<hbm>>, %arg3: memref<20224xf32, #tpu.memory_space<hbm>>, %arg4: memref<128xi32, #tpu.memory_space<vmem>>, %arg5: memref<128xi32, #tpu.memory_space<vmem>>, %arg6: memref<16xi32, #tpu.memory_space<vmem>>, %arg7: memref<128xf32, #tpu.memory_space<vmem>>, %arg8: memref<16xf32, #tpu.memory_space<vmem>>, %arg9: memref<632xf32, #tpu.memory_space<vmem>>, %arg10: memref<10112xf32, #tpu.memory_space<vmem_shared>>, %arg11: memref<!tpu.dma_semaphore, #tpu.memory_space<semaphore_mem>>, %arg12: memref<!tpu.dma_semaphore, #tpu.memory_space<semaphore_mem>>) attributes {dimension_semantics = [#tpu.dimension_semantics<core_parallel>, #tpu.dimension_semantics<subcore_parallel>], iteration_bounds = array<i64: 2, 16>, scalar_prefetch = 0 : i64, scratch_operands = 9 : i64, tpu.core_type = #tpu.core_type<sc_vector_subcore>, window_params = [{transform_indices = #map}, {transform_indices = #map}]} {
    %mul3A = arith.constant 16 : i32
    %mul3A_0 = arith.muli %arg0, %mul3A : i32
    %add3A = arith.addi %mul3A_0, %arg1 : i32
    %mul3A_1 = arith.constant 10000 : i32
    %mul3A_2 = arith.muli %add3A, %mul3A_1 : i32
    %add3A_3 = arith.constant 16 : i32
    %add3A_4 = arith.addi %mul3A_2, %add3A_3 : i32
    %broadcast_in_dim3A = arith.constant 1.000000e+00 : f32
    %broadcast_in_dim3A_5 = vector.broadcast %broadcast_in_dim3A : f32 to vector<16xf32>
    %swap3A = arith.constant 0 : index
    %swap3A_6 = tpu.vector_load %arg7[%swap3A] {strides = array<i32>} : memref<128xf32, #tpu.memory_space<vmem>>, vector<16xf32>,
    %swap3A_7 = vector.shape_cast %swap3A_6 : vector<16xf32> to vector<16xf32>
    %swap3A_8 = vector.shape_cast %broadcast_in_dim3A_5 : vector<16xf32> to vector<16xf32>
    tpu.vector_store %arg7[%swap3A], %swap3A_8 {strides = array<i32>} : memref<128xf32, #tpu.memory_space<vmem>>, vector<16xf32>,
    %broadcast_in_dim3A_9 = arith.constant 1.000000e+00 : f32
    %broadcast_in_dim3A_10 = vector.broadcast %broadcast_in_dim3A_9 : f32 to vector<16xf32>
    %swap3A_11 = arith.constant 16 : index
    %swap3A_12 = tpu.vector_load %arg7[%swap3A_11] {strides = array<i32>} : memref<128xf32, #tpu.memory_space<vmem>>, vector<16xf32>,
    %swap3A_13 = vector.shape_cast %swap3A_12 : vector<16xf32> to vector<16xf32>
    %swap3A_14 = vector.shape_cast %broadcast_in_dim3A_10 : vector<16xf32> to vector<16xf32>
    tpu.vector_store %arg7[%swap3A_11], %swap3A_14 {strides = array<i32>} : memref<128xf32, #tpu.memory_space<vmem>>, vector<16xf32>,
    %broadcast_in_dim3A_15 = arith.constant 1.000000e+00 : f32
    %broadcast_in_dim3A_16 = vector.broadcast %broadcast_in_dim3A_15 : f32 to vector<16xf32>
    %swap3A_17 = arith.constant 32 : index
    %swap3A_18 = tpu.vector_load %arg7[%swap3A_17] {strides = array<i32>} : memref<128xf32, #tpu.memory_space<vmem>>, vector<16xf32>,
    %swap3A_19 = vector.shape_cast %swap3A_18 : vector<16xf32> to vector<16xf32>
    %swap3A_20 = vector.shape_cast %broadcast_in_dim3A_16 : vector<16xf32> to vector<16xf32>
    tpu.vector_store %arg7[%swap3A_17], %swap3A_20 {strides = array<i32>} : memref<128xf32, #tpu.memory_space<vmem>>, vector<16xf32>,
    %broadcast_in_dim3A_21 = arith.constant 1.000000e+00 : f32
    %broadcast_in_dim3A_22 = vector.broadcast %broadcast_in_dim3A_21 : f32 to vector<16xf32>
    %swap3A_23 = arith.constant 48 : index
    %swap3A_24 = tpu.vector_load %arg7[%swap3A_23] {strides = array<i32>} : memref<128xf32, #tpu.memory_space<vmem>>, vector<16xf32>,
    %swap3A_25 = vector.shape_cast %swap3A_24 : vector<16xf32> to vector<16xf32>
    %swap3A_26 = vector.shape_cast %broadcast_in_dim3A_22 : vector<16xf32> to vector<16xf32>
    tpu.vector_store %arg7[%swap3A_23], %swap3A_26 {strides = array<i32>} : memref<128xf32, #tpu.memory_space<vmem>>, vector<16xf32>,
    %broadcast_in_dim3A_27 = arith.constant 1.000000e+00 : f32
    %broadcast_in_dim3A_28 = vector.broadcast %broadcast_in_dim3A_27 : f32 to vector<16xf32>
    %swap3A_29 = arith.constant 64 : index
    %swap3A_30 = tpu.vector_load %arg7[%swap3A_29] {strides = array<i32>} : memref<128xf32, #tpu.memory_space<vmem>>, vector<16xf32>,
    %swap3A_31 = vector.shape_cast %swap3A_30 : vector<16xf32> to vector<16xf32>
    %swap3A_32 = vector.shape_cast %broadcast_in_dim3A_28 : vector<16xf32> to vector<16xf32>
    tpu.vector_store %arg7[%swap3A_29], %swap3A_32 {strides = array<i32>} : memref<128xf32, #tpu.memory_space<vmem>>, vector<16xf32>,
    %broadcast_in_dim3A_33 = arith.constant 1.000000e+00 : f32
    %broadcast_in_dim3A_34 = vector.broadcast %broadcast_in_dim3A_33 : f32 to vector<16xf32>
    %swap3A_35 = arith.constant 80 : index
    %swap3A_36 = tpu.vector_load %arg7[%swap3A_35] {strides = array<i32>} : memref<128xf32, #tpu.memory_space<vmem>>, vector<16xf32>,
    %swap3A_37 = vector.shape_cast %swap3A_36 : vector<16xf32> to vector<16xf32>
    %swap3A_38 = vector.shape_cast %broadcast_in_dim3A_34 : vector<16xf32> to vector<16xf32>
    tpu.vector_store %arg7[%swap3A_35], %swap3A_38 {strides = array<i32>} : memref<128xf32, #tpu.memory_space<vmem>>, vector<16xf32>,
    %broadcast_in_dim3A_39 = arith.constant 1.000000e+00 : f32
    %broadcast_in_dim3A_40 = vector.broadcast %broadcast_in_dim3A_39 : f32 to vector<16xf32>
    %swap3A_41 = arith.constant 96 : index
    %swap3A_42 = tpu.vector_load %arg7[%swap3A_41] {strides = array<i32>} : memref<128xf32, #tpu.memory_space<vmem>>, vector<16xf32>,
    %swap3A_43 = vector.shape_cast %swap3A_42 : vector<16xf32> to vector<16xf32>
    %swap3A_44 = vector.shape_cast %broadcast_in_dim3A_40 : vector<16xf32> to vector<16xf32>
    tpu.vector_store %arg7[%swap3A_41], %swap3A_44 {strides = array<i32>} : memref<128xf32, #tpu.memory_space<vmem>>, vector<16xf32>,
    %broadcast_in_dim3A_45 = arith.constant 1.000000e+00 : f32
    %broadcast_in_dim3A_46 = vector.broadcast %broadcast_in_dim3A_45 : f32 to vector<16xf32>
    %swap3A_47 = arith.constant 112 : index
    %swap3A_48 = tpu.vector_load %arg7[%swap3A_47] {strides = array<i32>} : memref<128xf32, #tpu.memory_space<vmem>>, vector<16xf32>,
    %swap3A_49 = vector.shape_cast %swap3A_48 : vector<16xf32> to vector<16xf32>
    %swap3A_50 = vector.shape_cast %broadcast_in_dim3A_46 : vector<16xf32> to vector<16xf32>
    tpu.vector_store %arg7[%swap3A_47], %swap3A_50 {strides = array<i32>} : memref<128xf32, #tpu.memory_space<vmem>>, vector<16xf32>,
    %scan3A = arith.constant 0 : i32
    %scan3A_51 = arith.constant 0 : i32
    %scan3A_52 = arith.constant 39 : i32
    %scan3A_53 = arith.addi %scan3A_51, %scan3A_52 : i32
    %scan3A_54 = arith.constant 1 : i32
    scf.for %scan3A_82 = %scan3A_51 to %scan3A_53 step %scan3A_54  : i32 {
      %broadcast_in_dim3A_83 = arith.constant 0.000000e+00 : f32
      %broadcast_in_dim3A_84 = vector.broadcast %broadcast_in_dim3A_83 : f32 to vector<16xf32>
      %mul3A_85 = arith.constant 16 : i32
      %mul3A_86 = arith.muli %scan3A_82, %mul3A_85 : i32
      %swap3A_87 = arith.index_cast %mul3A_86 : i32 to index
      %swap3A_88 = tpu.vector_load %arg9[%swap3A_87] {strides = array<i32>} : memref<632xf32, #tpu.memory_space<vmem>>, vector<16xf32>,
      %swap3A_89 = vector.shape_cast %swap3A_88 : vector<16xf32> to vector<16xf32>
      %swap3A_90 = vector.shape_cast %broadcast_in_dim3A_84 : vector<16xf32> to vector<16xf32>
      tpu.vector_store %arg9[%swap3A_87], %swap3A_90 {strides = array<i32>} : memref<632xf32, #tpu.memory_space<vmem>>, vector<16xf32>,
    }
    %scan3A_55 = arith.constant 39 : i32
    %mul3A_56 = arith.constant 632 : i32
    %mul3A_57 = arith.muli %arg1, %mul3A_56 : i32
    "tpu.region"() ({
      %run_scoped3A = tpu.sem_alloc : memref<!tpu.dma_semaphore, #tpu.memory_space<semaphore_mem>>
      %dma_start3A_82 = tpu.memref_slice %arg10[%mul3A_57] : memref<10112xf32, #tpu.memory_space<vmem_shared>> -> memref<632xf32, #tpu.memory_space<vmem_shared>>
      %dma_start3A_83 = tpu.memref_slice %arg10[%mul3A_57] : memref<10112xf32, #tpu.memory_space<vmem_shared>> -> memref<632xf32, #tpu.memory_space<vmem_shared>>
      tpu.enqueue_dma source(%arg9 : memref<632xf32, #tpu.memory_space<vmem>>) target(%dma_start3A_83 : memref<632xf32, #tpu.memory_space<vmem_shared>>) target_semaphore(%run_scoped3A : memref<!tpu.dma_semaphore, #tpu.memory_space<semaphore_mem>>)
      %dma_wait3A_84 = tpu.memref_slice %arg10[%mul3A_57] : memref<10112xf32, #tpu.memory_space<vmem_shared>> -> memref<632xf32, #tpu.memory_space<vmem_shared>>
      %dma_wait3A_85 = tpu.memref_slice %arg10[%mul3A_57] : memref<10112xf32, #tpu.memory_space<vmem_shared>> -> memref<632xf32, #tpu.memory_space<vmem_shared>>
      tpu.wait_dma2 semaphore(%run_scoped3A : memref<!tpu.dma_semaphore, #tpu.memory_space<semaphore_mem>>) src(%arg9 : memref<632xf32, #tpu.memory_space<vmem>>) dst(%dma_wait3A_85 : memref<632xf32, #tpu.memory_space<vmem_shared>>)
      tpu.yield
    }) : () -> ()
    %barrier3A = arith.constant 0 : index
    tpu.barrier barrier_id(%barrier3A)
    %broadcast_in_dim3A_58 = arith.constant 1.000000e+00 : f32
    %broadcast_in_dim3A_59 = vector.broadcast %broadcast_in_dim3A_58 : f32 to vector<16xf32>
    %swap3A_60 = arith.constant 0 : index
    %swap3A_61 = tpu.vector_load %arg8[%swap3A_60] {strides = array<i32>} : memref<16xf32, #tpu.memory_space<vmem>>, vector<16xf32>,
    %swap3A_62 = vector.shape_cast %swap3A_61 : vector<16xf32> to vector<16xf32>
    %swap3A_63 = vector.shape_cast %broadcast_in_dim3A_59 : vector<16xf32> to vector<16xf32>
    tpu.vector_store %arg8[%swap3A_60], %swap3A_63 {strides = array<i32>} : memref<16xf32, #tpu.memory_space<vmem>>, vector<16xf32>,
    "tpu.region"() ({
      %run_scoped3A = tpu.sem_alloc : memref<!tpu.dma_semaphore, #tpu.memory_space<semaphore_mem>>
      %dma_start3A_82 = tpu.memref_slice %arg2[%mul3A_2] : memref<320000xi32, #tpu.memory_space<hbm>> -> memref<16xi32, #tpu.memory_space<hbm>>
      %dma_start3A_83 = tpu.memref_slice %arg2[%mul3A_2] : memref<320000xi32, #tpu.memory_space<hbm>> -> memref<16xi32, #tpu.memory_space<hbm>>
      tpu.enqueue_dma source(%dma_start3A_83 : memref<16xi32, #tpu.memory_space<hbm>>) target(%arg6 : memref<16xi32, #tpu.memory_space<vmem>>) target_semaphore(%run_scoped3A : memref<!tpu.dma_semaphore, #tpu.memory_space<semaphore_mem>>)
      %dma_wait3A_84 = tpu.memref_slice %arg2[%mul3A_2] : memref<320000xi32, #tpu.memory_space<hbm>> -> memref<16xi32, #tpu.memory_space<hbm>>
      %dma_wait3A_85 = tpu.memref_slice %arg2[%mul3A_2] : memref<320000xi32, #tpu.memory_space<hbm>> -> memref<16xi32, #tpu.memory_space<hbm>>
      tpu.wait_dma2 semaphore(%run_scoped3A : memref<!tpu.dma_semaphore, #tpu.memory_space<semaphore_mem>>) src(%dma_wait3A_85 : memref<16xi32, #tpu.memory_space<hbm>>) dst(%arg6 : memref<16xi32, #tpu.memory_space<vmem>>)
      tpu.yield
    }) : () -> ()
    "tpu.region"() ({
      %run_scoped3A = tpu.sem_alloc : memref<!tpu.dma_semaphore, #tpu.memory_space<semaphore_mem>>
      %dma_start3A_82 = arith.constant 0 : i32
      %dma_start3A_83 = tpu.memref_slice %arg10[%dma_start3A_82] : memref<10112xf32, #tpu.memory_space<vmem_shared>> -> memref<10112xf32, #tpu.memory_space<vmem_shared>>
      tpu.enqueue_indirect_dma source(%arg8 : memref<16xf32, #tpu.memory_space<vmem>>) target(%dma_start3A_83 : memref<10112xf32, #tpu.memory_space<vmem_shared>>) offsets(%arg6 : memref<16xi32, #tpu.memory_space<vmem>>) semaphore(%run_scoped3A : memref<!tpu.dma_semaphore, #tpu.memory_space<semaphore_mem>>) {add = true}
      %dma_wait3A_84 = arith.constant 0 : i32
      %dma_wait3A_85 = tpu.memref_slice %arg10[%dma_wait3A_84] : memref<10112xf32, #tpu.memory_space<vmem_shared>> -> memref<10112xf32, #tpu.memory_space<vmem_shared>>
      tpu.wait_indirect_dma semaphore(%run_scoped3A : memref<!tpu.dma_semaphore, #tpu.memory_space<semaphore_mem>>) src(%arg8 : memref<16xf32, #tpu.memory_space<vmem>>) dst(%dma_wait3A_85 : memref<10112xf32, #tpu.memory_space<vmem_shared>>)
      tpu.yield
    }) : () -> ()
    "tpu.region"() ({
      %run_scoped3A = tpu.sem_alloc : memref<!tpu.dma_semaphore, #tpu.memory_space<semaphore_mem>>
      %dma_start3A_82 = tpu.memref_slice %arg2[%add3A_4] : memref<320000xi32, #tpu.memory_space<hbm>> -> memref<128xi32, #tpu.memory_space<hbm>>
      %dma_start3A_83 = tpu.memref_slice %arg2[%add3A_4] : memref<320000xi32, #tpu.memory_space<hbm>> -> memref<128xi32, #tpu.memory_space<hbm>>
      tpu.enqueue_dma source(%dma_start3A_83 : memref<128xi32, #tpu.memory_space<hbm>>) target(%arg4 : memref<128xi32, #tpu.memory_space<vmem>>) target_semaphore(%run_scoped3A : memref<!tpu.dma_semaphore, #tpu.memory_space<semaphore_mem>>)
      %dma_wait3A_84 = tpu.memref_slice %arg2[%add3A_4] : memref<320000xi32, #tpu.memory_space<hbm>> -> memref<128xi32, #tpu.memory_space<hbm>>
      %dma_wait3A_85 = tpu.memref_slice %arg2[%add3A_4] : memref<320000xi32, #tpu.memory_space<hbm>> -> memref<128xi32, #tpu.memory_space<hbm>>
      tpu.wait_dma2 semaphore(%run_scoped3A : memref<!tpu.dma_semaphore, #tpu.memory_space<semaphore_mem>>) src(%dma_wait3A_85 : memref<128xi32, #tpu.memory_space<hbm>>) dst(%arg4 : memref<128xi32, #tpu.memory_space<vmem>>)
      tpu.yield
    }) : () -> ()
    "tpu.region"() ({
      %run_scoped3A = tpu.sem_alloc : memref<!tpu.dma_semaphore, #tpu.memory_space<semaphore_mem>>
      %dma_start3A_82 = arith.constant 0 : i32
      %dma_start3A_83 = tpu.memref_slice %arg10[%dma_start3A_82] : memref<10112xf32, #tpu.memory_space<vmem_shared>> -> memref<10112xf32, #tpu.memory_space<vmem_shared>>
      tpu.enqueue_indirect_dma source(%arg7 : memref<128xf32, #tpu.memory_space<vmem>>) target(%dma_start3A_83 : memref<10112xf32, #tpu.memory_space<vmem_shared>>) offsets(%arg4 : memref<128xi32, #tpu.memory_space<vmem>>) semaphore(%run_scoped3A : memref<!tpu.dma_semaphore, #tpu.memory_space<semaphore_mem>>) {add = true}
      %dma_wait3A_84 = arith.constant 0 : i32
      %dma_wait3A_85 = tpu.memref_slice %arg10[%dma_wait3A_84] : memref<10112xf32, #tpu.memory_space<vmem_shared>> -> memref<10112xf32, #tpu.memory_space<vmem_shared>>
      tpu.wait_indirect_dma semaphore(%run_scoped3A : memref<!tpu.dma_semaphore, #tpu.memory_space<semaphore_mem>>) src(%arg7 : memref<128xf32, #tpu.memory_space<vmem>>) dst(%dma_wait3A_85 : memref<10112xf32, #tpu.memory_space<vmem_shared>>)
      tpu.yield
    }) : () -> ()
    %add3A_64 = arith.constant 128 : i32
    %add3A_65 = arith.addi %add3A_4, %add3A_64 : i32
    %dma_start3A = tpu.memref_slice %arg2[%add3A_65] : memref<320000xi32, #tpu.memory_space<hbm>> -> memref<128xi32, #tpu.memory_space<hbm>>
    %dma_start3A_66 = tpu.memref_slice %arg2[%add3A_65] : memref<320000xi32, #tpu.memory_space<hbm>> -> memref<128xi32, #tpu.memory_space<hbm>>
    tpu.enqueue_dma source(%dma_start3A_66 : memref<128xi32, #tpu.memory_space<hbm>>) target(%arg4 : memref<128xi32, #tpu.memory_space<vmem>>) target_semaphore(%arg11 : memref<!tpu.dma_semaphore, #tpu.memory_space<semaphore_mem>>)
    %scan3A_67 = arith.constant 0 : i32
    %scan3A_68 = arith.constant 0 : i32
    %scan3A_69 = arith.constant 38 : i32
    %scan3A_70 = arith.addi %scan3A_68, %scan3A_69 : i32
    %scan3A_71 = arith.constant 1 : i32
    scf.for %scan3A_82 = %scan3A_68 to %scan3A_70 step %scan3A_71  : i32 {
      %mul3A_83 = arith.constant 2 : i32
      %mul3A_84 = arith.muli %mul3A_83, %scan3A_82 : i32
      %add3A_85 = arith.constant 1 : i32
      %add3A_86 = arith.addi %mul3A_84, %add3A_85 : i32
      %add3A_87 = arith.constant 1 : i32
      %add3A_88 = arith.addi %add3A_86, %add3A_87 : i32
      %mul3A_89 = arith.constant 128 : i32
      %mul3A_90 = arith.muli %add3A_88, %mul3A_89 : i32
      %add3A_91 = arith.addi %add3A_4, %mul3A_90 : i32
      %dma_start3A_92 = tpu.memref_slice %arg2[%add3A_91] : memref<320000xi32, #tpu.memory_space<hbm>> -> memref<128xi32, #tpu.memory_space<hbm>>
      %dma_start3A_93 = tpu.memref_slice %arg2[%add3A_91] : memref<320000xi32, #tpu.memory_space<hbm>> -> memref<128xi32, #tpu.memory_space<hbm>>
      tpu.enqueue_dma source(%dma_start3A_93 : memref<128xi32, #tpu.memory_space<hbm>>) target(%arg5 : memref<128xi32, #tpu.memory_space<vmem>>) target_semaphore(%arg12 : memref<!tpu.dma_semaphore, #tpu.memory_space<semaphore_mem>>)
      %dma_wait3A_94 = tpu.memref_slice %arg2[%add3A_4] : memref<320000xi32, #tpu.memory_space<hbm>> -> memref<128xi32, #tpu.memory_space<hbm>>
      %dma_wait3A_95 = tpu.memref_slice %arg2[%add3A_4] : memref<320000xi32, #tpu.memory_space<hbm>> -> memref<128xi32, #tpu.memory_space<hbm>>
      tpu.wait_dma2 semaphore(%arg11 : memref<!tpu.dma_semaphore, #tpu.memory_space<semaphore_mem>>) src(%dma_wait3A_95 : memref<128xi32, #tpu.memory_space<hbm>>) dst(%arg4 : memref<128xi32, #tpu.memory_space<vmem>>)
      "tpu.region"() ({
        %run_scoped3A = tpu.sem_alloc : memref<!tpu.dma_semaphore, #tpu.memory_space<semaphore_mem>>
        %dma_start3A_105 = arith.constant 0 : i32
        %dma_start3A_106 = tpu.memref_slice %arg10[%dma_start3A_105] : memref<10112xf32, #tpu.memory_space<vmem_shared>> -> memref<10112xf32, #tpu.memory_space<vmem_shared>>
        tpu.enqueue_indirect_dma source(%arg7 : memref<128xf32, #tpu.memory_space<vmem>>) target(%dma_start3A_106 : memref<10112xf32, #tpu.memory_space<vmem_shared>>) offsets(%arg4 : memref<128xi32, #tpu.memory_space<vmem>>) semaphore(%run_scoped3A : memref<!tpu.dma_semaphore, #tpu.memory_space<semaphore_mem>>) {add = true}
        %dma_wait3A_107 = arith.constant 0 : i32
        %dma_wait3A_108 = tpu.memref_slice %arg10[%dma_wait3A_107] : memref<10112xf32, #tpu.memory_space<vmem_shared>> -> memref<10112xf32, #tpu.memory_space<vmem_shared>>
        tpu.wait_indirect_dma semaphore(%run_scoped3A : memref<!tpu.dma_semaphore, #tpu.memory_space<semaphore_mem>>) src(%arg7 : memref<128xf32, #tpu.memory_space<vmem>>) dst(%dma_wait3A_108 : memref<10112xf32, #tpu.memory_space<vmem_shared>>)
        tpu.yield
      }) : () -> ()
      %add3A_96 = arith.constant 2 : i32
      %add3A_97 = arith.addi %add3A_86, %add3A_96 : i32
      %mul3A_98 = arith.constant 128 : i32
      %mul3A_99 = arith.muli %add3A_97, %mul3A_98 : i32
      %add3A_100 = arith.addi %add3A_4, %mul3A_99 : i32
      %dma_start3A_101 = tpu.memref_slice %arg2[%add3A_100] : memref<320000xi32, #tpu.memory_space<hbm>> -> memref<128xi32, #tpu.memory_space<hbm>>
      %dma_start3A_102 = tpu.memref_slice %arg2[%add3A_100] : memref<320000xi32, #tpu.memory_space<hbm>> -> memref<128xi32, #tpu.memory_space<hbm>>
      tpu.enqueue_dma source(%dma_start3A_102 : memref<128xi32, #tpu.memory_space<hbm>>) target(%arg4 : memref<128xi32, #tpu.memory_space<vmem>>) target_semaphore(%arg11 : memref<!tpu.dma_semaphore, #tpu.memory_space<semaphore_mem>>)
      %dma_wait3A_103 = tpu.memref_slice %arg2[%add3A_4] : memref<320000xi32, #tpu.memory_space<hbm>> -> memref<128xi32, #tpu.memory_space<hbm>>
      %dma_wait3A_104 = tpu.memref_slice %arg2[%add3A_4] : memref<320000xi32, #tpu.memory_space<hbm>> -> memref<128xi32, #tpu.memory_space<hbm>>
      tpu.wait_dma2 semaphore(%arg12 : memref<!tpu.dma_semaphore, #tpu.memory_space<semaphore_mem>>) src(%dma_wait3A_104 : memref<128xi32, #tpu.memory_space<hbm>>) dst(%arg5 : memref<128xi32, #tpu.memory_space<vmem>>)
      "tpu.region"() ({
        %run_scoped3A = tpu.sem_alloc : memref<!tpu.dma_semaphore, #tpu.memory_space<semaphore_mem>>
        %dma_start3A_105 = arith.constant 0 : i32
        %dma_start3A_106 = tpu.memref_slice %arg10[%dma_start3A_105] : memref<10112xf32, #tpu.memory_space<vmem_shared>> -> memref<10112xf32, #tpu.memory_space<vmem_shared>>
        tpu.enqueue_indirect_dma source(%arg7 : memref<128xf32, #tpu.memory_space<vmem>>) target(%dma_start3A_106 : memref<10112xf32, #tpu.memory_space<vmem_shared>>) offsets(%arg5 : memref<128xi32, #tpu.memory_space<vmem>>) semaphore(%run_scoped3A : memref<!tpu.dma_semaphore, #tpu.memory_space<semaphore_mem>>) {add = true}
        %dma_wait3A_107 = arith.constant 0 : i32
        %dma_wait3A_108 = tpu.memref_slice %arg10[%dma_wait3A_107] : memref<10112xf32, #tpu.memory_space<vmem_shared>> -> memref<10112xf32, #tpu.memory_space<vmem_shared>>
        tpu.wait_indirect_dma semaphore(%run_scoped3A : memref<!tpu.dma_semaphore, #tpu.memory_space<semaphore_mem>>) src(%arg7 : memref<128xf32, #tpu.memory_space<vmem>>) dst(%dma_wait3A_108 : memref<10112xf32, #tpu.memory_space<vmem_shared>>)
        tpu.yield
      }) : () -> ()
    }
    %scan3A_72 = arith.constant 38 : i32
    %dma_wait3A = tpu.memref_slice %arg2[%add3A_4] : memref<320000xi32, #tpu.memory_space<hbm>> -> memref<128xi32, #tpu.memory_space<hbm>>
    %dma_wait3A_73 = tpu.memref_slice %arg2[%add3A_4] : memref<320000xi32, #tpu.memory_space<hbm>> -> memref<128xi32, #tpu.memory_space<hbm>>
    tpu.wait_dma2 semaphore(%arg11 : memref<!tpu.dma_semaphore, #tpu.memory_space<semaphore_mem>>) src(%dma_wait3A_73 : memref<128xi32, #tpu.memory_space<hbm>>) dst(%arg4 : memref<128xi32, #tpu.memory_space<vmem>>)
    "tpu.region"() ({
      %run_scoped3A = tpu.sem_alloc : memref<!tpu.dma_semaphore, #tpu.memory_space<semaphore_mem>>
      %dma_start3A_82 = arith.constant 0 : i32
      %dma_start3A_83 = tpu.memref_slice %arg10[%dma_start3A_82] : memref<10112xf32, #tpu.memory_space<vmem_shared>> -> memref<10112xf32, #tpu.memory_space<vmem_shared>>
      tpu.enqueue_indirect_dma source(%arg7 : memref<128xf32, #tpu.memory_space<vmem>>) target(%dma_start3A_83 : memref<10112xf32, #tpu.memory_space<vmem_shared>>) offsets(%arg4 : memref<128xi32, #tpu.memory_space<vmem>>) semaphore(%run_scoped3A : memref<!tpu.dma_semaphore, #tpu.memory_space<semaphore_mem>>) {add = true}
      %dma_wait3A_84 = arith.constant 0 : i32
      %dma_wait3A_85 = tpu.memref_slice %arg10[%dma_wait3A_84] : memref<10112xf32, #tpu.memory_space<vmem_shared>> -> memref<10112xf32, #tpu.memory_space<vmem_shared>>
      tpu.wait_indirect_dma semaphore(%run_scoped3A : memref<!tpu.dma_semaphore, #tpu.memory_space<semaphore_mem>>) src(%arg7 : memref<128xf32, #tpu.memory_space<vmem>>) dst(%dma_wait3A_85 : memref<10112xf32, #tpu.memory_space<vmem_shared>>)
      tpu.yield
    }) : () -> ()
    %barrier3A_74 = arith.constant 0 : index
    tpu.barrier barrier_id(%barrier3A_74)
    %mul3A_75 = arith.constant 632 : i32
    %mul3A_76 = arith.muli %arg1, %mul3A_75 : i32
    "tpu.region"() ({
      %run_scoped3A = tpu.sem_alloc : memref<!tpu.dma_semaphore, #tpu.memory_space<semaphore_mem>>
      %dma_start3A_82 = tpu.memref_slice %arg10[%mul3A_76] : memref<10112xf32, #tpu.memory_space<vmem_shared>> -> memref<632xf32, #tpu.memory_space<vmem_shared>>
      %dma_start3A_83 = tpu.memref_slice %arg10[%mul3A_76] : memref<10112xf32, #tpu.memory_space<vmem_shared>> -> memref<632xf32, #tpu.memory_space<vmem_shared>>
      tpu.enqueue_dma source(%dma_start3A_83 : memref<632xf32, #tpu.memory_space<vmem_shared>>) target(%arg9 : memref<632xf32, #tpu.memory_space<vmem>>) target_semaphore(%run_scoped3A : memref<!tpu.dma_semaphore, #tpu.memory_space<semaphore_mem>>)
      %dma_wait3A_84 = tpu.memref_slice %arg10[%mul3A_76] : memref<10112xf32, #tpu.memory_space<vmem_shared>> -> memref<632xf32, #tpu.memory_space<vmem_shared>>
      %dma_wait3A_85 = tpu.memref_slice %arg10[%mul3A_76] : memref<10112xf32, #tpu.memory_space<vmem_shared>> -> memref<632xf32, #tpu.memory_space<vmem_shared>>
      tpu.wait_dma2 semaphore(%run_scoped3A : memref<!tpu.dma_semaphore, #tpu.memory_space<semaphore_mem>>) src(%dma_wait3A_85 : memref<632xf32, #tpu.memory_space<vmem_shared>>) dst(%arg9 : memref<632xf32, #tpu.memory_space<vmem>>)
      tpu.yield
    }) : () -> ()
    %mul3A_77 = arith.constant 10112 : i32
    %mul3A_78 = arith.muli %arg0, %mul3A_77 : i32
    %mul3A_79 = arith.constant 632 : i32
    %mul3A_80 = arith.muli %arg1, %mul3A_79 : i32
    %add3A_81 = arith.addi %mul3A_78, %mul3A_80 : i32
    "tpu.region"() ({
      %run_scoped3A = tpu.sem_alloc : memref<!tpu.dma_semaphore, #tpu.memory_space<semaphore_mem>>
      %dma_start3A_82 = tpu.memref_slice %arg3[%add3A_81] : memref<20224xf32, #tpu.memory_space<hbm>> -> memref<632xf32, #tpu.memory_space<hbm>>
      %dma_start3A_83 = tpu.memref_slice %arg3[%add3A_81] : memref<20224xf32, #tpu.memory_space<hbm>> -> memref<632xf32, #tpu.memory_space<hbm>>
      tpu.enqueue_dma source(%arg9 : memref<632xf32, #tpu.memory_space<vmem>>) target(%dma_start3A_83 : memref<632xf32, #tpu.memory_space<hbm>>) target_semaphore(%run_scoped3A : memref<!tpu.dma_semaphore, #tpu.memory_space<semaphore_mem>>)
      %dma_wait3A_84 = tpu.memref_slice %arg3[%add3A_81] : memref<20224xf32, #tpu.memory_space<hbm>> -> memref<632xf32, #tpu.memory_space<hbm>>
      %dma_wait3A_85 = tpu.memref_slice %arg3[%add3A_81] : memref<20224xf32, #tpu.memory_space<hbm>> -> memref<632xf32, #tpu.memory_space<hbm>>
      tpu.wait_dma2 semaphore(%run_scoped3A : memref<!tpu.dma_semaphore, #tpu.memory_space<semaphore_mem>>) src(%arg9 : memref<632xf32, #tpu.memory_space<vmem>>) dst(%dma_wait3A_85 : memref<632xf32, #tpu.memory_space<hbm>>)
      tpu.yield
    }) : () -> ()
    return
  }
}

#map = affine_map<(d0, d1) -> (0, 0)>
#map1 = affine_map<(d0, d1) -> (0)>
module attributes {stable_mosaic.version = 14 : i64} {
  func.func @edges(%arg0: i32, %arg1: i32, %arg2: memref<10000x128xf32, #tpu.memory_space<hbm>>, %arg3: memref<320000xi32, #tpu.memory_space<hbm>>, %arg4: memref<320000xi32, #tpu.memory_space<hbm>>, %arg5: memref<20480x128xf32, #tpu.memory_space<hbm>>, %arg6: memref<10000xi32, #tpu.memory_space<vmem>>, %arg7: memref<128xi32, #tpu.memory_space<vmem>>, %arg8: memref<128xi32, #tpu.memory_space<vmem>>, %arg9: memref<16xi32, #tpu.memory_space<vmem>>, %arg10: memref<16xi32, #tpu.memory_space<vmem>>, %arg11: memref<16x128xf32, #tpu.memory_space<vmem>>, %arg12: memref<128x128xf32, #tpu.memory_space<vmem>>, %arg13: memref<128x128xf32, #tpu.memory_space<vmem>>, %arg14: memref<10240x128xf32, #tpu.memory_space<vmem_shared>>, %arg15: memref<!tpu.dma_semaphore, #tpu.memory_space<semaphore_mem>>, %arg16: memref<!tpu.dma_semaphore, #tpu.memory_space<semaphore_mem>>, %arg17: memref<!tpu.dma_semaphore, #tpu.memory_space<semaphore_mem>>, %arg18: memref<!tpu.dma_semaphore, #tpu.memory_space<semaphore_mem>>) attributes {dimension_semantics = [#tpu.dimension_semantics<core_parallel>, #tpu.dimension_semantics<subcore_parallel>], iteration_bounds = array<i64: 2, 16>, scalar_prefetch = 0 : i64, scratch_operands = 13 : i64, tpu.core_type = #tpu.core_type<sc_vector_subcore>, window_params = [{transform_indices = #map}, {transform_indices = #map1}, {transform_indices = #map1}, {transform_indices = #map}]} {
    %mul3A = arith.constant 16 : i32
    %mul3A_0 = arith.muli %arg0, %mul3A : i32
    %add3A = arith.addi %mul3A_0, %arg1 : i32
    %mul3A_1 = arith.constant 10000 : i32
    %mul3A_2 = arith.muli %add3A, %mul3A_1 : i32
    %add3A_3 = arith.constant 16 : i32
    %add3A_4 = arith.addi %mul3A_2, %add3A_3 : i32
    %dma_start3A = tpu.memref_slice %arg3[%mul3A_2] : memref<320000xi32, #tpu.memory_space<hbm>> -> memref<10000xi32, #tpu.memory_space<hbm>>
    %dma_start3A_5 = tpu.memref_slice %arg3[%mul3A_2] : memref<320000xi32, #tpu.memory_space<hbm>> -> memref<10000xi32, #tpu.memory_space<hbm>>
    tpu.enqueue_dma source(%dma_start3A_5 : memref<10000xi32, #tpu.memory_space<hbm>>) target(%arg6 : memref<10000xi32, #tpu.memory_space<vmem>>) target_semaphore(%arg17 : memref<!tpu.dma_semaphore, #tpu.memory_space<semaphore_mem>>)
    %scan3A = arith.constant 0 : i32
    %scan3A_6 = arith.constant 0 : i32
    %scan3A_7 = arith.constant 128 : i32
    %scan3A_8 = arith.addi %scan3A_6, %scan3A_7 : i32
    %scan3A_9 = arith.constant 1 : i32
    scf.for %scan3A_206 = %scan3A_6 to %scan3A_8 step %scan3A_9  : i32 {
      %broadcast_in_dim3A = arith.constant 0.000000e+00 : f32
      %broadcast_in_dim3A_207 = vector.broadcast %broadcast_in_dim3A : f32 to vector<16xf32>
      %swap3A = arith.index_cast %scan3A_206 : i32 to index
      %swap3A_208 = arith.constant 0 : index
      %swap3A_209 = tpu.vector_load %arg12[%swap3A, %swap3A_208] {strides = array<i32>} : memref<128x128xf32, #tpu.memory_space<vmem>>, vector<1x16xf32>,
      %swap3A_210 = vector.shape_cast %swap3A_209 : vector<1x16xf32> to vector<16xf32>
      %swap3A_211 = vector.shape_cast %broadcast_in_dim3A_207 : vector<16xf32> to vector<1x16xf32>
      tpu.vector_store %arg12[%swap3A, %swap3A_208], %swap3A_211 {strides = array<i32>} : memref<128x128xf32, #tpu.memory_space<vmem>>, vector<1x16xf32>,
      %broadcast_in_dim3A_212 = arith.constant 0.000000e+00 : f32
      %broadcast_in_dim3A_213 = vector.broadcast %broadcast_in_dim3A_212 : f32 to vector<16xf32>
      %swap3A_214 = arith.index_cast %scan3A_206 : i32 to index
      %swap3A_215 = arith.constant 16 : index
      %swap3A_216 = tpu.vector_load %arg12[%swap3A_214, %swap3A_215] {strides = array<i32>} : memref<128x128xf32, #tpu.memory_space<vmem>>, vector<1x16xf32>,
      %swap3A_217 = vector.shape_cast %swap3A_216 : vector<1x16xf32> to vector<16xf32>
      %swap3A_218 = vector.shape_cast %broadcast_in_dim3A_213 : vector<16xf32> to vector<1x16xf32>
      tpu.vector_store %arg12[%swap3A_214, %swap3A_215], %swap3A_218 {strides = array<i32>} : memref<128x128xf32, #tpu.memory_space<vmem>>, vector<1x16xf32>,
      %broadcast_in_dim3A_219 = arith.constant 0.000000e+00 : f32
      %broadcast_in_dim3A_220 = vector.broadcast %broadcast_in_dim3A_219 : f32 to vector<16xf32>
      %swap3A_221 = arith.index_cast %scan3A_206 : i32 to index
      %swap3A_222 = arith.constant 32 : index
      %swap3A_223 = tpu.vector_load %arg12[%swap3A_221, %swap3A_222] {strides = array<i32>} : memref<128x128xf32, #tpu.memory_space<vmem>>, vector<1x16xf32>,
      %swap3A_224 = vector.shape_cast %swap3A_223 : vector<1x16xf32> to vector<16xf32>
      %swap3A_225 = vector.shape_cast %broadcast_in_dim3A_220 : vector<16xf32> to vector<1x16xf32>
      tpu.vector_store %arg12[%swap3A_221, %swap3A_222], %swap3A_225 {strides = array<i32>} : memref<128x128xf32, #tpu.memory_space<vmem>>, vector<1x16xf32>,
      %broadcast_in_dim3A_226 = arith.constant 0.000000e+00 : f32
      %broadcast_in_dim3A_227 = vector.broadcast %broadcast_in_dim3A_226 : f32 to vector<16xf32>
      %swap3A_228 = arith.index_cast %scan3A_206 : i32 to index
      %swap3A_229 = arith.constant 48 : index
      %swap3A_230 = tpu.vector_load %arg12[%swap3A_228, %swap3A_229] {strides = array<i32>} : memref<128x128xf32, #tpu.memory_space<vmem>>, vector<1x16xf32>,
      %swap3A_231 = vector.shape_cast %swap3A_230 : vector<1x16xf32> to vector<16xf32>
      %swap3A_232 = vector.shape_cast %broadcast_in_dim3A_227 : vector<16xf32> to vector<1x16xf32>
      tpu.vector_store %arg12[%swap3A_228, %swap3A_229], %swap3A_232 {strides = array<i32>} : memref<128x128xf32, #tpu.memory_space<vmem>>, vector<1x16xf32>,
      %broadcast_in_dim3A_233 = arith.constant 0.000000e+00 : f32
      %broadcast_in_dim3A_234 = vector.broadcast %broadcast_in_dim3A_233 : f32 to vector<16xf32>
      %swap3A_235 = arith.index_cast %scan3A_206 : i32 to index
      %swap3A_236 = arith.constant 64 : index
      %swap3A_237 = tpu.vector_load %arg12[%swap3A_235, %swap3A_236] {strides = array<i32>} : memref<128x128xf32, #tpu.memory_space<vmem>>, vector<1x16xf32>,
      %swap3A_238 = vector.shape_cast %swap3A_237 : vector<1x16xf32> to vector<16xf32>
      %swap3A_239 = vector.shape_cast %broadcast_in_dim3A_234 : vector<16xf32> to vector<1x16xf32>
      tpu.vector_store %arg12[%swap3A_235, %swap3A_236], %swap3A_239 {strides = array<i32>} : memref<128x128xf32, #tpu.memory_space<vmem>>, vector<1x16xf32>,
      %broadcast_in_dim3A_240 = arith.constant 0.000000e+00 : f32
      %broadcast_in_dim3A_241 = vector.broadcast %broadcast_in_dim3A_240 : f32 to vector<16xf32>
      %swap3A_242 = arith.index_cast %scan3A_206 : i32 to index
      %swap3A_243 = arith.constant 80 : index
      %swap3A_244 = tpu.vector_load %arg12[%swap3A_242, %swap3A_243] {strides = array<i32>} : memref<128x128xf32, #tpu.memory_space<vmem>>, vector<1x16xf32>,
      %swap3A_245 = vector.shape_cast %swap3A_244 : vector<1x16xf32> to vector<16xf32>
      %swap3A_246 = vector.shape_cast %broadcast_in_dim3A_241 : vector<16xf32> to vector<1x16xf32>
      tpu.vector_store %arg12[%swap3A_242, %swap3A_243], %swap3A_246 {strides = array<i32>} : memref<128x128xf32, #tpu.memory_space<vmem>>, vector<1x16xf32>,
      %broadcast_in_dim3A_247 = arith.constant 0.000000e+00 : f32
      %broadcast_in_dim3A_248 = vector.broadcast %broadcast_in_dim3A_247 : f32 to vector<16xf32>
      %swap3A_249 = arith.index_cast %scan3A_206 : i32 to index
      %swap3A_250 = arith.constant 96 : index
      %swap3A_251 = tpu.vector_load %arg12[%swap3A_249, %swap3A_250] {strides = array<i32>} : memref<128x128xf32, #tpu.memory_space<vmem>>, vector<1x16xf32>,
      %swap3A_252 = vector.shape_cast %swap3A_251 : vector<1x16xf32> to vector<16xf32>
      %swap3A_253 = vector.shape_cast %broadcast_in_dim3A_248 : vector<16xf32> to vector<1x16xf32>
      tpu.vector_store %arg12[%swap3A_249, %swap3A_250], %swap3A_253 {strides = array<i32>} : memref<128x128xf32, #tpu.memory_space<vmem>>, vector<1x16xf32>,
      %broadcast_in_dim3A_254 = arith.constant 0.000000e+00 : f32
      %broadcast_in_dim3A_255 = vector.broadcast %broadcast_in_dim3A_254 : f32 to vector<16xf32>
      %swap3A_256 = arith.index_cast %scan3A_206 : i32 to index
      %swap3A_257 = arith.constant 112 : index
      %swap3A_258 = tpu.vector_load %arg12[%swap3A_256, %swap3A_257] {strides = array<i32>} : memref<128x128xf32, #tpu.memory_space<vmem>>, vector<1x16xf32>,
      %swap3A_259 = vector.shape_cast %swap3A_258 : vector<1x16xf32> to vector<16xf32>
      %swap3A_260 = vector.shape_cast %broadcast_in_dim3A_255 : vector<16xf32> to vector<1x16xf32>
      tpu.vector_store %arg12[%swap3A_256, %swap3A_257], %swap3A_260 {strides = array<i32>} : memref<128x128xf32, #tpu.memory_space<vmem>>, vector<1x16xf32>,
    }
    %scan3A_10 = arith.constant 128 : i32
    %mul3A_11 = arith.constant 640 : i32
    %mul3A_12 = arith.muli %arg1, %mul3A_11 : i32
    %add3A_13 = arith.constant 0 : i32
    %add3A_14 = arith.addi %mul3A_12, %add3A_13 : i32
    %dma_start3A_15 = arith.constant 0 : i32
    %dma_start3A_16 = tpu.memref_slice %arg14[%add3A_14, %dma_start3A_15] : memref<10240x128xf32, #tpu.memory_space<vmem_shared>> -> memref<128x128xf32, #tpu.memory_space<vmem_shared>>
    %dma_start3A_17 = arith.constant 0 : i32
    %dma_start3A_18 = tpu.memref_slice %arg14[%add3A_14, %dma_start3A_17] : memref<10240x128xf32, #tpu.memory_space<vmem_shared>> -> memref<128x128xf32, #tpu.memory_space<vmem_shared>>
    tpu.enqueue_dma source(%arg12 : memref<128x128xf32, #tpu.memory_space<vmem>>) target(%dma_start3A_18 : memref<128x128xf32, #tpu.memory_space<vmem_shared>>) target_semaphore(%arg15 : memref<!tpu.dma_semaphore, #tpu.memory_space<semaphore_mem>>)
    %mul3A_19 = arith.constant 640 : i32
    %mul3A_20 = arith.muli %arg1, %mul3A_19 : i32
    %add3A_21 = arith.constant 128 : i32
    %add3A_22 = arith.addi %mul3A_20, %add3A_21 : i32
    %dma_start3A_23 = arith.constant 0 : i32
    %dma_start3A_24 = tpu.memref_slice %arg14[%add3A_22, %dma_start3A_23] : memref<10240x128xf32, #tpu.memory_space<vmem_shared>> -> memref<128x128xf32, #tpu.memory_space<vmem_shared>>
    %dma_start3A_25 = arith.constant 0 : i32
    %dma_start3A_26 = tpu.memref_slice %arg14[%add3A_22, %dma_start3A_25] : memref<10240x128xf32, #tpu.memory_space<vmem_shared>> -> memref<128x128xf32, #tpu.memory_space<vmem_shared>>
    tpu.enqueue_dma source(%arg12 : memref<128x128xf32, #tpu.memory_space<vmem>>) target(%dma_start3A_26 : memref<128x128xf32, #tpu.memory_space<vmem_shared>>) target_semaphore(%arg15 : memref<!tpu.dma_semaphore, #tpu.memory_space<semaphore_mem>>)
    %mul3A_27 = arith.constant 640 : i32
    %mul3A_28 = arith.muli %arg1, %mul3A_27 : i32
    %add3A_29 = arith.constant 256 : i32
    %add3A_30 = arith.addi %mul3A_28, %add3A_29 : i32
    %dma_start3A_31 = arith.constant 0 : i32
    %dma_start3A_32 = tpu.memref_slice %arg14[%add3A_30, %dma_start3A_31] : memref<10240x128xf32, #tpu.memory_space<vmem_shared>> -> memref<128x128xf32, #tpu.memory_space<vmem_shared>>
    %dma_start3A_33 = arith.constant 0 : i32
    %dma_start3A_34 = tpu.memref_slice %arg14[%add3A_30, %dma_start3A_33] : memref<10240x128xf32, #tpu.memory_space<vmem_shared>> -> memref<128x128xf32, #tpu.memory_space<vmem_shared>>
    tpu.enqueue_dma source(%arg12 : memref<128x128xf32, #tpu.memory_space<vmem>>) target(%dma_start3A_34 : memref<128x128xf32, #tpu.memory_space<vmem_shared>>) target_semaphore(%arg15 : memref<!tpu.dma_semaphore, #tpu.memory_space<semaphore_mem>>)
    %mul3A_35 = arith.constant 640 : i32
    %mul3A_36 = arith.muli %arg1, %mul3A_35 : i32
    %add3A_37 = arith.constant 384 : i32
    %add3A_38 = arith.addi %mul3A_36, %add3A_37 : i32
    %dma_start3A_39 = arith.constant 0 : i32
    %dma_start3A_40 = tpu.memref_slice %arg14[%add3A_38, %dma_start3A_39] : memref<10240x128xf32, #tpu.memory_space<vmem_shared>> -> memref<128x128xf32, #tpu.memory_space<vmem_shared>>
    %dma_start3A_41 = arith.constant 0 : i32
    %dma_start3A_42 = tpu.memref_slice %arg14[%add3A_38, %dma_start3A_41] : memref<10240x128xf32, #tpu.memory_space<vmem_shared>> -> memref<128x128xf32, #tpu.memory_space<vmem_shared>>
    tpu.enqueue_dma source(%arg12 : memref<128x128xf32, #tpu.memory_space<vmem>>) target(%dma_start3A_42 : memref<128x128xf32, #tpu.memory_space<vmem_shared>>) target_semaphore(%arg15 : memref<!tpu.dma_semaphore, #tpu.memory_space<semaphore_mem>>)
    %mul3A_43 = arith.constant 640 : i32
    %mul3A_44 = arith.muli %arg1, %mul3A_43 : i32
    %add3A_45 = arith.constant 512 : i32
    %add3A_46 = arith.addi %mul3A_44, %add3A_45 : i32
    %dma_start3A_47 = arith.constant 0 : i32
    %dma_start3A_48 = tpu.memref_slice %arg14[%add3A_46, %dma_start3A_47] : memref<10240x128xf32, #tpu.memory_space<vmem_shared>> -> memref<128x128xf32, #tpu.memory_space<vmem_shared>>
    %dma_start3A_49 = arith.constant 0 : i32
    %dma_start3A_50 = tpu.memref_slice %arg14[%add3A_46, %dma_start3A_49] : memref<10240x128xf32, #tpu.memory_space<vmem_shared>> -> memref<128x128xf32, #tpu.memory_space<vmem_shared>>
    tpu.enqueue_dma source(%arg12 : memref<128x128xf32, #tpu.memory_space<vmem>>) target(%dma_start3A_50 : memref<128x128xf32, #tpu.memory_space<vmem_shared>>) target_semaphore(%arg15 : memref<!tpu.dma_semaphore, #tpu.memory_space<semaphore_mem>>)
    %dma_wait3A = tpu.memref_slice %arg3[%mul3A_2] : memref<320000xi32, #tpu.memory_space<hbm>> -> memref<10000xi32, #tpu.memory_space<hbm>>
    %dma_wait3A_51 = tpu.memref_slice %arg3[%mul3A_2] : memref<320000xi32, #tpu.memory_space<hbm>> -> memref<10000xi32, #tpu.memory_space<hbm>>
    tpu.wait_dma2 semaphore(%arg17 : memref<!tpu.dma_semaphore, #tpu.memory_space<semaphore_mem>>) src(%dma_wait3A_51 : memref<10000xi32, #tpu.memory_space<hbm>>) dst(%arg6 : memref<10000xi32, #tpu.memory_space<vmem>>)
    %mul3A_52 = arith.constant 640 : i32
    %mul3A_53 = arith.muli %arg1, %mul3A_52 : i32
    %dma_wait3A_54 = arith.constant 0 : i32
    %dma_wait3A_55 = tpu.memref_slice %arg14[%mul3A_53, %dma_wait3A_54] : memref<10240x128xf32, #tpu.memory_space<vmem_shared>> -> memref<128x128xf32, #tpu.memory_space<vmem_shared>>
    %dma_wait3A_56 = arith.constant 0 : i32
    %dma_wait3A_57 = tpu.memref_slice %arg14[%mul3A_53, %dma_wait3A_56] : memref<10240x128xf32, #tpu.memory_space<vmem_shared>> -> memref<128x128xf32, #tpu.memory_space<vmem_shared>>
    tpu.wait_dma2 semaphore(%arg15 : memref<!tpu.dma_semaphore, #tpu.memory_space<semaphore_mem>>) src(%arg12 : memref<128x128xf32, #tpu.memory_space<vmem>>) dst(%dma_wait3A_57 : memref<128x128xf32, #tpu.memory_space<vmem_shared>>)
    %mul3A_58 = arith.constant 640 : i32
    %mul3A_59 = arith.muli %arg1, %mul3A_58 : i32
    %dma_wait3A_60 = arith.constant 0 : i32
    %dma_wait3A_61 = tpu.memref_slice %arg14[%mul3A_59, %dma_wait3A_60] : memref<10240x128xf32, #tpu.memory_space<vmem_shared>> -> memref<128x128xf32, #tpu.memory_space<vmem_shared>>
    %dma_wait3A_62 = arith.constant 0 : i32
    %dma_wait3A_63 = tpu.memref_slice %arg14[%mul3A_59, %dma_wait3A_62] : memref<10240x128xf32, #tpu.memory_space<vmem_shared>> -> memref<128x128xf32, #tpu.memory_space<vmem_shared>>
    tpu.wait_dma2 semaphore(%arg15 : memref<!tpu.dma_semaphore, #tpu.memory_space<semaphore_mem>>) src(%arg12 : memref<128x128xf32, #tpu.memory_space<vmem>>) dst(%dma_wait3A_63 : memref<128x128xf32, #tpu.memory_space<vmem_shared>>)
    %mul3A_64 = arith.constant 640 : i32
    %mul3A_65 = arith.muli %arg1, %mul3A_64 : i32
    %dma_wait3A_66 = arith.constant 0 : i32
    %dma_wait3A_67 = tpu.memref_slice %arg14[%mul3A_65, %dma_wait3A_66] : memref<10240x128xf32, #tpu.memory_space<vmem_shared>> -> memref<128x128xf32, #tpu.memory_space<vmem_shared>>
    %dma_wait3A_68 = arith.constant 0 : i32
    %dma_wait3A_69 = tpu.memref_slice %arg14[%mul3A_65, %dma_wait3A_68] : memref<10240x128xf32, #tpu.memory_space<vmem_shared>> -> memref<128x128xf32, #tpu.memory_space<vmem_shared>>
    tpu.wait_dma2 semaphore(%arg15 : memref<!tpu.dma_semaphore, #tpu.memory_space<semaphore_mem>>) src(%arg12 : memref<128x128xf32, #tpu.memory_space<vmem>>) dst(%dma_wait3A_69 : memref<128x128xf32, #tpu.memory_space<vmem_shared>>)
    %mul3A_70 = arith.constant 640 : i32
    %mul3A_71 = arith.muli %arg1, %mul3A_70 : i32
    %dma_wait3A_72 = arith.constant 0 : i32
    %dma_wait3A_73 = tpu.memref_slice %arg14[%mul3A_71, %dma_wait3A_72] : memref<10240x128xf32, #tpu.memory_space<vmem_shared>> -> memref<128x128xf32, #tpu.memory_space<vmem_shared>>
    %dma_wait3A_74 = arith.constant 0 : i32
    %dma_wait3A_75 = tpu.memref_slice %arg14[%mul3A_71, %dma_wait3A_74] : memref<10240x128xf32, #tpu.memory_space<vmem_shared>> -> memref<128x128xf32, #tpu.memory_space<vmem_shared>>
    tpu.wait_dma2 semaphore(%arg15 : memref<!tpu.dma_semaphore, #tpu.memory_space<semaphore_mem>>) src(%arg12 : memref<128x128xf32, #tpu.memory_space<vmem>>) dst(%dma_wait3A_75 : memref<128x128xf32, #tpu.memory_space<vmem_shared>>)
    %mul3A_76 = arith.constant 640 : i32
    %mul3A_77 = arith.muli %arg1, %mul3A_76 : i32
    %dma_wait3A_78 = arith.constant 0 : i32
    %dma_wait3A_79 = tpu.memref_slice %arg14[%mul3A_77, %dma_wait3A_78] : memref<10240x128xf32, #tpu.memory_space<vmem_shared>> -> memref<128x128xf32, #tpu.memory_space<vmem_shared>>
    %dma_wait3A_80 = arith.constant 0 : i32
    %dma_wait3A_81 = tpu.memref_slice %arg14[%mul3A_77, %dma_wait3A_80] : memref<10240x128xf32, #tpu.memory_space<vmem_shared>> -> memref<128x128xf32, #tpu.memory_space<vmem_shared>>
    tpu.wait_dma2 semaphore(%arg15 : memref<!tpu.dma_semaphore, #tpu.memory_space<semaphore_mem>>) src(%arg12 : memref<128x128xf32, #tpu.memory_space<vmem>>) dst(%dma_wait3A_81 : memref<128x128xf32, #tpu.memory_space<vmem_shared>>)
    %barrier3A = arith.constant 0 : index
    tpu.barrier barrier_id(%barrier3A)
    "tpu.region"() ({
      %run_scoped3A = tpu.sem_alloc : memref<!tpu.dma_semaphore, #tpu.memory_space<semaphore_mem>>
      %dma_start3A_206 = tpu.memref_slice %arg4[%mul3A_2] : memref<320000xi32, #tpu.memory_space<hbm>> -> memref<16xi32, #tpu.memory_space<hbm>>
      %dma_start3A_207 = tpu.memref_slice %arg4[%mul3A_2] : memref<320000xi32, #tpu.memory_space<hbm>> -> memref<16xi32, #tpu.memory_space<hbm>>
      tpu.enqueue_dma source(%dma_start3A_207 : memref<16xi32, #tpu.memory_space<hbm>>) target(%arg9 : memref<16xi32, #tpu.memory_space<vmem>>) target_semaphore(%run_scoped3A : memref<!tpu.dma_semaphore, #tpu.memory_space<semaphore_mem>>)
      %dma_wait3A_208 = tpu.memref_slice %arg4[%mul3A_2] : memref<320000xi32, #tpu.memory_space<hbm>> -> memref<16xi32, #tpu.memory_space<hbm>>
      %dma_wait3A_209 = tpu.memref_slice %arg4[%mul3A_2] : memref<320000xi32, #tpu.memory_space<hbm>> -> memref<16xi32, #tpu.memory_space<hbm>>
      tpu.wait_dma2 semaphore(%run_scoped3A : memref<!tpu.dma_semaphore, #tpu.memory_space<semaphore_mem>>) src(%dma_wait3A_209 : memref<16xi32, #tpu.memory_space<hbm>>) dst(%arg9 : memref<16xi32, #tpu.memory_space<vmem>>)
      tpu.yield
    }) : () -> ()
    "tpu.region"() ({
      %run_scoped3A = tpu.sem_alloc : memref<!tpu.dma_semaphore, #tpu.memory_space<semaphore_mem>>
      %dma_start3A_206 = tpu.memref_slice %arg3[%mul3A_2] : memref<320000xi32, #tpu.memory_space<hbm>> -> memref<16xi32, #tpu.memory_space<hbm>>
      %dma_start3A_207 = tpu.memref_slice %arg3[%mul3A_2] : memref<320000xi32, #tpu.memory_space<hbm>> -> memref<16xi32, #tpu.memory_space<hbm>>
      tpu.enqueue_dma source(%dma_start3A_207 : memref<16xi32, #tpu.memory_space<hbm>>) target(%arg10 : memref<16xi32, #tpu.memory_space<vmem>>) target_semaphore(%run_scoped3A : memref<!tpu.dma_semaphore, #tpu.memory_space<semaphore_mem>>)
      %dma_wait3A_208 = tpu.memref_slice %arg3[%mul3A_2] : memref<320000xi32, #tpu.memory_space<hbm>> -> memref<16xi32, #tpu.memory_space<hbm>>
      %dma_wait3A_209 = tpu.memref_slice %arg3[%mul3A_2] : memref<320000xi32, #tpu.memory_space<hbm>> -> memref<16xi32, #tpu.memory_space<hbm>>
      tpu.wait_dma2 semaphore(%run_scoped3A : memref<!tpu.dma_semaphore, #tpu.memory_space<semaphore_mem>>) src(%dma_wait3A_209 : memref<16xi32, #tpu.memory_space<hbm>>) dst(%arg10 : memref<16xi32, #tpu.memory_space<vmem>>)
      tpu.yield
    }) : () -> ()
    %dma_start3A_82 = arith.constant 0 : i32
    %dma_start3A_83 = arith.constant 0 : i32
    %dma_start3A_84 = tpu.memref_slice %arg2[%dma_start3A_82, %dma_start3A_83] : memref<10000x128xf32, #tpu.memory_space<hbm>> -> memref<10000x128xf32, #tpu.memory_space<hbm>>
    tpu.enqueue_indirect_dma source(%dma_start3A_84 : memref<10000x128xf32, #tpu.memory_space<hbm>>) target(%arg11 : memref<16x128xf32, #tpu.memory_space<vmem>>) offsets(%arg10 : memref<16xi32, #tpu.memory_space<vmem>>) semaphore(%arg15 : memref<!tpu.dma_semaphore, #tpu.memory_space<semaphore_mem>>)
    %dma_wait3A_85 = arith.constant 0 : i32
    %dma_wait3A_86 = arith.constant 0 : i32
    %dma_wait3A_87 = tpu.memref_slice %arg2[%dma_wait3A_85, %dma_wait3A_86] : memref<10000x128xf32, #tpu.memory_space<hbm>> -> memref<10000x128xf32, #tpu.memory_space<hbm>>
    tpu.wait_indirect_dma semaphore(%arg15 : memref<!tpu.dma_semaphore, #tpu.memory_space<semaphore_mem>>) src(%dma_wait3A_87 : memref<10000x128xf32, #tpu.memory_space<hbm>>) dst(%arg11 : memref<16x128xf32, #tpu.memory_space<vmem>>)
    "tpu.region"() ({
      %run_scoped3A = tpu.sem_alloc : memref<!tpu.dma_semaphore, #tpu.memory_space<semaphore_mem>>
      %dma_start3A_206 = arith.constant 0 : i32
      %dma_start3A_207 = arith.constant 0 : i32
      %dma_start3A_208 = tpu.memref_slice %arg14[%dma_start3A_206, %dma_start3A_207] : memref<10240x128xf32, #tpu.memory_space<vmem_shared>> -> memref<10240x128xf32, #tpu.memory_space<vmem_shared>>
      tpu.enqueue_indirect_dma source(%arg11 : memref<16x128xf32, #tpu.memory_space<vmem>>) target(%dma_start3A_208 : memref<10240x128xf32, #tpu.memory_space<vmem_shared>>) offsets(%arg9 : memref<16xi32, #tpu.memory_space<vmem>>) semaphore(%run_scoped3A : memref<!tpu.dma_semaphore, #tpu.memory_space<semaphore_mem>>) {add = true}
      %dma_wait3A_209 = arith.constant 0 : i32
      %dma_wait3A_210 = arith.constant 0 : i32
      %dma_wait3A_211 = tpu.memref_slice %arg14[%dma_wait3A_209, %dma_wait3A_210] : memref<10240x128xf32, #tpu.memory_space<vmem_shared>> -> memref<10240x128xf32, #tpu.memory_space<vmem_shared>>
      tpu.wait_indirect_dma semaphore(%run_scoped3A : memref<!tpu.dma_semaphore, #tpu.memory_space<semaphore_mem>>) src(%arg11 : memref<16x128xf32, #tpu.memory_space<vmem>>) dst(%dma_wait3A_211 : memref<10240x128xf32, #tpu.memory_space<vmem_shared>>)
      tpu.yield
    }) : () -> ()
    "tpu.region"() ({
      %run_scoped3A = tpu.sem_alloc : memref<!tpu.dma_semaphore, #tpu.memory_space<semaphore_mem>>
      %dma_start3A_206 = tpu.memref_slice %arg4[%add3A_4] : memref<320000xi32, #tpu.memory_space<hbm>> -> memref<128xi32, #tpu.memory_space<hbm>>
      %dma_start3A_207 = tpu.memref_slice %arg4[%add3A_4] : memref<320000xi32, #tpu.memory_space<hbm>> -> memref<128xi32, #tpu.memory_space<hbm>>
      tpu.enqueue_dma source(%dma_start3A_207 : memref<128xi32, #tpu.memory_space<hbm>>) target(%arg7 : memref<128xi32, #tpu.memory_space<vmem>>) target_semaphore(%run_scoped3A : memref<!tpu.dma_semaphore, #tpu.memory_space<semaphore_mem>>)
      %dma_wait3A_208 = tpu.memref_slice %arg4[%add3A_4] : memref<320000xi32, #tpu.memory_space<hbm>> -> memref<128xi32, #tpu.memory_space<hbm>>
      %dma_wait3A_209 = tpu.memref_slice %arg4[%add3A_4] : memref<320000xi32, #tpu.memory_space<hbm>> -> memref<128xi32, #tpu.memory_space<hbm>>
      tpu.wait_dma2 semaphore(%run_scoped3A : memref<!tpu.dma_semaphore, #tpu.memory_space<semaphore_mem>>) src(%dma_wait3A_209 : memref<128xi32, #tpu.memory_space<hbm>>) dst(%arg7 : memref<128xi32, #tpu.memory_space<vmem>>)
      tpu.yield
    }) : () -> ()
    %dma_start3A_88 = arith.constant 16 : i32
    %dma_start3A_89 = tpu.memref_slice %arg6[%dma_start3A_88] : memref<10000xi32, #tpu.memory_space<vmem>> -> memref<128xi32, #tpu.memory_space<vmem>>
    %dma_start3A_90 = arith.constant 0 : i32
    %dma_start3A_91 = arith.constant 0 : i32
    %dma_start3A_92 = tpu.memref_slice %arg2[%dma_start3A_90, %dma_start3A_91] : memref<10000x128xf32, #tpu.memory_space<hbm>> -> memref<10000x128xf32, #tpu.memory_space<hbm>>
    tpu.enqueue_indirect_dma source(%dma_start3A_92 : memref<10000x128xf32, #tpu.memory_space<hbm>>) target(%arg12 : memref<128x128xf32, #tpu.memory_space<vmem>>) offsets(%dma_start3A_89 : memref<128xi32, #tpu.memory_space<vmem>>) semaphore(%arg15 : memref<!tpu.dma_semaphore, #tpu.memory_space<semaphore_mem>>)
    %dma_wait3A_93 = arith.constant 16 : i32
    %dma_wait3A_94 = tpu.memref_slice %arg6[%dma_wait3A_93] : memref<10000xi32, #tpu.memory_space<vmem>> -> memref<128xi32, #tpu.memory_space<vmem>>
    %dma_wait3A_95 = arith.constant 0 : i32
    %dma_wait3A_96 = arith.constant 0 : i32
    %dma_wait3A_97 = tpu.memref_slice %arg2[%dma_wait3A_95, %dma_wait3A_96] : memref<10000x128xf32, #tpu.memory_space<hbm>> -> memref<10000x128xf32, #tpu.memory_space<hbm>>
    tpu.wait_indirect_dma semaphore(%arg15 : memref<!tpu.dma_semaphore, #tpu.memory_space<semaphore_mem>>) src(%dma_wait3A_97 : memref<10000x128xf32, #tpu.memory_space<hbm>>) dst(%arg12 : memref<128x128xf32, #tpu.memory_space<vmem>>)
    "tpu.region"() ({
      %run_scoped3A = tpu.sem_alloc : memref<!tpu.dma_semaphore, #tpu.memory_space<semaphore_mem>>
      %dma_start3A_206 = arith.constant 0 : i32
      %dma_start3A_207 = arith.constant 0 : i32
      %dma_start3A_208 = tpu.memref_slice %arg14[%dma_start3A_206, %dma_start3A_207] : memref<10240x128xf32, #tpu.memory_space<vmem_shared>> -> memref<10240x128xf32, #tpu.memory_space<vmem_shared>>
      tpu.enqueue_indirect_dma source(%arg12 : memref<128x128xf32, #tpu.memory_space<vmem>>) target(%dma_start3A_208 : memref<10240x128xf32, #tpu.memory_space<vmem_shared>>) offsets(%arg7 : memref<128xi32, #tpu.memory_space<vmem>>) semaphore(%run_scoped3A : memref<!tpu.dma_semaphore, #tpu.memory_space<semaphore_mem>>) {add = true}
      %dma_wait3A_209 = arith.constant 0 : i32
      %dma_wait3A_210 = arith.constant 0 : i32
      %dma_wait3A_211 = tpu.memref_slice %arg14[%dma_wait3A_209, %dma_wait3A_210] : memref<10240x128xf32, #tpu.memory_space<vmem_shared>> -> memref<10240x128xf32, #tpu.memory_space<vmem_shared>>
      tpu.wait_indirect_dma semaphore(%run_scoped3A : memref<!tpu.dma_semaphore, #tpu.memory_space<semaphore_mem>>) src(%arg12 : memref<128x128xf32, #tpu.memory_space<vmem>>) dst(%dma_wait3A_211 : memref<10240x128xf32, #tpu.memory_space<vmem_shared>>)
      tpu.yield
    }) : () -> ()
    %dma_start3A_98 = arith.constant 144 : i32
    %dma_start3A_99 = tpu.memref_slice %arg6[%dma_start3A_98] : memref<10000xi32, #tpu.memory_space<vmem>> -> memref<128xi32, #tpu.memory_space<vmem>>
    %dma_start3A_100 = arith.constant 0 : i32
    %dma_start3A_101 = arith.constant 0 : i32
    %dma_start3A_102 = tpu.memref_slice %arg2[%dma_start3A_100, %dma_start3A_101] : memref<10000x128xf32, #tpu.memory_space<hbm>> -> memref<10000x128xf32, #tpu.memory_space<hbm>>
    tpu.enqueue_indirect_dma source(%dma_start3A_102 : memref<10000x128xf32, #tpu.memory_space<hbm>>) target(%arg12 : memref<128x128xf32, #tpu.memory_space<vmem>>) offsets(%dma_start3A_99 : memref<128xi32, #tpu.memory_space<vmem>>) semaphore(%arg15 : memref<!tpu.dma_semaphore, #tpu.memory_space<semaphore_mem>>)
    %add3A_103 = arith.constant 128 : i32
    %add3A_104 = arith.addi %add3A_4, %add3A_103 : i32
    %dma_start3A_105 = tpu.memref_slice %arg4[%add3A_104] : memref<320000xi32, #tpu.memory_space<hbm>> -> memref<128xi32, #tpu.memory_space<hbm>>
    %dma_start3A_106 = tpu.memref_slice %arg4[%add3A_104] : memref<320000xi32, #tpu.memory_space<hbm>> -> memref<128xi32, #tpu.memory_space<hbm>>
    tpu.enqueue_dma source(%dma_start3A_106 : memref<128xi32, #tpu.memory_space<hbm>>) target(%arg7 : memref<128xi32, #tpu.memory_space<vmem>>) target_semaphore(%arg17 : memref<!tpu.dma_semaphore, #tpu.memory_space<semaphore_mem>>)
    %scan3A_107 = arith.constant 0 : i32
    %scan3A_108 = arith.constant 0 : i32
    %scan3A_109 = arith.constant 38 : i32
    %scan3A_110 = arith.addi %scan3A_108, %scan3A_109 : i32
    %scan3A_111 = arith.constant 1 : i32
    scf.for %scan3A_206 = %scan3A_108 to %scan3A_110 step %scan3A_111  : i32 {
      %mul3A_207 = arith.constant 2 : i32
      %mul3A_208 = arith.muli %mul3A_207, %scan3A_206 : i32
      %add3A_209 = arith.constant 1 : i32
      %add3A_210 = arith.addi %mul3A_208, %add3A_209 : i32
      %add3A_211 = arith.constant 1 : i32
      %add3A_212 = arith.addi %add3A_210, %add3A_211 : i32
      %mul3A_213 = arith.constant 128 : i32
      %mul3A_214 = arith.muli %add3A_212, %mul3A_213 : i32
      %add3A_215 = arith.constant 16 : i32
      %add3A_216 = arith.addi %add3A_215, %mul3A_214 : i32
      %dma_start3A_217 = tpu.memref_slice %arg6[%add3A_216] : memref<10000xi32, #tpu.memory_space<vmem>> -> memref<128xi32, #tpu.memory_space<vmem>>
      %dma_start3A_218 = arith.constant 0 : i32
      %dma_start3A_219 = arith.constant 0 : i32
      %dma_start3A_220 = tpu.memref_slice %arg2[%dma_start3A_218, %dma_start3A_219] : memref<10000x128xf32, #tpu.memory_space<hbm>> -> memref<10000x128xf32, #tpu.memory_space<hbm>>
      tpu.enqueue_indirect_dma source(%dma_start3A_220 : memref<10000x128xf32, #tpu.memory_space<hbm>>) target(%arg13 : memref<128x128xf32, #tpu.memory_space<vmem>>) offsets(%dma_start3A_217 : memref<128xi32, #tpu.memory_space<vmem>>) semaphore(%arg16 : memref<!tpu.dma_semaphore, #tpu.memory_space<semaphore_mem>>)
      %add3A_221 = arith.constant 1 : i32
      %add3A_222 = arith.addi %add3A_210, %add3A_221 : i32
      %mul3A_223 = arith.constant 128 : i32
      %mul3A_224 = arith.muli %add3A_222, %mul3A_223 : i32
      %add3A_225 = arith.addi %add3A_4, %mul3A_224 : i32
      %dma_start3A_226 = tpu.memref_slice %arg4[%add3A_225] : memref<320000xi32, #tpu.memory_space<hbm>> -> memref<128xi32, #tpu.memory_space<hbm>>
      %dma_start3A_227 = tpu.memref_slice %arg4[%add3A_225] : memref<320000xi32, #tpu.memory_space<hbm>> -> memref<128xi32, #tpu.memory_space<hbm>>
      tpu.enqueue_dma source(%dma_start3A_227 : memref<128xi32, #tpu.memory_space<hbm>>) target(%arg8 : memref<128xi32, #tpu.memory_space<vmem>>) target_semaphore(%arg18 : memref<!tpu.dma_semaphore, #tpu.memory_space<semaphore_mem>>)
      %dma_wait3A_228 = arith.constant 16 : i32
      %dma_wait3A_229 = tpu.memref_slice %arg6[%dma_wait3A_228] : memref<10000xi32, #tpu.memory_space<vmem>> -> memref<128xi32, #tpu.memory_space<vmem>>
      %dma_wait3A_230 = arith.constant 0 : i32
      %dma_wait3A_231 = arith.constant 0 : i32
      %dma_wait3A_232 = tpu.memref_slice %arg2[%dma_wait3A_230, %dma_wait3A_231] : memref<10000x128xf32, #tpu.memory_space<hbm>> -> memref<10000x128xf32, #tpu.memory_space<hbm>>
      tpu.wait_indirect_dma semaphore(%arg15 : memref<!tpu.dma_semaphore, #tpu.memory_space<semaphore_mem>>) src(%dma_wait3A_232 : memref<10000x128xf32, #tpu.memory_space<hbm>>) dst(%arg12 : memref<128x128xf32, #tpu.memory_space<vmem>>)
      %dma_wait3A_233 = tpu.memref_slice %arg4[%add3A_4] : memref<320000xi32, #tpu.memory_space<hbm>> -> memref<128xi32, #tpu.memory_space<hbm>>
      %dma_wait3A_234 = tpu.memref_slice %arg4[%add3A_4] : memref<320000xi32, #tpu.memory_space<hbm>> -> memref<128xi32, #tpu.memory_space<hbm>>
      tpu.wait_dma2 semaphore(%arg17 : memref<!tpu.dma_semaphore, #tpu.memory_space<semaphore_mem>>) src(%dma_wait3A_234 : memref<128xi32, #tpu.memory_space<hbm>>) dst(%arg7 : memref<128xi32, #tpu.memory_space<vmem>>)
      "tpu.region"() ({
        %run_scoped3A = tpu.sem_alloc : memref<!tpu.dma_semaphore, #tpu.memory_space<semaphore_mem>>
        %dma_start3A_259 = arith.constant 0 : i32
        %dma_start3A_260 = arith.constant 0 : i32
        %dma_start3A_261 = tpu.memref_slice %arg14[%dma_start3A_259, %dma_start3A_260] : memref<10240x128xf32, #tpu.memory_space<vmem_shared>> -> memref<10240x128xf32, #tpu.memory_space<vmem_shared>>
        tpu.enqueue_indirect_dma source(%arg12 : memref<128x128xf32, #tpu.memory_space<vmem>>) target(%dma_start3A_261 : memref<10240x128xf32, #tpu.memory_space<vmem_shared>>) offsets(%arg7 : memref<128xi32, #tpu.memory_space<vmem>>) semaphore(%run_scoped3A : memref<!tpu.dma_semaphore, #tpu.memory_space<semaphore_mem>>) {add = true}
        %dma_wait3A_262 = arith.constant 0 : i32
        %dma_wait3A_263 = arith.constant 0 : i32
        %dma_wait3A_264 = tpu.memref_slice %arg14[%dma_wait3A_262, %dma_wait3A_263] : memref<10240x128xf32, #tpu.memory_space<vmem_shared>> -> memref<10240x128xf32, #tpu.memory_space<vmem_shared>>
        tpu.wait_indirect_dma semaphore(%run_scoped3A : memref<!tpu.dma_semaphore, #tpu.memory_space<semaphore_mem>>) src(%arg12 : memref<128x128xf32, #tpu.memory_space<vmem>>) dst(%dma_wait3A_264 : memref<10240x128xf32, #tpu.memory_space<vmem_shared>>)
        tpu.yield
      }) : () -> ()
      %add3A_235 = arith.constant 2 : i32
      %add3A_236 = arith.addi %add3A_210, %add3A_235 : i32
      %mul3A_237 = arith.constant 128 : i32
      %mul3A_238 = arith.muli %add3A_236, %mul3A_237 : i32
      %add3A_239 = arith.constant 16 : i32
      %add3A_240 = arith.addi %add3A_239, %mul3A_238 : i32
      %dma_start3A_241 = tpu.memref_slice %arg6[%add3A_240] : memref<10000xi32, #tpu.memory_space<vmem>> -> memref<128xi32, #tpu.memory_space<vmem>>
      %dma_start3A_242 = arith.constant 0 : i32
      %dma_start3A_243 = arith.constant 0 : i32
      %dma_start3A_244 = tpu.memref_slice %arg2[%dma_start3A_242, %dma_start3A_243] : memref<10000x128xf32, #tpu.memory_space<hbm>> -> memref<10000x128xf32, #tpu.memory_space<hbm>>
      tpu.enqueue_indirect_dma source(%dma_start3A_244 : memref<10000x128xf32, #tpu.memory_space<hbm>>) target(%arg12 : memref<128x128xf32, #tpu.memory_space<vmem>>) offsets(%dma_start3A_241 : memref<128xi32, #tpu.memory_space<vmem>>) semaphore(%arg15 : memref<!tpu.dma_semaphore, #tpu.memory_space<semaphore_mem>>)
      %add3A_245 = arith.constant 2 : i32
      %add3A_246 = arith.addi %add3A_210, %add3A_245 : i32
      %mul3A_247 = arith.constant 128 : i32
      %mul3A_248 = arith.muli %add3A_246, %mul3A_247 : i32
      %add3A_249 = arith.addi %add3A_4, %mul3A_248 : i32
      %dma_start3A_250 = tpu.memref_slice %arg4[%add3A_249] : memref<320000xi32, #tpu.memory_space<hbm>> -> memref<128xi32, #tpu.memory_space<hbm>>
      %dma_start3A_251 = tpu.memref_slice %arg4[%add3A_249] : memref<320000xi32, #tpu.memory_space<hbm>> -> memref<128xi32, #tpu.memory_space<hbm>>
      tpu.enqueue_dma source(%dma_start3A_251 : memref<128xi32, #tpu.memory_space<hbm>>) target(%arg7 : memref<128xi32, #tpu.memory_space<vmem>>) target_semaphore(%arg17 : memref<!tpu.dma_semaphore, #tpu.memory_space<semaphore_mem>>)
      %dma_wait3A_252 = arith.constant 16 : i32
      %dma_wait3A_253 = tpu.memref_slice %arg6[%dma_wait3A_252] : memref<10000xi32, #tpu.memory_space<vmem>> -> memref<128xi32, #tpu.memory_space<vmem>>
      %dma_wait3A_254 = arith.constant 0 : i32
      %dma_wait3A_255 = arith.constant 0 : i32
      %dma_wait3A_256 = tpu.memref_slice %arg2[%dma_wait3A_254, %dma_wait3A_255] : memref<10000x128xf32, #tpu.memory_space<hbm>> -> memref<10000x128xf32, #tpu.memory_space<hbm>>
      tpu.wait_indirect_dma semaphore(%arg16 : memref<!tpu.dma_semaphore, #tpu.memory_space<semaphore_mem>>) src(%dma_wait3A_256 : memref<10000x128xf32, #tpu.memory_space<hbm>>) dst(%arg13 : memref<128x128xf32, #tpu.memory_space<vmem>>)
      %dma_wait3A_257 = tpu.memref_slice %arg4[%add3A_4] : memref<320000xi32, #tpu.memory_space<hbm>> -> memref<128xi32, #tpu.memory_space<hbm>>
      %dma_wait3A_258 = tpu.memref_slice %arg4[%add3A_4] : memref<320000xi32, #tpu.memory_space<hbm>> -> memref<128xi32, #tpu.memory_space<hbm>>
      tpu.wait_dma2 semaphore(%arg18 : memref<!tpu.dma_semaphore, #tpu.memory_space<semaphore_mem>>) src(%dma_wait3A_258 : memref<128xi32, #tpu.memory_space<hbm>>) dst(%arg8 : memref<128xi32, #tpu.memory_space<vmem>>)
      "tpu.region"() ({
        %run_scoped3A = tpu.sem_alloc : memref<!tpu.dma_semaphore, #tpu.memory_space<semaphore_mem>>
        %dma_start3A_259 = arith.constant 0 : i32
        %dma_start3A_260 = arith.constant 0 : i32
        %dma_start3A_261 = tpu.memref_slice %arg14[%dma_start3A_259, %dma_start3A_260] : memref<10240x128xf32, #tpu.memory_space<vmem_shared>> -> memref<10240x128xf32, #tpu.memory_space<vmem_shared>>
        tpu.enqueue_indirect_dma source(%arg13 : memref<128x128xf32, #tpu.memory_space<vmem>>) target(%dma_start3A_261 : memref<10240x128xf32, #tpu.memory_space<vmem_shared>>) offsets(%arg8 : memref<128xi32, #tpu.memory_space<vmem>>) semaphore(%run_scoped3A : memref<!tpu.dma_semaphore, #tpu.memory_space<semaphore_mem>>) {add = true}
        %dma_wait3A_262 = arith.constant 0 : i32
        %dma_wait3A_263 = arith.constant 0 : i32
        %dma_wait3A_264 = tpu.memref_slice %arg14[%dma_wait3A_262, %dma_wait3A_263] : memref<10240x128xf32, #tpu.memory_space<vmem_shared>> -> memref<10240x128xf32, #tpu.memory_space<vmem_shared>>
        tpu.wait_indirect_dma semaphore(%run_scoped3A : memref<!tpu.dma_semaphore, #tpu.memory_space<semaphore_mem>>) src(%arg13 : memref<128x128xf32, #tpu.memory_space<vmem>>) dst(%dma_wait3A_264 : memref<10240x128xf32, #tpu.memory_space<vmem_shared>>)
        tpu.yield
      }) : () -> ()
    }
    %scan3A_112 = arith.constant 38 : i32
    %dma_wait3A_113 = arith.constant 16 : i32
    %dma_wait3A_114 = tpu.memref_slice %arg6[%dma_wait3A_113] : memref<10000xi32, #tpu.memory_space<vmem>> -> memref<128xi32, #tpu.memory_space<vmem>>
    %dma_wait3A_115 = arith.constant 0 : i32
    %dma_wait3A_116 = arith.constant 0 : i32
    %dma_wait3A_117 = tpu.memref_slice %arg2[%dma_wait3A_115, %dma_wait3A_116] : memref<10000x128xf32, #tpu.memory_space<hbm>> -> memref<10000x128xf32, #tpu.memory_space<hbm>>
    tpu.wait_indirect_dma semaphore(%arg15 : memref<!tpu.dma_semaphore, #tpu.memory_space<semaphore_mem>>) src(%dma_wait3A_117 : memref<10000x128xf32, #tpu.memory_space<hbm>>) dst(%arg12 : memref<128x128xf32, #tpu.memory_space<vmem>>)
    %dma_wait3A_118 = tpu.memref_slice %arg4[%add3A_4] : memref<320000xi32, #tpu.memory_space<hbm>> -> memref<128xi32, #tpu.memory_space<hbm>>
    %dma_wait3A_119 = tpu.memref_slice %arg4[%add3A_4] : memref<320000xi32, #tpu.memory_space<hbm>> -> memref<128xi32, #tpu.memory_space<hbm>>
    tpu.wait_dma2 semaphore(%arg17 : memref<!tpu.dma_semaphore, #tpu.memory_space<semaphore_mem>>) src(%dma_wait3A_119 : memref<128xi32, #tpu.memory_space<hbm>>) dst(%arg7 : memref<128xi32, #tpu.memory_space<vmem>>)
    "tpu.region"() ({
      %run_scoped3A = tpu.sem_alloc : memref<!tpu.dma_semaphore, #tpu.memory_space<semaphore_mem>>
      %dma_start3A_206 = arith.constant 0 : i32
      %dma_start3A_207 = arith.constant 0 : i32
      %dma_start3A_208 = tpu.memref_slice %arg14[%dma_start3A_206, %dma_start3A_207] : memref<10240x128xf32, #tpu.memory_space<vmem_shared>> -> memref<10240x128xf32, #tpu.memory_space<vmem_shared>>
      tpu.enqueue_indirect_dma source(%arg12 : memref<128x128xf32, #tpu.memory_space<vmem>>) target(%dma_start3A_208 : memref<10240x128xf32, #tpu.memory_space<vmem_shared>>) offsets(%arg7 : memref<128xi32, #tpu.memory_space<vmem>>) semaphore(%run_scoped3A : memref<!tpu.dma_semaphore, #tpu.memory_space<semaphore_mem>>) {add = true}
      %dma_wait3A_209 = arith.constant 0 : i32
      %dma_wait3A_210 = arith.constant 0 : i32
      %dma_wait3A_211 = tpu.memref_slice %arg14[%dma_wait3A_209, %dma_wait3A_210] : memref<10240x128xf32, #tpu.memory_space<vmem_shared>> -> memref<10240x128xf32, #tpu.memory_space<vmem_shared>>
      tpu.wait_indirect_dma semaphore(%run_scoped3A : memref<!tpu.dma_semaphore, #tpu.memory_space<semaphore_mem>>) src(%arg12 : memref<128x128xf32, #tpu.memory_space<vmem>>) dst(%dma_wait3A_211 : memref<10240x128xf32, #tpu.memory_space<vmem_shared>>)
      tpu.yield
    }) : () -> ()
    %barrier3A_120 = arith.constant 0 : index
    tpu.barrier barrier_id(%barrier3A_120)
    %mul3A_121 = arith.constant 640 : i32
    %mul3A_122 = arith.muli %arg1, %mul3A_121 : i32
    %add3A_123 = arith.constant 0 : i32
    %add3A_124 = arith.addi %mul3A_122, %add3A_123 : i32
    "tpu.region"() ({
      %run_scoped3A = tpu.sem_alloc : memref<!tpu.dma_semaphore, #tpu.memory_space<semaphore_mem>>
      %dma_start3A_206 = arith.constant 0 : i32
      %dma_start3A_207 = tpu.memref_slice %arg14[%add3A_124, %dma_start3A_206] : memref<10240x128xf32, #tpu.memory_space<vmem_shared>> -> memref<128x128xf32, #tpu.memory_space<vmem_shared>>
      %dma_start3A_208 = arith.constant 0 : i32
      %dma_start3A_209 = tpu.memref_slice %arg14[%add3A_124, %dma_start3A_208] : memref<10240x128xf32, #tpu.memory_space<vmem_shared>> -> memref<128x128xf32, #tpu.memory_space<vmem_shared>>
      tpu.enqueue_dma source(%dma_start3A_209 : memref<128x128xf32, #tpu.memory_space<vmem_shared>>) target(%arg12 : memref<128x128xf32, #tpu.memory_space<vmem>>) target_semaphore(%run_scoped3A : memref<!tpu.dma_semaphore, #tpu.memory_space<semaphore_mem>>)
      %dma_wait3A_210 = arith.constant 0 : i32
      %dma_wait3A_211 = tpu.memref_slice %arg14[%add3A_124, %dma_wait3A_210] : memref<10240x128xf32, #tpu.memory_space<vmem_shared>> -> memref<128x128xf32, #tpu.memory_space<vmem_shared>>
      %dma_wait3A_212 = arith.constant 0 : i32
      %dma_wait3A_213 = tpu.memref_slice %arg14[%add3A_124, %dma_wait3A_212] : memref<10240x128xf32, #tpu.memory_space<vmem_shared>> -> memref<128x128xf32, #tpu.memory_space<vmem_shared>>
      tpu.wait_dma2 semaphore(%run_scoped3A : memref<!tpu.dma_semaphore, #tpu.memory_space<semaphore_mem>>) src(%dma_wait3A_213 : memref<128x128xf32, #tpu.memory_space<vmem_shared>>) dst(%arg12 : memref<128x128xf32, #tpu.memory_space<vmem>>)
      tpu.yield
    }) : () -> ()
    %mul3A_125 = arith.constant 10240 : i32
    %mul3A_126 = arith.muli %arg0, %mul3A_125 : i32
    %add3A_127 = arith.addi %mul3A_126, %add3A_124 : i32
    %dma_start3A_128 = arith.constant 0 : i32
    %dma_start3A_129 = tpu.memref_slice %arg5[%add3A_127, %dma_start3A_128] : memref<20480x128xf32, #tpu.memory_space<hbm>> -> memref<128x128xf32, #tpu.memory_space<hbm>>
    %dma_start3A_130 = arith.constant 0 : i32
    %dma_start3A_131 = tpu.memref_slice %arg5[%add3A_127, %dma_start3A_130] : memref<20480x128xf32, #tpu.memory_space<hbm>> -> memref<128x128xf32, #tpu.memory_space<hbm>>
    tpu.enqueue_dma source(%arg12 : memref<128x128xf32, #tpu.memory_space<vmem>>) target(%dma_start3A_131 : memref<128x128xf32, #tpu.memory_space<hbm>>) target_semaphore(%arg15 : memref<!tpu.dma_semaphore, #tpu.memory_space<semaphore_mem>>)
    %mul3A_132 = arith.constant 640 : i32
    %mul3A_133 = arith.muli %arg1, %mul3A_132 : i32
    %add3A_134 = arith.constant 128 : i32
    %add3A_135 = arith.addi %mul3A_133, %add3A_134 : i32
    "tpu.region"() ({
      %run_scoped3A = tpu.sem_alloc : memref<!tpu.dma_semaphore, #tpu.memory_space<semaphore_mem>>
      %dma_start3A_206 = arith.constant 0 : i32
      %dma_start3A_207 = tpu.memref_slice %arg14[%add3A_135, %dma_start3A_206] : memref<10240x128xf32, #tpu.memory_space<vmem_shared>> -> memref<128x128xf32, #tpu.memory_space<vmem_shared>>
      %dma_start3A_208 = arith.constant 0 : i32
      %dma_start3A_209 = tpu.memref_slice %arg14[%add3A_135, %dma_start3A_208] : memref<10240x128xf32, #tpu.memory_space<vmem_shared>> -> memref<128x128xf32, #tpu.memory_space<vmem_shared>>
      tpu.enqueue_dma source(%dma_start3A_209 : memref<128x128xf32, #tpu.memory_space<vmem_shared>>) target(%arg13 : memref<128x128xf32, #tpu.memory_space<vmem>>) target_semaphore(%run_scoped3A : memref<!tpu.dma_semaphore, #tpu.memory_space<semaphore_mem>>)
      %dma_wait3A_210 = arith.constant 0 : i32
      %dma_wait3A_211 = tpu.memref_slice %arg14[%add3A_135, %dma_wait3A_210] : memref<10240x128xf32, #tpu.memory_space<vmem_shared>> -> memref<128x128xf32, #tpu.memory_space<vmem_shared>>
      %dma_wait3A_212 = arith.constant 0 : i32
      %dma_wait3A_213 = tpu.memref_slice %arg14[%add3A_135, %dma_wait3A_212] : memref<10240x128xf32, #tpu.memory_space<vmem_shared>> -> memref<128x128xf32, #tpu.memory_space<vmem_shared>>
      tpu.wait_dma2 semaphore(%run_scoped3A : memref<!tpu.dma_semaphore, #tpu.memory_space<semaphore_mem>>) src(%dma_wait3A_213 : memref<128x128xf32, #tpu.memory_space<vmem_shared>>) dst(%arg13 : memref<128x128xf32, #tpu.memory_space<vmem>>)
      tpu.yield
    }) : () -> ()
    %mul3A_136 = arith.constant 10240 : i32
    %mul3A_137 = arith.muli %arg0, %mul3A_136 : i32
    %add3A_138 = arith.addi %mul3A_137, %add3A_135 : i32
    %dma_start3A_139 = arith.constant 0 : i32
    %dma_start3A_140 = tpu.memref_slice %arg5[%add3A_138, %dma_start3A_139] : memref<20480x128xf32, #tpu.memory_space<hbm>> -> memref<128x128xf32, #tpu.memory_space<hbm>>
    %dma_start3A_141 = arith.constant 0 : i32
    %dma_start3A_142 = tpu.memref_slice %arg5[%add3A_138, %dma_start3A_141] : memref<20480x128xf32, #tpu.memory_space<hbm>> -> memref<128x128xf32, #tpu.memory_space<hbm>>
    tpu.enqueue_dma source(%arg13 : memref<128x128xf32, #tpu.memory_space<vmem>>) target(%dma_start3A_142 : memref<128x128xf32, #tpu.memory_space<hbm>>) target_semaphore(%arg16 : memref<!tpu.dma_semaphore, #tpu.memory_space<semaphore_mem>>)
    %mul3A_143 = arith.constant 10240 : i32
    %mul3A_144 = arith.muli %arg0, %mul3A_143 : i32
    %dma_wait3A_145 = arith.constant 0 : i32
    %dma_wait3A_146 = tpu.memref_slice %arg5[%mul3A_144, %dma_wait3A_145] : memref<20480x128xf32, #tpu.memory_space<hbm>> -> memref<128x128xf32, #tpu.memory_space<hbm>>
    %dma_wait3A_147 = arith.constant 0 : i32
    %dma_wait3A_148 = tpu.memref_slice %arg5[%mul3A_144, %dma_wait3A_147] : memref<20480x128xf32, #tpu.memory_space<hbm>> -> memref<128x128xf32, #tpu.memory_space<hbm>>
    tpu.wait_dma2 semaphore(%arg15 : memref<!tpu.dma_semaphore, #tpu.memory_space<semaphore_mem>>) src(%arg12 : memref<128x128xf32, #tpu.memory_space<vmem>>) dst(%dma_wait3A_148 : memref<128x128xf32, #tpu.memory_space<hbm>>)
    %mul3A_149 = arith.constant 640 : i32
    %mul3A_150 = arith.muli %arg1, %mul3A_149 : i32
    %add3A_151 = arith.constant 256 : i32
    %add3A_152 = arith.addi %mul3A_150, %add3A_151 : i32
    "tpu.region"() ({
      %run_scoped3A = tpu.sem_alloc : memref<!tpu.dma_semaphore, #tpu.memory_space<semaphore_mem>>
      %dma_start3A_206 = arith.constant 0 : i32
      %dma_start3A_207 = tpu.memref_slice %arg14[%add3A_152, %dma_start3A_206] : memref<10240x128xf32, #tpu.memory_space<vmem_shared>> -> memref<128x128xf32, #tpu.memory_space<vmem_shared>>
      %dma_start3A_208 = arith.constant 0 : i32
      %dma_start3A_209 = tpu.memref_slice %arg14[%add3A_152, %dma_start3A_208] : memref<10240x128xf32, #tpu.memory_space<vmem_shared>> -> memref<128x128xf32, #tpu.memory_space<vmem_shared>>
      tpu.enqueue_dma source(%dma_start3A_209 : memref<128x128xf32, #tpu.memory_space<vmem_shared>>) target(%arg12 : memref<128x128xf32, #tpu.memory_space<vmem>>) target_semaphore(%run_scoped3A : memref<!tpu.dma_semaphore, #tpu.memory_space<semaphore_mem>>)
      %dma_wait3A_210 = arith.constant 0 : i32
      %dma_wait3A_211 = tpu.memref_slice %arg14[%add3A_152, %dma_wait3A_210] : memref<10240x128xf32, #tpu.memory_space<vmem_shared>> -> memref<128x128xf32, #tpu.memory_space<vmem_shared>>
      %dma_wait3A_212 = arith.constant 0 : i32
      %dma_wait3A_213 = tpu.memref_slice %arg14[%add3A_152, %dma_wait3A_212] : memref<10240x128xf32, #tpu.memory_space<vmem_shared>> -> memref<128x128xf32, #tpu.memory_space<vmem_shared>>
      tpu.wait_dma2 semaphore(%run_scoped3A : memref<!tpu.dma_semaphore, #tpu.memory_space<semaphore_mem>>) src(%dma_wait3A_213 : memref<128x128xf32, #tpu.memory_space<vmem_shared>>) dst(%arg12 : memref<128x128xf32, #tpu.memory_space<vmem>>)
      tpu.yield
    }) : () -> ()
    %mul3A_153 = arith.constant 10240 : i32
    %mul3A_154 = arith.muli %arg0, %mul3A_153 : i32
    %add3A_155 = arith.addi %mul3A_154, %add3A_152 : i32
    %dma_start3A_156 = arith.constant 0 : i32
    %dma_start3A_157 = tpu.memref_slice %arg5[%add3A_155, %dma_start3A_156] : memref<20480x128xf32, #tpu.memory_space<hbm>> -> memref<128x128xf32, #tpu.memory_space<hbm>>
    %dma_start3A_158 = arith.constant 0 : i32
    %dma_start3A_159 = tpu.memref_slice %arg5[%add3A_155, %dma_start3A_158] : memref<20480x128xf32, #tpu.memory_space<hbm>> -> memref<128x128xf32, #tpu.memory_space<hbm>>
    tpu.enqueue_dma source(%arg12 : memref<128x128xf32, #tpu.memory_space<vmem>>) target(%dma_start3A_159 : memref<128x128xf32, #tpu.memory_space<hbm>>) target_semaphore(%arg15 : memref<!tpu.dma_semaphore, #tpu.memory_space<semaphore_mem>>)
    %mul3A_160 = arith.constant 10240 : i32
    %mul3A_161 = arith.muli %arg0, %mul3A_160 : i32
    %dma_wait3A_162 = arith.constant 0 : i32
    %dma_wait3A_163 = tpu.memref_slice %arg5[%mul3A_161, %dma_wait3A_162] : memref<20480x128xf32, #tpu.memory_space<hbm>> -> memref<128x128xf32, #tpu.memory_space<hbm>>
    %dma_wait3A_164 = arith.constant 0 : i32
    %dma_wait3A_165 = tpu.memref_slice %arg5[%mul3A_161, %dma_wait3A_164] : memref<20480x128xf32, #tpu.memory_space<hbm>> -> memref<128x128xf32, #tpu.memory_space<hbm>>
    tpu.wait_dma2 semaphore(%arg16 : memref<!tpu.dma_semaphore, #tpu.memory_space<semaphore_mem>>) src(%arg13 : memref<128x128xf32, #tpu.memory_space<vmem>>) dst(%dma_wait3A_165 : memref<128x128xf32, #tpu.memory_space<hbm>>)
    %mul3A_166 = arith.constant 640 : i32
    %mul3A_167 = arith.muli %arg1, %mul3A_166 : i32
    %add3A_168 = arith.constant 384 : i32
    %add3A_169 = arith.addi %mul3A_167, %add3A_168 : i32
    "tpu.region"() ({
      %run_scoped3A = tpu.sem_alloc : memref<!tpu.dma_semaphore, #tpu.memory_space<semaphore_mem>>
      %dma_start3A_206 = arith.constant 0 : i32
      %dma_start3A_207 = tpu.memref_slice %arg14[%add3A_169, %dma_start3A_206] : memref<10240x128xf32, #tpu.memory_space<vmem_shared>> -> memref<128x128xf32, #tpu.memory_space<vmem_shared>>
      %dma_start3A_208 = arith.constant 0 : i32
      %dma_start3A_209 = tpu.memref_slice %arg14[%add3A_169, %dma_start3A_208] : memref<10240x128xf32, #tpu.memory_space<vmem_shared>> -> memref<128x128xf32, #tpu.memory_space<vmem_shared>>
      tpu.enqueue_dma source(%dma_start3A_209 : memref<128x128xf32, #tpu.memory_space<vmem_shared>>) target(%arg13 : memref<128x128xf32, #tpu.memory_space<vmem>>) target_semaphore(%run_scoped3A : memref<!tpu.dma_semaphore, #tpu.memory_space<semaphore_mem>>)
      %dma_wait3A_210 = arith.constant 0 : i32
      %dma_wait3A_211 = tpu.memref_slice %arg14[%add3A_169, %dma_wait3A_210] : memref<10240x128xf32, #tpu.memory_space<vmem_shared>> -> memref<128x128xf32, #tpu.memory_space<vmem_shared>>
      %dma_wait3A_212 = arith.constant 0 : i32
      %dma_wait3A_213 = tpu.memref_slice %arg14[%add3A_169, %dma_wait3A_212] : memref<10240x128xf32, #tpu.memory_space<vmem_shared>> -> memref<128x128xf32, #tpu.memory_space<vmem_shared>>
      tpu.wait_dma2 semaphore(%run_scoped3A : memref<!tpu.dma_semaphore, #tpu.memory_space<semaphore_mem>>) src(%dma_wait3A_213 : memref<128x128xf32, #tpu.memory_space<vmem_shared>>) dst(%arg13 : memref<128x128xf32, #tpu.memory_space<vmem>>)
      tpu.yield
    }) : () -> ()
    %mul3A_170 = arith.constant 10240 : i32
    %mul3A_171 = arith.muli %arg0, %mul3A_170 : i32
    %add3A_172 = arith.addi %mul3A_171, %add3A_169 : i32
    %dma_start3A_173 = arith.constant 0 : i32
    %dma_start3A_174 = tpu.memref_slice %arg5[%add3A_172, %dma_start3A_173] : memref<20480x128xf32, #tpu.memory_space<hbm>> -> memref<128x128xf32, #tpu.memory_space<hbm>>
    %dma_start3A_175 = arith.constant 0 : i32
    %dma_start3A_176 = tpu.memref_slice %arg5[%add3A_172, %dma_start3A_175] : memref<20480x128xf32, #tpu.memory_space<hbm>> -> memref<128x128xf32, #tpu.memory_space<hbm>>
    tpu.enqueue_dma source(%arg13 : memref<128x128xf32, #tpu.memory_space<vmem>>) target(%dma_start3A_176 : memref<128x128xf32, #tpu.memory_space<hbm>>) target_semaphore(%arg16 : memref<!tpu.dma_semaphore, #tpu.memory_space<semaphore_mem>>)
    %mul3A_177 = arith.constant 10240 : i32
    %mul3A_178 = arith.muli %arg0, %mul3A_177 : i32
    %dma_wait3A_179 = arith.constant 0 : i32
    %dma_wait3A_180 = tpu.memref_slice %arg5[%mul3A_178, %dma_wait3A_179] : memref<20480x128xf32, #tpu.memory_space<hbm>> -> memref<128x128xf32, #tpu.memory_space<hbm>>
    %dma_wait3A_181 = arith.constant 0 : i32
    %dma_wait3A_182 = tpu.memref_slice %arg5[%mul3A_178, %dma_wait3A_181] : memref<20480x128xf32, #tpu.memory_space<hbm>> -> memref<128x128xf32, #tpu.memory_space<hbm>>
    tpu.wait_dma2 semaphore(%arg15 : memref<!tpu.dma_semaphore, #tpu.memory_space<semaphore_mem>>) src(%arg12 : memref<128x128xf32, #tpu.memory_space<vmem>>) dst(%dma_wait3A_182 : memref<128x128xf32, #tpu.memory_space<hbm>>)
    %mul3A_183 = arith.constant 640 : i32
    %mul3A_184 = arith.muli %arg1, %mul3A_183 : i32
    %add3A_185 = arith.constant 512 : i32
    %add3A_186 = arith.addi %mul3A_184, %add3A_185 : i32
    "tpu.region"() ({
      %run_scoped3A = tpu.sem_alloc : memref<!tpu.dma_semaphore, #tpu.memory_space<semaphore_mem>>
      %dma_start3A_206 = arith.constant 0 : i32
      %dma_start3A_207 = tpu.memref_slice %arg14[%add3A_186, %dma_start3A_206] : memref<10240x128xf32, #tpu.memory_space<vmem_shared>> -> memref<128x128xf32, #tpu.memory_space<vmem_shared>>
      %dma_start3A_208 = arith.constant 0 : i32
      %dma_start3A_209 = tpu.memref_slice %arg14[%add3A_186, %dma_start3A_208] : memref<10240x128xf32, #tpu.memory_space<vmem_shared>> -> memref<128x128xf32, #tpu.memory_space<vmem_shared>>
      tpu.enqueue_dma source(%dma_start3A_209 : memref<128x128xf32, #tpu.memory_space<vmem_shared>>) target(%arg12 : memref<128x128xf32, #tpu.memory_space<vmem>>) target_semaphore(%run_scoped3A : memref<!tpu.dma_semaphore, #tpu.memory_space<semaphore_mem>>)
      %dma_wait3A_210 = arith.constant 0 : i32
      %dma_wait3A_211 = tpu.memref_slice %arg14[%add3A_186, %dma_wait3A_210] : memref<10240x128xf32, #tpu.memory_space<vmem_shared>> -> memref<128x128xf32, #tpu.memory_space<vmem_shared>>
      %dma_wait3A_212 = arith.constant 0 : i32
      %dma_wait3A_213 = tpu.memref_slice %arg14[%add3A_186, %dma_wait3A_212] : memref<10240x128xf32, #tpu.memory_space<vmem_shared>> -> memref<128x128xf32, #tpu.memory_space<vmem_shared>>
      tpu.wait_dma2 semaphore(%run_scoped3A : memref<!tpu.dma_semaphore, #tpu.memory_space<semaphore_mem>>) src(%dma_wait3A_213 : memref<128x128xf32, #tpu.memory_space<vmem_shared>>) dst(%arg12 : memref<128x128xf32, #tpu.memory_space<vmem>>)
      tpu.yield
    }) : () -> ()
    %mul3A_187 = arith.constant 10240 : i32
    %mul3A_188 = arith.muli %arg0, %mul3A_187 : i32
    %add3A_189 = arith.addi %mul3A_188, %add3A_186 : i32
    %dma_start3A_190 = arith.constant 0 : i32
    %dma_start3A_191 = tpu.memref_slice %arg5[%add3A_189, %dma_start3A_190] : memref<20480x128xf32, #tpu.memory_space<hbm>> -> memref<128x128xf32, #tpu.memory_space<hbm>>
    %dma_start3A_192 = arith.constant 0 : i32
    %dma_start3A_193 = tpu.memref_slice %arg5[%add3A_189, %dma_start3A_192] : memref<20480x128xf32, #tpu.memory_space<hbm>> -> memref<128x128xf32, #tpu.memory_space<hbm>>
    tpu.enqueue_dma source(%arg12 : memref<128x128xf32, #tpu.memory_space<vmem>>) target(%dma_start3A_193 : memref<128x128xf32, #tpu.memory_space<hbm>>) target_semaphore(%arg15 : memref<!tpu.dma_semaphore, #tpu.memory_space<semaphore_mem>>)
    %mul3A_194 = arith.constant 10240 : i32
    %mul3A_195 = arith.muli %arg0, %mul3A_194 : i32
    %dma_wait3A_196 = arith.constant 0 : i32
    %dma_wait3A_197 = tpu.memref_slice %arg5[%mul3A_195, %dma_wait3A_196] : memref<20480x128xf32, #tpu.memory_space<hbm>> -> memref<128x128xf32, #tpu.memory_space<hbm>>
    %dma_wait3A_198 = arith.constant 0 : i32
    %dma_wait3A_199 = tpu.memref_slice %arg5[%mul3A_195, %dma_wait3A_198] : memref<20480x128xf32, #tpu.memory_space<hbm>> -> memref<128x128xf32, #tpu.memory_space<hbm>>
    tpu.wait_dma2 semaphore(%arg16 : memref<!tpu.dma_semaphore, #tpu.memory_space<semaphore_mem>>) src(%arg13 : memref<128x128xf32, #tpu.memory_space<vmem>>) dst(%dma_wait3A_199 : memref<128x128xf32, #tpu.memory_space<hbm>>)
    %mul3A_200 = arith.constant 10240 : i32
    %mul3A_201 = arith.muli %arg0, %mul3A_200 : i32
    %dma_wait3A_202 = arith.constant 0 : i32
    %dma_wait3A_203 = tpu.memref_slice %arg5[%mul3A_201, %dma_wait3A_202] : memref<20480x128xf32, #tpu.memory_space<hbm>> -> memref<128x128xf32, #tpu.memory_space<hbm>>
    %dma_wait3A_204 = arith.constant 0 : i32
    %dma_wait3A_205 = tpu.memref_slice %arg5[%mul3A_201, %dma_wait3A_204] : memref<20480x128xf32, #tpu.memory_space<hbm>> -> memref<128x128xf32, #tpu.memory_space<hbm>>
    tpu.wait_dma2 semaphore(%arg15 : memref<!tpu.dma_semaphore, #tpu.memory_space<semaphore_mem>>) src(%arg12 : memref<128x128xf32, #tpu.memory_space<vmem>>) dst(%dma_wait3A_205 : memref<128x128xf32, #tpu.memory_space<hbm>>)
    return
  }
}

#map = affine_map<(d0, d1) -> (0, 0)>
#map1 = affine_map<(d0, d1) -> (0)>
module attributes {stable_mosaic.version = 14 : i64} {
  func.func @edges(%arg0: i32, %arg1: i32, %arg2: memref<10000x128xf32, #tpu.memory_space<hbm>>, %arg3: memref<320000xi32, #tpu.memory_space<hbm>>, %arg4: memref<320000xi32, #tpu.memory_space<hbm>>, %arg5: memref<20480x128xf32, #tpu.memory_space<hbm>>, %arg6: memref<10000xi32, #tpu.memory_space<vmem>>, %arg7: memref<128xi32, #tpu.memory_space<vmem>>, %arg8: memref<128xi32, #tpu.memory_space<vmem>>, %arg9: memref<16xi32, #tpu.memory_space<vmem>>, %arg10: memref<16xi32, #tpu.memory_space<vmem>>, %arg11: memref<16x128xf32, #tpu.memory_space<vmem>>, %arg12: memref<128x128xf32, #tpu.memory_space<vmem>>, %arg13: memref<128x128xf32, #tpu.memory_space<vmem>>, %arg14: memref<10240x128xf32, #tpu.memory_space<vmem_shared>>, %arg15: memref<!tpu.dma_semaphore, #tpu.memory_space<semaphore_mem>>, %arg16: memref<!tpu.dma_semaphore, #tpu.memory_space<semaphore_mem>>, %arg17: memref<!tpu.dma_semaphore, #tpu.memory_space<semaphore_mem>>, %arg18: memref<!tpu.dma_semaphore, #tpu.memory_space<semaphore_mem>>) attributes {dimension_semantics = [#tpu.dimension_semantics<core_parallel>, #tpu.dimension_semantics<subcore_parallel>], iteration_bounds = array<i64: 2, 16>, scalar_prefetch = 0 : i64, scratch_operands = 13 : i64, tpu.core_type = #tpu.core_type<sc_vector_subcore>, window_params = [{transform_indices = #map}, {transform_indices = #map1}, {transform_indices = #map1}, {transform_indices = #map}]} {
    %mul3A = arith.constant 16 : i32
    %mul3A_0 = arith.muli %arg0, %mul3A : i32
    %add3A = arith.addi %mul3A_0, %arg1 : i32
    %mul3A_1 = arith.constant 10000 : i32
    %mul3A_2 = arith.muli %add3A, %mul3A_1 : i32
    %add3A_3 = arith.constant 16 : i32
    %add3A_4 = arith.addi %mul3A_2, %add3A_3 : i32
    %dma_start3A = tpu.memref_slice %arg3[%mul3A_2] : memref<320000xi32, #tpu.memory_space<hbm>> -> memref<10000xi32, #tpu.memory_space<hbm>>
    %dma_start3A_5 = tpu.memref_slice %arg3[%mul3A_2] : memref<320000xi32, #tpu.memory_space<hbm>> -> memref<10000xi32, #tpu.memory_space<hbm>>
    tpu.enqueue_dma source(%dma_start3A_5 : memref<10000xi32, #tpu.memory_space<hbm>>) target(%arg6 : memref<10000xi32, #tpu.memory_space<vmem>>) target_semaphore(%arg17 : memref<!tpu.dma_semaphore, #tpu.memory_space<semaphore_mem>>)
    %scan3A = arith.constant 0 : i32
    %scan3A_6 = arith.constant 0 : i32
    %scan3A_7 = arith.constant 128 : i32
    %scan3A_8 = arith.addi %scan3A_6, %scan3A_7 : i32
    %scan3A_9 = arith.constant 1 : i32
    scf.for %scan3A_206 = %scan3A_6 to %scan3A_8 step %scan3A_9  : i32 {
      %broadcast_in_dim3A = arith.constant 0.000000e+00 : f32
      %broadcast_in_dim3A_207 = vector.broadcast %broadcast_in_dim3A : f32 to vector<16xf32>
      %swap3A = arith.index_cast %scan3A_206 : i32 to index
      %swap3A_208 = arith.constant 0 : index
      %swap3A_209 = tpu.vector_load %arg12[%swap3A, %swap3A_208] {strides = array<i32>} : memref<128x128xf32, #tpu.memory_space<vmem>>, vector<1x16xf32>,
      %swap3A_210 = vector.shape_cast %swap3A_209 : vector<1x16xf32> to vector<16xf32>
      %swap3A_211 = vector.shape_cast %broadcast_in_dim3A_207 : vector<16xf32> to vector<1x16xf32>
      tpu.vector_store %arg12[%swap3A, %swap3A_208], %swap3A_211 {strides = array<i32>} : memref<128x128xf32, #tpu.memory_space<vmem>>, vector<1x16xf32>,
      %broadcast_in_dim3A_212 = arith.constant 0.000000e+00 : f32
      %broadcast_in_dim3A_213 = vector.broadcast %broadcast_in_dim3A_212 : f32 to vector<16xf32>
      %swap3A_214 = arith.index_cast %scan3A_206 : i32 to index
      %swap3A_215 = arith.constant 16 : index
      %swap3A_216 = tpu.vector_load %arg12[%swap3A_214, %swap3A_215] {strides = array<i32>} : memref<128x128xf32, #tpu.memory_space<vmem>>, vector<1x16xf32>,
      %swap3A_217 = vector.shape_cast %swap3A_216 : vector<1x16xf32> to vector<16xf32>
      %swap3A_218 = vector.shape_cast %broadcast_in_dim3A_213 : vector<16xf32> to vector<1x16xf32>
      tpu.vector_store %arg12[%swap3A_214, %swap3A_215], %swap3A_218 {strides = array<i32>} : memref<128x128xf32, #tpu.memory_space<vmem>>, vector<1x16xf32>,
      %broadcast_in_dim3A_219 = arith.constant 0.000000e+00 : f32
      %broadcast_in_dim3A_220 = vector.broadcast %broadcast_in_dim3A_219 : f32 to vector<16xf32>
      %swap3A_221 = arith.index_cast %scan3A_206 : i32 to index
      %swap3A_222 = arith.constant 32 : index
      %swap3A_223 = tpu.vector_load %arg12[%swap3A_221, %swap3A_222] {strides = array<i32>} : memref<128x128xf32, #tpu.memory_space<vmem>>, vector<1x16xf32>,
      %swap3A_224 = vector.shape_cast %swap3A_223 : vector<1x16xf32> to vector<16xf32>
      %swap3A_225 = vector.shape_cast %broadcast_in_dim3A_220 : vector<16xf32> to vector<1x16xf32>
      tpu.vector_store %arg12[%swap3A_221, %swap3A_222], %swap3A_225 {strides = array<i32>} : memref<128x128xf32, #tpu.memory_space<vmem>>, vector<1x16xf32>,
      %broadcast_in_dim3A_226 = arith.constant 0.000000e+00 : f32
      %broadcast_in_dim3A_227 = vector.broadcast %broadcast_in_dim3A_226 : f32 to vector<16xf32>
      %swap3A_228 = arith.index_cast %scan3A_206 : i32 to index
      %swap3A_229 = arith.constant 48 : index
      %swap3A_230 = tpu.vector_load %arg12[%swap3A_228, %swap3A_229] {strides = array<i32>} : memref<128x128xf32, #tpu.memory_space<vmem>>, vector<1x16xf32>,
      %swap3A_231 = vector.shape_cast %swap3A_230 : vector<1x16xf32> to vector<16xf32>
      %swap3A_232 = vector.shape_cast %broadcast_in_dim3A_227 : vector<16xf32> to vector<1x16xf32>
      tpu.vector_store %arg12[%swap3A_228, %swap3A_229], %swap3A_232 {strides = array<i32>} : memref<128x128xf32, #tpu.memory_space<vmem>>, vector<1x16xf32>,
      %broadcast_in_dim3A_233 = arith.constant 0.000000e+00 : f32
      %broadcast_in_dim3A_234 = vector.broadcast %broadcast_in_dim3A_233 : f32 to vector<16xf32>
      %swap3A_235 = arith.index_cast %scan3A_206 : i32 to index
      %swap3A_236 = arith.constant 64 : index
      %swap3A_237 = tpu.vector_load %arg12[%swap3A_235, %swap3A_236] {strides = array<i32>} : memref<128x128xf32, #tpu.memory_space<vmem>>, vector<1x16xf32>,
      %swap3A_238 = vector.shape_cast %swap3A_237 : vector<1x16xf32> to vector<16xf32>
      %swap3A_239 = vector.shape_cast %broadcast_in_dim3A_234 : vector<16xf32> to vector<1x16xf32>
      tpu.vector_store %arg12[%swap3A_235, %swap3A_236], %swap3A_239 {strides = array<i32>} : memref<128x128xf32, #tpu.memory_space<vmem>>, vector<1x16xf32>,
      %broadcast_in_dim3A_240 = arith.constant 0.000000e+00 : f32
      %broadcast_in_dim3A_241 = vector.broadcast %broadcast_in_dim3A_240 : f32 to vector<16xf32>
      %swap3A_242 = arith.index_cast %scan3A_206 : i32 to index
      %swap3A_243 = arith.constant 80 : index
      %swap3A_244 = tpu.vector_load %arg12[%swap3A_242, %swap3A_243] {strides = array<i32>} : memref<128x128xf32, #tpu.memory_space<vmem>>, vector<1x16xf32>,
      %swap3A_245 = vector.shape_cast %swap3A_244 : vector<1x16xf32> to vector<16xf32>
      %swap3A_246 = vector.shape_cast %broadcast_in_dim3A_241 : vector<16xf32> to vector<1x16xf32>
      tpu.vector_store %arg12[%swap3A_242, %swap3A_243], %swap3A_246 {strides = array<i32>} : memref<128x128xf32, #tpu.memory_space<vmem>>, vector<1x16xf32>,
      %broadcast_in_dim3A_247 = arith.constant 0.000000e+00 : f32
      %broadcast_in_dim3A_248 = vector.broadcast %broadcast_in_dim3A_247 : f32 to vector<16xf32>
      %swap3A_249 = arith.index_cast %scan3A_206 : i32 to index
      %swap3A_250 = arith.constant 96 : index
      %swap3A_251 = tpu.vector_load %arg12[%swap3A_249, %swap3A_250] {strides = array<i32>} : memref<128x128xf32, #tpu.memory_space<vmem>>, vector<1x16xf32>,
      %swap3A_252 = vector.shape_cast %swap3A_251 : vector<1x16xf32> to vector<16xf32>
      %swap3A_253 = vector.shape_cast %broadcast_in_dim3A_248 : vector<16xf32> to vector<1x16xf32>
      tpu.vector_store %arg12[%swap3A_249, %swap3A_250], %swap3A_253 {strides = array<i32>} : memref<128x128xf32, #tpu.memory_space<vmem>>, vector<1x16xf32>,
      %broadcast_in_dim3A_254 = arith.constant 0.000000e+00 : f32
      %broadcast_in_dim3A_255 = vector.broadcast %broadcast_in_dim3A_254 : f32 to vector<16xf32>
      %swap3A_256 = arith.index_cast %scan3A_206 : i32 to index
      %swap3A_257 = arith.constant 112 : index
      %swap3A_258 = tpu.vector_load %arg12[%swap3A_256, %swap3A_257] {strides = array<i32>} : memref<128x128xf32, #tpu.memory_space<vmem>>, vector<1x16xf32>,
      %swap3A_259 = vector.shape_cast %swap3A_258 : vector<1x16xf32> to vector<16xf32>
      %swap3A_260 = vector.shape_cast %broadcast_in_dim3A_255 : vector<16xf32> to vector<1x16xf32>
      tpu.vector_store %arg12[%swap3A_256, %swap3A_257], %swap3A_260 {strides = array<i32>} : memref<128x128xf32, #tpu.memory_space<vmem>>, vector<1x16xf32>,
    }
    %scan3A_10 = arith.constant 128 : i32
    %mul3A_11 = arith.constant 640 : i32
    %mul3A_12 = arith.muli %arg1, %mul3A_11 : i32
    %add3A_13 = arith.constant 0 : i32
    %add3A_14 = arith.addi %mul3A_12, %add3A_13 : i32
    %dma_start3A_15 = arith.constant 0 : i32
    %dma_start3A_16 = tpu.memref_slice %arg14[%add3A_14, %dma_start3A_15] : memref<10240x128xf32, #tpu.memory_space<vmem_shared>> -> memref<128x128xf32, #tpu.memory_space<vmem_shared>>
    %dma_start3A_17 = arith.constant 0 : i32
    %dma_start3A_18 = tpu.memref_slice %arg14[%add3A_14, %dma_start3A_17] : memref<10240x128xf32, #tpu.memory_space<vmem_shared>> -> memref<128x128xf32, #tpu.memory_space<vmem_shared>>
    tpu.enqueue_dma source(%arg12 : memref<128x128xf32, #tpu.memory_space<vmem>>) target(%dma_start3A_18 : memref<128x128xf32, #tpu.memory_space<vmem_shared>>) target_semaphore(%arg15 : memref<!tpu.dma_semaphore, #tpu.memory_space<semaphore_mem>>)
    %mul3A_19 = arith.constant 640 : i32
    %mul3A_20 = arith.muli %arg1, %mul3A_19 : i32
    %add3A_21 = arith.constant 128 : i32
    %add3A_22 = arith.addi %mul3A_20, %add3A_21 : i32
    %dma_start3A_23 = arith.constant 0 : i32
    %dma_start3A_24 = tpu.memref_slice %arg14[%add3A_22, %dma_start3A_23] : memref<10240x128xf32, #tpu.memory_space<vmem_shared>> -> memref<128x128xf32, #tpu.memory_space<vmem_shared>>
    %dma_start3A_25 = arith.constant 0 : i32
    %dma_start3A_26 = tpu.memref_slice %arg14[%add3A_22, %dma_start3A_25] : memref<10240x128xf32, #tpu.memory_space<vmem_shared>> -> memref<128x128xf32, #tpu.memory_space<vmem_shared>>
    tpu.enqueue_dma source(%arg12 : memref<128x128xf32, #tpu.memory_space<vmem>>) target(%dma_start3A_26 : memref<128x128xf32, #tpu.memory_space<vmem_shared>>) target_semaphore(%arg15 : memref<!tpu.dma_semaphore, #tpu.memory_space<semaphore_mem>>)
    %mul3A_27 = arith.constant 640 : i32
    %mul3A_28 = arith.muli %arg1, %mul3A_27 : i32
    %add3A_29 = arith.constant 256 : i32
    %add3A_30 = arith.addi %mul3A_28, %add3A_29 : i32
    %dma_start3A_31 = arith.constant 0 : i32
    %dma_start3A_32 = tpu.memref_slice %arg14[%add3A_30, %dma_start3A_31] : memref<10240x128xf32, #tpu.memory_space<vmem_shared>> -> memref<128x128xf32, #tpu.memory_space<vmem_shared>>
    %dma_start3A_33 = arith.constant 0 : i32
    %dma_start3A_34 = tpu.memref_slice %arg14[%add3A_30, %dma_start3A_33] : memref<10240x128xf32, #tpu.memory_space<vmem_shared>> -> memref<128x128xf32, #tpu.memory_space<vmem_shared>>
    tpu.enqueue_dma source(%arg12 : memref<128x128xf32, #tpu.memory_space<vmem>>) target(%dma_start3A_34 : memref<128x128xf32, #tpu.memory_space<vmem_shared>>) target_semaphore(%arg15 : memref<!tpu.dma_semaphore, #tpu.memory_space<semaphore_mem>>)
    %mul3A_35 = arith.constant 640 : i32
    %mul3A_36 = arith.muli %arg1, %mul3A_35 : i32
    %add3A_37 = arith.constant 384 : i32
    %add3A_38 = arith.addi %mul3A_36, %add3A_37 : i32
    %dma_start3A_39 = arith.constant 0 : i32
    %dma_start3A_40 = tpu.memref_slice %arg14[%add3A_38, %dma_start3A_39] : memref<10240x128xf32, #tpu.memory_space<vmem_shared>> -> memref<128x128xf32, #tpu.memory_space<vmem_shared>>
    %dma_start3A_41 = arith.constant 0 : i32
    %dma_start3A_42 = tpu.memref_slice %arg14[%add3A_38, %dma_start3A_41] : memref<10240x128xf32, #tpu.memory_space<vmem_shared>> -> memref<128x128xf32, #tpu.memory_space<vmem_shared>>
    tpu.enqueue_dma source(%arg12 : memref<128x128xf32, #tpu.memory_space<vmem>>) target(%dma_start3A_42 : memref<128x128xf32, #tpu.memory_space<vmem_shared>>) target_semaphore(%arg15 : memref<!tpu.dma_semaphore, #tpu.memory_space<semaphore_mem>>)
    %mul3A_43 = arith.constant 640 : i32
    %mul3A_44 = arith.muli %arg1, %mul3A_43 : i32
    %add3A_45 = arith.constant 512 : i32
    %add3A_46 = arith.addi %mul3A_44, %add3A_45 : i32
    %dma_start3A_47 = arith.constant 0 : i32
    %dma_start3A_48 = tpu.memref_slice %arg14[%add3A_46, %dma_start3A_47] : memref<10240x128xf32, #tpu.memory_space<vmem_shared>> -> memref<128x128xf32, #tpu.memory_space<vmem_shared>>
    %dma_start3A_49 = arith.constant 0 : i32
    %dma_start3A_50 = tpu.memref_slice %arg14[%add3A_46, %dma_start3A_49] : memref<10240x128xf32, #tpu.memory_space<vmem_shared>> -> memref<128x128xf32, #tpu.memory_space<vmem_shared>>
    tpu.enqueue_dma source(%arg12 : memref<128x128xf32, #tpu.memory_space<vmem>>) target(%dma_start3A_50 : memref<128x128xf32, #tpu.memory_space<vmem_shared>>) target_semaphore(%arg15 : memref<!tpu.dma_semaphore, #tpu.memory_space<semaphore_mem>>)
    %dma_wait3A = tpu.memref_slice %arg3[%mul3A_2] : memref<320000xi32, #tpu.memory_space<hbm>> -> memref<10000xi32, #tpu.memory_space<hbm>>
    %dma_wait3A_51 = tpu.memref_slice %arg3[%mul3A_2] : memref<320000xi32, #tpu.memory_space<hbm>> -> memref<10000xi32, #tpu.memory_space<hbm>>
    tpu.wait_dma2 semaphore(%arg17 : memref<!tpu.dma_semaphore, #tpu.memory_space<semaphore_mem>>) src(%dma_wait3A_51 : memref<10000xi32, #tpu.memory_space<hbm>>) dst(%arg6 : memref<10000xi32, #tpu.memory_space<vmem>>)
    %mul3A_52 = arith.constant 640 : i32
    %mul3A_53 = arith.muli %arg1, %mul3A_52 : i32
    %dma_wait3A_54 = arith.constant 0 : i32
    %dma_wait3A_55 = tpu.memref_slice %arg14[%mul3A_53, %dma_wait3A_54] : memref<10240x128xf32, #tpu.memory_space<vmem_shared>> -> memref<128x128xf32, #tpu.memory_space<vmem_shared>>
    %dma_wait3A_56 = arith.constant 0 : i32
    %dma_wait3A_57 = tpu.memref_slice %arg14[%mul3A_53, %dma_wait3A_56] : memref<10240x128xf32, #tpu.memory_space<vmem_shared>> -> memref<128x128xf32, #tpu.memory_space<vmem_shared>>
    tpu.wait_dma2 semaphore(%arg15 : memref<!tpu.dma_semaphore, #tpu.memory_space<semaphore_mem>>) src(%arg12 : memref<128x128xf32, #tpu.memory_space<vmem>>) dst(%dma_wait3A_57 : memref<128x128xf32, #tpu.memory_space<vmem_shared>>)
    %mul3A_58 = arith.constant 640 : i32
    %mul3A_59 = arith.muli %arg1, %mul3A_58 : i32
    %dma_wait3A_60 = arith.constant 0 : i32
    %dma_wait3A_61 = tpu.memref_slice %arg14[%mul3A_59, %dma_wait3A_60] : memref<10240x128xf32, #tpu.memory_space<vmem_shared>> -> memref<128x128xf32, #tpu.memory_space<vmem_shared>>
    %dma_wait3A_62 = arith.constant 0 : i32
    %dma_wait3A_63 = tpu.memref_slice %arg14[%mul3A_59, %dma_wait3A_62] : memref<10240x128xf32, #tpu.memory_space<vmem_shared>> -> memref<128x128xf32, #tpu.memory_space<vmem_shared>>
    tpu.wait_dma2 semaphore(%arg15 : memref<!tpu.dma_semaphore, #tpu.memory_space<semaphore_mem>>) src(%arg12 : memref<128x128xf32, #tpu.memory_space<vmem>>) dst(%dma_wait3A_63 : memref<128x128xf32, #tpu.memory_space<vmem_shared>>)
    %mul3A_64 = arith.constant 640 : i32
    %mul3A_65 = arith.muli %arg1, %mul3A_64 : i32
    %dma_wait3A_66 = arith.constant 0 : i32
    %dma_wait3A_67 = tpu.memref_slice %arg14[%mul3A_65, %dma_wait3A_66] : memref<10240x128xf32, #tpu.memory_space<vmem_shared>> -> memref<128x128xf32, #tpu.memory_space<vmem_shared>>
    %dma_wait3A_68 = arith.constant 0 : i32
    %dma_wait3A_69 = tpu.memref_slice %arg14[%mul3A_65, %dma_wait3A_68] : memref<10240x128xf32, #tpu.memory_space<vmem_shared>> -> memref<128x128xf32, #tpu.memory_space<vmem_shared>>
    tpu.wait_dma2 semaphore(%arg15 : memref<!tpu.dma_semaphore, #tpu.memory_space<semaphore_mem>>) src(%arg12 : memref<128x128xf32, #tpu.memory_space<vmem>>) dst(%dma_wait3A_69 : memref<128x128xf32, #tpu.memory_space<vmem_shared>>)
    %mul3A_70 = arith.constant 640 : i32
    %mul3A_71 = arith.muli %arg1, %mul3A_70 : i32
    %dma_wait3A_72 = arith.constant 0 : i32
    %dma_wait3A_73 = tpu.memref_slice %arg14[%mul3A_71, %dma_wait3A_72] : memref<10240x128xf32, #tpu.memory_space<vmem_shared>> -> memref<128x128xf32, #tpu.memory_space<vmem_shared>>
    %dma_wait3A_74 = arith.constant 0 : i32
    %dma_wait3A_75 = tpu.memref_slice %arg14[%mul3A_71, %dma_wait3A_74] : memref<10240x128xf32, #tpu.memory_space<vmem_shared>> -> memref<128x128xf32, #tpu.memory_space<vmem_shared>>
    tpu.wait_dma2 semaphore(%arg15 : memref<!tpu.dma_semaphore, #tpu.memory_space<semaphore_mem>>) src(%arg12 : memref<128x128xf32, #tpu.memory_space<vmem>>) dst(%dma_wait3A_75 : memref<128x128xf32, #tpu.memory_space<vmem_shared>>)
    %mul3A_76 = arith.constant 640 : i32
    %mul3A_77 = arith.muli %arg1, %mul3A_76 : i32
    %dma_wait3A_78 = arith.constant 0 : i32
    %dma_wait3A_79 = tpu.memref_slice %arg14[%mul3A_77, %dma_wait3A_78] : memref<10240x128xf32, #tpu.memory_space<vmem_shared>> -> memref<128x128xf32, #tpu.memory_space<vmem_shared>>
    %dma_wait3A_80 = arith.constant 0 : i32
    %dma_wait3A_81 = tpu.memref_slice %arg14[%mul3A_77, %dma_wait3A_80] : memref<10240x128xf32, #tpu.memory_space<vmem_shared>> -> memref<128x128xf32, #tpu.memory_space<vmem_shared>>
    tpu.wait_dma2 semaphore(%arg15 : memref<!tpu.dma_semaphore, #tpu.memory_space<semaphore_mem>>) src(%arg12 : memref<128x128xf32, #tpu.memory_space<vmem>>) dst(%dma_wait3A_81 : memref<128x128xf32, #tpu.memory_space<vmem_shared>>)
    %barrier3A = arith.constant 0 : index
    tpu.barrier barrier_id(%barrier3A)
    "tpu.region"() ({
      %run_scoped3A = tpu.sem_alloc : memref<!tpu.dma_semaphore, #tpu.memory_space<semaphore_mem>>
      %dma_start3A_206 = tpu.memref_slice %arg4[%mul3A_2] : memref<320000xi32, #tpu.memory_space<hbm>> -> memref<16xi32, #tpu.memory_space<hbm>>
      %dma_start3A_207 = tpu.memref_slice %arg4[%mul3A_2] : memref<320000xi32, #tpu.memory_space<hbm>> -> memref<16xi32, #tpu.memory_space<hbm>>
      tpu.enqueue_dma source(%dma_start3A_207 : memref<16xi32, #tpu.memory_space<hbm>>) target(%arg9 : memref<16xi32, #tpu.memory_space<vmem>>) target_semaphore(%run_scoped3A : memref<!tpu.dma_semaphore, #tpu.memory_space<semaphore_mem>>)
      %dma_wait3A_208 = tpu.memref_slice %arg4[%mul3A_2] : memref<320000xi32, #tpu.memory_space<hbm>> -> memref<16xi32, #tpu.memory_space<hbm>>
      %dma_wait3A_209 = tpu.memref_slice %arg4[%mul3A_2] : memref<320000xi32, #tpu.memory_space<hbm>> -> memref<16xi32, #tpu.memory_space<hbm>>
      tpu.wait_dma2 semaphore(%run_scoped3A : memref<!tpu.dma_semaphore, #tpu.memory_space<semaphore_mem>>) src(%dma_wait3A_209 : memref<16xi32, #tpu.memory_space<hbm>>) dst(%arg9 : memref<16xi32, #tpu.memory_space<vmem>>)
      tpu.yield
    }) : () -> ()
    "tpu.region"() ({
      %run_scoped3A = tpu.sem_alloc : memref<!tpu.dma_semaphore, #tpu.memory_space<semaphore_mem>>
      %dma_start3A_206 = tpu.memref_slice %arg3[%mul3A_2] : memref<320000xi32, #tpu.memory_space<hbm>> -> memref<16xi32, #tpu.memory_space<hbm>>
      %dma_start3A_207 = tpu.memref_slice %arg3[%mul3A_2] : memref<320000xi32, #tpu.memory_space<hbm>> -> memref<16xi32, #tpu.memory_space<hbm>>
      tpu.enqueue_dma source(%dma_start3A_207 : memref<16xi32, #tpu.memory_space<hbm>>) target(%arg10 : memref<16xi32, #tpu.memory_space<vmem>>) target_semaphore(%run_scoped3A : memref<!tpu.dma_semaphore, #tpu.memory_space<semaphore_mem>>)
      %dma_wait3A_208 = tpu.memref_slice %arg3[%mul3A_2] : memref<320000xi32, #tpu.memory_space<hbm>> -> memref<16xi32, #tpu.memory_space<hbm>>
      %dma_wait3A_209 = tpu.memref_slice %arg3[%mul3A_2] : memref<320000xi32, #tpu.memory_space<hbm>> -> memref<16xi32, #tpu.memory_space<hbm>>
      tpu.wait_dma2 semaphore(%run_scoped3A : memref<!tpu.dma_semaphore, #tpu.memory_space<semaphore_mem>>) src(%dma_wait3A_209 : memref<16xi32, #tpu.memory_space<hbm>>) dst(%arg10 : memref<16xi32, #tpu.memory_space<vmem>>)
      tpu.yield
    }) : () -> ()
    %dma_start3A_82 = arith.constant 0 : i32
    %dma_start3A_83 = arith.constant 0 : i32
    %dma_start3A_84 = tpu.memref_slice %arg2[%dma_start3A_82, %dma_start3A_83] : memref<10000x128xf32, #tpu.memory_space<hbm>> -> memref<10000x128xf32, #tpu.memory_space<hbm>>
    tpu.enqueue_indirect_dma source(%dma_start3A_84 : memref<10000x128xf32, #tpu.memory_space<hbm>>) target(%arg11 : memref<16x128xf32, #tpu.memory_space<vmem>>) offsets(%arg10 : memref<16xi32, #tpu.memory_space<vmem>>) semaphore(%arg15 : memref<!tpu.dma_semaphore, #tpu.memory_space<semaphore_mem>>)
    %dma_wait3A_85 = arith.constant 0 : i32
    %dma_wait3A_86 = arith.constant 0 : i32
    %dma_wait3A_87 = tpu.memref_slice %arg2[%dma_wait3A_85, %dma_wait3A_86] : memref<10000x128xf32, #tpu.memory_space<hbm>> -> memref<10000x128xf32, #tpu.memory_space<hbm>>
    tpu.wait_indirect_dma semaphore(%arg15 : memref<!tpu.dma_semaphore, #tpu.memory_space<semaphore_mem>>) src(%dma_wait3A_87 : memref<10000x128xf32, #tpu.memory_space<hbm>>) dst(%arg11 : memref<16x128xf32, #tpu.memory_space<vmem>>)
    "tpu.region"() ({
      %run_scoped3A = tpu.sem_alloc : memref<!tpu.dma_semaphore, #tpu.memory_space<semaphore_mem>>
      %dma_start3A_206 = arith.constant 0 : i32
      %dma_start3A_207 = arith.constant 0 : i32
      %dma_start3A_208 = tpu.memref_slice %arg14[%dma_start3A_206, %dma_start3A_207] : memref<10240x128xf32, #tpu.memory_space<vmem_shared>> -> memref<10240x128xf32, #tpu.memory_space<vmem_shared>>
      tpu.enqueue_indirect_dma source(%arg11 : memref<16x128xf32, #tpu.memory_space<vmem>>) target(%dma_start3A_208 : memref<10240x128xf32, #tpu.memory_space<vmem_shared>>) offsets(%arg9 : memref<16xi32, #tpu.memory_space<vmem>>) semaphore(%run_scoped3A : memref<!tpu.dma_semaphore, #tpu.memory_space<semaphore_mem>>) {add = true}
      %dma_wait3A_209 = arith.constant 0 : i32
      %dma_wait3A_210 = arith.constant 0 : i32
      %dma_wait3A_211 = tpu.memref_slice %arg14[%dma_wait3A_209, %dma_wait3A_210] : memref<10240x128xf32, #tpu.memory_space<vmem_shared>> -> memref<10240x128xf32, #tpu.memory_space<vmem_shared>>
      tpu.wait_indirect_dma semaphore(%run_scoped3A : memref<!tpu.dma_semaphore, #tpu.memory_space<semaphore_mem>>) src(%arg11 : memref<16x128xf32, #tpu.memory_space<vmem>>) dst(%dma_wait3A_211 : memref<10240x128xf32, #tpu.memory_space<vmem_shared>>)
      tpu.yield
    }) : () -> ()
    "tpu.region"() ({
      %run_scoped3A = tpu.sem_alloc : memref<!tpu.dma_semaphore, #tpu.memory_space<semaphore_mem>>
      %dma_start3A_206 = tpu.memref_slice %arg4[%add3A_4] : memref<320000xi32, #tpu.memory_space<hbm>> -> memref<128xi32, #tpu.memory_space<hbm>>
      %dma_start3A_207 = tpu.memref_slice %arg4[%add3A_4] : memref<320000xi32, #tpu.memory_space<hbm>> -> memref<128xi32, #tpu.memory_space<hbm>>
      tpu.enqueue_dma source(%dma_start3A_207 : memref<128xi32, #tpu.memory_space<hbm>>) target(%arg7 : memref<128xi32, #tpu.memory_space<vmem>>) target_semaphore(%run_scoped3A : memref<!tpu.dma_semaphore, #tpu.memory_space<semaphore_mem>>)
      %dma_wait3A_208 = tpu.memref_slice %arg4[%add3A_4] : memref<320000xi32, #tpu.memory_space<hbm>> -> memref<128xi32, #tpu.memory_space<hbm>>
      %dma_wait3A_209 = tpu.memref_slice %arg4[%add3A_4] : memref<320000xi32, #tpu.memory_space<hbm>> -> memref<128xi32, #tpu.memory_space<hbm>>
      tpu.wait_dma2 semaphore(%run_scoped3A : memref<!tpu.dma_semaphore, #tpu.memory_space<semaphore_mem>>) src(%dma_wait3A_209 : memref<128xi32, #tpu.memory_space<hbm>>) dst(%arg7 : memref<128xi32, #tpu.memory_space<vmem>>)
      tpu.yield
    }) : () -> ()
    %dma_start3A_88 = arith.constant 16 : i32
    %dma_start3A_89 = tpu.memref_slice %arg6[%dma_start3A_88] : memref<10000xi32, #tpu.memory_space<vmem>> -> memref<128xi32, #tpu.memory_space<vmem>>
    %dma_start3A_90 = arith.constant 0 : i32
    %dma_start3A_91 = arith.constant 0 : i32
    %dma_start3A_92 = tpu.memref_slice %arg2[%dma_start3A_90, %dma_start3A_91] : memref<10000x128xf32, #tpu.memory_space<hbm>> -> memref<10000x128xf32, #tpu.memory_space<hbm>>
    tpu.enqueue_indirect_dma source(%dma_start3A_92 : memref<10000x128xf32, #tpu.memory_space<hbm>>) target(%arg12 : memref<128x128xf32, #tpu.memory_space<vmem>>) offsets(%dma_start3A_89 : memref<128xi32, #tpu.memory_space<vmem>>) semaphore(%arg15 : memref<!tpu.dma_semaphore, #tpu.memory_space<semaphore_mem>>)
    %dma_wait3A_93 = arith.constant 16 : i32
    %dma_wait3A_94 = tpu.memref_slice %arg6[%dma_wait3A_93] : memref<10000xi32, #tpu.memory_space<vmem>> -> memref<128xi32, #tpu.memory_space<vmem>>
    %dma_wait3A_95 = arith.constant 0 : i32
    %dma_wait3A_96 = arith.constant 0 : i32
    %dma_wait3A_97 = tpu.memref_slice %arg2[%dma_wait3A_95, %dma_wait3A_96] : memref<10000x128xf32, #tpu.memory_space<hbm>> -> memref<10000x128xf32, #tpu.memory_space<hbm>>
    tpu.wait_indirect_dma semaphore(%arg15 : memref<!tpu.dma_semaphore, #tpu.memory_space<semaphore_mem>>) src(%dma_wait3A_97 : memref<10000x128xf32, #tpu.memory_space<hbm>>) dst(%arg12 : memref<128x128xf32, #tpu.memory_space<vmem>>)
    "tpu.region"() ({
      %run_scoped3A = tpu.sem_alloc : memref<!tpu.dma_semaphore, #tpu.memory_space<semaphore_mem>>
      %dma_start3A_206 = arith.constant 0 : i32
      %dma_start3A_207 = arith.constant 0 : i32
      %dma_start3A_208 = tpu.memref_slice %arg14[%dma_start3A_206, %dma_start3A_207] : memref<10240x128xf32, #tpu.memory_space<vmem_shared>> -> memref<10240x128xf32, #tpu.memory_space<vmem_shared>>
      tpu.enqueue_indirect_dma source(%arg12 : memref<128x128xf32, #tpu.memory_space<vmem>>) target(%dma_start3A_208 : memref<10240x128xf32, #tpu.memory_space<vmem_shared>>) offsets(%arg7 : memref<128xi32, #tpu.memory_space<vmem>>) semaphore(%run_scoped3A : memref<!tpu.dma_semaphore, #tpu.memory_space<semaphore_mem>>) {add = true}
      %dma_wait3A_209 = arith.constant 0 : i32
      %dma_wait3A_210 = arith.constant 0 : i32
      %dma_wait3A_211 = tpu.memref_slice %arg14[%dma_wait3A_209, %dma_wait3A_210] : memref<10240x128xf32, #tpu.memory_space<vmem_shared>> -> memref<10240x128xf32, #tpu.memory_space<vmem_shared>>
      tpu.wait_indirect_dma semaphore(%run_scoped3A : memref<!tpu.dma_semaphore, #tpu.memory_space<semaphore_mem>>) src(%arg12 : memref<128x128xf32, #tpu.memory_space<vmem>>) dst(%dma_wait3A_211 : memref<10240x128xf32, #tpu.memory_space<vmem_shared>>)
      tpu.yield
    }) : () -> ()
    %dma_start3A_98 = arith.constant 144 : i32
    %dma_start3A_99 = tpu.memref_slice %arg6[%dma_start3A_98] : memref<10000xi32, #tpu.memory_space<vmem>> -> memref<128xi32, #tpu.memory_space<vmem>>
    %dma_start3A_100 = arith.constant 0 : i32
    %dma_start3A_101 = arith.constant 0 : i32
    %dma_start3A_102 = tpu.memref_slice %arg2[%dma_start3A_100, %dma_start3A_101] : memref<10000x128xf32, #tpu.memory_space<hbm>> -> memref<10000x128xf32, #tpu.memory_space<hbm>>
    tpu.enqueue_indirect_dma source(%dma_start3A_102 : memref<10000x128xf32, #tpu.memory_space<hbm>>) target(%arg12 : memref<128x128xf32, #tpu.memory_space<vmem>>) offsets(%dma_start3A_99 : memref<128xi32, #tpu.memory_space<vmem>>) semaphore(%arg15 : memref<!tpu.dma_semaphore, #tpu.memory_space<semaphore_mem>>)
    %add3A_103 = arith.constant 128 : i32
    %add3A_104 = arith.addi %add3A_4, %add3A_103 : i32
    %dma_start3A_105 = tpu.memref_slice %arg4[%add3A_104] : memref<320000xi32, #tpu.memory_space<hbm>> -> memref<128xi32, #tpu.memory_space<hbm>>
    %dma_start3A_106 = tpu.memref_slice %arg4[%add3A_104] : memref<320000xi32, #tpu.memory_space<hbm>> -> memref<128xi32, #tpu.memory_space<hbm>>
    tpu.enqueue_dma source(%dma_start3A_106 : memref<128xi32, #tpu.memory_space<hbm>>) target(%arg7 : memref<128xi32, #tpu.memory_space<vmem>>) target_semaphore(%arg17 : memref<!tpu.dma_semaphore, #tpu.memory_space<semaphore_mem>>)
    %scan3A_107 = arith.constant 0 : i32
    %scan3A_108 = arith.constant 0 : i32
    %scan3A_109 = arith.constant 38 : i32
    %scan3A_110 = arith.addi %scan3A_108, %scan3A_109 : i32
    %scan3A_111 = arith.constant 1 : i32
    scf.for %scan3A_206 = %scan3A_108 to %scan3A_110 step %scan3A_111  : i32 {
      %mul3A_207 = arith.constant 2 : i32
      %mul3A_208 = arith.muli %mul3A_207, %scan3A_206 : i32
      %add3A_209 = arith.constant 1 : i32
      %add3A_210 = arith.addi %mul3A_208, %add3A_209 : i32
      %add3A_211 = arith.constant 1 : i32
      %add3A_212 = arith.addi %add3A_210, %add3A_211 : i32
      %mul3A_213 = arith.constant 128 : i32
      %mul3A_214 = arith.muli %add3A_212, %mul3A_213 : i32
      %add3A_215 = arith.constant 16 : i32
      %add3A_216 = arith.addi %add3A_215, %mul3A_214 : i32
      %dma_start3A_217 = tpu.memref_slice %arg6[%add3A_216] : memref<10000xi32, #tpu.memory_space<vmem>> -> memref<128xi32, #tpu.memory_space<vmem>>
      %dma_start3A_218 = arith.constant 0 : i32
      %dma_start3A_219 = arith.constant 0 : i32
      %dma_start3A_220 = tpu.memref_slice %arg2[%dma_start3A_218, %dma_start3A_219] : memref<10000x128xf32, #tpu.memory_space<hbm>> -> memref<10000x128xf32, #tpu.memory_space<hbm>>
      tpu.enqueue_indirect_dma source(%dma_start3A_220 : memref<10000x128xf32, #tpu.memory_space<hbm>>) target(%arg13 : memref<128x128xf32, #tpu.memory_space<vmem>>) offsets(%dma_start3A_217 : memref<128xi32, #tpu.memory_space<vmem>>) semaphore(%arg16 : memref<!tpu.dma_semaphore, #tpu.memory_space<semaphore_mem>>)
      %add3A_221 = arith.constant 1 : i32
      %add3A_222 = arith.addi %add3A_210, %add3A_221 : i32
      %mul3A_223 = arith.constant 128 : i32
      %mul3A_224 = arith.muli %add3A_222, %mul3A_223 : i32
      %add3A_225 = arith.addi %add3A_4, %mul3A_224 : i32
      %dma_start3A_226 = tpu.memref_slice %arg4[%add3A_225] : memref<320000xi32, #tpu.memory_space<hbm>> -> memref<128xi32, #tpu.memory_space<hbm>>
      %dma_start3A_227 = tpu.memref_slice %arg4[%add3A_225] : memref<320000xi32, #tpu.memory_space<hbm>> -> memref<128xi32, #tpu.memory_space<hbm>>
      tpu.enqueue_dma source(%dma_start3A_227 : memref<128xi32, #tpu.memory_space<hbm>>) target(%arg8 : memref<128xi32, #tpu.memory_space<vmem>>) target_semaphore(%arg18 : memref<!tpu.dma_semaphore, #tpu.memory_space<semaphore_mem>>)
      %dma_wait3A_228 = arith.constant 16 : i32
      %dma_wait3A_229 = tpu.memref_slice %arg6[%dma_wait3A_228] : memref<10000xi32, #tpu.memory_space<vmem>> -> memref<128xi32, #tpu.memory_space<vmem>>
      %dma_wait3A_230 = arith.constant 0 : i32
      %dma_wait3A_231 = arith.constant 0 : i32
      %dma_wait3A_232 = tpu.memref_slice %arg2[%dma_wait3A_230, %dma_wait3A_231] : memref<10000x128xf32, #tpu.memory_space<hbm>> -> memref<10000x128xf32, #tpu.memory_space<hbm>>
      tpu.wait_indirect_dma semaphore(%arg15 : memref<!tpu.dma_semaphore, #tpu.memory_space<semaphore_mem>>) src(%dma_wait3A_232 : memref<10000x128xf32, #tpu.memory_space<hbm>>) dst(%arg12 : memref<128x128xf32, #tpu.memory_space<vmem>>)
      %dma_wait3A_233 = tpu.memref_slice %arg4[%add3A_4] : memref<320000xi32, #tpu.memory_space<hbm>> -> memref<128xi32, #tpu.memory_space<hbm>>
      %dma_wait3A_234 = tpu.memref_slice %arg4[%add3A_4] : memref<320000xi32, #tpu.memory_space<hbm>> -> memref<128xi32, #tpu.memory_space<hbm>>
      tpu.wait_dma2 semaphore(%arg17 : memref<!tpu.dma_semaphore, #tpu.memory_space<semaphore_mem>>) src(%dma_wait3A_234 : memref<128xi32, #tpu.memory_space<hbm>>) dst(%arg7 : memref<128xi32, #tpu.memory_space<vmem>>)
      "tpu.region"() ({
        %run_scoped3A = tpu.sem_alloc : memref<!tpu.dma_semaphore, #tpu.memory_space<semaphore_mem>>
        %dma_start3A_259 = arith.constant 0 : i32
        %dma_start3A_260 = arith.constant 0 : i32
        %dma_start3A_261 = tpu.memref_slice %arg14[%dma_start3A_259, %dma_start3A_260] : memref<10240x128xf32, #tpu.memory_space<vmem_shared>> -> memref<10240x128xf32, #tpu.memory_space<vmem_shared>>
        tpu.enqueue_indirect_dma source(%arg12 : memref<128x128xf32, #tpu.memory_space<vmem>>) target(%dma_start3A_261 : memref<10240x128xf32, #tpu.memory_space<vmem_shared>>) offsets(%arg7 : memref<128xi32, #tpu.memory_space<vmem>>) semaphore(%run_scoped3A : memref<!tpu.dma_semaphore, #tpu.memory_space<semaphore_mem>>) {add = true}
        %dma_wait3A_262 = arith.constant 0 : i32
        %dma_wait3A_263 = arith.constant 0 : i32
        %dma_wait3A_264 = tpu.memref_slice %arg14[%dma_wait3A_262, %dma_wait3A_263] : memref<10240x128xf32, #tpu.memory_space<vmem_shared>> -> memref<10240x128xf32, #tpu.memory_space<vmem_shared>>
        tpu.wait_indirect_dma semaphore(%run_scoped3A : memref<!tpu.dma_semaphore, #tpu.memory_space<semaphore_mem>>) src(%arg12 : memref<128x128xf32, #tpu.memory_space<vmem>>) dst(%dma_wait3A_264 : memref<10240x128xf32, #tpu.memory_space<vmem_shared>>)
        tpu.yield
      }) : () -> ()
      %add3A_235 = arith.constant 2 : i32
      %add3A_236 = arith.addi %add3A_210, %add3A_235 : i32
      %mul3A_237 = arith.constant 128 : i32
      %mul3A_238 = arith.muli %add3A_236, %mul3A_237 : i32
      %add3A_239 = arith.constant 16 : i32
      %add3A_240 = arith.addi %add3A_239, %mul3A_238 : i32
      %dma_start3A_241 = tpu.memref_slice %arg6[%add3A_240] : memref<10000xi32, #tpu.memory_space<vmem>> -> memref<128xi32, #tpu.memory_space<vmem>>
      %dma_start3A_242 = arith.constant 0 : i32
      %dma_start3A_243 = arith.constant 0 : i32
      %dma_start3A_244 = tpu.memref_slice %arg2[%dma_start3A_242, %dma_start3A_243] : memref<10000x128xf32, #tpu.memory_space<hbm>> -> memref<10000x128xf32, #tpu.memory_space<hbm>>
      tpu.enqueue_indirect_dma source(%dma_start3A_244 : memref<10000x128xf32, #tpu.memory_space<hbm>>) target(%arg12 : memref<128x128xf32, #tpu.memory_space<vmem>>) offsets(%dma_start3A_241 : memref<128xi32, #tpu.memory_space<vmem>>) semaphore(%arg15 : memref<!tpu.dma_semaphore, #tpu.memory_space<semaphore_mem>>)
      %add3A_245 = arith.constant 2 : i32
      %add3A_246 = arith.addi %add3A_210, %add3A_245 : i32
      %mul3A_247 = arith.constant 128 : i32
      %mul3A_248 = arith.muli %add3A_246, %mul3A_247 : i32
      %add3A_249 = arith.addi %add3A_4, %mul3A_248 : i32
      %dma_start3A_250 = tpu.memref_slice %arg4[%add3A_249] : memref<320000xi32, #tpu.memory_space<hbm>> -> memref<128xi32, #tpu.memory_space<hbm>>
      %dma_start3A_251 = tpu.memref_slice %arg4[%add3A_249] : memref<320000xi32, #tpu.memory_space<hbm>> -> memref<128xi32, #tpu.memory_space<hbm>>
      tpu.enqueue_dma source(%dma_start3A_251 : memref<128xi32, #tpu.memory_space<hbm>>) target(%arg7 : memref<128xi32, #tpu.memory_space<vmem>>) target_semaphore(%arg17 : memref<!tpu.dma_semaphore, #tpu.memory_space<semaphore_mem>>)
      %dma_wait3A_252 = arith.constant 16 : i32
      %dma_wait3A_253 = tpu.memref_slice %arg6[%dma_wait3A_252] : memref<10000xi32, #tpu.memory_space<vmem>> -> memref<128xi32, #tpu.memory_space<vmem>>
      %dma_wait3A_254 = arith.constant 0 : i32
      %dma_wait3A_255 = arith.constant 0 : i32
      %dma_wait3A_256 = tpu.memref_slice %arg2[%dma_wait3A_254, %dma_wait3A_255] : memref<10000x128xf32, #tpu.memory_space<hbm>> -> memref<10000x128xf32, #tpu.memory_space<hbm>>
      tpu.wait_indirect_dma semaphore(%arg16 : memref<!tpu.dma_semaphore, #tpu.memory_space<semaphore_mem>>) src(%dma_wait3A_256 : memref<10000x128xf32, #tpu.memory_space<hbm>>) dst(%arg13 : memref<128x128xf32, #tpu.memory_space<vmem>>)
      %dma_wait3A_257 = tpu.memref_slice %arg4[%add3A_4] : memref<320000xi32, #tpu.memory_space<hbm>> -> memref<128xi32, #tpu.memory_space<hbm>>
      %dma_wait3A_258 = tpu.memref_slice %arg4[%add3A_4] : memref<320000xi32, #tpu.memory_space<hbm>> -> memref<128xi32, #tpu.memory_space<hbm>>
      tpu.wait_dma2 semaphore(%arg18 : memref<!tpu.dma_semaphore, #tpu.memory_space<semaphore_mem>>) src(%dma_wait3A_258 : memref<128xi32, #tpu.memory_space<hbm>>) dst(%arg8 : memref<128xi32, #tpu.memory_space<vmem>>)
      "tpu.region"() ({
        %run_scoped3A = tpu.sem_alloc : memref<!tpu.dma_semaphore, #tpu.memory_space<semaphore_mem>>
        %dma_start3A_259 = arith.constant 0 : i32
        %dma_start3A_260 = arith.constant 0 : i32
        %dma_start3A_261 = tpu.memref_slice %arg14[%dma_start3A_259, %dma_start3A_260] : memref<10240x128xf32, #tpu.memory_space<vmem_shared>> -> memref<10240x128xf32, #tpu.memory_space<vmem_shared>>
        tpu.enqueue_indirect_dma source(%arg13 : memref<128x128xf32, #tpu.memory_space<vmem>>) target(%dma_start3A_261 : memref<10240x128xf32, #tpu.memory_space<vmem_shared>>) offsets(%arg8 : memref<128xi32, #tpu.memory_space<vmem>>) semaphore(%run_scoped3A : memref<!tpu.dma_semaphore, #tpu.memory_space<semaphore_mem>>) {add = true}
        %dma_wait3A_262 = arith.constant 0 : i32
        %dma_wait3A_263 = arith.constant 0 : i32
        %dma_wait3A_264 = tpu.memref_slice %arg14[%dma_wait3A_262, %dma_wait3A_263] : memref<10240x128xf32, #tpu.memory_space<vmem_shared>> -> memref<10240x128xf32, #tpu.memory_space<vmem_shared>>
        tpu.wait_indirect_dma semaphore(%run_scoped3A : memref<!tpu.dma_semaphore, #tpu.memory_space<semaphore_mem>>) src(%arg13 : memref<128x128xf32, #tpu.memory_space<vmem>>) dst(%dma_wait3A_264 : memref<10240x128xf32, #tpu.memory_space<vmem_shared>>)
        tpu.yield
      }) : () -> ()
    }
    %scan3A_112 = arith.constant 38 : i32
    %dma_wait3A_113 = arith.constant 16 : i32
    %dma_wait3A_114 = tpu.memref_slice %arg6[%dma_wait3A_113] : memref<10000xi32, #tpu.memory_space<vmem>> -> memref<128xi32, #tpu.memory_space<vmem>>
    %dma_wait3A_115 = arith.constant 0 : i32
    %dma_wait3A_116 = arith.constant 0 : i32
    %dma_wait3A_117 = tpu.memref_slice %arg2[%dma_wait3A_115, %dma_wait3A_116] : memref<10000x128xf32, #tpu.memory_space<hbm>> -> memref<10000x128xf32, #tpu.memory_space<hbm>>
    tpu.wait_indirect_dma semaphore(%arg15 : memref<!tpu.dma_semaphore, #tpu.memory_space<semaphore_mem>>) src(%dma_wait3A_117 : memref<10000x128xf32, #tpu.memory_space<hbm>>) dst(%arg12 : memref<128x128xf32, #tpu.memory_space<vmem>>)
    %dma_wait3A_118 = tpu.memref_slice %arg4[%add3A_4] : memref<320000xi32, #tpu.memory_space<hbm>> -> memref<128xi32, #tpu.memory_space<hbm>>
    %dma_wait3A_119 = tpu.memref_slice %arg4[%add3A_4] : memref<320000xi32, #tpu.memory_space<hbm>> -> memref<128xi32, #tpu.memory_space<hbm>>
    tpu.wait_dma2 semaphore(%arg17 : memref<!tpu.dma_semaphore, #tpu.memory_space<semaphore_mem>>) src(%dma_wait3A_119 : memref<128xi32, #tpu.memory_space<hbm>>) dst(%arg7 : memref<128xi32, #tpu.memory_space<vmem>>)
    "tpu.region"() ({
      %run_scoped3A = tpu.sem_alloc : memref<!tpu.dma_semaphore, #tpu.memory_space<semaphore_mem>>
      %dma_start3A_206 = arith.constant 0 : i32
      %dma_start3A_207 = arith.constant 0 : i32
      %dma_start3A_208 = tpu.memref_slice %arg14[%dma_start3A_206, %dma_start3A_207] : memref<10240x128xf32, #tpu.memory_space<vmem_shared>> -> memref<10240x128xf32, #tpu.memory_space<vmem_shared>>
      tpu.enqueue_indirect_dma source(%arg12 : memref<128x128xf32, #tpu.memory_space<vmem>>) target(%dma_start3A_208 : memref<10240x128xf32, #tpu.memory_space<vmem_shared>>) offsets(%arg7 : memref<128xi32, #tpu.memory_space<vmem>>) semaphore(%run_scoped3A : memref<!tpu.dma_semaphore, #tpu.memory_space<semaphore_mem>>) {add = true}
      %dma_wait3A_209 = arith.constant 0 : i32
      %dma_wait3A_210 = arith.constant 0 : i32
      %dma_wait3A_211 = tpu.memref_slice %arg14[%dma_wait3A_209, %dma_wait3A_210] : memref<10240x128xf32, #tpu.memory_space<vmem_shared>> -> memref<10240x128xf32, #tpu.memory_space<vmem_shared>>
      tpu.wait_indirect_dma semaphore(%run_scoped3A : memref<!tpu.dma_semaphore, #tpu.memory_space<semaphore_mem>>) src(%arg12 : memref<128x128xf32, #tpu.memory_space<vmem>>) dst(%dma_wait3A_211 : memref<10240x128xf32, #tpu.memory_space<vmem_shared>>)
      tpu.yield
    }) : () -> ()
    %barrier3A_120 = arith.constant 0 : index
    tpu.barrier barrier_id(%barrier3A_120)
    %mul3A_121 = arith.constant 640 : i32
    %mul3A_122 = arith.muli %arg1, %mul3A_121 : i32
    %add3A_123 = arith.constant 0 : i32
    %add3A_124 = arith.addi %mul3A_122, %add3A_123 : i32
    "tpu.region"() ({
      %run_scoped3A = tpu.sem_alloc : memref<!tpu.dma_semaphore, #tpu.memory_space<semaphore_mem>>
      %dma_start3A_206 = arith.constant 0 : i32
      %dma_start3A_207 = tpu.memref_slice %arg14[%add3A_124, %dma_start3A_206] : memref<10240x128xf32, #tpu.memory_space<vmem_shared>> -> memref<128x128xf32, #tpu.memory_space<vmem_shared>>
      %dma_start3A_208 = arith.constant 0 : i32
      %dma_start3A_209 = tpu.memref_slice %arg14[%add3A_124, %dma_start3A_208] : memref<10240x128xf32, #tpu.memory_space<vmem_shared>> -> memref<128x128xf32, #tpu.memory_space<vmem_shared>>
      tpu.enqueue_dma source(%dma_start3A_209 : memref<128x128xf32, #tpu.memory_space<vmem_shared>>) target(%arg12 : memref<128x128xf32, #tpu.memory_space<vmem>>) target_semaphore(%run_scoped3A : memref<!tpu.dma_semaphore, #tpu.memory_space<semaphore_mem>>)
      %dma_wait3A_210 = arith.constant 0 : i32
      %dma_wait3A_211 = tpu.memref_slice %arg14[%add3A_124, %dma_wait3A_210] : memref<10240x128xf32, #tpu.memory_space<vmem_shared>> -> memref<128x128xf32, #tpu.memory_space<vmem_shared>>
      %dma_wait3A_212 = arith.constant 0 : i32
      %dma_wait3A_213 = tpu.memref_slice %arg14[%add3A_124, %dma_wait3A_212] : memref<10240x128xf32, #tpu.memory_space<vmem_shared>> -> memref<128x128xf32, #tpu.memory_space<vmem_shared>>
      tpu.wait_dma2 semaphore(%run_scoped3A : memref<!tpu.dma_semaphore, #tpu.memory_space<semaphore_mem>>) src(%dma_wait3A_213 : memref<128x128xf32, #tpu.memory_space<vmem_shared>>) dst(%arg12 : memref<128x128xf32, #tpu.memory_space<vmem>>)
      tpu.yield
    }) : () -> ()
    %mul3A_125 = arith.constant 10240 : i32
    %mul3A_126 = arith.muli %arg0, %mul3A_125 : i32
    %add3A_127 = arith.addi %mul3A_126, %add3A_124 : i32
    %dma_start3A_128 = arith.constant 0 : i32
    %dma_start3A_129 = tpu.memref_slice %arg5[%add3A_127, %dma_start3A_128] : memref<20480x128xf32, #tpu.memory_space<hbm>> -> memref<128x128xf32, #tpu.memory_space<hbm>>
    %dma_start3A_130 = arith.constant 0 : i32
    %dma_start3A_131 = tpu.memref_slice %arg5[%add3A_127, %dma_start3A_130] : memref<20480x128xf32, #tpu.memory_space<hbm>> -> memref<128x128xf32, #tpu.memory_space<hbm>>
    tpu.enqueue_dma source(%arg12 : memref<128x128xf32, #tpu.memory_space<vmem>>) target(%dma_start3A_131 : memref<128x128xf32, #tpu.memory_space<hbm>>) target_semaphore(%arg15 : memref<!tpu.dma_semaphore, #tpu.memory_space<semaphore_mem>>)
    %mul3A_132 = arith.constant 640 : i32
    %mul3A_133 = arith.muli %arg1, %mul3A_132 : i32
    %add3A_134 = arith.constant 128 : i32
    %add3A_135 = arith.addi %mul3A_133, %add3A_134 : i32
    "tpu.region"() ({
      %run_scoped3A = tpu.sem_alloc : memref<!tpu.dma_semaphore, #tpu.memory_space<semaphore_mem>>
      %dma_start3A_206 = arith.constant 0 : i32
      %dma_start3A_207 = tpu.memref_slice %arg14[%add3A_135, %dma_start3A_206] : memref<10240x128xf32, #tpu.memory_space<vmem_shared>> -> memref<128x128xf32, #tpu.memory_space<vmem_shared>>
      %dma_start3A_208 = arith.constant 0 : i32
      %dma_start3A_209 = tpu.memref_slice %arg14[%add3A_135, %dma_start3A_208] : memref<10240x128xf32, #tpu.memory_space<vmem_shared>> -> memref<128x128xf32, #tpu.memory_space<vmem_shared>>
      tpu.enqueue_dma source(%dma_start3A_209 : memref<128x128xf32, #tpu.memory_space<vmem_shared>>) target(%arg13 : memref<128x128xf32, #tpu.memory_space<vmem>>) target_semaphore(%run_scoped3A : memref<!tpu.dma_semaphore, #tpu.memory_space<semaphore_mem>>)
      %dma_wait3A_210 = arith.constant 0 : i32
      %dma_wait3A_211 = tpu.memref_slice %arg14[%add3A_135, %dma_wait3A_210] : memref<10240x128xf32, #tpu.memory_space<vmem_shared>> -> memref<128x128xf32, #tpu.memory_space<vmem_shared>>
      %dma_wait3A_212 = arith.constant 0 : i32
      %dma_wait3A_213 = tpu.memref_slice %arg14[%add3A_135, %dma_wait3A_212] : memref<10240x128xf32, #tpu.memory_space<vmem_shared>> -> memref<128x128xf32, #tpu.memory_space<vmem_shared>>
      tpu.wait_dma2 semaphore(%run_scoped3A : memref<!tpu.dma_semaphore, #tpu.memory_space<semaphore_mem>>) src(%dma_wait3A_213 : memref<128x128xf32, #tpu.memory_space<vmem_shared>>) dst(%arg13 : memref<128x128xf32, #tpu.memory_space<vmem>>)
      tpu.yield
    }) : () -> ()
    %mul3A_136 = arith.constant 10240 : i32
    %mul3A_137 = arith.muli %arg0, %mul3A_136 : i32
    %add3A_138 = arith.addi %mul3A_137, %add3A_135 : i32
    %dma_start3A_139 = arith.constant 0 : i32
    %dma_start3A_140 = tpu.memref_slice %arg5[%add3A_138, %dma_start3A_139] : memref<20480x128xf32, #tpu.memory_space<hbm>> -> memref<128x128xf32, #tpu.memory_space<hbm>>
    %dma_start3A_141 = arith.constant 0 : i32
    %dma_start3A_142 = tpu.memref_slice %arg5[%add3A_138, %dma_start3A_141] : memref<20480x128xf32, #tpu.memory_space<hbm>> -> memref<128x128xf32, #tpu.memory_space<hbm>>
    tpu.enqueue_dma source(%arg13 : memref<128x128xf32, #tpu.memory_space<vmem>>) target(%dma_start3A_142 : memref<128x128xf32, #tpu.memory_space<hbm>>) target_semaphore(%arg16 : memref<!tpu.dma_semaphore, #tpu.memory_space<semaphore_mem>>)
    %mul3A_143 = arith.constant 10240 : i32
    %mul3A_144 = arith.muli %arg0, %mul3A_143 : i32
    %dma_wait3A_145 = arith.constant 0 : i32
    %dma_wait3A_146 = tpu.memref_slice %arg5[%mul3A_144, %dma_wait3A_145] : memref<20480x128xf32, #tpu.memory_space<hbm>> -> memref<128x128xf32, #tpu.memory_space<hbm>>
    %dma_wait3A_147 = arith.constant 0 : i32
    %dma_wait3A_148 = tpu.memref_slice %arg5[%mul3A_144, %dma_wait3A_147] : memref<20480x128xf32, #tpu.memory_space<hbm>> -> memref<128x128xf32, #tpu.memory_space<hbm>>
    tpu.wait_dma2 semaphore(%arg15 : memref<!tpu.dma_semaphore, #tpu.memory_space<semaphore_mem>>) src(%arg12 : memref<128x128xf32, #tpu.memory_space<vmem>>) dst(%dma_wait3A_148 : memref<128x128xf32, #tpu.memory_space<hbm>>)
    %mul3A_149 = arith.constant 640 : i32
    %mul3A_150 = arith.muli %arg1, %mul3A_149 : i32
    %add3A_151 = arith.constant 256 : i32
    %add3A_152 = arith.addi %mul3A_150, %add3A_151 : i32
    "tpu.region"() ({
      %run_scoped3A = tpu.sem_alloc : memref<!tpu.dma_semaphore, #tpu.memory_space<semaphore_mem>>
      %dma_start3A_206 = arith.constant 0 : i32
      %dma_start3A_207 = tpu.memref_slice %arg14[%add3A_152, %dma_start3A_206] : memref<10240x128xf32, #tpu.memory_space<vmem_shared>> -> memref<128x128xf32, #tpu.memory_space<vmem_shared>>
      %dma_start3A_208 = arith.constant 0 : i32
      %dma_start3A_209 = tpu.memref_slice %arg14[%add3A_152, %dma_start3A_208] : memref<10240x128xf32, #tpu.memory_space<vmem_shared>> -> memref<128x128xf32, #tpu.memory_space<vmem_shared>>
      tpu.enqueue_dma source(%dma_start3A_209 : memref<128x128xf32, #tpu.memory_space<vmem_shared>>) target(%arg12 : memref<128x128xf32, #tpu.memory_space<vmem>>) target_semaphore(%run_scoped3A : memref<!tpu.dma_semaphore, #tpu.memory_space<semaphore_mem>>)
      %dma_wait3A_210 = arith.constant 0 : i32
      %dma_wait3A_211 = tpu.memref_slice %arg14[%add3A_152, %dma_wait3A_210] : memref<10240x128xf32, #tpu.memory_space<vmem_shared>> -> memref<128x128xf32, #tpu.memory_space<vmem_shared>>
      %dma_wait3A_212 = arith.constant 0 : i32
      %dma_wait3A_213 = tpu.memref_slice %arg14[%add3A_152, %dma_wait3A_212] : memref<10240x128xf32, #tpu.memory_space<vmem_shared>> -> memref<128x128xf32, #tpu.memory_space<vmem_shared>>
      tpu.wait_dma2 semaphore(%run_scoped3A : memref<!tpu.dma_semaphore, #tpu.memory_space<semaphore_mem>>) src(%dma_wait3A_213 : memref<128x128xf32, #tpu.memory_space<vmem_shared>>) dst(%arg12 : memref<128x128xf32, #tpu.memory_space<vmem>>)
      tpu.yield
    }) : () -> ()
    %mul3A_153 = arith.constant 10240 : i32
    %mul3A_154 = arith.muli %arg0, %mul3A_153 : i32
    %add3A_155 = arith.addi %mul3A_154, %add3A_152 : i32
    %dma_start3A_156 = arith.constant 0 : i32
    %dma_start3A_157 = tpu.memref_slice %arg5[%add3A_155, %dma_start3A_156] : memref<20480x128xf32, #tpu.memory_space<hbm>> -> memref<128x128xf32, #tpu.memory_space<hbm>>
    %dma_start3A_158 = arith.constant 0 : i32
    %dma_start3A_159 = tpu.memref_slice %arg5[%add3A_155, %dma_start3A_158] : memref<20480x128xf32, #tpu.memory_space<hbm>> -> memref<128x128xf32, #tpu.memory_space<hbm>>
    tpu.enqueue_dma source(%arg12 : memref<128x128xf32, #tpu.memory_space<vmem>>) target(%dma_start3A_159 : memref<128x128xf32, #tpu.memory_space<hbm>>) target_semaphore(%arg15 : memref<!tpu.dma_semaphore, #tpu.memory_space<semaphore_mem>>)
    %mul3A_160 = arith.constant 10240 : i32
    %mul3A_161 = arith.muli %arg0, %mul3A_160 : i32
    %dma_wait3A_162 = arith.constant 0 : i32
    %dma_wait3A_163 = tpu.memref_slice %arg5[%mul3A_161, %dma_wait3A_162] : memref<20480x128xf32, #tpu.memory_space<hbm>> -> memref<128x128xf32, #tpu.memory_space<hbm>>
    %dma_wait3A_164 = arith.constant 0 : i32
    %dma_wait3A_165 = tpu.memref_slice %arg5[%mul3A_161, %dma_wait3A_164] : memref<20480x128xf32, #tpu.memory_space<hbm>> -> memref<128x128xf32, #tpu.memory_space<hbm>>
    tpu.wait_dma2 semaphore(%arg16 : memref<!tpu.dma_semaphore, #tpu.memory_space<semaphore_mem>>) src(%arg13 : memref<128x128xf32, #tpu.memory_space<vmem>>) dst(%dma_wait3A_165 : memref<128x128xf32, #tpu.memory_space<hbm>>)
    %mul3A_166 = arith.constant 640 : i32
    %mul3A_167 = arith.muli %arg1, %mul3A_166 : i32
    %add3A_168 = arith.constant 384 : i32
    %add3A_169 = arith.addi %mul3A_167, %add3A_168 : i32
    "tpu.region"() ({
      %run_scoped3A = tpu.sem_alloc : memref<!tpu.dma_semaphore, #tpu.memory_space<semaphore_mem>>
      %dma_start3A_206 = arith.constant 0 : i32
      %dma_start3A_207 = tpu.memref_slice %arg14[%add3A_169, %dma_start3A_206] : memref<10240x128xf32, #tpu.memory_space<vmem_shared>> -> memref<128x128xf32, #tpu.memory_space<vmem_shared>>
      %dma_start3A_208 = arith.constant 0 : i32
      %dma_start3A_209 = tpu.memref_slice %arg14[%add3A_169, %dma_start3A_208] : memref<10240x128xf32, #tpu.memory_space<vmem_shared>> -> memref<128x128xf32, #tpu.memory_space<vmem_shared>>
      tpu.enqueue_dma source(%dma_start3A_209 : memref<128x128xf32, #tpu.memory_space<vmem_shared>>) target(%arg13 : memref<128x128xf32, #tpu.memory_space<vmem>>) target_semaphore(%run_scoped3A : memref<!tpu.dma_semaphore, #tpu.memory_space<semaphore_mem>>)
      %dma_wait3A_210 = arith.constant 0 : i32
      %dma_wait3A_211 = tpu.memref_slice %arg14[%add3A_169, %dma_wait3A_210] : memref<10240x128xf32, #tpu.memory_space<vmem_shared>> -> memref<128x128xf32, #tpu.memory_space<vmem_shared>>
      %dma_wait3A_212 = arith.constant 0 : i32
      %dma_wait3A_213 = tpu.memref_slice %arg14[%add3A_169, %dma_wait3A_212] : memref<10240x128xf32, #tpu.memory_space<vmem_shared>> -> memref<128x128xf32, #tpu.memory_space<vmem_shared>>
      tpu.wait_dma2 semaphore(%run_scoped3A : memref<!tpu.dma_semaphore, #tpu.memory_space<semaphore_mem>>) src(%dma_wait3A_213 : memref<128x128xf32, #tpu.memory_space<vmem_shared>>) dst(%arg13 : memref<128x128xf32, #tpu.memory_space<vmem>>)
      tpu.yield
    }) : () -> ()
    %mul3A_170 = arith.constant 10240 : i32
    %mul3A_171 = arith.muli %arg0, %mul3A_170 : i32
    %add3A_172 = arith.addi %mul3A_171, %add3A_169 : i32
    %dma_start3A_173 = arith.constant 0 : i32
    %dma_start3A_174 = tpu.memref_slice %arg5[%add3A_172, %dma_start3A_173] : memref<20480x128xf32, #tpu.memory_space<hbm>> -> memref<128x128xf32, #tpu.memory_space<hbm>>
    %dma_start3A_175 = arith.constant 0 : i32
    %dma_start3A_176 = tpu.memref_slice %arg5[%add3A_172, %dma_start3A_175] : memref<20480x128xf32, #tpu.memory_space<hbm>> -> memref<128x128xf32, #tpu.memory_space<hbm>>
    tpu.enqueue_dma source(%arg13 : memref<128x128xf32, #tpu.memory_space<vmem>>) target(%dma_start3A_176 : memref<128x128xf32, #tpu.memory_space<hbm>>) target_semaphore(%arg16 : memref<!tpu.dma_semaphore, #tpu.memory_space<semaphore_mem>>)
    %mul3A_177 = arith.constant 10240 : i32
    %mul3A_178 = arith.muli %arg0, %mul3A_177 : i32
    %dma_wait3A_179 = arith.constant 0 : i32
    %dma_wait3A_180 = tpu.memref_slice %arg5[%mul3A_178, %dma_wait3A_179] : memref<20480x128xf32, #tpu.memory_space<hbm>> -> memref<128x128xf32, #tpu.memory_space<hbm>>
    %dma_wait3A_181 = arith.constant 0 : i32
    %dma_wait3A_182 = tpu.memref_slice %arg5[%mul3A_178, %dma_wait3A_181] : memref<20480x128xf32, #tpu.memory_space<hbm>> -> memref<128x128xf32, #tpu.memory_space<hbm>>
    tpu.wait_dma2 semaphore(%arg15 : memref<!tpu.dma_semaphore, #tpu.memory_space<semaphore_mem>>) src(%arg12 : memref<128x128xf32, #tpu.memory_space<vmem>>) dst(%dma_wait3A_182 : memref<128x128xf32, #tpu.memory_space<hbm>>)
    %mul3A_183 = arith.constant 640 : i32
    %mul3A_184 = arith.muli %arg1, %mul3A_183 : i32
    %add3A_185 = arith.constant 512 : i32
    %add3A_186 = arith.addi %mul3A_184, %add3A_185 : i32
    "tpu.region"() ({
      %run_scoped3A = tpu.sem_alloc : memref<!tpu.dma_semaphore, #tpu.memory_space<semaphore_mem>>
      %dma_start3A_206 = arith.constant 0 : i32
      %dma_start3A_207 = tpu.memref_slice %arg14[%add3A_186, %dma_start3A_206] : memref<10240x128xf32, #tpu.memory_space<vmem_shared>> -> memref<128x128xf32, #tpu.memory_space<vmem_shared>>
      %dma_start3A_208 = arith.constant 0 : i32
      %dma_start3A_209 = tpu.memref_slice %arg14[%add3A_186, %dma_start3A_208] : memref<10240x128xf32, #tpu.memory_space<vmem_shared>> -> memref<128x128xf32, #tpu.memory_space<vmem_shared>>
      tpu.enqueue_dma source(%dma_start3A_209 : memref<128x128xf32, #tpu.memory_space<vmem_shared>>) target(%arg12 : memref<128x128xf32, #tpu.memory_space<vmem>>) target_semaphore(%run_scoped3A : memref<!tpu.dma_semaphore, #tpu.memory_space<semaphore_mem>>)
      %dma_wait3A_210 = arith.constant 0 : i32
      %dma_wait3A_211 = tpu.memref_slice %arg14[%add3A_186, %dma_wait3A_210] : memref<10240x128xf32, #tpu.memory_space<vmem_shared>> -> memref<128x128xf32, #tpu.memory_space<vmem_shared>>
      %dma_wait3A_212 = arith.constant 0 : i32
      %dma_wait3A_213 = tpu.memref_slice %arg14[%add3A_186, %dma_wait3A_212] : memref<10240x128xf32, #tpu.memory_space<vmem_shared>> -> memref<128x128xf32, #tpu.memory_space<vmem_shared>>
      tpu.wait_dma2 semaphore(%run_scoped3A : memref<!tpu.dma_semaphore, #tpu.memory_space<semaphore_mem>>) src(%dma_wait3A_213 : memref<128x128xf32, #tpu.memory_space<vmem_shared>>) dst(%arg12 : memref<128x128xf32, #tpu.memory_space<vmem>>)
      tpu.yield
    }) : () -> ()
    %mul3A_187 = arith.constant 10240 : i32
    %mul3A_188 = arith.muli %arg0, %mul3A_187 : i32
    %add3A_189 = arith.addi %mul3A_188, %add3A_186 : i32
    %dma_start3A_190 = arith.constant 0 : i32
    %dma_start3A_191 = tpu.memref_slice %arg5[%add3A_189, %dma_start3A_190] : memref<20480x128xf32, #tpu.memory_space<hbm>> -> memref<128x128xf32, #tpu.memory_space<hbm>>
    %dma_start3A_192 = arith.constant 0 : i32
    %dma_start3A_193 = tpu.memref_slice %arg5[%add3A_189, %dma_start3A_192] : memref<20480x128xf32, #tpu.memory_space<hbm>> -> memref<128x128xf32, #tpu.memory_space<hbm>>
    tpu.enqueue_dma source(%arg12 : memref<128x128xf32, #tpu.memory_space<vmem>>) target(%dma_start3A_193 : memref<128x128xf32, #tpu.memory_space<hbm>>) target_semaphore(%arg15 : memref<!tpu.dma_semaphore, #tpu.memory_space<semaphore_mem>>)
    %mul3A_194 = arith.constant 10240 : i32
    %mul3A_195 = arith.muli %arg0, %mul3A_194 : i32
    %dma_wait3A_196 = arith.constant 0 : i32
    %dma_wait3A_197 = tpu.memref_slice %arg5[%mul3A_195, %dma_wait3A_196] : memref<20480x128xf32, #tpu.memory_space<hbm>> -> memref<128x128xf32, #tpu.memory_space<hbm>>
    %dma_wait3A_198 = arith.constant 0 : i32
    %dma_wait3A_199 = tpu.memref_slice %arg5[%mul3A_195, %dma_wait3A_198] : memref<20480x128xf32, #tpu.memory_space<hbm>> -> memref<128x128xf32, #tpu.memory_space<hbm>>
    tpu.wait_dma2 semaphore(%arg16 : memref<!tpu.dma_semaphore, #tpu.memory_space<semaphore_mem>>) src(%arg13 : memref<128x128xf32, #tpu.memory_space<vmem>>) dst(%dma_wait3A_199 : memref<128x128xf32, #tpu.memory_space<hbm>>)
    %mul3A_200 = arith.constant 10240 : i32
    %mul3A_201 = arith.muli %arg0, %mul3A_200 : i32
    %dma_wait3A_202 = arith.constant 0 : i32
    %dma_wait3A_203 = tpu.memref_slice %arg5[%mul3A_201, %dma_wait3A_202] : memref<20480x128xf32, #tpu.memory_space<hbm>> -> memref<128x128xf32, #tpu.memory_space<hbm>>
    %dma_wait3A_204 = arith.constant 0 : i32
    %dma_wait3A_205 = tpu.memref_slice %arg5[%mul3A_201, %dma_wait3A_204] : memref<20480x128xf32, #tpu.memory_space<hbm>> -> memref<128x128xf32, #tpu.memory_space<hbm>>
    tpu.wait_dma2 semaphore(%arg15 : memref<!tpu.dma_semaphore, #tpu.memory_space<semaphore_mem>>) src(%arg12 : memref<128x128xf32, #tpu.memory_space<vmem>>) dst(%dma_wait3A_205 : memref<128x128xf32, #tpu.memory_space<hbm>>)
    return
  }
}

module attributes {stable_mosaic.version = 14 : i64} {
  func.func @body(%arg0: i32, %arg1: memref<2000x128xf32, #tpu.memory_space<vmem>>, %arg2: memref<128x128xf32, #tpu.memory_space<vmem>>, %arg3: memref<2000x128xf32, #tpu.memory_space<vmem>>) attributes {dimension_semantics = [#tpu.dimension_semantics<arbitrary>], iteration_bounds = array<i64: 5>, scalar_prefetch = 0 : i64, scratch_operands = 0 : i64, tpu.core_type = #tpu.core_type<tc>, window_params = [{transform_indices = @transform_0, window_bounds = array<i64: 2000, 128>}, {pipeline_mode = #tpu.pipeline_mode<synchronous>, transform_indices = @transform_1, window_bounds = array<i64: 128, 128>}, {transform_indices = @transform_2, window_bounds = array<i64: 2000, 128>}]} {
    %get3A = arith.constant 0 : index
    %get3A_0 = arith.constant 0 : index
    %get3A_1 = vector.load %arg1[%get3A, %get3A_0] : memref<2000x128xf32, #tpu.memory_space<vmem>>, vector<2000x128xf32>
    %get3A_2 = arith.constant 0 : index
    %get3A_3 = arith.constant 0 : index
    %get3A_4 = vector.load %arg2[%get3A_2, %get3A_3] : memref<128x128xf32, #tpu.memory_space<vmem>>, vector<128x128xf32>
    %dot_general3A = arith.constant dense<0.000000e+00> : vector<2000x128xf32>
    %dot_general3A_5 = tpu.matmul %get3A_1, %get3A_4, %dot_general3A {dimension_numbers = #tpu.dot_dimension_numbers<[1], [0], [0], [1], [0, 0, 1, 1], [], []>, transpose_lhs_hint = false} : vector<2000x128xf32>, vector<128x128xf32>, vector<2000x128xf32> -> vector<2000x128xf32>
    %swap3A = arith.constant 0 : index
    %swap3A_6 = arith.constant 0 : index
    %swap3A_7 = vector.load %arg3[%swap3A, %swap3A_6] : memref<2000x128xf32, #tpu.memory_space<vmem>>, vector<2000x128xf32>
    tpu.vector_store %arg3[%swap3A, %swap3A_6], %dot_general3A_5 {strides = array<i32>} : memref<2000x128xf32, #tpu.memory_space<vmem>>, vector<2000x128xf32>,
    return
  }
  func.func @transform_0(%arg0: i32) -> (i32, i32) {
    %c0_i32 = arith.constant 0 : i32
    %c0_i32_0 = arith.constant 0 : i32
    return %arg0, %c0_i32 : i32, i32
  }
  func.func @transform_1(%arg0: i32) -> (i32, i32) {
    %c0_i32 = arith.constant 0 : i32
    %c0_i32_0 = arith.constant 0 : i32
    %c0_i32_1 = arith.constant 0 : i32
    return %c0_i32, %c0_i32_0 : i32, i32
  }
  func.func @transform_2(%arg0: i32) -> (i32, i32) {
    %c0_i32 = arith.constant 0 : i32
    %c0_i32_0 = arith.constant 0 : i32
    return %arg0, %c0_i32 : i32, i32
  }
}

module attributes {stable_mosaic.version = 14 : i64} {
  func.func @body(%arg0: i32, %arg1: memref<2000x128xf32, #tpu.memory_space<vmem>>, %arg2: memref<2000x1xf32, #tpu.memory_space<vmem>>, %arg3: memref<2000x1xf32, #tpu.memory_space<vmem>>, %arg4: memref<2000x128xf32, #tpu.memory_space<vmem>>, %arg5: memref<2000x1xf32, #tpu.memory_space<vmem>>) attributes {dimension_semantics = [#tpu.dimension_semantics<arbitrary>], iteration_bounds = array<i64: 5>, scalar_prefetch = 0 : i64, scratch_operands = 0 : i64, tpu.core_type = #tpu.core_type<tc>, window_params = [{transform_indices = @transform_0, window_bounds = array<i64: 2000, 128>}, {transform_indices = @transform_1, window_bounds = array<i64: 2000, 1>}, {transform_indices = @transform_2, window_bounds = array<i64: 2000, 1>}, {transform_indices = @transform_3, window_bounds = array<i64: 2000, 128>}, {transform_indices = @transform_4, window_bounds = array<i64: 2000, 1>}]} {
    %get3A = arith.constant 0 : index
    %get3A_0 = arith.constant 0 : index
    %get3A_1 = vector.load %arg2[%get3A, %get3A_0] : memref<2000x1xf32, #tpu.memory_space<vmem>>, vector<2000x1xf32>
    %get3A_2 = arith.constant 0 : index
    %get3A_3 = arith.constant 0 : index
    %get3A_4 = vector.load %arg3[%get3A_2, %get3A_3] : memref<2000x1xf32, #tpu.memory_space<vmem>>, vector<2000x1xf32>
    %add3A = arith.addf %get3A_1, %get3A_4 : vector<2000x1xf32>
    %add3A_5 = arith.constant 1.000000e+00 : f32
    %add3A_6 = vector.broadcast %add3A_5 : f32 to vector<2000x1xf32>
    %add3A_7 = arith.addf %add3A, %add3A_6 : vector<2000x1xf32>
    %rsqrt3A = math.rsqrt %add3A_7 : vector<2000x1xf32>
    %get3A_8 = arith.constant 0 : index
    %get3A_9 = arith.constant 0 : index
    %get3A_10 = vector.load %arg1[%get3A_8, %get3A_9] : memref<2000x128xf32, #tpu.memory_space<vmem>>, vector<2000x128xf32>
    %mul3A = vector.broadcast %rsqrt3A : vector<2000x1xf32> to vector<2000x128xf32>
    %mul3A_11 = arith.mulf %get3A_10, %mul3A : vector<2000x128xf32>
    %swap3A = arith.constant 0 : index
    %swap3A_12 = arith.constant 0 : index
    %swap3A_13 = vector.load %arg4[%swap3A, %swap3A_12] : memref<2000x128xf32, #tpu.memory_space<vmem>>, vector<2000x128xf32>
    tpu.vector_store %arg4[%swap3A, %swap3A_12], %mul3A_11 {strides = array<i32>} : memref<2000x128xf32, #tpu.memory_space<vmem>>, vector<2000x128xf32>,
    %swap3A_14 = arith.constant 0 : index
    %swap3A_15 = arith.constant 0 : index
    %swap3A_16 = vector.load %arg5[%swap3A_14, %swap3A_15] : memref<2000x1xf32, #tpu.memory_space<vmem>>, vector<2000x1xf32>
    tpu.vector_store %arg5[%swap3A_14, %swap3A_15], %rsqrt3A {strides = array<i32>} : memref<2000x1xf32, #tpu.memory_space<vmem>>, vector<2000x1xf32>,
    return
  }
  func.func @transform_0(%arg0: i32) -> (i32, i32) {
    %c0_i32 = arith.constant 0 : i32
    %c0_i32_0 = arith.constant 0 : i32
    return %arg0, %c0_i32 : i32, i32
  }
  func.func @transform_1(%arg0: i32) -> (i32, i32) {
    %c0_i32 = arith.constant 0 : i32
    %c0_i32_0 = arith.constant 0 : i32
    return %arg0, %c0_i32 : i32, i32
  }
  func.func @transform_2(%arg0: i32) -> (i32, i32) {
    %c0_i32 = arith.constant 0 : i32
    %c0_i32_0 = arith.constant 0 : i32
    return %arg0, %c0_i32 : i32, i32
  }
  func.func @transform_3(%arg0: i32) -> (i32, i32) {
    %c0_i32 = arith.constant 0 : i32
    %c0_i32_0 = arith.constant 0 : i32
    return %arg0, %c0_i32 : i32, i32
  }
  func.func @transform_4(%arg0: i32) -> (i32, i32) {
    %c0_i32 = arith.constant 0 : i32
    %c0_i32_0 = arith.constant 0 : i32
    return %arg0, %c0_i32 : i32, i32
  }
}

module attributes {stable_mosaic.version = 14 : i64} {
  func.func @body(%arg0: i32, %arg1: memref<2000x128xf32, #tpu.memory_space<vmem>>, %arg2: memref<2000x128xf32, #tpu.memory_space<vmem>>, %arg3: memref<2000x128xf32, #tpu.memory_space<vmem>>, %arg4: memref<2000x1xf32, #tpu.memory_space<vmem>>, %arg5: memref<1x128xf32, #tpu.memory_space<vmem>>, %arg6: memref<128x128xf32, #tpu.memory_space<vmem>>, %arg7: memref<2000x128xf32, #tpu.memory_space<vmem>>) attributes {dimension_semantics = [#tpu.dimension_semantics<arbitrary>], iteration_bounds = array<i64: 5>, scalar_prefetch = 0 : i64, scratch_operands = 0 : i64, tpu.core_type = #tpu.core_type<tc>, window_params = [{transform_indices = @transform_0, window_bounds = array<i64: 2000, 128>}, {transform_indices = @transform_1, window_bounds = array<i64: 2000, 128>}, {transform_indices = @transform_2, window_bounds = array<i64: 2000, 128>}, {transform_indices = @transform_3, window_bounds = array<i64: 2000, 1>}, {pipeline_mode = #tpu.pipeline_mode<synchronous>, transform_indices = @transform_4, window_bounds = array<i64: 1, 128>}, {pipeline_mode = #tpu.pipeline_mode<synchronous>, transform_indices = @transform_5, window_bounds = array<i64: 128, 128>}, {transform_indices = @transform_6, window_bounds = array<i64: 2000, 128>}]} {
    %get3A = arith.constant 0 : index
    %get3A_0 = arith.constant 0 : index
    %get3A_1 = vector.load %arg1[%get3A, %get3A_0] : memref<2000x128xf32, #tpu.memory_space<vmem>>, vector<2000x128xf32>
    %get3A_2 = arith.constant 0 : index
    %get3A_3 = arith.constant 0 : index
    %get3A_4 = vector.load %arg2[%get3A_2, %get3A_3] : memref<2000x128xf32, #tpu.memory_space<vmem>>, vector<2000x128xf32>
    %add3A = arith.addf %get3A_1, %get3A_4 : vector<2000x128xf32>
    %get3A_5 = arith.constant 0 : index
    %get3A_6 = arith.constant 0 : index
    %get3A_7 = vector.load %arg3[%get3A_5, %get3A_6] : memref<2000x128xf32, #tpu.memory_space<vmem>>, vector<2000x128xf32>
    %add3A_8 = arith.addf %add3A, %get3A_7 : vector<2000x128xf32>
    %get3A_9 = arith.constant 0 : index
    %get3A_10 = arith.constant 0 : index
    %get3A_11 = vector.load %arg4[%get3A_9, %get3A_10] : memref<2000x1xf32, #tpu.memory_space<vmem>>, vector<2000x1xf32>
    %mul3A = vector.broadcast %get3A_11 : vector<2000x1xf32> to vector<2000x128xf32>
    %mul3A_12 = arith.mulf %add3A_8, %mul3A : vector<2000x128xf32>
    %get3A_13 = arith.constant 0 : index
    %get3A_14 = arith.constant 0 : index
    %get3A_15 = vector.load %arg5[%get3A_13, %get3A_14] : memref<1x128xf32, #tpu.memory_space<vmem>>, vector<1x128xf32>
    %add3A_16 = vector.broadcast %get3A_15 : vector<1x128xf32> to vector<2000x128xf32>
    %add3A_17 = arith.addf %mul3A_12, %add3A_16 : vector<2000x128xf32>
    %max3A = arith.constant 0.000000e+00 : f32
    %max3A_18 = vector.broadcast %max3A : f32 to vector<2000x128xf32>
    %max3A_19 = arith.maximumf %add3A_17, %max3A_18 : vector<2000x128xf32>
    %get3A_20 = arith.constant 0 : index
    %get3A_21 = arith.constant 0 : index
    %get3A_22 = vector.load %arg6[%get3A_20, %get3A_21] : memref<128x128xf32, #tpu.memory_space<vmem>>, vector<128x128xf32>
    %dot_general3A = arith.constant dense<0.000000e+00> : vector<2000x128xf32>
    %dot_general3A_23 = tpu.matmul %max3A_19, %get3A_22, %dot_general3A {dimension_numbers = #tpu.dot_dimension_numbers<[1], [0], [0], [1], [0, 0, 1, 1], [], []>, transpose_lhs_hint = false} : vector<2000x128xf32>, vector<128x128xf32>, vector<2000x128xf32> -> vector<2000x128xf32>
    %get3A_24 = arith.constant 0 : index
    %get3A_25 = arith.constant 0 : index
    %get3A_26 = vector.load %arg4[%get3A_24, %get3A_25] : memref<2000x1xf32, #tpu.memory_space<vmem>>, vector<2000x1xf32>
    %mul3A_27 = vector.broadcast %get3A_26 : vector<2000x1xf32> to vector<2000x128xf32>
    %mul3A_28 = arith.mulf %dot_general3A_23, %mul3A_27 : vector<2000x128xf32>
    %swap3A = arith.constant 0 : index
    %swap3A_29 = arith.constant 0 : index
    %swap3A_30 = vector.load %arg7[%swap3A, %swap3A_29] : memref<2000x128xf32, #tpu.memory_space<vmem>>, vector<2000x128xf32>
    tpu.vector_store %arg7[%swap3A, %swap3A_29], %mul3A_28 {strides = array<i32>} : memref<2000x128xf32, #tpu.memory_space<vmem>>, vector<2000x128xf32>,
    return
  }
  func.func @transform_0(%arg0: i32) -> (i32, i32) {
    %c0_i32 = arith.constant 0 : i32
    %c0_i32_0 = arith.constant 0 : i32
    return %arg0, %c0_i32 : i32, i32
  }
  func.func @transform_1(%arg0: i32) -> (i32, i32) {
    %c0_i32 = arith.constant 0 : i32
    %c0_i32_0 = arith.constant 0 : i32
    return %arg0, %c0_i32 : i32, i32
  }
  func.func @transform_2(%arg0: i32) -> (i32, i32) {
    %c0_i32 = arith.constant 0 : i32
    %c0_i32_0 = arith.constant 0 : i32
    return %arg0, %c0_i32 : i32, i32
  }
  func.func @transform_3(%arg0: i32) -> (i32, i32) {
    %c0_i32 = arith.constant 0 : i32
    %c0_i32_0 = arith.constant 0 : i32
    return %arg0, %c0_i32 : i32, i32
  }
  func.func @transform_4(%arg0: i32) -> (i32, i32) {
    %c0_i32 = arith.constant 0 : i32
    %c0_i32_0 = arith.constant 0 : i32
    %c0_i32_1 = arith.constant 0 : i32
    return %c0_i32, %c0_i32_0 : i32, i32
  }
  func.func @transform_5(%arg0: i32) -> (i32, i32) {
    %c0_i32 = arith.constant 0 : i32
    %c0_i32_0 = arith.constant 0 : i32
    %c0_i32_1 = arith.constant 0 : i32
    return %c0_i32, %c0_i32_0 : i32, i32
  }
  func.func @transform_6(%arg0: i32) -> (i32, i32) {
    %c0_i32 = arith.constant 0 : i32
    %c0_i32_0 = arith.constant 0 : i32
    return %arg0, %c0_i32 : i32, i32
  }
}

module attributes {stable_mosaic.version = 14 : i64} {
  func.func @body(%arg0: i32, %arg1: memref<2000x128xf32, #tpu.memory_space<vmem>>, %arg2: memref<2000x128xf32, #tpu.memory_space<vmem>>, %arg3: memref<2000x128xf32, #tpu.memory_space<vmem>>, %arg4: memref<2000x1xf32, #tpu.memory_space<vmem>>, %arg5: memref<1x128xf32, #tpu.memory_space<vmem>>, %arg6: memref<2000x128xf32, #tpu.memory_space<vmem>>) attributes {dimension_semantics = [#tpu.dimension_semantics<arbitrary>], iteration_bounds = array<i64: 5>, scalar_prefetch = 0 : i64, scratch_operands = 0 : i64, tpu.core_type = #tpu.core_type<tc>, window_params = [{transform_indices = @transform_0, window_bounds = array<i64: 2000, 128>}, {transform_indices = @transform_1, window_bounds = array<i64: 2000, 128>}, {transform_indices = @transform_2, window_bounds = array<i64: 2000, 128>}, {transform_indices = @transform_3, window_bounds = array<i64: 2000, 1>}, {pipeline_mode = #tpu.pipeline_mode<synchronous>, transform_indices = @transform_4, window_bounds = array<i64: 1, 128>}, {transform_indices = @transform_5, window_bounds = array<i64: 2000, 128>}]} {
    %get3A = arith.constant 0 : index
    %get3A_0 = arith.constant 0 : index
    %get3A_1 = vector.load %arg1[%get3A, %get3A_0] : memref<2000x128xf32, #tpu.memory_space<vmem>>, vector<2000x128xf32>
    %get3A_2 = arith.constant 0 : index
    %get3A_3 = arith.constant 0 : index
    %get3A_4 = vector.load %arg2[%get3A_2, %get3A_3] : memref<2000x128xf32, #tpu.memory_space<vmem>>, vector<2000x128xf32>
    %add3A = arith.addf %get3A_1, %get3A_4 : vector<2000x128xf32>
    %get3A_5 = arith.constant 0 : index
    %get3A_6 = arith.constant 0 : index
    %get3A_7 = vector.load %arg3[%get3A_5, %get3A_6] : memref<2000x128xf32, #tpu.memory_space<vmem>>, vector<2000x128xf32>
    %add3A_8 = arith.addf %add3A, %get3A_7 : vector<2000x128xf32>
    %get3A_9 = arith.constant 0 : index
    %get3A_10 = arith.constant 0 : index
    %get3A_11 = vector.load %arg4[%get3A_9, %get3A_10] : memref<2000x1xf32, #tpu.memory_space<vmem>>, vector<2000x1xf32>
    %mul3A = vector.broadcast %get3A_11 : vector<2000x1xf32> to vector<2000x128xf32>
    %mul3A_12 = arith.mulf %add3A_8, %mul3A : vector<2000x128xf32>
    %get3A_13 = arith.constant 0 : index
    %get3A_14 = arith.constant 0 : index
    %get3A_15 = vector.load %arg5[%get3A_13, %get3A_14] : memref<1x128xf32, #tpu.memory_space<vmem>>, vector<1x128xf32>
    %add3A_16 = vector.broadcast %get3A_15 : vector<1x128xf32> to vector<2000x128xf32>
    %add3A_17 = arith.addf %mul3A_12, %add3A_16 : vector<2000x128xf32>
    %reduce_max3A = arith.constant dense<0xFF800000> : vector<2000xf32>
    %reduce_max3A_18 = vector.multi_reduction <maximumf>, %add3A_17, %reduce_max3A [1] : vector<2000x128xf32> to vector<2000xf32>
    %broadcast_in_dim3A = vector.shape_cast %reduce_max3A_18 : vector<2000xf32> to vector<2000x1xf32>
    %sub3A = vector.broadcast %broadcast_in_dim3A : vector<2000x1xf32> to vector<2000x128xf32>
    %sub3A_19 = arith.subf %add3A_17, %sub3A : vector<2000x128xf32>
    %exp3A = math.exp %sub3A_19 : vector<2000x128xf32>
    %reduce_sum3A = arith.constant dense<0.000000e+00> : vector<2000xf32>
    %reduce_sum3A_20 = vector.multi_reduction <add>, %exp3A, %reduce_sum3A [1] : vector<2000x128xf32> to vector<2000xf32>
    %broadcast_in_dim3A_21 = vector.shape_cast %reduce_sum3A_20 : vector<2000xf32> to vector<2000x1xf32>
    %log3A = math.log %broadcast_in_dim3A_21 : vector<2000x1xf32>
    %add3A_22 = arith.addf %log3A, %broadcast_in_dim3A : vector<2000x1xf32>
    %sub3A_23 = vector.broadcast %add3A_22 : vector<2000x1xf32> to vector<2000x128xf32>
    %sub3A_24 = arith.subf %add3A_17, %sub3A_23 : vector<2000x128xf32>
    %swap3A = arith.constant 0 : index
    %swap3A_25 = arith.constant 0 : index
    %swap3A_26 = vector.load %arg6[%swap3A, %swap3A_25] : memref<2000x128xf32, #tpu.memory_space<vmem>>, vector<2000x128xf32>
    tpu.vector_store %arg6[%swap3A, %swap3A_25], %sub3A_24 {strides = array<i32>} : memref<2000x128xf32, #tpu.memory_space<vmem>>, vector<2000x128xf32>,
    return
  }
  func.func @transform_0(%arg0: i32) -> (i32, i32) {
    %c0_i32 = arith.constant 0 : i32
    %c0_i32_0 = arith.constant 0 : i32
    return %arg0, %c0_i32 : i32, i32
  }
  func.func @transform_1(%arg0: i32) -> (i32, i32) {
    %c0_i32 = arith.constant 0 : i32
    %c0_i32_0 = arith.constant 0 : i32
    return %arg0, %c0_i32 : i32, i32
  }
  func.func @transform_2(%arg0: i32) -> (i32, i32) {
    %c0_i32 = arith.constant 0 : i32
    %c0_i32_0 = arith.constant 0 : i32
    return %arg0, %c0_i32 : i32, i32
  }
  func.func @transform_3(%arg0: i32) -> (i32, i32) {
    %c0_i32 = arith.constant 0 : i32
    %c0_i32_0 = arith.constant 0 : i32
    return %arg0, %c0_i32 : i32, i32
  }
  func.func @transform_4(%arg0: i32) -> (i32, i32) {
    %c0_i32 = arith.constant 0 : i32
    %c0_i32_0 = arith.constant 0 : i32
    %c0_i32_1 = arith.constant 0 : i32
    return %c0_i32, %c0_i32_0 : i32, i32
  }
  func.func @transform_5(%arg0: i32) -> (i32, i32) {
    %c0_i32 = arith.constant 0 : i32
    %c0_i32_0 = arith.constant 0 : i32
    return %arg0, %c0_i32 : i32, i32
  }
}

</mosaic_0001>

<sc_bundles>
// kernel: kernel.11.cloned.1.call-start
scs
__scs_entry_jumppad:
0x0: {  	(pc) =	sbr.rel $0x88, $3  }
0x1: {  	(tag) =	ssettag $0x0;
	lr =	simm.s32 $0x1  }
0x2: {  	[smem:$0x3F99] =	sst lr;
	_ =	strace $0xD0000000  }
0x3: {  	_ = 	snop  }
0x4: {  	_ = 	snop  }
0x5: {  	_ = 	snop  }
0x6: {  	_ = 	snop  }
0x7: {  	_ = 	snop  }
__scs_overlays_trampoline_lowered:
0x8: {  	[smem:$0x3FA8] =	sst s0  }
0x9: {  	[smem:$0x3FA9] =	sst s1  }
0xa: {  	[smem:$0x3FAA] =	sst s2  }
0xb: {  	[smem:$0x3FAB] =	sst s3  }
0xc: {  	[smem:$0x3FAC] =	sst s4  }
0xd: {  	[smem:$0x3FAD] =	sst s5  }
0xe: {  	[smem:$0x3FAE] =	sst s6  }
0xf: {  	[smem:$0x3FAF] =	sst s7  }
0x10: {  	[smem:$0x3FB0] =	sst s8  }
0x11: {  	[smem:$0x3FB1] =	sst s9;
	s0 =	simm.s32 @!p0 $0x0  }
0x12: {  	s1 =	sld [smem:$0x3F97];
	s0 =	simm.s32 @p0 $0x1  }
0x13: {  	[smem:$0x3FB2] =	sst s0;
	s0 =	simm.s32 @!p1 $0x0  }
0x14: {  	s2 =	sld [smem:$0x3F96];
	s0 =	simm.s32 @p1 $0x1  }
0x15: {  	[smem:$0x3FB3] =	sst s0;
	s0 =	simm.s32 @!p2 $0x0  }
0x16: {  	s3 =	sld [smem:$0x3FDB];
	s0 =	simm.s32 @p2 $0x1  }
0x17: {  	s4 =	simm.s32 $0x1BF5;
	[smem:$0x3FB5] =	sst s0  }
0x18: {  	s0 =	sld [smem:$0x3F98];
	_ =	swait.ge [sflag:s4], $0x0  }
0x19: {  	s7 =	sld [smem:$0x3F99]  }
0x1a: {  	s8 =	sadd.s32 $0xFFFFE003, lr  }
0x1b: {  	s9 =	sadd.s32 $0xFFFFFEF7, lr;
	s5 =	simm.s32 $0xFFFFFFFF;
	p2 =	slt.u32 s8, $0xFFFFF086  }
0x1c: {  	p1 =	slt.u32 s9, $0xF7A;
	s5 =	simm.s32 @!p2 $0x0  }
0x1d: {  	s5 =	simm.s32 @p1 $0x1;
	p0 =	seq.s32 s7, s2  }
0x1e: {  	s7 =	smul.u32 @!p0 $0xF7A, s2;
	p2 =	seq.s32 @!p0 s5, $0x0  }
0x1f: {  	s9 =	smul.u32 $0xF7A, s1;
	s8 =	simm.s32 @!p0 $0x1BF5;
	p2 =	por !p2, p0  }
0x20: {  	[sflag:s8] =	ssyncset.s32 @!p0 $0xFFFFF086;
	s6 =	sadd.s32 @!p0 s3, s7;
	s7 =	simm.s32 @!p0 $0x108  }
0x21: {  	s3 =	sadd.s32 s3, s9;
	s6 =	sadd.s32 @!p0 $0x88, s6;
	s7 =	simm.s32 @p2 $0x1082  }
0x22: {  	[simem:s7], [sflag:s8] =	dma.local @!p0 [hbm:s6], $0xF7A  }
0x23: {  	s9 =	sor.u32 $0xD0000000, s2;
	s6 =	simm.s32 $0x108;
	_ =	swait.ge @!p0 [sflag:s8], $0x0  }
0x24: {  	s3 =	sadd.s32 $0x88, s3;
	s6 =	simm.s32 @!p1 $0x1082;
	[sflag:s4] =	ssyncset.s32 $0xFFFFF086  }
0x25: {  	[simem:s6], [sflag:s4] =	dma.local [hbm:s3], $0xF7A  }
0x26: {  	[smem:$0x3F99] =	sst s1;
	(tag) =	ssettag s2;
	_ =	strace s9  }
0x27: {  	s1 =	sld [smem:$0x3FA9]  }
0x28: {  	s2 =	sld [smem:$0x3FAA]  }
0x29: {  	s4 =	sld [smem:$0x3FAC]  }
0x2a: {  	p0 =	seq.s32 s5, $0x0;
	s5 =	sld [smem:$0x3FAD]  }
0x2b: {  	s6 =	sld [smem:$0x3FAE]  }
0x2c: {  	s7 =	sld [smem:$0x3FAF]  }
0x2d: {  	s3 =	simm.s32 $0x108;
	s8 =	sld [smem:$0x3FB0]  }
0x2e: {  	s3 =	simm.s32 @!p0 $0x1082;
	s9 =	sld [smem:$0x3FB1]  }
0x2f: {  	lr =	sadd.s32 s0, s3;
	s0 =	sld [smem:$0x3FA8]  }
0x30: {  	s3 =	sld [smem:$0x3FAB]  }
0x31: {  	[smem:$0x3FB4] =	sst s10  }
0x32: {  	s10 =	sld [smem:$0x3FB2];
	_ =	sdelay $0x3  }
0x33: {  	p0 =	seq.s32 s10, $0x1;
	s10 =	sld [smem:$0x3FB4];
	_ =	sdelay $0x3  }
0x34: {  	[smem:$0x3FB4] =	sst s10  }
0x35: {  	s10 =	sld [smem:$0x3FB3];
	_ =	sdelay $0x3  }
0x36: {  	p1 =	seq.s32 s10, $0x1;
	s10 =	sld [smem:$0x3FB4];
	_ =	sdelay $0x3  }
0x37: {  	[smem:$0x3FB4] =	sst s10  }
0x38: {  	s10 =	sld [smem:$0x3FB5]  }
0x39: {  	_ = 	snop;
	(pc) =	sbr.ind lr, $3  }
0x3a: {  	_ = 	snop  }
0x3b: {  	_ = 	snop  }
0x3c: {  	p2 =	seq.s32 s10, $0x1;
	s10 =	sld [smem:$0x3FB4]  }
0x3d: {  	_ =	shalt  }
0x3e: {  	_ =	shalt  }
0x3f: {  	_ =	shalt  }
0x40: {  	_ =	shalt  }
0x41: {  	_ =	shalt  }
0x42: {  	_ =	shalt  }
0x43: {  	_ =	shalt  }
0x44: {  	_ =	shalt  }
0x45: {  	_ =	shalt  }
0x46: {  	_ =	shalt  }
0x47: {  	_ =	shalt  }
0x48: {  	_ =	shalt  }
0x49: {  	_ =	shalt  }
0x4a: {  	_ =	shalt  }
0x4b: {  	_ =	shalt  }
0x4c: {  	_ =	shalt  }
0x4d: {  	_ =	shalt  }
0x4e: {  	_ =	shalt  }
0x4f: {  	_ =	shalt  }
0x50: {  	_ =	shalt  }
0x51: {  	_ =	shalt  }
0x52: {  	_ =	shalt  }
0x53: {  	_ =	shalt  }
0x54: {  	_ =	shalt  }
0x55: {  	_ =	shalt  }
0x56: {  	_ =	shalt  }
0x57: {  	_ =	shalt  }
0x58: {  	_ =	shalt  }
0x59: {  	_ =	shalt  }
0x5a: {  	_ =	shalt  }
0x5b: {  	_ =	shalt  }
0x5c: {  	_ =	shalt  }
0x5d: {  	_ =	shalt  }
0x5e: {  	_ =	shalt  }
0x5f: {  	_ =	shalt  }
0x60: {  	_ =	shalt  }
0x61: {  	_ =	shalt  }
0x62: {  	_ =	shalt  }
0x63: {  	_ =	shalt  }
0x64: {  	_ =	shalt  }
0x65: {  	_ =	shalt  }
0x66: {  	_ =	shalt  }
0x67: {  	_ =	shalt  }
0x68: {  	_ =	shalt  }
0x69: {  	_ =	shalt  }
0x6a: {  	_ =	shalt  }
0x6b: {  	_ =	shalt  }
0x6c: {  	_ =	shalt  }
0x6d: {  	_ =	shalt  }
0x6e: {  	_ =	shalt  }
0x6f: {  	_ =	shalt  }
0x70: {  	_ =	shalt  }
0x71: {  	_ =	shalt  }
0x72: {  	_ =	shalt  }
0x73: {  	_ =	shalt  }
0x74: {  	_ =	shalt  }
0x75: {  	_ =	shalt  }
0x76: {  	_ =	shalt  }
0x77: {  	_ =	shalt  }
0x78: {  	_ =	shalt  }
0x79: {  	_ =	shalt  }
0x7a: {  	_ =	shalt  }
0x7b: {  	_ =	shalt  }
0x7c: {  	_ =	shalt  }
0x7d: {  	_ =	shalt  }
0x7e: {  	_ =	shalt  }
0x7f: {  	_ =	shalt  }
0x80: {  	_ =	shalt  }
0x81: {  	_ =	shalt  }
0x82: {  	_ =	shalt  }
0x83: {  	_ =	shalt  }
0x84: {  	_ =	shalt  }
0x85: {  	_ =	shalt  }
0x86: {  	_ =	shalt  }
0x87: {  	_ =	shalt  }
.Lfunc_end0:
.L_simem_size_0:
called_computation_lowered:
.L_overlay_start_0:
0x88: {  	s2 =	sld [smem:$0x3FD9]  }
0x89: {  	s3 =	sld [smem:$0x3FFE];
	_ =	sdelay $0x1  }
0x8a: {  	s1 =	srdreg.scid  }
0x8b: {  	s0 =	sand.u32 $0x1, s1  }
0x8c: {  	s17 =	sshll.u32 s0, $0xA;
	s2 =	sadd.s32 s3, s2  }
0x8d: {  	s2 =	sadd.s32 s2, s17  }
0x8e: {  	[smem:$0x3FC0] =	sst s2  }
0x8f: {  	_ = 	snop  }
0x90: {  	s2 =	sld [smem:$0x3FD0];
	(tm) =	ssettm $0x1  }
0x91: {  	s18 =	sld [smem:$0x3FFB];
	_ =	sdelay $0x3  }
0x92: {  	_ =	strace s18  }
0x93: {  	s3 =	sld [smem:$0x3FFC];
	_ =	sdelay $0x3  }
0x94: {  	_ =	strace s3  }
0x95: {  	s3 =	sld [smem:$0x3FFD];
	_ =	sdelay $0x3  }
0x96: {  	_ =	strace s3  }
0x97: {  	_ =	strace $0x8FFFFFFF  }
0x98: {  	s19 =	sld [smem:$0x3FDB];
	_ =	sdelay $0x1  }
0x99: {  	s4 =	simm.s32 $_scs_section_size  }
0x9a: {  	s5 =	simm.s32 $_size__tile_overlayer_lowered;
	s6 =	simm.s32 $_tile_overlayer_lowered  }
0x9b: {  	s22 =	simm.s32 $0x1BFF;
	s21 =	sshll.u32 s6, $0x1;
	s3 =	sadd.s32 s4, s19  }
0x9c: {  	s7 =	simm.s32 $0x0;
	s20 =	sshll.u32 s5, $0x1;
	s5 =	sadd.s32 s21, s3  }
0x9d: {  	[timem:s7], [sflag:s22] =	dma.local [hbm:s5], s20  }
0x9e: {  	_ =	swait.ge [sflag:s22], s20  }
0x9f: {  	s4 =	ssub.s32 $0x0, s20;
	[sflag:s22] =	ssyncset.done $0x0  }
0xa0: {  	[sflag:s22] =	ssyncadd.s32 s4;
	_ =	sdelay $0x1  }
0xa1: {  	s23 =	simm.s32 $0x1B8B  }
0xa2: {  	_ =	swait.ge [sflag:s23], $0x1  }
0xa3: {  	[sflag:s23] =	ssyncset.done $0x0  }
0xa4: {  	s25 =	simm.s32 $0x1B8E;
	s24 =	sld [smem:$0x3FFE];
	[sflag:s23] =	ssyncadd.s32 $0xFFFFFFFF  }
0xa5: {  	s26 =	simm.s32 $execute0_lowered;
	[smem:$0x3FD2] =	sst s25  }
0xa6: {  	s5 =	sshll.u32 s26, $0x1;
	_ =	strace $0x80000046;
	[dreg:$0x1] =	wrdreg $0xFFFFFFFF  }
0xa7: {  	s28 =	simm.s32 $_size_execute0_lowered;
	s3 =	sadd.s32 s3, s5;
	[dreg:$0x0] =	wrdreg $0x0  }
0xa8: {  	s5 =	sshll.u32 s28, $0x1;
	[dreg:$0x2] =	wrdreg s3  }
0xa9: {  	[dreg:$0x3] =	wrdreg s5  }
0xaa: {  	[dreg:$0x4] =	wrdreg $0xC0  }
0xab: {  	_ =	task [dreg:s7], $0x5FFFF  }
0xac: {  	[dreg:$0x1] =	wrdreg $0xFFFFFFFF  }
0xad: {  	[dreg:$0x0] =	wrdreg $0x60  }
0xae: {  	[dreg:$0x2] =	wrdreg s24  }
0xaf: {  	[dreg:$0x3] =	wrdreg s2  }
0xb0: {  	[dreg:$0x4] =	wrdreg $0x5000  }
0xb1: {  	[dreg:$0x5] =	wrdreg $0x9  }
0xb2: {  	_ =	task.clear_ibuf [dreg:s7], $0x6FFFF;
	_ =	strace $0x90000046  }
0xb3: {  	s29 =	simm.s32 $0x9;
	_ =	strace $0x80000048  }
0xb4: {  	_ =	swait.ge [sflag:s29], $0x1  }
0xb5: {  	[sflag:s29] =	ssyncadd.s32 $0xFFFFFFFF  }
0xb6: {  	_ =	strace $0x90000048  }
0xb7: {  	_ =	sfence  }
0xb8: {  	s30 =	sld [smem:$0x0];
	_ =	sdelay $0x2  }
0xb9: {  	s31 =	sshll.u32 s1, $0xD;
	s1 =	sshrl.u32 s1, $0x2  }
0xba: {  	s3 =	sand.u32 $0x4000, s31;
	s1 =	sadd.s32 s1, s30  }
0xbb: {  	s0 =	sor.u32 s3, s0;
	s1 =	sshll.u32 s1, $0x11  }
0xbc: {  	s0 =	sor.u32 s1, s0  }
0xbd: {  	s0 =	sadd.s32 $0x8F2B, s0  }
0xbe: {  	[sflag:s0] =	ssyncadd.remote.s32 $0x1  }
0xbf: {  	_ =	sfence.sel $0xFFFF  }
0xc0: {  	[dreg:$0x0] =	wrdreg $0xFFFFFFFF;
	(pc) =	sbr.abs _section_cstart, $3  }
0xc1: {  	[dreg:$0x1] =	wrdreg $0xFFFFFFFF  }
0xc2: {  	_ =	task.clear_ibuf [dreg:s7], $0x2FFFF;
	_ =	strace $0x9FFFFFFF  }
0xc3: {  	(tm) =	ssettm $0x7FFFFFFF  }
tec
execute0_lowered:
.L_overlay_start_1:
0x0: {  	(tag) =	ssettag $0x1  }
0x1: {  	s4 =	rddreg [dreg:$0x0]  }
0x2: {  	s0 =	srdreg.scid;
	s8 =	rddreg [dreg:$0x1]  }
0x3: {  	s2 =	rddreg [dreg:$0x2];
	s1 =	stileid.u32  }
0x4: {  	s3 =	simm.s32 $0x0;
	s14 =	simm.s32 $0x100;
	s15 =	simm.s32 $0x10  }
0x5: {  	s16 =	simm.s32 $0x200;
	s17 =	simm.s32 $0x80;
	s18 =	simm.s32 $0x180  }
0x6: {  	s19 =	simm.s32 $0x1;
	s20 =	simm.s32 $0x2;
	s21 =	simm.s32 $0x0  }
0x7: {  	s5 =	sand.u32 $0x1, s0;
	s0 =	rddreg [dreg:$0x3];
	s7 =	smul.u32 $0x278, s1  }
0x8: {  	[smem:$0x7FF] =	sst s3;
	s11 =	sadd.s32 $0xE600, s4;
	s13 =	smul.u32 $0x2710, s1  }
0x9: {  	s6 =	sshll.u32 s5, $0x4;
	_ =	strace $0x80000047;
	s9 =	smul.u32 $0x2780, s5  }
0xa: {  	s30 =	ssub.s32 $0x2, s5;
	s12 =	smul.u32 $0x27100, s5;
	s6 =	sor.u32 s1, s6  }
0xb: {  	s10 =	sshrl.u32 s30, $0x1;
	s5 =	sadd.s32 s7, s2;
	s6 =	smul.u32 $0x2710, s6  }
0xc: {  	s10 =	ssub.s32 s30, s10;
	s9 =	sadd.s32 s7, s9;
	s12 =	sadd.s32 s13, s12  }
0xd: {  	s9 =	sshrl.u32 s9, $0x3;
	s13 =	sadd.s32 $0x190, s12;
	s12 =	sadd.s32 $0x110, s12  }
0xe: {  	s6 =	sshrl.u32 s6, $0x3;
	s8 =	sadd.s32 s8, s9;
	s9 =	smax.u32 s10, $0x1  }
0xf: {  	s31 =	sshrl.u32 s13, $0x3;
	s12 =	sshrl.u32 s12, $0x3;
	s13 =	simm.s32 $0x3  }
0x10: {  	s4 =	sadd.s32 s11, s6;
	s10 =	sadd.s32 s31, s11;
	s11 =	sadd.s32 s12, s11  }
0x11: {  	v0 =	vimm.f32 $1.000000000e+00;
	v1 =	vimm.f32 $0.0e+00;
	s12 =	simm.s32 $0x280;
	s6 =	sadd.s32 $0x2, s4;
	s7 =	sadd.s32 $0x12, s4  }
.LBB2_1:
0x12: {  	[tilespmem:$0x180] =	vst v0  }
0x13: {  	[tilespmem:$0x190] =	vst v0  }
0x14: {  	[tilespmem:$0x1A0] =	vst v0  }
0x15: {  	[tilespmem:$0x1B0] =	vst v0  }
0x16: {  	[tilespmem:$0x1C0] =	vst v0  }
0x17: {  	[tilespmem:$0x1D0] =	vst v0  }
0x18: {  	[tilespmem:$0x1E0] =	vst v0  }
0x19: {  	[tilespmem:$0x1F0] =	vst v0  }
0x1a: {  	[tilespmem:$0x280] =	vst v1  }
0x1b: {  	[tilespmem:$0x290] =	vst v1  }
0x1c: {  	[tilespmem:$0x2A0] =	vst v1  }
0x1d: {  	[tilespmem:$0x2B0] =	vst v1  }
0x1e: {  	[tilespmem:$0x2C0] =	vst v1  }
0x1f: {  	[tilespmem:$0x2D0] =	vst v1  }
0x20: {  	[tilespmem:$0x2E0] =	vst v1  }
0x21: {  	[tilespmem:$0x2F0] =	vst v1  }
0x22: {  	[tilespmem:$0x300] =	vst v1  }
0x23: {  	[tilespmem:$0x310] =	vst v1  }
0x24: {  	[tilespmem:$0x320] =	vst v1  }
0x25: {  	[tilespmem:$0x330] =	vst v1  }
0x26: {  	[tilespmem:$0x340] =	vst v1  }
0x27: {  	[tilespmem:$0x350] =	vst v1  }
0x28: {  	[tilespmem:$0x360] =	vst v1  }
0x29: {  	[tilespmem:$0x370] =	vst v1  }
0x2a: {  	[tilespmem:$0x380] =	vst v1  }
0x2b: {  	[tilespmem:$0x390] =	vst v1  }
0x2c: {  	[tilespmem:$0x3A0] =	vst v1  }
0x2d: {  	[tilespmem:$0x3B0] =	vst v1  }
0x2e: {  	[tilespmem:$0x3C0] =	vst v1  }
0x2f: {  	[tilespmem:$0x3D0] =	vst v1  }
0x30: {  	[tilespmem:$0x3E0] =	vst v1  }
0x31: {  	[tilespmem:$0x3F0] =	vst v1  }
0x32: {  	[tilespmem:$0x400] =	vst v1  }
0x33: {  	[tilespmem:$0x410] =	vst v1  }
0x34: {  	[tilespmem:$0x420] =	vst v1  }
0x35: {  	[tilespmem:$0x430] =	vst v1  }
0x36: {  	[tilespmem:$0x440] =	vst v1  }
0x37: {  	[tilespmem:$0x450] =	vst v1  }
0x38: {  	[tilespmem:$0x460] =	vst v1  }
0x39: {  	[tilespmem:$0x470] =	vst v1  }
0x3a: {  	[tilespmem:$0x480] =	vst v1  }
0x3b: {  	[tilespmem:$0x490] =	vst v1  }
0x3c: {  	[tilespmem:$0x4A0] =	vst v1  }
0x3d: {  	[tilespmem:$0x4B0] =	vst v1  }
0x3e: {  	[tilespmem:$0x4C0] =	vst v1  }
0x3f: {  	[tilespmem:$0x4D0] =	vst v1  }
0x40: {  	[tilespmem:$0x4E0] =	vst v1  }
0x41: {  	[spmem:s5] =	stream.linear.scatter [tilespmem:s12], [sflag:$0x3], $0x278, $0x38;
	[tilespmem:$0x778] =	vst v63  }
0x42: {  	_ =	swait.ge [sflag:s13], $0x278  }
0x43: {  	[sflag:s13] =	ssyncset.done $0x0  }
0x44: {  	[sflag:s13] =	ssyncadd.s32 $0xFFFFFD88  }
0x45: {  	[bflag:$0x0] =	sbarrier.arrive $0xFFFF  }
0x46: {  	[tilespmem:$0x200] =	vst v0  }
0x47: {  	[tilespmem:s14], [sflag:$0x3] =	stream.linear.gather [hbm4b:s4+s3], $0x10, $0x38;
	[tilespmem:$0x778] =	vst v63  }
0x48: {  	_ =	swait.ge [sflag:s13], $0x10  }
0x49: {  	[sflag:s13] =	ssyncset.done $0x0  }
0x4a: {  	[sflag:s13] =	ssyncadd.s32 $0xFFFFFFF0  }
0x4b: {  	[spmem:s2] =	stream.indirect.scatter.add.f32 [tilespmem:s16], [sflag:$0x3], $0x1, s14, s15, $0xb8;
	[tilespmem:$0x778] =	vst v63  }
0x4c: {  	_ =	swait.ge [sflag:s13], $0x10  }
0x4d: {  	[sflag:s13] =	ssyncset.done $0x0  }
0x4e: {  	[sflag:s13] =	ssyncadd.s32 $0xFFFFFFF0  }
0x4f: {  	[tilespmem:s3], [sflag:$0x3] =	stream.linear.gather [hbm4b:s6+s3], $0x80, $0x38;
	[tilespmem:$0x778] =	vst v63  }
0x50: {  	_ =	swait.ge [sflag:s13], $0x80  }
0x51: {  	[sflag:s13] =	ssyncset.done $0x0  }
0x52: {  	[sflag:s13] =	ssyncadd.s32 $0xFFFFFF80  }
0x53: {  	[spmem:s2] =	stream.indirect.scatter.add.f32 [tilespmem:s18], [sflag:$0x3], $0x1, s3, s17, $0xb8;
	[tilespmem:$0x778] =	vst v63  }
0x54: {  	_ =	swait.ge [sflag:s13], $0x80  }
0x55: {  	[sflag:s13] =	ssyncset.done $0x0  }
0x56: {  	[sflag:s13] =	ssyncadd.s32 $0xFFFFFF80  }
0x57: {  	[tilespmem:s3], [sflag:$0x1] =	stream.linear.gather [hbm4b:s7+s3], $0x80, $0x38;
	[tilespmem:$0x778] =	vst v63  }
0x58: {  	s22 =	sadd.s32 $0x0, s11  }
0x59: {  	[tilespmem:s17], [sflag:$0x2] =	stream.linear.gather [hbm4b:s22+s3], $0x80, $0x38;
	[tilespmem:$0x778] =	vst v63  }
0x5a: {  	_ =	swait.ge [sflag:s19], $0x80  }
0x5b: {  	[sflag:s19] =	ssyncset.done $0x0  }
0x5c: {  	[sflag:s19] =	ssyncadd.s32 $0xFFFFFF80  }
0x5d: {  	[spmem:s2] =	stream.indirect.scatter.add.f32 [tilespmem:s18], [sflag:$0x3], $0x1, s3, s17, $0xb8;
	[tilespmem:$0x778] =	vst v63  }
0x5e: {  	_ =	swait.ge [sflag:s13], $0x80  }
0x5f: {  	[sflag:s13] =	ssyncset.done $0x0  }
0x60: {  	s31 =	sadd.s32 $0x0, s10;
	[sflag:s13] =	ssyncadd.s32 $0xFFFFFF80  }
0x61: {  	[tilespmem:s3], [sflag:$0x1] =	stream.linear.gather [hbm4b:s31+s3], $0x80, $0x38;
	[tilespmem:$0x778] =	vst v63  }
0x62: {  	_ =	swait.ge [sflag:s20], $0x80  }
0x63: {  	[sflag:s20] =	ssyncset.done $0x0  }
0x64: {  	[sflag:s20] =	ssyncadd.s32 $0xFFFFFF80  }
0x65: {  	[spmem:s2] =	stream.indirect.scatter.add.f32 [tilespmem:s18], [sflag:$0x3], $0x1, s17, s17, $0xb8;
	[tilespmem:$0x778] =	vst v63  }
0x66: {  	_ =	swait.ge [sflag:s13], $0x80  }
0x67: {  	s23 =	simm.s32 $0x40;
	s22 =	simm.s32 $0x20;
	[sflag:s13] =	ssyncset.done $0x0  }
.LBB2_2:
0x68: {  	s24 =	sadd.s32 s22, s11  }
0x69: {  	[sflag:s13] =	ssyncadd.s32 $0xFFFFFF80;
	s25 =	smov.u32 s23;
	s26 =	sadd.s32 $0x20, s23  }
0x6a: {  	[tilespmem:s17], [sflag:$0x2] =	stream.linear.gather [hbm4b:s24+s3], $0x80, $0x38;
	[tilespmem:$0x778] =	vst v63  }
0x6b: {  	p0 =	sne.s32 s23, $0x4A0;
	_ =	swait.ge [sflag:s19], $0x80  }
0x6c: {  	[sflag:s19] =	ssyncset.done $0x0  }
0x6d: {  	[sflag:s19] =	ssyncadd.s32 $0xFFFFFF80  }
0x6e: {  	[spmem:s2] =	stream.indirect.scatter.add.f32 [tilespmem:s18], [sflag:$0x3], $0x1, s3, s17, $0xb8;
	[tilespmem:$0x778] =	vst v63  }
0x6f: {  	_ =	swait.ge [sflag:s13], $0x80  }
0x70: {  	[sflag:s13] =	ssyncset.done $0x0  }
0x71: {  	s23 =	sadd.s32 s22, s10;
	s22 =	smov.u32 s25;
	[sflag:s13] =	ssyncadd.s32 $0xFFFFFF80  }
0x72: {  	[tilespmem:s3], [sflag:$0x1] =	stream.linear.gather [hbm4b:s23+s3], $0x80, $0x38;
	[tilespmem:$0x778] =	vst v63  }
0x73: {  	_ =	swait.ge [sflag:s20], $0x80  }
.Ltmp0:
0x74: {  	[sflag:s20] =	ssyncset.done $0x0;
	(pc) =	sbr.rel @p0 .LBB2_2-.Ltmp0, $4  }
0x75: {  	[sflag:s20] =	ssyncadd.s32 $0xFFFFFF80  }
0x76: {  	[spmem:s2] =	stream.indirect.scatter.add.f32 [tilespmem:s18], [sflag:$0x3], $0x1, s17, s17, $0xb8;
	[tilespmem:$0x778] =	vst v63  }
0x77: {  	_ =	swait.ge [sflag:s13], $0x80  }
0x78: {  	s23 =	smov.u32 s26;
	[sflag:s13] =	ssyncset.done $0x0  }
0x79: {  	s23 =	sadd.s32 s22, s11;
	[sflag:s13] =	ssyncadd.s32 $0xFFFFFF80  }
0x7a: {  	[tilespmem:s17], [sflag:$0x2] =	stream.linear.gather [hbm4b:s23+s3], $0x80, $0x38;
	[tilespmem:$0x778] =	vst v63  }
0x7b: {  	_ =	swait.ge [sflag:s19], $0x80  }
0x7c: {  	[sflag:s19] =	ssyncset.done $0x0  }
0x7d: {  	[sflag:s19] =	ssyncadd.s32 $0xFFFFFF80  }
0x7e: {  	[spmem:s2] =	stream.indirect.scatter.add.f32 [tilespmem:s18], [sflag:$0x3], $0x1, s3, s17, $0xb8;
	[tilespmem:$0x778] =	vst v63  }
0x7f: {  	_ =	swait.ge [sflag:s13], $0x80  }
0x80: {  	[sflag:s13] =	ssyncset.done $0x0  }
0x81: {  	s31 =	sadd.s32 s22, s10;
	[sflag:s13] =	ssyncadd.s32 $0xFFFFFF80  }
0x82: {  	[tilespmem:s3], [sflag:$0x1] =	stream.linear.gather [hbm4b:s31+s3], $0x80, $0x38;
	[tilespmem:$0x778] =	vst v63  }
0x83: {  	_ =	swait.ge [sflag:s20], $0x80  }
0x84: {  	[sflag:s20] =	ssyncset.done $0x0  }
0x85: {  	[sflag:s20] =	ssyncadd.s32 $0xFFFFFF80  }
0x86: {  	[spmem:s2] =	stream.indirect.scatter.add.f32 [tilespmem:s18], [sflag:$0x3], $0x1, s17, s17, $0xb8;
	[tilespmem:$0x778] =	vst v63  }
0x87: {  	_ =	swait.ge [sflag:s13], $0x80  }
0x88: {  	[sflag:s13] =	ssyncset.done $0x0  }
0x89: {  	[sflag:s13] =	ssyncadd.s32 $0xFFFFFF80  }
0x8a: {  	_ =	swait.ge [sflag:s19], $0x80  }
0x8b: {  	[sflag:s19] =	ssyncset.done $0x0  }
0x8c: {  	[sflag:s19] =	ssyncadd.s32 $0xFFFFFF80  }
0x8d: {  	[spmem:s2] =	stream.indirect.scatter.add.f32 [tilespmem:s18], [sflag:$0x3], $0x1, s3, s17, $0xb8;
	[tilespmem:$0x778] =	vst v63  }
0x8e: {  	_ =	swait.ge [sflag:s13], $0x80  }
0x8f: {  	[sflag:s13] =	ssyncset.done $0x0  }
0x90: {  	[sflag:s13] =	ssyncadd.s32 $0xFFFFFF80  }
0x91: {  	[bflag:$0x0] =	sbarrier.arrive $0xFFFF  }
0x92: {  	[tilespmem:s12], [sflag:$0x3] =	stream.linear.gather [spmem:s5], $0x278, $0x38;
	[tilespmem:$0x778] =	vst v63  }
0x93: {  	s21 =	sadd.s32 $0x1, s21;
	_ =	swait.ge [sflag:s13], $0x278  }
0x94: {  	p0 =	sne.s32 s21, s9;
	[sflag:s13] =	ssyncset.done $0x0  }
.Ltmp1:
0x95: {  	[sflag:s13] =	ssyncadd.s32 $0xFFFFFD88;
	(pc) =	sbr.rel @p0 .LBB2_1-.Ltmp1, $4  }
0x96: {  	[hbm4b:s8+s3] =	stream.linear.scatter [tilespmem:s12], [sflag:$0x3], $0x278, $0x38;
	[tilespmem:$0x778] =	vst v63  }
0x97: {  	_ =	swait.ge [sflag:s13], $0x278  }
0x98: {  	[sflag:s13] =	ssyncset.done $0x0  }
0x99: {  	[sflag:s13] =	ssyncadd.s32 $0xFFFFFD88  }
0x9a: {  	_ =	sfence.sel $0x180000  }
0x9b: {  	[bflag:$0x0] =	sbarrier.arrive $0xFFFF  }
0x9c: {  	p0 =	sne.s32 s1, $0x0;
	_ =	strace $0x90000047  }
0x9d: {  	s0 =	sadd.s32 @!p0 $0x100000, s0;
	[bflag:$0x2] =	sbarrier.arrive $0xFFFF  }
0x9e: {  	[sflag:s0] =	ssyncadd.tile.s32 @!p0 $0x1;
	_ =	shalt  }
.Lfunc_end2:
_tile_overlayer_lowered:
.L_overlay_start_2:
0x9f: {  	(tag) =	ssettag $0x2  }
0xa0: {  	s0 =	rddreg [dreg:$0x0];
	s2 =	stileid.u32  }
0xa1: {  	s1 =	rddreg [dreg:$0x1];
	p0 =	sne.s32 s2, $0x0  }
0xa2: {  	s3 =	rddreg [dreg:$0x2];
	[bflag:$0x3] =	sbarrier.arrive $0xFFFF;
	s2 =	simm.s32 @!p0 $0x1C03  }
0xa3: {  	[timem:s3], [sflag:s2] =	dma.local @!p0 [hbm:s0], s1  }
0xa4: {  	s0 =	simm.s32 @!p0 $0x3  }
0xa5: {  	_ =	swait.ge @!p0 [sflag:s0], s1  }
0xa6: {  	s1 =	ssub.s32 @!p0 $0x0, s1;
	[sflag:s0] =	ssyncset.done @!p0 $0x0  }
0xa7: {  	[sflag:s0] =	ssyncadd.s32 @!p0 s1  }
0xa8: {  	[bflag:$0x3] =	sbarrier.arrive $0xFFFF  }
0xa9: {  	_ =	shalt  }

// kernel: kernel.14.cloned.1.call-start
scs
__scs_entry_jumppad:
0x0: {  	(pc) =	sbr.rel $0x88, $3  }
0x1: {  	(tag) =	ssettag $0x0;
	lr =	simm.s32 $0x1  }
0x2: {  	[smem:$0x3F99] =	sst lr;
	_ =	strace $0xD0000000  }
0x3: {  	_ = 	snop  }
0x4: {  	_ = 	snop  }
0x5: {  	_ = 	snop  }
0x6: {  	_ = 	snop  }
0x7: {  	_ = 	snop  }
__scs_overlays_trampoline_lowered:
0x8: {  	[smem:$0x3FA8] =	sst s0  }
0x9: {  	[smem:$0x3FA9] =	sst s1  }
0xa: {  	[smem:$0x3FAA] =	sst s2  }
0xb: {  	[smem:$0x3FAB] =	sst s3  }
0xc: {  	[smem:$0x3FAC] =	sst s4  }
0xd: {  	[smem:$0x3FAD] =	sst s5  }
0xe: {  	[smem:$0x3FAE] =	sst s6  }
0xf: {  	[smem:$0x3FAF] =	sst s7  }
0x10: {  	[smem:$0x3FB0] =	sst s8  }
0x11: {  	[smem:$0x3FB1] =	sst s9;
	s0 =	simm.s32 @!p0 $0x0  }
0x12: {  	s1 =	sld [smem:$0x3F97];
	s0 =	simm.s32 @p0 $0x1  }
0x13: {  	[smem:$0x3FB2] =	sst s0;
	s0 =	simm.s32 @!p1 $0x0  }
0x14: {  	s2 =	sld [smem:$0x3F96];
	s0 =	simm.s32 @p1 $0x1  }
0x15: {  	[smem:$0x3FB3] =	sst s0;
	s0 =	simm.s32 @!p2 $0x0  }
0x16: {  	s3 =	sld [smem:$0x3FDB];
	s0 =	simm.s32 @p2 $0x1  }
0x17: {  	s4 =	simm.s32 $0x1BF5;
	[smem:$0x3FB5] =	sst s0  }
0x18: {  	s0 =	sld [smem:$0x3F98];
	_ =	swait.ge [sflag:s4], $0x0  }
0x19: {  	s7 =	sld [smem:$0x3F99]  }
0x1a: {  	s8 =	sadd.s32 $0xFFFFE003, lr  }
0x1b: {  	s9 =	sadd.s32 $0xFFFFFEF7, lr;
	s5 =	simm.s32 $0xFFFFFFFF;
	p2 =	slt.u32 s8, $0xFFFFF086  }
0x1c: {  	p1 =	slt.u32 s9, $0xF7A;
	s5 =	simm.s32 @!p2 $0x0  }
0x1d: {  	s5 =	simm.s32 @p1 $0x1;
	p0 =	seq.s32 s7, s2  }
0x1e: {  	s7 =	smul.u32 @!p0 $0xF7A, s2;
	p2 =	seq.s32 @!p0 s5, $0x0  }
0x1f: {  	s9 =	smul.u32 $0xF7A, s1;
	s8 =	simm.s32 @!p0 $0x1BF5;
	p2 =	por !p2, p0  }
0x20: {  	[sflag:s8] =	ssyncset.s32 @!p0 $0xFFFFF086;
	s6 =	sadd.s32 @!p0 s3, s7;
	s7 =	simm.s32 @!p0 $0x108  }
0x21: {  	s3 =	sadd.s32 s3, s9;
	s6 =	sadd.s32 @!p0 $0x88, s6;
	s7 =	simm.s32 @p2 $0x1082  }
0x22: {  	[simem:s7], [sflag:s8] =	dma.local @!p0 [hbm:s6], $0xF7A  }
0x23: {  	s9 =	sor.u32 $0xD0000000, s2;
	s6 =	simm.s32 $0x108;
	_ =	swait.ge @!p0 [sflag:s8], $0x0  }
0x24: {  	s3 =	sadd.s32 $0x88, s3;
	s6 =	simm.s32 @!p1 $0x1082;
	[sflag:s4] =	ssyncset.s32 $0xFFFFF086  }
0x25: {  	[simem:s6], [sflag:s4] =	dma.local [hbm:s3], $0xF7A  }
0x26: {  	[smem:$0x3F99] =	sst s1;
	(tag) =	ssettag s2;
	_ =	strace s9  }
0x27: {  	s1 =	sld [smem:$0x3FA9]  }
0x28: {  	s2 =	sld [smem:$0x3FAA]  }
0x29: {  	s4 =	sld [smem:$0x3FAC]  }
0x2a: {  	p0 =	seq.s32 s5, $0x0;
	s5 =	sld [smem:$0x3FAD]  }
0x2b: {  	s6 =	sld [smem:$0x3FAE]  }
0x2c: {  	s7 =	sld [smem:$0x3FAF]  }
0x2d: {  	s3 =	simm.s32 $0x108;
	s8 =	sld [smem:$0x3FB0]  }
0x2e: {  	s3 =	simm.s32 @!p0 $0x1082;
	s9 =	sld [smem:$0x3FB1]  }
0x2f: {  	lr =	sadd.s32 s0, s3;
	s0 =	sld [smem:$0x3FA8]  }
0x30: {  	s3 =	sld [smem:$0x3FAB]  }
0x31: {  	[smem:$0x3FB4] =	sst s10  }
0x32: {  	s10 =	sld [smem:$0x3FB2];
	_ =	sdelay $0x3  }
0x33: {  	p0 =	seq.s32 s10, $0x1;
	s10 =	sld [smem:$0x3FB4];
	_ =	sdelay $0x3  }
0x34: {  	[smem:$0x3FB4] =	sst s10  }
0x35: {  	s10 =	sld [smem:$0x3FB3];
	_ =	sdelay $0x3  }
0x36: {  	p1 =	seq.s32 s10, $0x1;
	s10 =	sld [smem:$0x3FB4];
	_ =	sdelay $0x3  }
0x37: {  	[smem:$0x3FB4] =	sst s10  }
0x38: {  	s10 =	sld [smem:$0x3FB5]  }
0x39: {  	_ = 	snop;
	(pc) =	sbr.ind lr, $3  }
0x3a: {  	_ = 	snop  }
0x3b: {  	_ = 	snop  }
0x3c: {  	p2 =	seq.s32 s10, $0x1;
	s10 =	sld [smem:$0x3FB4]  }
0x3d: {  	_ =	shalt  }
0x3e: {  	_ =	shalt  }
0x3f: {  	_ =	shalt  }
0x40: {  	_ =	shalt  }
0x41: {  	_ =	shalt  }
0x42: {  	_ =	shalt  }
0x43: {  	_ =	shalt  }
0x44: {  	_ =	shalt  }
0x45: {  	_ =	shalt  }
0x46: {  	_ =	shalt  }
0x47: {  	_ =	shalt  }
0x48: {  	_ =	shalt  }
0x49: {  	_ =	shalt  }
0x4a: {  	_ =	shalt  }
0x4b: {  	_ =	shalt  }
0x4c: {  	_ =	shalt  }
0x4d: {  	_ =	shalt  }
0x4e: {  	_ =	shalt  }
0x4f: {  	_ =	shalt  }
0x50: {  	_ =	shalt  }
0x51: {  	_ =	shalt  }
0x52: {  	_ =	shalt  }
0x53: {  	_ =	shalt  }
0x54: {  	_ =	shalt  }
0x55: {  	_ =	shalt  }
0x56: {  	_ =	shalt  }
0x57: {  	_ =	shalt  }
0x58: {  	_ =	shalt  }
0x59: {  	_ =	shalt  }
0x5a: {  	_ =	shalt  }
0x5b: {  	_ =	shalt  }
0x5c: {  	_ =	shalt  }
0x5d: {  	_ =	shalt  }
0x5e: {  	_ =	shalt  }
0x5f: {  	_ =	shalt  }
0x60: {  	_ =	shalt  }
0x61: {  	_ =	shalt  }
0x62: {  	_ =	shalt  }
0x63: {  	_ =	shalt  }
0x64: {  	_ =	shalt  }
0x65: {  	_ =	shalt  }
0x66: {  	_ =	shalt  }
0x67: {  	_ =	shalt  }
0x68: {  	_ =	shalt  }
0x69: {  	_ =	shalt  }
0x6a: {  	_ =	shalt  }
0x6b: {  	_ =	shalt  }
0x6c: {  	_ =	shalt  }
0x6d: {  	_ =	shalt  }
0x6e: {  	_ =	shalt  }
0x6f: {  	_ =	shalt  }
0x70: {  	_ =	shalt  }
0x71: {  	_ =	shalt  }
0x72: {  	_ =	shalt  }
0x73: {  	_ =	shalt  }
0x74: {  	_ =	shalt  }
0x75: {  	_ =	shalt  }
0x76: {  	_ =	shalt  }
0x77: {  	_ =	shalt  }
0x78: {  	_ =	shalt  }
0x79: {  	_ =	shalt  }
0x7a: {  	_ =	shalt  }
0x7b: {  	_ =	shalt  }
0x7c: {  	_ =	shalt  }
0x7d: {  	_ =	shalt  }
0x7e: {  	_ =	shalt  }
0x7f: {  	_ =	shalt  }
0x80: {  	_ =	shalt  }
0x81: {  	_ =	shalt  }
0x82: {  	_ =	shalt  }
0x83: {  	_ =	shalt  }
0x84: {  	_ =	shalt  }
0x85: {  	_ =	shalt  }
0x86: {  	_ =	shalt  }
0x87: {  	_ =	shalt  }
.Lfunc_end0:
.L_simem_size_0:
called_computation.1_lowered:
.L_overlay_start_0:
0x88: {  	s2 =	sld [smem:$0x3FD9]  }
0x89: {  	s3 =	sld [smem:$0x3FFE];
	_ =	sdelay $0x1  }
0x8a: {  	s1 =	srdreg.scid  }
0x8b: {  	s0 =	sand.u32 $0x1, s1  }
0x8c: {  	s17 =	sshll.u32 s0, $0xA;
	s2 =	sadd.s32 s3, s2  }
0x8d: {  	s2 =	sadd.s32 s2, s17  }
0x8e: {  	[smem:$0x3FC0] =	sst s2  }
0x8f: {  	_ = 	snop  }
0x90: {  	s2 =	sld [smem:$0x3FD0];
	(tm) =	ssettm $0x1  }
0x91: {  	s18 =	sld [smem:$0x3FFB];
	_ =	sdelay $0x3  }
0x92: {  	_ =	strace s18  }
0x93: {  	s3 =	sld [smem:$0x3FFC];
	_ =	sdelay $0x3  }
0x94: {  	_ =	strace s3  }
0x95: {  	s3 =	sld [smem:$0x3FFD];
	_ =	sdelay $0x3  }
0x96: {  	_ =	strace s3  }
0x97: {  	_ =	strace $0x8FFFFFFF  }
0x98: {  	s19 =	sld [smem:$0x3FDB];
	_ =	sdelay $0x1  }
0x99: {  	s4 =	simm.s32 $_scs_section_size  }
0x9a: {  	s5 =	simm.s32 $_size__tile_overlayer_lowered;
	s6 =	simm.s32 $_tile_overlayer_lowered  }
0x9b: {  	s22 =	simm.s32 $0x1BFF;
	s21 =	sshll.u32 s6, $0x1;
	s3 =	sadd.s32 s4, s19  }
0x9c: {  	s7 =	simm.s32 $0x0;
	s20 =	sshll.u32 s5, $0x1;
	s5 =	sadd.s32 s21, s3  }
0x9d: {  	[timem:s7], [sflag:s22] =	dma.local [hbm:s5], s20  }
0x9e: {  	_ =	swait.ge [sflag:s22], s20  }
0x9f: {  	s4 =	ssub.s32 $0x0, s20;
	[sflag:s22] =	ssyncset.done $0x0  }
0xa0: {  	[sflag:s22] =	ssyncadd.s32 s4;
	_ =	sdelay $0x1  }
0xa1: {  	s23 =	simm.s32 $0x1B8B  }
0xa2: {  	_ =	swait.ge [sflag:s23], $0x1  }
0xa3: {  	[sflag:s23] =	ssyncset.done $0x0  }
0xa4: {  	s25 =	simm.s32 $0x1B8E;
	s24 =	sld [smem:$0x3FFE];
	[sflag:s23] =	ssyncadd.s32 $0xFFFFFFFF  }
0xa5: {  	s26 =	simm.s32 $execute0_lowered;
	[smem:$0x3FD2] =	sst s25  }
0xa6: {  	s5 =	sshll.u32 s26, $0x1;
	_ =	strace $0x80000049;
	[dreg:$0x1] =	wrdreg $0xFFFFFFFF  }
0xa7: {  	s28 =	simm.s32 $_size_execute0_lowered;
	s3 =	sadd.s32 s3, s5;
	[dreg:$0x0] =	wrdreg $0x0  }
0xa8: {  	s5 =	sshll.u32 s28, $0x1;
	[dreg:$0x2] =	wrdreg s3  }
0xa9: {  	[dreg:$0x3] =	wrdreg s5  }
0xaa: {  	[dreg:$0x4] =	wrdreg $0xC0  }
0xab: {  	_ =	task [dreg:s7], $0x5FFFF  }
0xac: {  	[dreg:$0x1] =	wrdreg $0xFFFFFFFF  }
0xad: {  	[dreg:$0x0] =	wrdreg $0x60  }
0xae: {  	[dreg:$0x2] =	wrdreg s2  }
0xaf: {  	[dreg:$0x3] =	wrdreg s24  }
0xb0: {  	[dreg:$0x4] =	wrdreg $0xB1800  }
0xb1: {  	[dreg:$0x5] =	wrdreg $0x9  }
0xb2: {  	_ =	task.clear_ibuf [dreg:s7], $0x6FFFF;
	_ =	strace $0x90000049  }
0xb3: {  	s29 =	simm.s32 $0x9;
	_ =	strace $0x8000004B  }
0xb4: {  	_ =	swait.ge [sflag:s29], $0x1  }
0xb5: {  	[sflag:s29] =	ssyncadd.s32 $0xFFFFFFFF  }
0xb6: {  	_ =	strace $0x9000004B  }
0xb7: {  	_ =	sfence  }
0xb8: {  	s30 =	sld [smem:$0x0];
	_ =	sdelay $0x2  }
0xb9: {  	s31 =	sshll.u32 s1, $0xD;
	s1 =	sshrl.u32 s1, $0x2  }
0xba: {  	s3 =	sand.u32 $0x4000, s31;
	s1 =	sadd.s32 s1, s30  }
0xbb: {  	s0 =	sor.u32 s3, s0;
	s1 =	sshll.u32 s1, $0x11  }
0xbc: {  	s0 =	sor.u32 s1, s0  }
0xbd: {  	s0 =	sadd.s32 $0x8F2B, s0  }
0xbe: {  	[sflag:s0] =	ssyncadd.remote.s32 $0x1  }
0xbf: {  	_ =	sfence.sel $0xFFFF  }
0xc0: {  	[dreg:$0x0] =	wrdreg $0xFFFFFFFF;
	(pc) =	sbr.abs _section_cstart, $3  }
0xc1: {  	[dreg:$0x1] =	wrdreg $0xFFFFFFFF  }
0xc2: {  	_ =	task.clear_ibuf [dreg:s7], $0x2FFFF;
	_ =	strace $0x9FFFFFFF  }
0xc3: {  	(tm) =	ssettm $0x7FFFFFFF  }
tec
execute0_lowered:
.L_overlay_start_1:
0x0: {  	(tag) =	ssettag $0x1  }
0x1: {  	s0 =	rddreg [dreg:$0x0]  }
0x2: {  	s1 =	srdreg.scid;
	s2 =	rddreg [dreg:$0x1]  }
0x3: {  	s3 =	rddreg [dreg:$0x2];
	s20 =	stileid.u32  }
0x4: {  	s4 =	simm.s32 $0x0;
	s28 =	simm.s32 $0x2900;
	s29 =	simm.s32 $0x10  }
0x5: {  	s30 =	simm.s32 $0x2980;
	s31 =	simm.s32 $0x2780;
	s12 =	smul.u32 $0x280, s20  }
0x6: {  	s1 =	sand.u32 $0x1, s1;
	[smem:$0x7FF] =	sst s4;
	s8 =	smul.u32 $0x50000, s20  }
0x7: {  	s13 =	sadd.s32 $0xE600, s2;
	s5 =	sshll.u32 s1, $0x4;
	s18 =	ssub.s32 $0x2, s1  }
0x8: {  	_ =	strace $0x8000004A;
	s5 =	sor.u32 s20, s5;
	s7 =	sshrl.u32 s18, $0x1  }
0x9: {  	s19 =	sshrl.u32 s8, $0x2;
	s15 =	sadd.s32 $0x80, s12;
	s16 =	sadd.s32 $0x100, s12  }
0xa: {  	s17 =	sadd.s32 $0x180, s12;
	s5 =	smul.u32 $0x2710, s5;
	s14 =	ssub.s32 s18, s7  }
0xb: {  	s21 =	sshll.u32 s15, $0x7;
	s22 =	sshll.u32 s16, $0x7;
	s9 =	sshll.u32 s17, $0x7  }
0xc: {  	s18 =	sadd.s32 $0x200, s12;
	s7 =	sadd.s32 s21, s3;
	s8 =	sadd.s32 s22, s3  }
0xd: {  	s9 =	sadd.s32 s9, s3;
	s10 =	sshll.u32 s18, $0x7;
	s11 =	sshrl.u32 s5, $0x3  }
0xe: {  	s10 =	sadd.s32 s10, s3;
	s6 =	sadd.s32 s11, s2;
	s2 =	sadd.s32 $0x3F600, s2  }
0xf: {  	s21 =	sadd.s32 s13, s11;
	s5 =	sadd.s32 $0x4800, s6;
	s6 =	sadd.s32 s19, s3  }
0x10: {  	s19 =	smul.u32 $0x2800, s1;
	s24 =	sadd.s32 $0x2, s21;
	[dreg:$0x4] =	wrdreg s21  }
0x11: {  	s26 =	sadd.s32 $0x12, s21;
	s1 =	smul.u32 $0x27100, s1;
	[dreg:$0x5] =	wrdreg s24  }
0x12: {  	s21 =	smul.u32 $0x2710, s20;
	[dreg:$0x6] =	wrdreg s26;
	s26 =	smax.u32 s14, $0x1  }
0x13: {  	s14 =	simm.s32 $0x4;
	s23 =	sadd.s32 s12, s19;
	s25 =	sadd.s32 s19, s15  }
0x14: {  	s16 =	sadd.s32 s19, s16;
	s17 =	sadd.s32 s19, s17;
	s1 =	sadd.s32 s21, s1  }
0x15: {  	[dreg:$0xc] =	wrdreg s26;
	s26 =	simm.s32 $0x5;
	s12 =	simm.s32 $0x2800  }
0x16: {  	s11 =	sshll.u32 s23, $0x4;
	s15 =	sshll.u32 s25, $0x4;
	s22 =	sshll.u32 s17, $0x4  }
0x17: {  	s23 =	sadd.s32 s19, s18;
	s25 =	sadd.s32 $0x190, s1;
	s1 =	sadd.s32 $0x110, s1  }
0x18: {  	s11 =	sadd.s32 s2, s11;
	s24 =	sshll.u32 s23, $0x4;
	s1 =	sshrl.u32 s1, $0x3  }
0x19: {  	s23 =	simm.s32 $0x3;
	[dreg:$0x7] =	wrdreg s11;
	s11 =	sadd.s32 s2, s15  }
0x1a: {  	s21 =	sadd.s32 s1, s13;
	[dreg:$0x8] =	wrdreg s11;
	s11 =	sshll.u32 s16, $0x4  }
0x1b: {  	s1 =	simm.s32 $0x80;
	s15 =	simm.s32 $0x0;
	s11 =	sadd.s32 s2, s11  }
0x1c: {  	[dreg:$0x9] =	wrdreg s11;
	s11 =	sadd.s32 s2, s22;
	s2 =	sadd.s32 s2, s24  }
0x1d: {  	s22 =	simm.s32 $0x3180;
	s24 =	simm.s32 $0x1;
	[dreg:$0xa] =	wrdreg s11  }
0x1e: {  	[dreg:$0xb] =	wrdreg s2;
	s2 =	sshrl.u32 s25, $0x3;
	s25 =	simm.s32 $0x2880  }
0x1f: {  	v0 =	vimm.f32 $0.0e+00;
	s20 =	sadd.s32 s2, s13;
	s2 =	simm.s32 $0x7180;
	s13 =	simm.s32 $0x2  }
.LBB2_1:
0x20: {  	[tilespmem:s4], [sflag:$0x3] =	stream.linear.gather [hbm4b:s5+s4], $0x2710, $0x38;
	[tilespmem:$0x1F180] =	vst v63  }
0x21: {  	s11 =	simm.s32 $0x0;
	s16 =	simm.s32 $0x200  }
.LBB2_2:
0x22: {  	p0 =	sne.s32 s16, $0xFE00;
	[tilespmem:s11+$0x31F0] =	vst v0  }
0x23: {  	[tilespmem:s11+$0x3180] =	vst v0  }
0x24: {  	[tilespmem:s11+$0x3190] =	vst v0  }
.Ltmp0:
0x25: {  	[tilespmem:s11+$0x31A0] =	vst v0;
	(pc) =	sbr.rel @p0 .LBB2_2-.Ltmp0, $4  }
0x26: {  	[tilespmem:s11+$0x31B0] =	vst v0  }
0x27: {  	[tilespmem:s11+$0x31C0] =	vst v0  }
0x28: {  	[tilespmem:s11+$0x31D0] =	vst v0  }
0x29: {  	[tilespmem:s11+$0x31E0] =	vst v0;
	s11 =	sshra.s32 s16, $0x2;
	s16 =	sadd.s32 $0x200, s16  }
0x2a: {  	[tilespmem:s11+$0x31F0] =	vst v0  }
0x2b: {  	[tilespmem:s11+$0x3180] =	vst v0  }
0x2c: {  	[tilespmem:s11+$0x3190] =	vst v0  }
0x2d: {  	[tilespmem:s11+$0x31A0] =	vst v0  }
0x2e: {  	[tilespmem:s11+$0x31B0] =	vst v0  }
0x2f: {  	[tilespmem:s11+$0x31C0] =	vst v0  }
0x30: {  	[tilespmem:s11+$0x31D0] =	vst v0  }
0x31: {  	[tilespmem:s11+$0x31E0] =	vst v0  }
0x32: {  	[spmem:s6] =	stream.linear.scatter [tilespmem:s22], [sflag:$0x1], $0x4000, $0x38;
	[tilespmem:$0x1F180] =	vst v63  }
0x33: {  	_ = 	snop  }
0x34: {  	[spmem:s7] =	stream.linear.scatter [tilespmem:s22], [sflag:$0x1], $0x4000, $0x38;
	[tilespmem:$0x1F180] =	vst v63  }
0x35: {  	_ = 	snop  }
0x36: {  	[spmem:s8] =	stream.linear.scatter [tilespmem:s22], [sflag:$0x1], $0x4000, $0x38;
	[tilespmem:$0x1F180] =	vst v63  }
0x37: {  	_ = 	snop  }
0x38: {  	[spmem:s9] =	stream.linear.scatter [tilespmem:s22], [sflag:$0x1], $0x4000, $0x38;
	[tilespmem:$0x1F180] =	vst v63  }
0x39: {  	_ = 	snop  }
0x3a: {  	[spmem:s10] =	stream.linear.scatter [tilespmem:s22], [sflag:$0x1], $0x4000, $0x38;
	[tilespmem:$0x1F180] =	vst v63  }
0x3b: {  	_ =	swait.ge [sflag:s23], $0x2710  }
0x3c: {  	[sflag:s23] =	ssyncset.done $0x0  }
0x3d: {  	[sflag:s23] =	ssyncadd.s32 $0xFFFFD8F0  }
0x3e: {  	_ =	swait.ge [sflag:s24], $0x4000  }
0x3f: {  	[sflag:s24] =	ssyncset.done $0x0  }
0x40: {  	[sflag:s24] =	ssyncadd.s32 $0xFFFFC000  }
0x41: {  	_ =	swait.ge [sflag:s24], $0x4000  }
0x42: {  	[sflag:s24] =	ssyncset.done $0x0  }
0x43: {  	[sflag:s24] =	ssyncadd.s32 $0xFFFFC000  }
0x44: {  	_ =	swait.ge [sflag:s24], $0x4000  }
0x45: {  	[sflag:s24] =	ssyncset.done $0x0  }
0x46: {  	[sflag:s24] =	ssyncadd.s32 $0xFFFFC000  }
0x47: {  	_ =	swait.ge [sflag:s24], $0x4000  }
0x48: {  	[sflag:s24] =	ssyncset.done $0x0  }
0x49: {  	[sflag:s24] =	ssyncadd.s32 $0xFFFFC000  }
0x4a: {  	_ =	swait.ge [sflag:s24], $0x4000  }
0x4b: {  	[sflag:s24] =	ssyncset.done $0x0  }
0x4c: {  	[sflag:s24] =	ssyncadd.s32 $0xFFFFC000  }
0x4d: {  	[bflag:$0x0] =	sbarrier.arrive $0xFFFF  }
0x4e: {  	s11 =	simm.s32 $0x0;
	s16 =	rddreg [dreg:$0x4]  }
0x4f: {  	[tilespmem:s25], [sflag:$0x5] =	stream.linear.gather [hbm4b:s16+s11], $0x10, $0x38;
	[tilespmem:$0x1F180] =	vst v63  }
0x50: {  	_ =	swait.ge [sflag:s26], $0x10  }
0x51: {  	[sflag:s26] =	ssyncset.done $0x0  }
0x52: {  	[sflag:s26] =	ssyncadd.s32 $0xFFFFFFF0  }
0x53: {  	[tilespmem:s28], [sflag:$0x5] =	stream.linear.gather [hbm4b:s5+s11], $0x10, $0x38;
	[tilespmem:$0x1F180] =	vst v63  }
0x54: {  	_ =	swait.ge [sflag:s26], $0x10  }
0x55: {  	[sflag:s26] =	ssyncset.done $0x0  }
0x56: {  	[sflag:s26] =	ssyncadd.s32 $0xFFFFFFF0  }
0x57: {  	[tilespmem:s30], [sflag:$0x1] =	stream.indirect.gather [hbm4b:s0+s29], $0x80, s28, s29, $0xb8;
	[tilespmem:$0x1F180] =	vst v63  }
0x58: {  	_ =	swait.ge [sflag:s24], $0x800  }
0x59: {  	[sflag:s24] =	ssyncset.done $0x0  }
0x5a: {  	[sflag:s24] =	ssyncadd.s32 $0xFFFFF800  }
0x5b: {  	[spmem:s3] =	stream.indirect.scatter.add.f32 [tilespmem:s30], [sflag:$0x5], $0x80, s25, s29, $0xb8;
	[tilespmem:$0x1F180] =	vst v63  }
0x5c: {  	_ =	swait.ge [sflag:s26], $0x800  }
0x5d: {  	[sflag:s26] =	ssyncset.done $0x0  }
0x5e: {  	s17 =	rddreg [dreg:$0x5];
	[sflag:s26] =	ssyncadd.s32 $0xFFFFF800  }
0x5f: {  	[tilespmem:s31], [sflag:$0x5] =	stream.linear.gather [hbm4b:s17+s11], $0x80, $0x38;
	[tilespmem:$0x1F180] =	vst v63  }
0x60: {  	_ =	swait.ge [sflag:s26], $0x80  }
0x61: {  	[sflag:s26] =	ssyncset.done $0x0  }
0x62: {  	[sflag:s26] =	ssyncadd.s32 $0xFFFFFF80  }
0x63: {  	[tilespmem:s22], [sflag:$0x1] =	stream.indirect.gather [hbm4b:s0+s1], $0x80, s29, s1, $0xb8;
	[tilespmem:$0x1F180] =	vst v63  }
0x64: {  	_ =	swait.ge [sflag:s24], $0x4000  }
0x65: {  	[sflag:s24] =	ssyncset.done $0x0  }
0x66: {  	[sflag:s24] =	ssyncadd.s32 $0xFFFFC000  }
0x67: {  	[spmem:s3] =	stream.indirect.scatter.add.f32 [tilespmem:s22], [sflag:$0x5], $0x80, s31, s1, $0xb8;
	[tilespmem:$0x1F180] =	vst v63  }
0x68: {  	_ =	swait.ge [sflag:s26], $0x4000  }
0x69: {  	[sflag:s26] =	ssyncset.done $0x0  }
0x6a: {  	s18 =	simm.s32 $0x90;
	[sflag:s26] =	ssyncadd.s32 $0xFFFFC000  }
0x6b: {  	[tilespmem:s22], [sflag:$0x1] =	stream.indirect.gather [hbm4b:s0+s1], $0x80, s18, s1, $0xb8;
	[tilespmem:$0x1F180] =	vst v63  }
0x6c: {  	s19 =	rddreg [dreg:$0x6]  }
0x6d: {  	[tilespmem:s31], [sflag:$0x3] =	stream.linear.gather [hbm4b:s19+s11], $0x80, $0x38;
	[tilespmem:$0x1F180] =	vst v63  }
0x6e: {  	s16 =	simm.s32 $0x110  }
0x6f: {  	[tilespmem:s2], [sflag:$0x2] =	stream.indirect.gather [hbm4b:s0+s1], $0x80, s16, s1, $0xb8;
	[tilespmem:$0x1F180] =	vst v63  }
0x70: {  	s17 =	sadd.s32 $0x0, s21  }
0x71: {  	[tilespmem:s12], [sflag:$0x4] =	stream.linear.gather [hbm4b:s17+s4], $0x80, $0x38;
	[tilespmem:$0x1F180] =	vst v63  }
0x72: {  	_ =	swait.ge [sflag:s24], $0x4000  }
0x73: {  	[sflag:s24] =	ssyncset.done $0x0  }
0x74: {  	[sflag:s24] =	ssyncadd.s32 $0xFFFFC000  }
0x75: {  	_ =	swait.ge [sflag:s23], $0x80  }
0x76: {  	[sflag:s23] =	ssyncset.done $0x0  }
0x77: {  	[sflag:s23] =	ssyncadd.s32 $0xFFFFFF80  }
0x78: {  	[spmem:s3] =	stream.indirect.scatter.add.f32 [tilespmem:s22], [sflag:$0x5], $0x80, s31, s1, $0xb8;
	[tilespmem:$0x1F180] =	vst v63  }
0x79: {  	_ =	swait.ge [sflag:s26], $0x4000  }
0x7a: {  	[sflag:s26] =	ssyncset.done $0x0  }
0x7b: {  	s18 =	simm.s32 $0x190;
	[sflag:s26] =	ssyncadd.s32 $0xFFFFC000  }
0x7c: {  	[tilespmem:s22], [sflag:$0x1] =	stream.indirect.gather [hbm4b:s0+s1], $0x80, s18, s1, $0xb8;
	[tilespmem:$0x1F180] =	vst v63  }
0x7d: {  	s19 =	sadd.s32 $0x0, s20  }
0x7e: {  	[tilespmem:s31], [sflag:$0x3] =	stream.linear.gather [hbm4b:s19+s4], $0x80, $0x38;
	[tilespmem:$0x1F180] =	vst v63  }
0x7f: {  	_ =	swait.ge [sflag:s13], $0x4000  }
0x80: {  	[sflag:s13] =	ssyncset.done $0x0  }
0x81: {  	[sflag:s13] =	ssyncadd.s32 $0xFFFFC000  }
0x82: {  	_ =	swait.ge [sflag:s14], $0x80  }
0x83: {  	[sflag:s14] =	ssyncset.done $0x0  }
0x84: {  	[sflag:s14] =	ssyncadd.s32 $0xFFFFFF80  }
0x85: {  	[spmem:s3] =	stream.indirect.scatter.add.f32 [tilespmem:s2], [sflag:$0x5], $0x80, s12, s1, $0xb8;
	[tilespmem:$0x1F180] =	vst v63  }
0x86: {  	s11 =	simm.s32 $0x40;
	_ =	swait.ge [sflag:s26], $0x4000  }
0x87: {  	s16 =	simm.s32 $0x20;
	s17 =	simm.s32 $0x290;
	[sflag:s26] =	ssyncset.done $0x0  }
.LBB2_4:
0x88: {  	p0 =	sne.s32 s11, $0x4A0;
	s18 =	sadd.s32 $0xFFFFFF80, s17;
	[sflag:s26] =	ssyncadd.s32 $0xFFFFC000  }
0x89: {  	[tilespmem:s2], [sflag:$0x2] =	stream.indirect.gather [hbm4b:s0+s1], $0x80, s18, s1, $0xb8;
	[tilespmem:$0x1F180] =	vst v63  }
0x8a: {  	s19 =	smov.u32 s11;
	s11 =	sadd.s32 $0x20, s11;
	s18 =	sadd.s32 s16, s21  }
0x8b: {  	[tilespmem:s12], [sflag:$0x4] =	stream.linear.gather [hbm4b:s18+s4], $0x80, $0x38;
	[tilespmem:$0x1F180] =	vst v63  }
0x8c: {  	_ =	swait.ge [sflag:s24], $0x4000  }
0x8d: {  	[sflag:s24] =	ssyncset.done $0x0  }
0x8e: {  	[sflag:s24] =	ssyncadd.s32 $0xFFFFC000  }
0x8f: {  	_ =	swait.ge [sflag:s23], $0x80  }
0x90: {  	[sflag:s23] =	ssyncset.done $0x0  }
0x91: {  	[sflag:s23] =	ssyncadd.s32 $0xFFFFFF80  }
0x92: {  	[spmem:s3] =	stream.indirect.scatter.add.f32 [tilespmem:s22], [sflag:$0x5], $0x80, s31, s1, $0xb8;
	[tilespmem:$0x1F180] =	vst v63  }
0x93: {  	_ =	swait.ge [sflag:s26], $0x4000  }
0x94: {  	[sflag:s26] =	ssyncset.done $0x0  }
0x95: {  	[sflag:s26] =	ssyncadd.s32 $0xFFFFC000  }
0x96: {  	[tilespmem:s22], [sflag:$0x1] =	stream.indirect.gather [hbm4b:s0+s1], $0x80, s17, s1, $0xb8;
	[tilespmem:$0x1F180] =	vst v63  }
0x97: {  	s18 =	sadd.s32 s16, s20;
	s16 =	smov.u32 s19  }
0x98: {  	[tilespmem:s31], [sflag:$0x3] =	stream.linear.gather [hbm4b:s18+s4], $0x80, $0x38;
	[tilespmem:$0x1F180] =	vst v63  }
0x99: {  	_ =	swait.ge [sflag:s13], $0x4000  }
0x9a: {  	[sflag:s13] =	ssyncset.done $0x0  }
0x9b: {  	[sflag:s13] =	ssyncadd.s32 $0xFFFFC000  }
0x9c: {  	_ =	swait.ge [sflag:s14], $0x80  }
.Ltmp1:
0x9d: {  	[sflag:s14] =	ssyncset.done $0x0;
	(pc) =	sbr.rel @p0 .LBB2_4-.Ltmp1, $4  }
0x9e: {  	[sflag:s14] =	ssyncadd.s32 $0xFFFFFF80  }
0x9f: {  	[spmem:s3] =	stream.indirect.scatter.add.f32 [tilespmem:s2], [sflag:$0x5], $0x80, s12, s1, $0xb8;
	[tilespmem:$0x1F180] =	vst v63  }
0xa0: {  	_ =	swait.ge [sflag:s26], $0x4000  }
0xa1: {  	s17 =	sadd.s32 $0x100, s17;
	[sflag:s26] =	ssyncset.done $0x0  }
0xa2: {  	s11 =	sadd.s32 $0xFFFFFF80, s17;
	[sflag:s26] =	ssyncadd.s32 $0xFFFFC000  }
0xa3: {  	[tilespmem:s2], [sflag:$0x2] =	stream.indirect.gather [hbm4b:s0+s1], $0x80, s11, s1, $0xb8;
	[tilespmem:$0x1F180] =	vst v63  }
0xa4: {  	s19 =	sadd.s32 s16, s21  }
0xa5: {  	[tilespmem:s12], [sflag:$0x4] =	stream.linear.gather [hbm4b:s19+s4], $0x80, $0x38;
	[tilespmem:$0x1F180] =	vst v63  }
0xa6: {  	_ =	swait.ge [sflag:s24], $0x4000  }
0xa7: {  	[sflag:s24] =	ssyncset.done $0x0  }
0xa8: {  	[sflag:s24] =	ssyncadd.s32 $0xFFFFC000  }
0xa9: {  	_ =	swait.ge [sflag:s23], $0x80  }
0xaa: {  	[sflag:s23] =	ssyncset.done $0x0  }
0xab: {  	[sflag:s23] =	ssyncadd.s32 $0xFFFFFF80  }
0xac: {  	[spmem:s3] =	stream.indirect.scatter.add.f32 [tilespmem:s22], [sflag:$0x5], $0x80, s31, s1, $0xb8;
	[tilespmem:$0x1F180] =	vst v63  }
0xad: {  	_ =	swait.ge [sflag:s26], $0x4000  }
0xae: {  	[sflag:s26] =	ssyncset.done $0x0  }
0xaf: {  	[sflag:s26] =	ssyncadd.s32 $0xFFFFC000  }
0xb0: {  	[tilespmem:s22], [sflag:$0x1] =	stream.indirect.gather [hbm4b:s0+s1], $0x80, s17, s1, $0xb8;
	[tilespmem:$0x1F180] =	vst v63  }
0xb1: {  	s17 =	sadd.s32 s16, s20  }
0xb2: {  	[tilespmem:s31], [sflag:$0x3] =	stream.linear.gather [hbm4b:s17+s4], $0x80, $0x38;
	[tilespmem:$0x1F180] =	vst v63  }
0xb3: {  	_ =	swait.ge [sflag:s13], $0x4000  }
0xb4: {  	[sflag:s13] =	ssyncset.done $0x0  }
0xb5: {  	[sflag:s13] =	ssyncadd.s32 $0xFFFFC000  }
0xb6: {  	_ =	swait.ge [sflag:s14], $0x80  }
0xb7: {  	[sflag:s14] =	ssyncset.done $0x0  }
0xb8: {  	[sflag:s14] =	ssyncadd.s32 $0xFFFFFF80  }
0xb9: {  	[spmem:s3] =	stream.indirect.scatter.add.f32 [tilespmem:s2], [sflag:$0x5], $0x80, s12, s1, $0xb8;
	[tilespmem:$0x1F180] =	vst v63  }
0xba: {  	_ =	swait.ge [sflag:s26], $0x4000  }
0xbb: {  	[sflag:s26] =	ssyncset.done $0x0  }
0xbc: {  	[sflag:s26] =	ssyncadd.s32 $0xFFFFC000  }
0xbd: {  	_ =	swait.ge [sflag:s24], $0x4000  }
0xbe: {  	[sflag:s24] =	ssyncset.done $0x0  }
0xbf: {  	[sflag:s24] =	ssyncadd.s32 $0xFFFFC000  }
0xc0: {  	_ =	swait.ge [sflag:s23], $0x80  }
0xc1: {  	[sflag:s23] =	ssyncset.done $0x0  }
0xc2: {  	[sflag:s23] =	ssyncadd.s32 $0xFFFFFF80  }
0xc3: {  	[spmem:s3] =	stream.indirect.scatter.add.f32 [tilespmem:s22], [sflag:$0x5], $0x80, s31, s1, $0xb8;
	[tilespmem:$0x1F180] =	vst v63  }
0xc4: {  	_ =	swait.ge [sflag:s26], $0x4000  }
0xc5: {  	[sflag:s26] =	ssyncset.done $0x0  }
0xc6: {  	[sflag:s26] =	ssyncadd.s32 $0xFFFFC000  }
0xc7: {  	[bflag:$0x0] =	sbarrier.arrive $0xFFFF  }
0xc8: {  	[tilespmem:s22], [sflag:$0x5] =	stream.linear.gather [spmem:s6], $0x4000, $0x38;
	[tilespmem:$0x1F180] =	vst v63  }
0xc9: {  	_ =	swait.ge [sflag:s26], $0x4000  }
0xca: {  	[sflag:s26] =	ssyncset.done $0x0  }
0xcb: {  	s18 =	rddreg [dreg:$0x7];
	[sflag:s26] =	ssyncadd.s32 $0xFFFFC000  }
0xcc: {  	[hbm4b:s18+s4] =	stream.linear.scatter [tilespmem:s22], [sflag:$0x1], $0x4000, $0x38;
	[tilespmem:$0x1F180] =	vst v63  }
0xcd: {  	_ = 	snop  }
0xce: {  	[tilespmem:s2], [sflag:$0x5] =	stream.linear.gather [spmem:s7], $0x4000, $0x38;
	[tilespmem:$0x1F180] =	vst v63  }
0xcf: {  	_ =	swait.ge [sflag:s26], $0x4000  }
0xd0: {  	[sflag:s26] =	ssyncset.done $0x0  }
0xd1: {  	s19 =	rddreg [dreg:$0x8];
	[sflag:s26] =	ssyncadd.s32 $0xFFFFC000  }
0xd2: {  	[hbm4b:s19+s4] =	stream.linear.scatter [tilespmem:s2], [sflag:$0x2], $0x4000, $0x38;
	[tilespmem:$0x1F180] =	vst v63  }
0xd3: {  	_ =	swait.ge [sflag:s24], $0x4000  }
0xd4: {  	[sflag:s24] =	ssyncset.done $0x0  }
0xd5: {  	[sflag:s24] =	ssyncadd.s32 $0xFFFFC000  }
0xd6: {  	[tilespmem:s22], [sflag:$0x5] =	stream.linear.gather [spmem:s8], $0x4000, $0x38;
	[tilespmem:$0x1F180] =	vst v63  }
0xd7: {  	_ =	swait.ge [sflag:s26], $0x4000  }
0xd8: {  	[sflag:s26] =	ssyncset.done $0x0  }
0xd9: {  	s16 =	rddreg [dreg:$0x9];
	[sflag:s26] =	ssyncadd.s32 $0xFFFFC000  }
0xda: {  	[hbm4b:s16+s4] =	stream.linear.scatter [tilespmem:s22], [sflag:$0x1], $0x4000, $0x38;
	[tilespmem:$0x1F180] =	vst v63  }
0xdb: {  	_ =	swait.ge [sflag:s13], $0x4000  }
0xdc: {  	[sflag:s13] =	ssyncset.done $0x0  }
0xdd: {  	[sflag:s13] =	ssyncadd.s32 $0xFFFFC000  }
0xde: {  	[tilespmem:s2], [sflag:$0x5] =	stream.linear.gather [spmem:s9], $0x4000, $0x38;
	[tilespmem:$0x1F180] =	vst v63  }
0xdf: {  	_ =	swait.ge [sflag:s26], $0x4000  }
0xe0: {  	[sflag:s26] =	ssyncset.done $0x0  }
0xe1: {  	s17 =	rddreg [dreg:$0xa];
	[sflag:s26] =	ssyncadd.s32 $0xFFFFC000  }
0xe2: {  	[hbm4b:s17+s4] =	stream.linear.scatter [tilespmem:s2], [sflag:$0x2], $0x4000, $0x38;
	[tilespmem:$0x1F180] =	vst v63  }
0xe3: {  	_ =	swait.ge [sflag:s24], $0x4000  }
0xe4: {  	[sflag:s24] =	ssyncset.done $0x0  }
0xe5: {  	[sflag:s24] =	ssyncadd.s32 $0xFFFFC000  }
0xe6: {  	[tilespmem:s22], [sflag:$0x5] =	stream.linear.gather [spmem:s10], $0x4000, $0x38;
	[tilespmem:$0x1F180] =	vst v63  }
0xe7: {  	_ =	swait.ge [sflag:s26], $0x4000  }
0xe8: {  	[sflag:s26] =	ssyncset.done $0x0  }
0xe9: {  	s18 =	rddreg [dreg:$0xb];
	[sflag:s26] =	ssyncadd.s32 $0xFFFFC000  }
0xea: {  	[hbm4b:s18+s4] =	stream.linear.scatter [tilespmem:s22], [sflag:$0x1], $0x4000, $0x38;
	[tilespmem:$0x1F180] =	vst v63  }
0xeb: {  	_ =	swait.ge [sflag:s13], $0x4000  }
0xec: {  	[sflag:s13] =	ssyncset.done $0x0  }
0xed: {  	[sflag:s13] =	ssyncadd.s32 $0xFFFFC000  }
0xee: {  	_ =	swait.ge [sflag:s24], $0x4000  }
0xef: {  	s15 =	sadd.s32 $0x1, s15;
	s19 =	rddreg [dreg:$0xc]  }
0xf0: {  	p0 =	sne.s32 s15, s19  }
.Ltmp2:
0xf1: {  	_ = 	snop;
	(pc) =	sbr.rel @p0 .LBB2_1-.Ltmp2, $3  }
0xf2: {  	_ =	sdelay $0x1  }
0xf3: {  	[sflag:s24] =	ssyncset.done $0x0  }
0xf4: {  	[sflag:s24] =	ssyncadd.s32 $0xFFFFC000  }
0xf5: {  	_ =	sfence.sel $0x180000  }
0xf6: {  	[bflag:$0x0] =	sbarrier.arrive $0xFFFF  }
0xf7: {  	_ =	strace $0x9000004A  }
0xf8: {  	s0 =	stileid.u32;
	[bflag:$0x2] =	sbarrier.arrive $0xFFFF  }
0xf9: {  	p0 =	sne.s32 s0, $0x0;
	s0 =	rddreg [dreg:$0x3]  }
0xfa: {  	s0 =	sadd.s32 @!p0 $0x100000, s0  }
0xfb: {  	[sflag:s0] =	ssyncadd.tile.s32 @!p0 $0x1;
	_ =	shalt  }
.Lfunc_end2:
_tile_overlayer_lowered:
.L_overlay_start_2:
0xfc: {  	(tag) =	ssettag $0x2  }
0xfd: {  	s0 =	rddreg [dreg:$0x0];
	s2 =	stileid.u32  }
0xfe: {  	s1 =	rddreg [dreg:$0x1];
	p0 =	sne.s32 s2, $0x0  }
0xff: {  	s3 =	rddreg [dreg:$0x2];
	[bflag:$0x3] =	sbarrier.arrive $0xFFFF;
	s2 =	simm.s32 @!p0 $0x1C05  }
0x100: {  	[timem:s3], [sflag:s2] =	dma.local @!p0 [hbm:s0], s1  }
0x101: {  	s0 =	simm.s32 @!p0 $0x5  }
0x102: {  	_ =	swait.ge @!p0 [sflag:s0], s1  }
0x103: {  	s1 =	ssub.s32 @!p0 $0x0, s1;
	[sflag:s0] =	ssyncset.done @!p0 $0x0  }
0x104: {  	[sflag:s0] =	ssyncadd.s32 @!p0 s1  }
0x105: {  	[bflag:$0x3] =	sbarrier.arrive $0xFFFF  }
0x106: {  	_ =	shalt  }

// kernel: kernel.17.cloned.1.call-start
scs
__scs_entry_jumppad:
0x0: {  	(pc) =	sbr.rel $0x88, $3  }
0x1: {  	(tag) =	ssettag $0x0;
	lr =	simm.s32 $0x1  }
0x2: {  	[smem:$0x3F99] =	sst lr;
	_ =	strace $0xD0000000  }
0x3: {  	_ = 	snop  }
0x4: {  	_ = 	snop  }
0x5: {  	_ = 	snop  }
0x6: {  	_ = 	snop  }
0x7: {  	_ = 	snop  }
__scs_overlays_trampoline_lowered:
0x8: {  	[smem:$0x3FA8] =	sst s0  }
0x9: {  	[smem:$0x3FA9] =	sst s1  }
0xa: {  	[smem:$0x3FAA] =	sst s2  }
0xb: {  	[smem:$0x3FAB] =	sst s3  }
0xc: {  	[smem:$0x3FAC] =	sst s4  }
0xd: {  	[smem:$0x3FAD] =	sst s5  }
0xe: {  	[smem:$0x3FAE] =	sst s6  }
0xf: {  	[smem:$0x3FAF] =	sst s7  }
0x10: {  	[smem:$0x3FB0] =	sst s8  }
0x11: {  	[smem:$0x3FB1] =	sst s9;
	s0 =	simm.s32 @!p0 $0x0  }
0x12: {  	s1 =	sld [smem:$0x3F97];
	s0 =	simm.s32 @p0 $0x1  }
0x13: {  	[smem:$0x3FB2] =	sst s0;
	s0 =	simm.s32 @!p1 $0x0  }
0x14: {  	s2 =	sld [smem:$0x3F96];
	s0 =	simm.s32 @p1 $0x1  }
0x15: {  	[smem:$0x3FB3] =	sst s0;
	s0 =	simm.s32 @!p2 $0x0  }
0x16: {  	s3 =	sld [smem:$0x3FDB];
	s0 =	simm.s32 @p2 $0x1  }
0x17: {  	s4 =	simm.s32 $0x1BF5;
	[smem:$0x3FB5] =	sst s0  }
0x18: {  	s0 =	sld [smem:$0x3F98];
	_ =	swait.ge [sflag:s4], $0x0  }
0x19: {  	s7 =	sld [smem:$0x3F99]  }
0x1a: {  	s8 =	sadd.s32 $0xFFFFE003, lr  }
0x1b: {  	s9 =	sadd.s32 $0xFFFFFEF7, lr;
	s5 =	simm.s32 $0xFFFFFFFF;
	p2 =	slt.u32 s8, $0xFFFFF086  }
0x1c: {  	p1 =	slt.u32 s9, $0xF7A;
	s5 =	simm.s32 @!p2 $0x0  }
0x1d: {  	s5 =	simm.s32 @p1 $0x1;
	p0 =	seq.s32 s7, s2  }
0x1e: {  	s7 =	smul.u32 @!p0 $0xF7A, s2;
	p2 =	seq.s32 @!p0 s5, $0x0  }
0x1f: {  	s9 =	smul.u32 $0xF7A, s1;
	s8 =	simm.s32 @!p0 $0x1BF5;
	p2 =	por !p2, p0  }
0x20: {  	[sflag:s8] =	ssyncset.s32 @!p0 $0xFFFFF086;
	s6 =	sadd.s32 @!p0 s3, s7;
	s7 =	simm.s32 @!p0 $0x108  }
0x21: {  	s3 =	sadd.s32 s3, s9;
	s6 =	sadd.s32 @!p0 $0x88, s6;
	s7 =	simm.s32 @p2 $0x1082  }
0x22: {  	[simem:s7], [sflag:s8] =	dma.local @!p0 [hbm:s6], $0xF7A  }
0x23: {  	s9 =	sor.u32 $0xD0000000, s2;
	s6 =	simm.s32 $0x108;
	_ =	swait.ge @!p0 [sflag:s8], $0x0  }
0x24: {  	s3 =	sadd.s32 $0x88, s3;
	s6 =	simm.s32 @!p1 $0x1082;
	[sflag:s4] =	ssyncset.s32 $0xFFFFF086  }
0x25: {  	[simem:s6], [sflag:s4] =	dma.local [hbm:s3], $0xF7A  }
0x26: {  	[smem:$0x3F99] =	sst s1;
	(tag) =	ssettag s2;
	_ =	strace s9  }
0x27: {  	s1 =	sld [smem:$0x3FA9]  }
0x28: {  	s2 =	sld [smem:$0x3FAA]  }
0x29: {  	s4 =	sld [smem:$0x3FAC]  }
0x2a: {  	p0 =	seq.s32 s5, $0x0;
	s5 =	sld [smem:$0x3FAD]  }
0x2b: {  	s6 =	sld [smem:$0x3FAE]  }
0x2c: {  	s7 =	sld [smem:$0x3FAF]  }
0x2d: {  	s3 =	simm.s32 $0x108;
	s8 =	sld [smem:$0x3FB0]  }
0x2e: {  	s3 =	simm.s32 @!p0 $0x1082;
	s9 =	sld [smem:$0x3FB1]  }
0x2f: {  	lr =	sadd.s32 s0, s3;
	s0 =	sld [smem:$0x3FA8]  }
0x30: {  	s3 =	sld [smem:$0x3FAB]  }
0x31: {  	[smem:$0x3FB4] =	sst s10  }
0x32: {  	s10 =	sld [smem:$0x3FB2];
	_ =	sdelay $0x3  }
0x33: {  	p0 =	seq.s32 s10, $0x1;
	s10 =	sld [smem:$0x3FB4];
	_ =	sdelay $0x3  }
0x34: {  	[smem:$0x3FB4] =	sst s10  }
0x35: {  	s10 =	sld [smem:$0x3FB3];
	_ =	sdelay $0x3  }
0x36: {  	p1 =	seq.s32 s10, $0x1;
	s10 =	sld [smem:$0x3FB4];
	_ =	sdelay $0x3  }
0x37: {  	[smem:$0x3FB4] =	sst s10  }
0x38: {  	s10 =	sld [smem:$0x3FB5]  }
0x39: {  	_ = 	snop;
	(pc) =	sbr.ind lr, $3  }
0x3a: {  	_ = 	snop  }
0x3b: {  	_ = 	snop  }
0x3c: {  	p2 =	seq.s32 s10, $0x1;
	s10 =	sld [smem:$0x3FB4]  }
0x3d: {  	_ =	shalt  }
0x3e: {  	_ =	shalt  }
0x3f: {  	_ =	shalt  }
0x40: {  	_ =	shalt  }
0x41: {  	_ =	shalt  }
0x42: {  	_ =	shalt  }
0x43: {  	_ =	shalt  }
0x44: {  	_ =	shalt  }
0x45: {  	_ =	shalt  }
0x46: {  	_ =	shalt  }
0x47: {  	_ =	shalt  }
0x48: {  	_ =	shalt  }
0x49: {  	_ =	shalt  }
0x4a: {  	_ =	shalt  }
0x4b: {  	_ =	shalt  }
0x4c: {  	_ =	shalt  }
0x4d: {  	_ =	shalt  }
0x4e: {  	_ =	shalt  }
0x4f: {  	_ =	shalt  }
0x50: {  	_ =	shalt  }
0x51: {  	_ =	shalt  }
0x52: {  	_ =	shalt  }
0x53: {  	_ =	shalt  }
0x54: {  	_ =	shalt  }
0x55: {  	_ =	shalt  }
0x56: {  	_ =	shalt  }
0x57: {  	_ =	shalt  }
0x58: {  	_ =	shalt  }
0x59: {  	_ =	shalt  }
0x5a: {  	_ =	shalt  }
0x5b: {  	_ =	shalt  }
0x5c: {  	_ =	shalt  }
0x5d: {  	_ =	shalt  }
0x5e: {  	_ =	shalt  }
0x5f: {  	_ =	shalt  }
0x60: {  	_ =	shalt  }
0x61: {  	_ =	shalt  }
0x62: {  	_ =	shalt  }
0x63: {  	_ =	shalt  }
0x64: {  	_ =	shalt  }
0x65: {  	_ =	shalt  }
0x66: {  	_ =	shalt  }
0x67: {  	_ =	shalt  }
0x68: {  	_ =	shalt  }
0x69: {  	_ =	shalt  }
0x6a: {  	_ =	shalt  }
0x6b: {  	_ =	shalt  }
0x6c: {  	_ =	shalt  }
0x6d: {  	_ =	shalt  }
0x6e: {  	_ =	shalt  }
0x6f: {  	_ =	shalt  }
0x70: {  	_ =	shalt  }
0x71: {  	_ =	shalt  }
0x72: {  	_ =	shalt  }
0x73: {  	_ =	shalt  }
0x74: {  	_ =	shalt  }
0x75: {  	_ =	shalt  }
0x76: {  	_ =	shalt  }
0x77: {  	_ =	shalt  }
0x78: {  	_ =	shalt  }
0x79: {  	_ =	shalt  }
0x7a: {  	_ =	shalt  }
0x7b: {  	_ =	shalt  }
0x7c: {  	_ =	shalt  }
0x7d: {  	_ =	shalt  }
0x7e: {  	_ =	shalt  }
0x7f: {  	_ =	shalt  }
0x80: {  	_ =	shalt  }
0x81: {  	_ =	shalt  }
0x82: {  	_ =	shalt  }
0x83: {  	_ =	shalt  }
0x84: {  	_ =	shalt  }
0x85: {  	_ =	shalt  }
0x86: {  	_ =	shalt  }
0x87: {  	_ =	shalt  }
.Lfunc_end0:
.L_simem_size_0:
called_computation.2_lowered:
.L_overlay_start_0:
0x88: {  	s2 =	sld [smem:$0x3FD9]  }
0x89: {  	s3 =	sld [smem:$0x3FFE];
	_ =	sdelay $0x1  }
0x8a: {  	s1 =	srdreg.scid  }
0x8b: {  	s0 =	sand.u32 $0x1, s1  }
0x8c: {  	s17 =	sshll.u32 s0, $0xA;
	s2 =	sadd.s32 s3, s2  }
0x8d: {  	s2 =	sadd.s32 s2, s17  }
0x8e: {  	[smem:$0x3FC0] =	sst s2  }
0x8f: {  	_ = 	snop  }
0x90: {  	s2 =	sld [smem:$0x3FD0];
	(tm) =	ssettm $0x1  }
0x91: {  	s18 =	sld [smem:$0x3FFB];
	_ =	sdelay $0x3  }
0x92: {  	_ =	strace s18  }
0x93: {  	s3 =	sld [smem:$0x3FFC];
	_ =	sdelay $0x3  }
0x94: {  	_ =	strace s3  }
0x95: {  	s3 =	sld [smem:$0x3FFD];
	_ =	sdelay $0x3  }
0x96: {  	_ =	strace s3  }
0x97: {  	_ =	strace $0x8FFFFFFF  }
0x98: {  	s19 =	sld [smem:$0x3FDB];
	_ =	sdelay $0x1  }
0x99: {  	s4 =	simm.s32 $_scs_section_size  }
0x9a: {  	s5 =	simm.s32 $_size__tile_overlayer_lowered;
	s6 =	simm.s32 $_tile_overlayer_lowered  }
0x9b: {  	s22 =	simm.s32 $0x1BFF;
	s21 =	sshll.u32 s6, $0x1;
	s3 =	sadd.s32 s4, s19  }
0x9c: {  	s7 =	simm.s32 $0x0;
	s20 =	sshll.u32 s5, $0x1;
	s5 =	sadd.s32 s21, s3  }
0x9d: {  	[timem:s7], [sflag:s22] =	dma.local [hbm:s5], s20  }
0x9e: {  	_ =	swait.ge [sflag:s22], s20  }
0x9f: {  	s4 =	ssub.s32 $0x0, s20;
	[sflag:s22] =	ssyncset.done $0x0  }
0xa0: {  	[sflag:s22] =	ssyncadd.s32 s4;
	_ =	sdelay $0x1  }
0xa1: {  	s23 =	simm.s32 $0x1B8B  }
0xa2: {  	_ =	swait.ge [sflag:s23], $0x1  }
0xa3: {  	[sflag:s23] =	ssyncset.done $0x0  }
0xa4: {  	s25 =	simm.s32 $0x1B8E;
	s24 =	sld [smem:$0x3FFE];
	[sflag:s23] =	ssyncadd.s32 $0xFFFFFFFF  }
0xa5: {  	s26 =	simm.s32 $execute0_lowered;
	[smem:$0x3FD2] =	sst s25  }
0xa6: {  	s5 =	sshll.u32 s26, $0x1;
	_ =	strace $0x8000004C;
	[dreg:$0x1] =	wrdreg $0xFFFFFFFF  }
0xa7: {  	s28 =	simm.s32 $_size_execute0_lowered;
	s3 =	sadd.s32 s3, s5;
	[dreg:$0x0] =	wrdreg $0x0  }
0xa8: {  	s5 =	sshll.u32 s28, $0x1;
	[dreg:$0x2] =	wrdreg s3  }
0xa9: {  	[dreg:$0x3] =	wrdreg s5  }
0xaa: {  	[dreg:$0x4] =	wrdreg $0xC0  }
0xab: {  	_ =	task [dreg:s7], $0x5FFFF  }
0xac: {  	[dreg:$0x1] =	wrdreg $0xFFFFFFFF  }
0xad: {  	[dreg:$0x0] =	wrdreg $0x60  }
0xae: {  	[dreg:$0x2] =	wrdreg s2  }
0xaf: {  	[dreg:$0x3] =	wrdreg s24  }
0xb0: {  	[dreg:$0x4] =	wrdreg $0xB1800  }
0xb1: {  	[dreg:$0x5] =	wrdreg $0x9  }
0xb2: {  	_ =	task.clear_ibuf [dreg:s7], $0x6FFFF;
	_ =	strace $0x9000004C  }
0xb3: {  	s29 =	simm.s32 $0x9;
	_ =	strace $0x8000004E  }
0xb4: {  	_ =	swait.ge [sflag:s29], $0x1  }
0xb5: {  	[sflag:s29] =	ssyncadd.s32 $0xFFFFFFFF  }
0xb6: {  	_ =	strace $0x9000004E  }
0xb7: {  	_ =	sfence  }
0xb8: {  	s30 =	sld [smem:$0x0];
	_ =	sdelay $0x2  }
0xb9: {  	s31 =	sshll.u32 s1, $0xD;
	s1 =	sshrl.u32 s1, $0x2  }
0xba: {  	s3 =	sand.u32 $0x4000, s31;
	s1 =	sadd.s32 s1, s30  }
0xbb: {  	s0 =	sor.u32 s3, s0;
	s1 =	sshll.u32 s1, $0x11  }
0xbc: {  	s0 =	sor.u32 s1, s0  }
0xbd: {  	s0 =	sadd.s32 $0x8F2B, s0  }
0xbe: {  	[sflag:s0] =	ssyncadd.remote.s32 $0x1  }
0xbf: {  	_ =	sfence.sel $0xFFFF  }
0xc0: {  	[dreg:$0x0] =	wrdreg $0xFFFFFFFF;
	(pc) =	sbr.abs _section_cstart, $3  }
0xc1: {  	[dreg:$0x1] =	wrdreg $0xFFFFFFFF  }
0xc2: {  	_ =	task.clear_ibuf [dreg:s7], $0x2FFFF;
	_ =	strace $0x9FFFFFFF  }
0xc3: {  	(tm) =	ssettm $0x7FFFFFFF  }
tec
execute0_lowered:
.L_overlay_start_1:
0x0: {  	(tag) =	ssettag $0x1  }
0x1: {  	s0 =	rddreg [dreg:$0x0]  }
0x2: {  	s1 =	srdreg.scid;
	s2 =	rddreg [dreg:$0x1]  }
0x3: {  	s3 =	rddreg [dreg:$0x2];
	s20 =	stileid.u32  }
0x4: {  	s4 =	simm.s32 $0x0;
	s28 =	simm.s32 $0x2900;
	s29 =	simm.s32 $0x10  }
0x5: {  	s30 =	simm.s32 $0x2980;
	s31 =	simm.s32 $0x2780;
	s12 =	smul.u32 $0x280, s20  }
0x6: {  	s1 =	sand.u32 $0x1, s1;
	[smem:$0x7FF] =	sst s4;
	s8 =	smul.u32 $0x50000, s20  }
0x7: {  	s13 =	sadd.s32 $0xE600, s2;
	s5 =	sshll.u32 s1, $0x4;
	s18 =	ssub.s32 $0x2, s1  }
0x8: {  	_ =	strace $0x8000004D;
	s5 =	sor.u32 s20, s5;
	s7 =	sshrl.u32 s18, $0x1  }
0x9: {  	s19 =	sshrl.u32 s8, $0x2;
	s15 =	sadd.s32 $0x80, s12;
	s16 =	sadd.s32 $0x100, s12  }
0xa: {  	s17 =	sadd.s32 $0x180, s12;
	s5 =	smul.u32 $0x2710, s5;
	s14 =	ssub.s32 s18, s7  }
0xb: {  	s21 =	sshll.u32 s15, $0x7;
	s22 =	sshll.u32 s16, $0x7;
	s9 =	sshll.u32 s17, $0x7  }
0xc: {  	s18 =	sadd.s32 $0x200, s12;
	s7 =	sadd.s32 s21, s3;
	s8 =	sadd.s32 s22, s3  }
0xd: {  	s9 =	sadd.s32 s9, s3;
	s10 =	sshll.u32 s18, $0x7;
	s11 =	sshrl.u32 s5, $0x3  }
0xe: {  	s10 =	sadd.s32 s10, s3;
	s6 =	sadd.s32 s11, s2;
	s2 =	sadd.s32 $0x3F600, s2  }
0xf: {  	s21 =	sadd.s32 s13, s11;
	s5 =	sadd.s32 $0x4800, s6;
	s6 =	sadd.s32 s19, s3  }
0x10: {  	s19 =	smul.u32 $0x2800, s1;
	s24 =	sadd.s32 $0x2, s21;
	[dreg:$0x4] =	wrdreg s21  }
0x11: {  	s26 =	sadd.s32 $0x12, s21;
	s1 =	smul.u32 $0x27100, s1;
	[dreg:$0x5] =	wrdreg s24  }
0x12: {  	s21 =	smul.u32 $0x2710, s20;
	[dreg:$0x6] =	wrdreg s26;
	s26 =	smax.u32 s14, $0x1  }
0x13: {  	s14 =	simm.s32 $0x4;
	s23 =	sadd.s32 s12, s19;
	s25 =	sadd.s32 s19, s15  }
0x14: {  	s16 =	sadd.s32 s19, s16;
	s17 =	sadd.s32 s19, s17;
	s1 =	sadd.s32 s21, s1  }
0x15: {  	[dreg:$0xc] =	wrdreg s26;
	s26 =	simm.s32 $0x5;
	s12 =	simm.s32 $0x2800  }
0x16: {  	s11 =	sshll.u32 s23, $0x4;
	s15 =	sshll.u32 s25, $0x4;
	s22 =	sshll.u32 s17, $0x4  }
0x17: {  	s23 =	sadd.s32 s19, s18;
	s25 =	sadd.s32 $0x190, s1;
	s1 =	sadd.s32 $0x110, s1  }
0x18: {  	s11 =	sadd.s32 s2, s11;
	s24 =	sshll.u32 s23, $0x4;
	s1 =	sshrl.u32 s1, $0x3  }
0x19: {  	s23 =	simm.s32 $0x3;
	[dreg:$0x7] =	wrdreg s11;
	s11 =	sadd.s32 s2, s15  }
0x1a: {  	s21 =	sadd.s32 s1, s13;
	[dreg:$0x8] =	wrdreg s11;
	s11 =	sshll.u32 s16, $0x4  }
0x1b: {  	s1 =	simm.s32 $0x80;
	s15 =	simm.s32 $0x0;
	s11 =	sadd.s32 s2, s11  }
0x1c: {  	[dreg:$0x9] =	wrdreg s11;
	s11 =	sadd.s32 s2, s22;
	s2 =	sadd.s32 s2, s24  }
0x1d: {  	s22 =	simm.s32 $0x3180;
	s24 =	simm.s32 $0x1;
	[dreg:$0xa] =	wrdreg s11  }
0x1e: {  	[dreg:$0xb] =	wrdreg s2;
	s2 =	sshrl.u32 s25, $0x3;
	s25 =	simm.s32 $0x2880  }
0x1f: {  	v0 =	vimm.f32 $0.0e+00;
	s20 =	sadd.s32 s2, s13;
	s2 =	simm.s32 $0x7180;
	s13 =	simm.s32 $0x2  }
.LBB2_1:
0x20: {  	[tilespmem:s4], [sflag:$0x3] =	stream.linear.gather [hbm4b:s5+s4], $0x2710, $0x38;
	[tilespmem:$0x1F180] =	vst v63  }
0x21: {  	s11 =	simm.s32 $0x0;
	s16 =	simm.s32 $0x200  }
.LBB2_2:
0x22: {  	p0 =	sne.s32 s16, $0xFE00;
	[tilespmem:s11+$0x31F0] =	vst v0  }
0x23: {  	[tilespmem:s11+$0x3180] =	vst v0  }
0x24: {  	[tilespmem:s11+$0x3190] =	vst v0  }
.Ltmp0:
0x25: {  	[tilespmem:s11+$0x31A0] =	vst v0;
	(pc) =	sbr.rel @p0 .LBB2_2-.Ltmp0, $4  }
0x26: {  	[tilespmem:s11+$0x31B0] =	vst v0  }
0x27: {  	[tilespmem:s11+$0x31C0] =	vst v0  }
0x28: {  	[tilespmem:s11+$0x31D0] =	vst v0  }
0x29: {  	[tilespmem:s11+$0x31E0] =	vst v0;
	s11 =	sshra.s32 s16, $0x2;
	s16 =	sadd.s32 $0x200, s16  }
0x2a: {  	[tilespmem:s11+$0x31F0] =	vst v0  }
0x2b: {  	[tilespmem:s11+$0x3180] =	vst v0  }
0x2c: {  	[tilespmem:s11+$0x3190] =	vst v0  }
0x2d: {  	[tilespmem:s11+$0x31A0] =	vst v0  }
0x2e: {  	[tilespmem:s11+$0x31B0] =	vst v0  }
0x2f: {  	[tilespmem:s11+$0x31C0] =	vst v0  }
0x30: {  	[tilespmem:s11+$0x31D0] =	vst v0  }
0x31: {  	[tilespmem:s11+$0x31E0] =	vst v0  }
0x32: {  	[spmem:s6] =	stream.linear.scatter [tilespmem:s22], [sflag:$0x1], $0x4000, $0x38;
	[tilespmem:$0x1F180] =	vst v63  }
0x33: {  	_ = 	snop  }
0x34: {  	[spmem:s7] =	stream.linear.scatter [tilespmem:s22], [sflag:$0x1], $0x4000, $0x38;
	[tilespmem:$0x1F180] =	vst v63  }
0x35: {  	_ = 	snop  }
0x36: {  	[spmem:s8] =	stream.linear.scatter [tilespmem:s22], [sflag:$0x1], $0x4000, $0x38;
	[tilespmem:$0x1F180] =	vst v63  }
0x37: {  	_ = 	snop  }
0x38: {  	[spmem:s9] =	stream.linear.scatter [tilespmem:s22], [sflag:$0x1], $0x4000, $0x38;
	[tilespmem:$0x1F180] =	vst v63  }
0x39: {  	_ = 	snop  }
0x3a: {  	[spmem:s10] =	stream.linear.scatter [tilespmem:s22], [sflag:$0x1], $0x4000, $0x38;
	[tilespmem:$0x1F180] =	vst v63  }
0x3b: {  	_ =	swait.ge [sflag:s23], $0x2710  }
0x3c: {  	[sflag:s23] =	ssyncset.done $0x0  }
0x3d: {  	[sflag:s23] =	ssyncadd.s32 $0xFFFFD8F0  }
0x3e: {  	_ =	swait.ge [sflag:s24], $0x4000  }
0x3f: {  	[sflag:s24] =	ssyncset.done $0x0  }
0x40: {  	[sflag:s24] =	ssyncadd.s32 $0xFFFFC000  }
0x41: {  	_ =	swait.ge [sflag:s24], $0x4000  }
0x42: {  	[sflag:s24] =	ssyncset.done $0x0  }
0x43: {  	[sflag:s24] =	ssyncadd.s32 $0xFFFFC000  }
0x44: {  	_ =	swait.ge [sflag:s24], $0x4000  }
0x45: {  	[sflag:s24] =	ssyncset.done $0x0  }
0x46: {  	[sflag:s24] =	ssyncadd.s32 $0xFFFFC000  }
0x47: {  	_ =	swait.ge [sflag:s24], $0x4000  }
0x48: {  	[sflag:s24] =	ssyncset.done $0x0  }
0x49: {  	[sflag:s24] =	ssyncadd.s32 $0xFFFFC000  }
0x4a: {  	_ =	swait.ge [sflag:s24], $0x4000  }
0x4b: {  	[sflag:s24] =	ssyncset.done $0x0  }
0x4c: {  	[sflag:s24] =	ssyncadd.s32 $0xFFFFC000  }
0x4d: {  	[bflag:$0x0] =	sbarrier.arrive $0xFFFF  }
0x4e: {  	s11 =	simm.s32 $0x0;
	s16 =	rddreg [dreg:$0x4]  }
0x4f: {  	[tilespmem:s25], [sflag:$0x5] =	stream.linear.gather [hbm4b:s16+s11], $0x10, $0x38;
	[tilespmem:$0x1F180] =	vst v63  }
0x50: {  	_ =	swait.ge [sflag:s26], $0x10  }
0x51: {  	[sflag:s26] =	ssyncset.done $0x0  }
0x52: {  	[sflag:s26] =	ssyncadd.s32 $0xFFFFFFF0  }
0x53: {  	[tilespmem:s28], [sflag:$0x5] =	stream.linear.gather [hbm4b:s5+s11], $0x10, $0x38;
	[tilespmem:$0x1F180] =	vst v63  }
0x54: {  	_ =	swait.ge [sflag:s26], $0x10  }
0x55: {  	[sflag:s26] =	ssyncset.done $0x0  }
0x56: {  	[sflag:s26] =	ssyncadd.s32 $0xFFFFFFF0  }
0x57: {  	[tilespmem:s30], [sflag:$0x1] =	stream.indirect.gather [hbm4b:s0+s29], $0x80, s28, s29, $0xb8;
	[tilespmem:$0x1F180] =	vst v63  }
0x58: {  	_ =	swait.ge [sflag:s24], $0x800  }
0x59: {  	[sflag:s24] =	ssyncset.done $0x0  }
0x5a: {  	[sflag:s24] =	ssyncadd.s32 $0xFFFFF800  }
0x5b: {  	[spmem:s3] =	stream.indirect.scatter.add.f32 [tilespmem:s30], [sflag:$0x5], $0x80, s25, s29, $0xb8;
	[tilespmem:$0x1F180] =	vst v63  }
0x5c: {  	_ =	swait.ge [sflag:s26], $0x800  }
0x5d: {  	[sflag:s26] =	ssyncset.done $0x0  }
0x5e: {  	s17 =	rddreg [dreg:$0x5];
	[sflag:s26] =	ssyncadd.s32 $0xFFFFF800  }
0x5f: {  	[tilespmem:s31], [sflag:$0x5] =	stream.linear.gather [hbm4b:s17+s11], $0x80, $0x38;
	[tilespmem:$0x1F180] =	vst v63  }
0x60: {  	_ =	swait.ge [sflag:s26], $0x80  }
0x61: {  	[sflag:s26] =	ssyncset.done $0x0  }
0x62: {  	[sflag:s26] =	ssyncadd.s32 $0xFFFFFF80  }
0x63: {  	[tilespmem:s22], [sflag:$0x1] =	stream.indirect.gather [hbm4b:s0+s1], $0x80, s29, s1, $0xb8;
	[tilespmem:$0x1F180] =	vst v63  }
0x64: {  	_ =	swait.ge [sflag:s24], $0x4000  }
0x65: {  	[sflag:s24] =	ssyncset.done $0x0  }
0x66: {  	[sflag:s24] =	ssyncadd.s32 $0xFFFFC000  }
0x67: {  	[spmem:s3] =	stream.indirect.scatter.add.f32 [tilespmem:s22], [sflag:$0x5], $0x80, s31, s1, $0xb8;
	[tilespmem:$0x1F180] =	vst v63  }
0x68: {  	_ =	swait.ge [sflag:s26], $0x4000  }
0x69: {  	[sflag:s26] =	ssyncset.done $0x0  }
0x6a: {  	s18 =	simm.s32 $0x90;
	[sflag:s26] =	ssyncadd.s32 $0xFFFFC000  }
0x6b: {  	[tilespmem:s22], [sflag:$0x1] =	stream.indirect.gather [hbm4b:s0+s1], $0x80, s18, s1, $0xb8;
	[tilespmem:$0x1F180] =	vst v63  }
0x6c: {  	s19 =	rddreg [dreg:$0x6]  }
0x6d: {  	[tilespmem:s31], [sflag:$0x3] =	stream.linear.gather [hbm4b:s19+s11], $0x80, $0x38;
	[tilespmem:$0x1F180] =	vst v63  }
0x6e: {  	s16 =	simm.s32 $0x110  }
0x6f: {  	[tilespmem:s2], [sflag:$0x2] =	stream.indirect.gather [hbm4b:s0+s1], $0x80, s16, s1, $0xb8;
	[tilespmem:$0x1F180] =	vst v63  }
0x70: {  	s17 =	sadd.s32 $0x0, s21  }
0x71: {  	[tilespmem:s12], [sflag:$0x4] =	stream.linear.gather [hbm4b:s17+s4], $0x80, $0x38;
	[tilespmem:$0x1F180] =	vst v63  }
0x72: {  	_ =	swait.ge [sflag:s24], $0x4000  }
0x73: {  	[sflag:s24] =	ssyncset.done $0x0  }
0x74: {  	[sflag:s24] =	ssyncadd.s32 $0xFFFFC000  }
0x75: {  	_ =	swait.ge [sflag:s23], $0x80  }
0x76: {  	[sflag:s23] =	ssyncset.done $0x0  }
0x77: {  	[sflag:s23] =	ssyncadd.s32 $0xFFFFFF80  }
0x78: {  	[spmem:s3] =	stream.indirect.scatter.add.f32 [tilespmem:s22], [sflag:$0x5], $0x80, s31, s1, $0xb8;
	[tilespmem:$0x1F180] =	vst v63  }
0x79: {  	_ =	swait.ge [sflag:s26], $0x4000  }
0x7a: {  	[sflag:s26] =	ssyncset.done $0x0  }
0x7b: {  	s18 =	simm.s32 $0x190;
	[sflag:s26] =	ssyncadd.s32 $0xFFFFC000  }
0x7c: {  	[tilespmem:s22], [sflag:$0x1] =	stream.indirect.gather [hbm4b:s0+s1], $0x80, s18, s1, $0xb8;
	[tilespmem:$0x1F180] =	vst v63  }
0x7d: {  	s19 =	sadd.s32 $0x0, s20  }
0x7e: {  	[tilespmem:s31], [sflag:$0x3] =	stream.linear.gather [hbm4b:s19+s4], $0x80, $0x38;
	[tilespmem:$0x1F180] =	vst v63  }
0x7f: {  	_ =	swait.ge [sflag:s13], $0x4000  }
0x80: {  	[sflag:s13] =	ssyncset.done $0x0  }
0x81: {  	[sflag:s13] =	ssyncadd.s32 $0xFFFFC000  }
0x82: {  	_ =	swait.ge [sflag:s14], $0x80  }
0x83: {  	[sflag:s14] =	ssyncset.done $0x0  }
0x84: {  	[sflag:s14] =	ssyncadd.s32 $0xFFFFFF80  }
0x85: {  	[spmem:s3] =	stream.indirect.scatter.add.f32 [tilespmem:s2], [sflag:$0x5], $0x80, s12, s1, $0xb8;
	[tilespmem:$0x1F180] =	vst v63  }
0x86: {  	s11 =	simm.s32 $0x40;
	_ =	swait.ge [sflag:s26], $0x4000  }
0x87: {  	s16 =	simm.s32 $0x20;
	s17 =	simm.s32 $0x290;
	[sflag:s26] =	ssyncset.done $0x0  }
.LBB2_4:
0x88: {  	p0 =	sne.s32 s11, $0x4A0;
	s18 =	sadd.s32 $0xFFFFFF80, s17;
	[sflag:s26] =	ssyncadd.s32 $0xFFFFC000  }
0x89: {  	[tilespmem:s2], [sflag:$0x2] =	stream.indirect.gather [hbm4b:s0+s1], $0x80, s18, s1, $0xb8;
	[tilespmem:$0x1F180] =	vst v63  }
0x8a: {  	s19 =	smov.u32 s11;
	s11 =	sadd.s32 $0x20, s11;
	s18 =	sadd.s32 s16, s21  }
0x8b: {  	[tilespmem:s12], [sflag:$0x4] =	stream.linear.gather [hbm4b:s18+s4], $0x80, $0x38;
	[tilespmem:$0x1F180] =	vst v63  }
0x8c: {  	_ =	swait.ge [sflag:s24], $0x4000  }
0x8d: {  	[sflag:s24] =	ssyncset.done $0x0  }
0x8e: {  	[sflag:s24] =	ssyncadd.s32 $0xFFFFC000  }
0x8f: {  	_ =	swait.ge [sflag:s23], $0x80  }
0x90: {  	[sflag:s23] =	ssyncset.done $0x0  }
0x91: {  	[sflag:s23] =	ssyncadd.s32 $0xFFFFFF80  }
0x92: {  	[spmem:s3] =	stream.indirect.scatter.add.f32 [tilespmem:s22], [sflag:$0x5], $0x80, s31, s1, $0xb8;
	[tilespmem:$0x1F180] =	vst v63  }
0x93: {  	_ =	swait.ge [sflag:s26], $0x4000  }
0x94: {  	[sflag:s26] =	ssyncset.done $0x0  }
0x95: {  	[sflag:s26] =	ssyncadd.s32 $0xFFFFC000  }
0x96: {  	[tilespmem:s22], [sflag:$0x1] =	stream.indirect.gather [hbm4b:s0+s1], $0x80, s17, s1, $0xb8;
	[tilespmem:$0x1F180] =	vst v63  }
0x97: {  	s18 =	sadd.s32 s16, s20;
	s16 =	smov.u32 s19  }
0x98: {  	[tilespmem:s31], [sflag:$0x3] =	stream.linear.gather [hbm4b:s18+s4], $0x80, $0x38;
	[tilespmem:$0x1F180] =	vst v63  }
0x99: {  	_ =	swait.ge [sflag:s13], $0x4000  }
0x9a: {  	[sflag:s13] =	ssyncset.done $0x0  }
0x9b: {  	[sflag:s13] =	ssyncadd.s32 $0xFFFFC000  }
0x9c: {  	_ =	swait.ge [sflag:s14], $0x80  }
.Ltmp1:
0x9d: {  	[sflag:s14] =	ssyncset.done $0x0;
	(pc) =	sbr.rel @p0 .LBB2_4-.Ltmp1, $4  }
0x9e: {  	[sflag:s14] =	ssyncadd.s32 $0xFFFFFF80  }
0x9f: {  	[spmem:s3] =	stream.indirect.scatter.add.f32 [tilespmem:s2], [sflag:$0x5], $0x80, s12, s1, $0xb8;
	[tilespmem:$0x1F180] =	vst v63  }
0xa0: {  	_ =	swait.ge [sflag:s26], $0x4000  }
0xa1: {  	s17 =	sadd.s32 $0x100, s17;
	[sflag:s26] =	ssyncset.done $0x0  }
0xa2: {  	s11 =	sadd.s32 $0xFFFFFF80, s17;
	[sflag:s26] =	ssyncadd.s32 $0xFFFFC000  }
0xa3: {  	[tilespmem:s2], [sflag:$0x2] =	stream.indirect.gather [hbm4b:s0+s1], $0x80, s11, s1, $0xb8;
	[tilespmem:$0x1F180] =	vst v63  }
0xa4: {  	s19 =	sadd.s32 s16, s21  }
0xa5: {  	[tilespmem:s12], [sflag:$0x4] =	stream.linear.gather [hbm4b:s19+s4], $0x80, $0x38;
	[tilespmem:$0x1F180] =	vst v63  }
0xa6: {  	_ =	swait.ge [sflag:s24], $0x4000  }
0xa7: {  	[sflag:s24] =	ssyncset.done $0x0  }
0xa8: {  	[sflag:s24] =	ssyncadd.s32 $0xFFFFC000  }
0xa9: {  	_ =	swait.ge [sflag:s23], $0x80  }
0xaa: {  	[sflag:s23] =	ssyncset.done $0x0  }
0xab: {  	[sflag:s23] =	ssyncadd.s32 $0xFFFFFF80  }
0xac: {  	[spmem:s3] =	stream.indirect.scatter.add.f32 [tilespmem:s22], [sflag:$0x5], $0x80, s31, s1, $0xb8;
	[tilespmem:$0x1F180] =	vst v63  }
0xad: {  	_ =	swait.ge [sflag:s26], $0x4000  }
0xae: {  	[sflag:s26] =	ssyncset.done $0x0  }
0xaf: {  	[sflag:s26] =	ssyncadd.s32 $0xFFFFC000  }
0xb0: {  	[tilespmem:s22], [sflag:$0x1] =	stream.indirect.gather [hbm4b:s0+s1], $0x80, s17, s1, $0xb8;
	[tilespmem:$0x1F180] =	vst v63  }
0xb1: {  	s17 =	sadd.s32 s16, s20  }
0xb2: {  	[tilespmem:s31], [sflag:$0x3] =	stream.linear.gather [hbm4b:s17+s4], $0x80, $0x38;
	[tilespmem:$0x1F180] =	vst v63  }
0xb3: {  	_ =	swait.ge [sflag:s13], $0x4000  }
0xb4: {  	[sflag:s13] =	ssyncset.done $0x0  }
0xb5: {  	[sflag:s13] =	ssyncadd.s32 $0xFFFFC000  }
0xb6: {  	_ =	swait.ge [sflag:s14], $0x80  }
0xb7: {  	[sflag:s14] =	ssyncset.done $0x0  }
0xb8: {  	[sflag:s14] =	ssyncadd.s32 $0xFFFFFF80  }
0xb9: {  	[spmem:s3] =	stream.indirect.scatter.add.f32 [tilespmem:s2], [sflag:$0x5], $0x80, s12, s1, $0xb8;
	[tilespmem:$0x1F180] =	vst v63  }
0xba: {  	_ =	swait.ge [sflag:s26], $0x4000  }
0xbb: {  	[sflag:s26] =	ssyncset.done $0x0  }
0xbc: {  	[sflag:s26] =	ssyncadd.s32 $0xFFFFC000  }
0xbd: {  	_ =	swait.ge [sflag:s24], $0x4000  }
0xbe: {  	[sflag:s24] =	ssyncset.done $0x0  }
0xbf: {  	[sflag:s24] =	ssyncadd.s32 $0xFFFFC000  }
0xc0: {  	_ =	swait.ge [sflag:s23], $0x80  }
0xc1: {  	[sflag:s23] =	ssyncset.done $0x0  }
0xc2: {  	[sflag:s23] =	ssyncadd.s32 $0xFFFFFF80  }
0xc3: {  	[spmem:s3] =	stream.indirect.scatter.add.f32 [tilespmem:s22], [sflag:$0x5], $0x80, s31, s1, $0xb8;
	[tilespmem:$0x1F180] =	vst v63  }
0xc4: {  	_ =	swait.ge [sflag:s26], $0x4000  }
0xc5: {  	[sflag:s26] =	ssyncset.done $0x0  }
0xc6: {  	[sflag:s26] =	ssyncadd.s32 $0xFFFFC000  }
0xc7: {  	[bflag:$0x0] =	sbarrier.arrive $0xFFFF  }
0xc8: {  	[tilespmem:s22], [sflag:$0x5] =	stream.linear.gather [spmem:s6], $0x4000, $0x38;
	[tilespmem:$0x1F180] =	vst v63  }
0xc9: {  	_ =	swait.ge [sflag:s26], $0x4000  }
0xca: {  	[sflag:s26] =	ssyncset.done $0x0  }
0xcb: {  	s18 =	rddreg [dreg:$0x7];
	[sflag:s26] =	ssyncadd.s32 $0xFFFFC000  }
0xcc: {  	[hbm4b:s18+s4] =	stream.linear.scatter [tilespmem:s22], [sflag:$0x1], $0x4000, $0x38;
	[tilespmem:$0x1F180] =	vst v63  }
0xcd: {  	_ = 	snop  }
0xce: {  	[tilespmem:s2], [sflag:$0x5] =	stream.linear.gather [spmem:s7], $0x4000, $0x38;
	[tilespmem:$0x1F180] =	vst v63  }
0xcf: {  	_ =	swait.ge [sflag:s26], $0x4000  }
0xd0: {  	[sflag:s26] =	ssyncset.done $0x0  }
0xd1: {  	s19 =	rddreg [dreg:$0x8];
	[sflag:s26] =	ssyncadd.s32 $0xFFFFC000  }
0xd2: {  	[hbm4b:s19+s4] =	stream.linear.scatter [tilespmem:s2], [sflag:$0x2], $0x4000, $0x38;
	[tilespmem:$0x1F180] =	vst v63  }
0xd3: {  	_ =	swait.ge [sflag:s24], $0x4000  }
0xd4: {  	[sflag:s24] =	ssyncset.done $0x0  }
0xd5: {  	[sflag:s24] =	ssyncadd.s32 $0xFFFFC000  }
0xd6: {  	[tilespmem:s22], [sflag:$0x5] =	stream.linear.gather [spmem:s8], $0x4000, $0x38;
	[tilespmem:$0x1F180] =	vst v63  }
0xd7: {  	_ =	swait.ge [sflag:s26], $0x4000  }
0xd8: {  	[sflag:s26] =	ssyncset.done $0x0  }
0xd9: {  	s16 =	rddreg [dreg:$0x9];
	[sflag:s26] =	ssyncadd.s32 $0xFFFFC000  }
0xda: {  	[hbm4b:s16+s4] =	stream.linear.scatter [tilespmem:s22], [sflag:$0x1], $0x4000, $0x38;
	[tilespmem:$0x1F180] =	vst v63  }
0xdb: {  	_ =	swait.ge [sflag:s13], $0x4000  }
0xdc: {  	[sflag:s13] =	ssyncset.done $0x0  }
0xdd: {  	[sflag:s13] =	ssyncadd.s32 $0xFFFFC000  }
0xde: {  	[tilespmem:s2], [sflag:$0x5] =	stream.linear.gather [spmem:s9], $0x4000, $0x38;
	[tilespmem:$0x1F180] =	vst v63  }
0xdf: {  	_ =	swait.ge [sflag:s26], $0x4000  }
0xe0: {  	[sflag:s26] =	ssyncset.done $0x0  }
0xe1: {  	s17 =	rddreg [dreg:$0xa];
	[sflag:s26] =	ssyncadd.s32 $0xFFFFC000  }
0xe2: {  	[hbm4b:s17+s4] =	stream.linear.scatter [tilespmem:s2], [sflag:$0x2], $0x4000, $0x38;
	[tilespmem:$0x1F180] =	vst v63  }
0xe3: {  	_ =	swait.ge [sflag:s24], $0x4000  }
0xe4: {  	[sflag:s24] =	ssyncset.done $0x0  }
0xe5: {  	[sflag:s24] =	ssyncadd.s32 $0xFFFFC000  }
0xe6: {  	[tilespmem:s22], [sflag:$0x5] =	stream.linear.gather [spmem:s10], $0x4000, $0x38;
	[tilespmem:$0x1F180] =	vst v63  }
0xe7: {  	_ =	swait.ge [sflag:s26], $0x4000  }
0xe8: {  	[sflag:s26] =	ssyncset.done $0x0  }
0xe9: {  	s18 =	rddreg [dreg:$0xb];
	[sflag:s26] =	ssyncadd.s32 $0xFFFFC000  }
0xea: {  	[hbm4b:s18+s4] =	stream.linear.scatter [tilespmem:s22], [sflag:$0x1], $0x4000, $0x38;
	[tilespmem:$0x1F180] =	vst v63  }
0xeb: {  	_ =	swait.ge [sflag:s13], $0x4000  }
0xec: {  	[sflag:s13] =	ssyncset.done $0x0  }
0xed: {  	[sflag:s13] =	ssyncadd.s32 $0xFFFFC000  }
0xee: {  	_ =	swait.ge [sflag:s24], $0x4000  }
0xef: {  	s15 =	sadd.s32 $0x1, s15;
	s19 =	rddreg [dreg:$0xc]  }
0xf0: {  	p0 =	sne.s32 s15, s19  }
.Ltmp2:
0xf1: {  	_ = 	snop;
	(pc) =	sbr.rel @p0 .LBB2_1-.Ltmp2, $3  }
0xf2: {  	_ =	sdelay $0x1  }
0xf3: {  	[sflag:s24] =	ssyncset.done $0x0  }
0xf4: {  	[sflag:s24] =	ssyncadd.s32 $0xFFFFC000  }
0xf5: {  	_ =	sfence.sel $0x180000  }
0xf6: {  	[bflag:$0x0] =	sbarrier.arrive $0xFFFF  }
0xf7: {  	_ =	strace $0x9000004D  }
0xf8: {  	s0 =	stileid.u32;
	[bflag:$0x2] =	sbarrier.arrive $0xFFFF  }
0xf9: {  	p0 =	sne.s32 s0, $0x0;
	s0 =	rddreg [dreg:$0x3]  }
0xfa: {  	s0 =	sadd.s32 @!p0 $0x100000, s0  }
0xfb: {  	[sflag:s0] =	ssyncadd.tile.s32 @!p0 $0x1;
	_ =	shalt  }
.Lfunc_end2:
_tile_overlayer_lowered:
.L_overlay_start_2:
0xfc: {  	(tag) =	ssettag $0x2  }
0xfd: {  	s0 =	rddreg [dreg:$0x0];
	s2 =	stileid.u32  }
0xfe: {  	s1 =	rddreg [dreg:$0x1];
	p0 =	sne.s32 s2, $0x0  }
0xff: {  	s3 =	rddreg [dreg:$0x2];
	[bflag:$0x3] =	sbarrier.arrive $0xFFFF;
	s2 =	simm.s32 @!p0 $0x1C05  }
0x100: {  	[timem:s3], [sflag:s2] =	dma.local @!p0 [hbm:s0], s1  }
0x101: {  	s0 =	simm.s32 @!p0 $0x5  }
0x102: {  	_ =	swait.ge @!p0 [sflag:s0], s1  }
0x103: {  	s1 =	ssub.s32 @!p0 $0x0, s1;
	[sflag:s0] =	ssyncset.done @!p0 $0x0  }
0x104: {  	[sflag:s0] =	ssyncadd.s32 @!p0 s1  }
0x105: {  	[bflag:$0x3] =	sbarrier.arrive $0xFFFF  }
0x106: {  	_ =	shalt  }

// kernel: kernel.20.cloned.1.call-start
scs
__scs_entry_jumppad:
0x0: {  	(pc) =	sbr.rel $0x88, $3  }
0x1: {  	(tag) =	ssettag $0x0;
	lr =	simm.s32 $0x1  }
0x2: {  	[smem:$0x3F99] =	sst lr;
	_ =	strace $0xD0000000  }
0x3: {  	_ = 	snop  }
0x4: {  	_ = 	snop  }
0x5: {  	_ = 	snop  }
0x6: {  	_ = 	snop  }
0x7: {  	_ = 	snop  }
__scs_overlays_trampoline_lowered:
0x8: {  	[smem:$0x3FA8] =	sst s0  }
0x9: {  	[smem:$0x3FA9] =	sst s1  }
0xa: {  	[smem:$0x3FAA] =	sst s2  }
0xb: {  	[smem:$0x3FAB] =	sst s3  }
0xc: {  	[smem:$0x3FAC] =	sst s4  }
0xd: {  	[smem:$0x3FAD] =	sst s5  }
0xe: {  	[smem:$0x3FAE] =	sst s6  }
0xf: {  	[smem:$0x3FAF] =	sst s7  }
0x10: {  	[smem:$0x3FB0] =	sst s8  }
0x11: {  	[smem:$0x3FB1] =	sst s9;
	s0 =	simm.s32 @!p0 $0x0  }
0x12: {  	s1 =	sld [smem:$0x3F97];
	s0 =	simm.s32 @p0 $0x1  }
0x13: {  	[smem:$0x3FB2] =	sst s0;
	s0 =	simm.s32 @!p1 $0x0  }
0x14: {  	s2 =	sld [smem:$0x3F96];
	s0 =	simm.s32 @p1 $0x1  }
0x15: {  	[smem:$0x3FB3] =	sst s0;
	s0 =	simm.s32 @!p2 $0x0  }
0x16: {  	s3 =	sld [smem:$0x3FDB];
	s0 =	simm.s32 @p2 $0x1  }
0x17: {  	s4 =	simm.s32 $0x1BF5;
	[smem:$0x3FB5] =	sst s0  }
0x18: {  	s0 =	sld [smem:$0x3F98];
	_ =	swait.ge [sflag:s4], $0x0  }
0x19: {  	s7 =	sld [smem:$0x3F99]  }
0x1a: {  	s8 =	sadd.s32 $0xFFFFE003, lr  }
0x1b: {  	s9 =	sadd.s32 $0xFFFFFEF7, lr;
	s5 =	simm.s32 $0xFFFFFFFF;
	p2 =	slt.u32 s8, $0xFFFFF086  }
0x1c: {  	p1 =	slt.u32 s9, $0xF7A;
	s5 =	simm.s32 @!p2 $0x0  }
0x1d: {  	s5 =	simm.s32 @p1 $0x1;
	p0 =	seq.s32 s7, s2  }
0x1e: {  	s7 =	smul.u32 @!p0 $0xF7A, s2;
	p2 =	seq.s32 @!p0 s5, $0x0  }
0x1f: {  	s9 =	smul.u32 $0xF7A, s1;
	s8 =	simm.s32 @!p0 $0x1BF5;
	p2 =	por !p2, p0  }
0x20: {  	[sflag:s8] =	ssyncset.s32 @!p0 $0xFFFFF086;
	s6 =	sadd.s32 @!p0 s3, s7;
	s7 =	simm.s32 @!p0 $0x108  }
0x21: {  	s3 =	sadd.s32 s3, s9;
	s6 =	sadd.s32 @!p0 $0x88, s6;
	s7 =	simm.s32 @p2 $0x1082  }
0x22: {  	[simem:s7], [sflag:s8] =	dma.local @!p0 [hbm:s6], $0xF7A  }
0x23: {  	s9 =	sor.u32 $0xD0000000, s2;
	s6 =	simm.s32 $0x108;
	_ =	swait.ge @!p0 [sflag:s8], $0x0  }
0x24: {  	s3 =	sadd.s32 $0x88, s3;
	s6 =	simm.s32 @!p1 $0x1082;
	[sflag:s4] =	ssyncset.s32 $0xFFFFF086  }
0x25: {  	[simem:s6], [sflag:s4] =	dma.local [hbm:s3], $0xF7A  }
0x26: {  	[smem:$0x3F99] =	sst s1;
	(tag) =	ssettag s2;
	_ =	strace s9  }
0x27: {  	s1 =	sld [smem:$0x3FA9]  }
0x28: {  	s2 =	sld [smem:$0x3FAA]  }
0x29: {  	s4 =	sld [smem:$0x3FAC]  }
0x2a: {  	p0 =	seq.s32 s5, $0x0;
	s5 =	sld [smem:$0x3FAD]  }
0x2b: {  	s6 =	sld [smem:$0x3FAE]  }
0x2c: {  	s7 =	sld [smem:$0x3FAF]  }
0x2d: {  	s3 =	simm.s32 $0x108;
	s8 =	sld [smem:$0x3FB0]  }
0x2e: {  	s3 =	simm.s32 @!p0 $0x1082;
	s9 =	sld [smem:$0x3FB1]  }
0x2f: {  	lr =	sadd.s32 s0, s3;
	s0 =	sld [smem:$0x3FA8]  }
0x30: {  	s3 =	sld [smem:$0x3FAB]  }
0x31: {  	[smem:$0x3FB4] =	sst s10  }
0x32: {  	s10 =	sld [smem:$0x3FB2];
	_ =	sdelay $0x3  }
0x33: {  	p0 =	seq.s32 s10, $0x1;
	s10 =	sld [smem:$0x3FB4];
	_ =	sdelay $0x3  }
0x34: {  	[smem:$0x3FB4] =	sst s10  }
0x35: {  	s10 =	sld [smem:$0x3FB3];
	_ =	sdelay $0x3  }
0x36: {  	p1 =	seq.s32 s10, $0x1;
	s10 =	sld [smem:$0x3FB4];
	_ =	sdelay $0x3  }
0x37: {  	[smem:$0x3FB4] =	sst s10  }
0x38: {  	s10 =	sld [smem:$0x3FB5]  }
0x39: {  	_ = 	snop;
	(pc) =	sbr.ind lr, $3  }
0x3a: {  	_ = 	snop  }
0x3b: {  	_ = 	snop  }
0x3c: {  	p2 =	seq.s32 s10, $0x1;
	s10 =	sld [smem:$0x3FB4]  }
0x3d: {  	_ =	shalt  }
0x3e: {  	_ =	shalt  }
0x3f: {  	_ =	shalt  }
0x40: {  	_ =	shalt  }
0x41: {  	_ =	shalt  }
0x42: {  	_ =	shalt  }
0x43: {  	_ =	shalt  }
0x44: {  	_ =	shalt  }
0x45: {  	_ =	shalt  }
0x46: {  	_ =	shalt  }
0x47: {  	_ =	shalt  }
0x48: {  	_ =	shalt  }
0x49: {  	_ =	shalt  }
0x4a: {  	_ =	shalt  }
0x4b: {  	_ =	shalt  }
0x4c: {  	_ =	shalt  }
0x4d: {  	_ =	shalt  }
0x4e: {  	_ =	shalt  }
0x4f: {  	_ =	shalt  }
0x50: {  	_ =	shalt  }
0x51: {  	_ =	shalt  }
0x52: {  	_ =	shalt  }
0x53: {  	_ =	shalt  }
0x54: {  	_ =	shalt  }
0x55: {  	_ =	shalt  }
0x56: {  	_ =	shalt  }
0x57: {  	_ =	shalt  }
0x58: {  	_ =	shalt  }
0x59: {  	_ =	shalt  }
0x5a: {  	_ =	shalt  }
0x5b: {  	_ =	shalt  }
0x5c: {  	_ =	shalt  }
0x5d: {  	_ =	shalt  }
0x5e: {  	_ =	shalt  }
0x5f: {  	_ =	shalt  }
0x60: {  	_ =	shalt  }
0x61: {  	_ =	shalt  }
0x62: {  	_ =	shalt  }
0x63: {  	_ =	shalt  }
0x64: {  	_ =	shalt  }
0x65: {  	_ =	shalt  }
0x66: {  	_ =	shalt  }
0x67: {  	_ =	shalt  }
0x68: {  	_ =	shalt  }
0x69: {  	_ =	shalt  }
0x6a: {  	_ =	shalt  }
0x6b: {  	_ =	shalt  }
0x6c: {  	_ =	shalt  }
0x6d: {  	_ =	shalt  }
0x6e: {  	_ =	shalt  }
0x6f: {  	_ =	shalt  }
0x70: {  	_ =	shalt  }
0x71: {  	_ =	shalt  }
0x72: {  	_ =	shalt  }
0x73: {  	_ =	shalt  }
0x74: {  	_ =	shalt  }
0x75: {  	_ =	shalt  }
0x76: {  	_ =	shalt  }
0x77: {  	_ =	shalt  }
0x78: {  	_ =	shalt  }
0x79: {  	_ =	shalt  }
0x7a: {  	_ =	shalt  }
0x7b: {  	_ =	shalt  }
0x7c: {  	_ =	shalt  }
0x7d: {  	_ =	shalt  }
0x7e: {  	_ =	shalt  }
0x7f: {  	_ =	shalt  }
0x80: {  	_ =	shalt  }
0x81: {  	_ =	shalt  }
0x82: {  	_ =	shalt  }
0x83: {  	_ =	shalt  }
0x84: {  	_ =	shalt  }
0x85: {  	_ =	shalt  }
0x86: {  	_ =	shalt  }
0x87: {  	_ =	shalt  }
.Lfunc_end0:
.L_simem_size_0:
called_computation.3_lowered:
.L_overlay_start_0:
0x88: {  	s2 =	sld [smem:$0x3FD9]  }
0x89: {  	s3 =	sld [smem:$0x3FFE];
	_ =	sdelay $0x1  }
0x8a: {  	s1 =	srdreg.scid  }
0x8b: {  	s0 =	sand.u32 $0x1, s1  }
0x8c: {  	s17 =	sshll.u32 s0, $0xA;
	s2 =	sadd.s32 s3, s2  }
0x8d: {  	s2 =	sadd.s32 s2, s17  }
0x8e: {  	[smem:$0x3FC0] =	sst s2  }
0x8f: {  	_ = 	snop  }
0x90: {  	s2 =	sld [smem:$0x3FD0];
	(tm) =	ssettm $0x1  }
0x91: {  	s18 =	sld [smem:$0x3FFB];
	_ =	sdelay $0x3  }
0x92: {  	_ =	strace s18  }
0x93: {  	s3 =	sld [smem:$0x3FFC];
	_ =	sdelay $0x3  }
0x94: {  	_ =	strace s3  }
0x95: {  	s3 =	sld [smem:$0x3FFD];
	_ =	sdelay $0x3  }
0x96: {  	_ =	strace s3  }
0x97: {  	_ =	strace $0x8FFFFFFF  }
0x98: {  	s19 =	sld [smem:$0x3FDB];
	_ =	sdelay $0x1  }
0x99: {  	s4 =	simm.s32 $_scs_section_size  }
0x9a: {  	s5 =	simm.s32 $_size__tile_overlayer_lowered;
	s6 =	simm.s32 $_tile_overlayer_lowered  }
0x9b: {  	s22 =	simm.s32 $0x1BFF;
	s21 =	sshll.u32 s6, $0x1;
	s3 =	sadd.s32 s4, s19  }
0x9c: {  	s7 =	simm.s32 $0x0;
	s20 =	sshll.u32 s5, $0x1;
	s5 =	sadd.s32 s21, s3  }
0x9d: {  	[timem:s7], [sflag:s22] =	dma.local [hbm:s5], s20  }
0x9e: {  	_ =	swait.ge [sflag:s22], s20  }
0x9f: {  	s4 =	ssub.s32 $0x0, s20;
	[sflag:s22] =	ssyncset.done $0x0  }
0xa0: {  	[sflag:s22] =	ssyncadd.s32 s4;
	_ =	sdelay $0x1  }
0xa1: {  	s23 =	simm.s32 $0x1B8B  }
0xa2: {  	_ =	swait.ge [sflag:s23], $0x1  }
0xa3: {  	[sflag:s23] =	ssyncset.done $0x0  }
0xa4: {  	s25 =	simm.s32 $0x1B8E;
	s24 =	sld [smem:$0x3FFE];
	[sflag:s23] =	ssyncadd.s32 $0xFFFFFFFF  }
0xa5: {  	s26 =	simm.s32 $execute0_lowered;
	[smem:$0x3FD2] =	sst s25  }
0xa6: {  	s5 =	sshll.u32 s26, $0x1;
	_ =	strace $0x8000004F;
	[dreg:$0x1] =	wrdreg $0xFFFFFFFF  }
0xa7: {  	s28 =	simm.s32 $_size_execute0_lowered;
	s3 =	sadd.s32 s3, s5;
	[dreg:$0x0] =	wrdreg $0x0  }
0xa8: {  	s5 =	sshll.u32 s28, $0x1;
	[dreg:$0x2] =	wrdreg s3  }
0xa9: {  	[dreg:$0x3] =	wrdreg s5  }
0xaa: {  	[dreg:$0x4] =	wrdreg $0xC0  }
0xab: {  	_ =	task [dreg:s7], $0x5FFFF  }
0xac: {  	[dreg:$0x1] =	wrdreg $0xFFFFFFFF  }
0xad: {  	[dreg:$0x0] =	wrdreg $0x60  }
0xae: {  	[dreg:$0x2] =	wrdreg s2  }
0xaf: {  	[dreg:$0x3] =	wrdreg s24  }
0xb0: {  	[dreg:$0x4] =	wrdreg $0xB1800  }
0xb1: {  	[dreg:$0x5] =	wrdreg $0x9  }
0xb2: {  	_ =	task.clear_ibuf [dreg:s7], $0x6FFFF;
	_ =	strace $0x9000004F  }
0xb3: {  	s29 =	simm.s32 $0x9;
	_ =	strace $0x80000051  }
0xb4: {  	_ =	swait.ge [sflag:s29], $0x1  }
0xb5: {  	[sflag:s29] =	ssyncadd.s32 $0xFFFFFFFF  }
0xb6: {  	_ =	strace $0x90000051  }
0xb7: {  	_ =	sfence  }
0xb8: {  	s30 =	sld [smem:$0x0];
	_ =	sdelay $0x2  }
0xb9: {  	s31 =	sshll.u32 s1, $0xD;
	s1 =	sshrl.u32 s1, $0x2  }
0xba: {  	s3 =	sand.u32 $0x4000, s31;
	s1 =	sadd.s32 s1, s30  }
0xbb: {  	s0 =	sor.u32 s3, s0;
	s1 =	sshll.u32 s1, $0x11  }
0xbc: {  	s0 =	sor.u32 s1, s0  }
0xbd: {  	s0 =	sadd.s32 $0x8F2B, s0  }
0xbe: {  	[sflag:s0] =	ssyncadd.remote.s32 $0x1  }
0xbf: {  	_ =	sfence.sel $0xFFFF  }
0xc0: {  	[dreg:$0x0] =	wrdreg $0xFFFFFFFF;
	(pc) =	sbr.abs _section_cstart, $3  }
0xc1: {  	[dreg:$0x1] =	wrdreg $0xFFFFFFFF  }
0xc2: {  	_ =	task.clear_ibuf [dreg:s7], $0x2FFFF;
	_ =	strace $0x9FFFFFFF  }
0xc3: {  	(tm) =	ssettm $0x7FFFFFFF  }
tec
execute0_lowered:
.L_overlay_start_1:
0x0: {  	(tag) =	ssettag $0x1  }
0x1: {  	s0 =	rddreg [dreg:$0x0]  }
0x2: {  	s1 =	srdreg.scid;
	s2 =	rddreg [dreg:$0x1]  }
0x3: {  	s3 =	rddreg [dreg:$0x2];
	s20 =	stileid.u32  }
0x4: {  	s4 =	simm.s32 $0x0;
	s28 =	simm.s32 $0x2900;
	s29 =	simm.s32 $0x10  }
0x5: {  	s30 =	simm.s32 $0x2980;
	s31 =	simm.s32 $0x2780;
	s12 =	smul.u32 $0x280, s20  }
0x6: {  	s1 =	sand.u32 $0x1, s1;
	[smem:$0x7FF] =	sst s4;
	s8 =	smul.u32 $0x50000, s20  }
0x7: {  	s13 =	sadd.s32 $0xE600, s2;
	s5 =	sshll.u32 s1, $0x4;
	s18 =	ssub.s32 $0x2, s1  }
0x8: {  	_ =	strace $0x80000050;
	s5 =	sor.u32 s20, s5;
	s7 =	sshrl.u32 s18, $0x1  }
0x9: {  	s19 =	sshrl.u32 s8, $0x2;
	s15 =	sadd.s32 $0x80, s12;
	s16 =	sadd.s32 $0x100, s12  }
0xa: {  	s17 =	sadd.s32 $0x180, s12;
	s5 =	smul.u32 $0x2710, s5;
	s14 =	ssub.s32 s18, s7  }
0xb: {  	s21 =	sshll.u32 s15, $0x7;
	s22 =	sshll.u32 s16, $0x7;
	s9 =	sshll.u32 s17, $0x7  }
0xc: {  	s18 =	sadd.s32 $0x200, s12;
	s7 =	sadd.s32 s21, s3;
	s8 =	sadd.s32 s22, s3  }
0xd: {  	s9 =	sadd.s32 s9, s3;
	s10 =	sshll.u32 s18, $0x7;
	s11 =	sshrl.u32 s5, $0x3  }
0xe: {  	s10 =	sadd.s32 s10, s3;
	s6 =	sadd.s32 s11, s2;
	s2 =	sadd.s32 $0x3F600, s2  }
0xf: {  	s21 =	sadd.s32 s13, s11;
	s5 =	sadd.s32 $0x4800, s6;
	s6 =	sadd.s32 s19, s3  }
0x10: {  	s19 =	smul.u32 $0x2800, s1;
	s24 =	sadd.s32 $0x2, s21;
	[dreg:$0x4] =	wrdreg s21  }
0x11: {  	s26 =	sadd.s32 $0x12, s21;
	s1 =	smul.u32 $0x27100, s1;
	[dreg:$0x5] =	wrdreg s24  }
0x12: {  	s21 =	smul.u32 $0x2710, s20;
	[dreg:$0x6] =	wrdreg s26;
	s26 =	smax.u32 s14, $0x1  }
0x13: {  	s14 =	simm.s32 $0x4;
	s23 =	sadd.s32 s12, s19;
	s25 =	sadd.s32 s19, s15  }
0x14: {  	s16 =	sadd.s32 s19, s16;
	s17 =	sadd.s32 s19, s17;
	s1 =	sadd.s32 s21, s1  }
0x15: {  	[dreg:$0xc] =	wrdreg s26;
	s26 =	simm.s32 $0x5;
	s12 =	simm.s32 $0x2800  }
0x16: {  	s11 =	sshll.u32 s23, $0x4;
	s15 =	sshll.u32 s25, $0x4;
	s22 =	sshll.u32 s17, $0x4  }
0x17: {  	s23 =	sadd.s32 s19, s18;
	s25 =	sadd.s32 $0x190, s1;
	s1 =	sadd.s32 $0x110, s1  }
0x18: {  	s11 =	sadd.s32 s2, s11;
	s24 =	sshll.u32 s23, $0x4;
	s1 =	sshrl.u32 s1, $0x3  }
0x19: {  	s23 =	simm.s32 $0x3;
	[dreg:$0x7] =	wrdreg s11;
	s11 =	sadd.s32 s2, s15  }
0x1a: {  	s21 =	sadd.s32 s1, s13;
	[dreg:$0x8] =	wrdreg s11;
	s11 =	sshll.u32 s16, $0x4  }
0x1b: {  	s1 =	simm.s32 $0x80;
	s15 =	simm.s32 $0x0;
	s11 =	sadd.s32 s2, s11  }
0x1c: {  	[dreg:$0x9] =	wrdreg s11;
	s11 =	sadd.s32 s2, s22;
	s2 =	sadd.s32 s2, s24  }
0x1d: {  	s22 =	simm.s32 $0x3180;
	s24 =	simm.s32 $0x1;
	[dreg:$0xa] =	wrdreg s11  }
0x1e: {  	[dreg:$0xb] =	wrdreg s2;
	s2 =	sshrl.u32 s25, $0x3;
	s25 =	simm.s32 $0x2880  }
0x1f: {  	v0 =	vimm.f32 $0.0e+00;
	s20 =	sadd.s32 s2, s13;
	s2 =	simm.s32 $0x7180;
	s13 =	simm.s32 $0x2  }
.LBB2_1:
0x20: {  	[tilespmem:s4], [sflag:$0x3] =	stream.linear.gather [hbm4b:s5+s4], $0x2710, $0x38;
	[tilespmem:$0x1F180] =	vst v63  }
0x21: {  	s11 =	simm.s32 $0x0;
	s16 =	simm.s32 $0x200  }
.LBB2_2:
0x22: {  	p0 =	sne.s32 s16, $0xFE00;
	[tilespmem:s11+$0x31F0] =	vst v0  }
0x23: {  	[tilespmem:s11+$0x3180] =	vst v0  }
0x24: {  	[tilespmem:s11+$0x3190] =	vst v0  }
.Ltmp0:
0x25: {  	[tilespmem:s11+$0x31A0] =	vst v0;
	(pc) =	sbr.rel @p0 .LBB2_2-.Ltmp0, $4  }
0x26: {  	[tilespmem:s11+$0x31B0] =	vst v0  }
0x27: {  	[tilespmem:s11+$0x31C0] =	vst v0  }
0x28: {  	[tilespmem:s11+$0x31D0] =	vst v0  }
0x29: {  	[tilespmem:s11+$0x31E0] =	vst v0;
	s11 =	sshra.s32 s16, $0x2;
	s16 =	sadd.s32 $0x200, s16  }
0x2a: {  	[tilespmem:s11+$0x31F0] =	vst v0  }
0x2b: {  	[tilespmem:s11+$0x3180] =	vst v0  }
0x2c: {  	[tilespmem:s11+$0x3190] =	vst v0  }
0x2d: {  	[tilespmem:s11+$0x31A0] =	vst v0  }
0x2e: {  	[tilespmem:s11+$0x31B0] =	vst v0  }
0x2f: {  	[tilespmem:s11+$0x31C0] =	vst v0  }
0x30: {  	[tilespmem:s11+$0x31D0] =	vst v0  }
0x31: {  	[tilespmem:s11+$0x31E0] =	vst v0  }
0x32: {  	[spmem:s6] =	stream.linear.scatter [tilespmem:s22], [sflag:$0x1], $0x4000, $0x38;
	[tilespmem:$0x1F180] =	vst v63  }
0x33: {  	_ = 	snop  }
0x34: {  	[spmem:s7] =	stream.linear.scatter [tilespmem:s22], [sflag:$0x1], $0x4000, $0x38;
	[tilespmem:$0x1F180] =	vst v63  }
0x35: {  	_ = 	snop  }
0x36: {  	[spmem:s8] =	stream.linear.scatter [tilespmem:s22], [sflag:$0x1], $0x4000, $0x38;
	[tilespmem:$0x1F180] =	vst v63  }
0x37: {  	_ = 	snop  }
0x38: {  	[spmem:s9] =	stream.linear.scatter [tilespmem:s22], [sflag:$0x1], $0x4000, $0x38;
	[tilespmem:$0x1F180] =	vst v63  }
0x39: {  	_ = 	snop  }
0x3a: {  	[spmem:s10] =	stream.linear.scatter [tilespmem:s22], [sflag:$0x1], $0x4000, $0x38;
	[tilespmem:$0x1F180] =	vst v63  }
0x3b: {  	_ =	swait.ge [sflag:s23], $0x2710  }
0x3c: {  	[sflag:s23] =	ssyncset.done $0x0  }
0x3d: {  	[sflag:s23] =	ssyncadd.s32 $0xFFFFD8F0  }
0x3e: {  	_ =	swait.ge [sflag:s24], $0x4000  }
0x3f: {  	[sflag:s24] =	ssyncset.done $0x0  }
0x40: {  	[sflag:s24] =	ssyncadd.s32 $0xFFFFC000  }
0x41: {  	_ =	swait.ge [sflag:s24], $0x4000  }
0x42: {  	[sflag:s24] =	ssyncset.done $0x0  }
0x43: {  	[sflag:s24] =	ssyncadd.s32 $0xFFFFC000  }
0x44: {  	_ =	swait.ge [sflag:s24], $0x4000  }
0x45: {  	[sflag:s24] =	ssyncset.done $0x0  }
0x46: {  	[sflag:s24] =	ssyncadd.s32 $0xFFFFC000  }
0x47: {  	_ =	swait.ge [sflag:s24], $0x4000  }
0x48: {  	[sflag:s24] =	ssyncset.done $0x0  }
0x49: {  	[sflag:s24] =	ssyncadd.s32 $0xFFFFC000  }
0x4a: {  	_ =	swait.ge [sflag:s24], $0x4000  }
0x4b: {  	[sflag:s24] =	ssyncset.done $0x0  }
0x4c: {  	[sflag:s24] =	ssyncadd.s32 $0xFFFFC000  }
0x4d: {  	[bflag:$0x0] =	sbarrier.arrive $0xFFFF  }
0x4e: {  	s11 =	simm.s32 $0x0;
	s16 =	rddreg [dreg:$0x4]  }
0x4f: {  	[tilespmem:s25], [sflag:$0x5] =	stream.linear.gather [hbm4b:s16+s11], $0x10, $0x38;
	[tilespmem:$0x1F180] =	vst v63  }
0x50: {  	_ =	swait.ge [sflag:s26], $0x10  }
0x51: {  	[sflag:s26] =	ssyncset.done $0x0  }
0x52: {  	[sflag:s26] =	ssyncadd.s32 $0xFFFFFFF0  }
0x53: {  	[tilespmem:s28], [sflag:$0x5] =	stream.linear.gather [hbm4b:s5+s11], $0x10, $0x38;
	[tilespmem:$0x1F180] =	vst v63  }
0x54: {  	_ =	swait.ge [sflag:s26], $0x10  }
0x55: {  	[sflag:s26] =	ssyncset.done $0x0  }
0x56: {  	[sflag:s26] =	ssyncadd.s32 $0xFFFFFFF0  }
0x57: {  	[tilespmem:s30], [sflag:$0x1] =	stream.indirect.gather [hbm4b:s0+s29], $0x80, s28, s29, $0xb8;
	[tilespmem:$0x1F180] =	vst v63  }
0x58: {  	_ =	swait.ge [sflag:s24], $0x800  }
0x59: {  	[sflag:s24] =	ssyncset.done $0x0  }
0x5a: {  	[sflag:s24] =	ssyncadd.s32 $0xFFFFF800  }
0x5b: {  	[spmem:s3] =	stream.indirect.scatter.add.f32 [tilespmem:s30], [sflag:$0x5], $0x80, s25, s29, $0xb8;
	[tilespmem:$0x1F180] =	vst v63  }
0x5c: {  	_ =	swait.ge [sflag:s26], $0x800  }
0x5d: {  	[sflag:s26] =	ssyncset.done $0x0  }
0x5e: {  	s17 =	rddreg [dreg:$0x5];
	[sflag:s26] =	ssyncadd.s32 $0xFFFFF800  }
0x5f: {  	[tilespmem:s31], [sflag:$0x5] =	stream.linear.gather [hbm4b:s17+s11], $0x80, $0x38;
	[tilespmem:$0x1F180] =	vst v63  }
0x60: {  	_ =	swait.ge [sflag:s26], $0x80  }
0x61: {  	[sflag:s26] =	ssyncset.done $0x0  }
0x62: {  	[sflag:s26] =	ssyncadd.s32 $0xFFFFFF80  }
0x63: {  	[tilespmem:s22], [sflag:$0x1] =	stream.indirect.gather [hbm4b:s0+s1], $0x80, s29, s1, $0xb8;
	[tilespmem:$0x1F180] =	vst v63  }
0x64: {  	_ =	swait.ge [sflag:s24], $0x4000  }
0x65: {  	[sflag:s24] =	ssyncset.done $0x0  }
0x66: {  	[sflag:s24] =	ssyncadd.s32 $0xFFFFC000  }
0x67: {  	[spmem:s3] =	stream.indirect.scatter.add.f32 [tilespmem:s22], [sflag:$0x5], $0x80, s31, s1, $0xb8;
	[tilespmem:$0x1F180] =	vst v63  }
0x68: {  	_ =	swait.ge [sflag:s26], $0x4000  }
0x69: {  	[sflag:s26] =	ssyncset.done $0x0  }
0x6a: {  	s18 =	simm.s32 $0x90;
	[sflag:s26] =	ssyncadd.s32 $0xFFFFC000  }
0x6b: {  	[tilespmem:s22], [sflag:$0x1] =	stream.indirect.gather [hbm4b:s0+s1], $0x80, s18, s1, $0xb8;
	[tilespmem:$0x1F180] =	vst v63  }
0x6c: {  	s19 =	rddreg [dreg:$0x6]  }
0x6d: {  	[tilespmem:s31], [sflag:$0x3] =	stream.linear.gather [hbm4b:s19+s11], $0x80, $0x38;
	[tilespmem:$0x1F180] =	vst v63  }
0x6e: {  	s16 =	simm.s32 $0x110  }
0x6f: {  	[tilespmem:s2], [sflag:$0x2] =	stream.indirect.gather [hbm4b:s0+s1], $0x80, s16, s1, $0xb8;
	[tilespmem:$0x1F180] =	vst v63  }
0x70: {  	s17 =	sadd.s32 $0x0, s21  }
0x71: {  	[tilespmem:s12], [sflag:$0x4] =	stream.linear.gather [hbm4b:s17+s4], $0x80, $0x38;
	[tilespmem:$0x1F180] =	vst v63  }
0x72: {  	_ =	swait.ge [sflag:s24], $0x4000  }
0x73: {  	[sflag:s24] =	ssyncset.done $0x0  }
0x74: {  	[sflag:s24] =	ssyncadd.s32 $0xFFFFC000  }
0x75: {  	_ =	swait.ge [sflag:s23], $0x80  }
0x76: {  	[sflag:s23] =	ssyncset.done $0x0  }
0x77: {  	[sflag:s23] =	ssyncadd.s32 $0xFFFFFF80  }
0x78: {  	[spmem:s3] =	stream.indirect.scatter.add.f32 [tilespmem:s22], [sflag:$0x5], $0x80, s31, s1, $0xb8;
	[tilespmem:$0x1F180] =	vst v63  }
0x79: {  	_ =	swait.ge [sflag:s26], $0x4000  }
0x7a: {  	[sflag:s26] =	ssyncset.done $0x0  }
0x7b: {  	s18 =	simm.s32 $0x190;
	[sflag:s26] =	ssyncadd.s32 $0xFFFFC000  }
0x7c: {  	[tilespmem:s22], [sflag:$0x1] =	stream.indirect.gather [hbm4b:s0+s1], $0x80, s18, s1, $0xb8;
	[tilespmem:$0x1F180] =	vst v63  }
0x7d: {  	s19 =	sadd.s32 $0x0, s20  }
0x7e: {  	[tilespmem:s31], [sflag:$0x3] =	stream.linear.gather [hbm4b:s19+s4], $0x80, $0x38;
	[tilespmem:$0x1F180] =	vst v63  }
0x7f: {  	_ =	swait.ge [sflag:s13], $0x4000  }
0x80: {  	[sflag:s13] =	ssyncset.done $0x0  }
0x81: {  	[sflag:s13] =	ssyncadd.s32 $0xFFFFC000  }
0x82: {  	_ =	swait.ge [sflag:s14], $0x80  }
0x83: {  	[sflag:s14] =	ssyncset.done $0x0  }
0x84: {  	[sflag:s14] =	ssyncadd.s32 $0xFFFFFF80  }
0x85: {  	[spmem:s3] =	stream.indirect.scatter.add.f32 [tilespmem:s2], [sflag:$0x5], $0x80, s12, s1, $0xb8;
	[tilespmem:$0x1F180] =	vst v63  }
0x86: {  	s11 =	simm.s32 $0x40;
	_ =	swait.ge [sflag:s26], $0x4000  }
0x87: {  	s16 =	simm.s32 $0x20;
	s17 =	simm.s32 $0x290;
	[sflag:s26] =	ssyncset.done $0x0  }
.LBB2_4:
0x88: {  	p0 =	sne.s32 s11, $0x4A0;
	s18 =	sadd.s32 $0xFFFFFF80, s17;
	[sflag:s26] =	ssyncadd.s32 $0xFFFFC000  }
0x89: {  	[tilespmem:s2], [sflag:$0x2] =	stream.indirect.gather [hbm4b:s0+s1], $0x80, s18, s1, $0xb8;
	[tilespmem:$0x1F180] =	vst v63  }
0x8a: {  	s19 =	smov.u32 s11;
	s11 =	sadd.s32 $0x20, s11;
	s18 =	sadd.s32 s16, s21  }
0x8b: {  	[tilespmem:s12], [sflag:$0x4] =	stream.linear.gather [hbm4b:s18+s4], $0x80, $0x38;
	[tilespmem:$0x1F180] =	vst v63  }
0x8c: {  	_ =	swait.ge [sflag:s24], $0x4000  }
0x8d: {  	[sflag:s24] =	ssyncset.done $0x0  }
0x8e: {  	[sflag:s24] =	ssyncadd.s32 $0xFFFFC000  }
0x8f: {  	_ =	swait.ge [sflag:s23], $0x80  }
0x90: {  	[sflag:s23] =	ssyncset.done $0x0  }
0x91: {  	[sflag:s23] =	ssyncadd.s32 $0xFFFFFF80  }
0x92: {  	[spmem:s3] =	stream.indirect.scatter.add.f32 [tilespmem:s22], [sflag:$0x5], $0x80, s31, s1, $0xb8;
	[tilespmem:$0x1F180] =	vst v63  }
0x93: {  	_ =	swait.ge [sflag:s26], $0x4000  }
0x94: {  	[sflag:s26] =	ssyncset.done $0x0  }
0x95: {  	[sflag:s26] =	ssyncadd.s32 $0xFFFFC000  }
0x96: {  	[tilespmem:s22], [sflag:$0x1] =	stream.indirect.gather [hbm4b:s0+s1], $0x80, s17, s1, $0xb8;
	[tilespmem:$0x1F180] =	vst v63  }
0x97: {  	s18 =	sadd.s32 s16, s20;
	s16 =	smov.u32 s19  }
0x98: {  	[tilespmem:s31], [sflag:$0x3] =	stream.linear.gather [hbm4b:s18+s4], $0x80, $0x38;
	[tilespmem:$0x1F180] =	vst v63  }
0x99: {  	_ =	swait.ge [sflag:s13], $0x4000  }
0x9a: {  	[sflag:s13] =	ssyncset.done $0x0  }
0x9b: {  	[sflag:s13] =	ssyncadd.s32 $0xFFFFC000  }
0x9c: {  	_ =	swait.ge [sflag:s14], $0x80  }
.Ltmp1:
0x9d: {  	[sflag:s14] =	ssyncset.done $0x0;
	(pc) =	sbr.rel @p0 .LBB2_4-.Ltmp1, $4  }
0x9e: {  	[sflag:s14] =	ssyncadd.s32 $0xFFFFFF80  }
0x9f: {  	[spmem:s3] =	stream.indirect.scatter.add.f32 [tilespmem:s2], [sflag:$0x5], $0x80, s12, s1, $0xb8;
	[tilespmem:$0x1F180] =	vst v63  }
0xa0: {  	_ =	swait.ge [sflag:s26], $0x4000  }
0xa1: {  	s17 =	sadd.s32 $0x100, s17;
	[sflag:s26] =	ssyncset.done $0x0  }
0xa2: {  	s11 =	sadd.s32 $0xFFFFFF80, s17;
	[sflag:s26] =	ssyncadd.s32 $0xFFFFC000  }
0xa3: {  	[tilespmem:s2], [sflag:$0x2] =	stream.indirect.gather [hbm4b:s0+s1], $0x80, s11, s1, $0xb8;
	[tilespmem:$0x1F180] =	vst v63  }
0xa4: {  	s19 =	sadd.s32 s16, s21  }
0xa5: {  	[tilespmem:s12], [sflag:$0x4] =	stream.linear.gather [hbm4b:s19+s4], $0x80, $0x38;
	[tilespmem:$0x1F180] =	vst v63  }
0xa6: {  	_ =	swait.ge [sflag:s24], $0x4000  }
0xa7: {  	[sflag:s24] =	ssyncset.done $0x0  }
0xa8: {  	[sflag:s24] =	ssyncadd.s32 $0xFFFFC000  }
0xa9: {  	_ =	swait.ge [sflag:s23], $0x80  }
0xaa: {  	[sflag:s23] =	ssyncset.done $0x0  }
0xab: {  	[sflag:s23] =	ssyncadd.s32 $0xFFFFFF80  }
0xac: {  	[spmem:s3] =	stream.indirect.scatter.add.f32 [tilespmem:s22], [sflag:$0x5], $0x80, s31, s1, $0xb8;
	[tilespmem:$0x1F180] =	vst v63  }
0xad: {  	_ =	swait.ge [sflag:s26], $0x4000  }
0xae: {  	[sflag:s26] =	ssyncset.done $0x0  }
0xaf: {  	[sflag:s26] =	ssyncadd.s32 $0xFFFFC000  }
0xb0: {  	[tilespmem:s22], [sflag:$0x1] =	stream.indirect.gather [hbm4b:s0+s1], $0x80, s17, s1, $0xb8;
	[tilespmem:$0x1F180] =	vst v63  }
0xb1: {  	s17 =	sadd.s32 s16, s20  }
0xb2: {  	[tilespmem:s31], [sflag:$0x3] =	stream.linear.gather [hbm4b:s17+s4], $0x80, $0x38;
	[tilespmem:$0x1F180] =	vst v63  }
0xb3: {  	_ =	swait.ge [sflag:s13], $0x4000  }
0xb4: {  	[sflag:s13] =	ssyncset.done $0x0  }
0xb5: {  	[sflag:s13] =	ssyncadd.s32 $0xFFFFC000  }
0xb6: {  	_ =	swait.ge [sflag:s14], $0x80  }
0xb7: {  	[sflag:s14] =	ssyncset.done $0x0  }
0xb8: {  	[sflag:s14] =	ssyncadd.s32 $0xFFFFFF80  }
0xb9: {  	[spmem:s3] =	stream.indirect.scatter.add.f32 [tilespmem:s2], [sflag:$0x5], $0x80, s12, s1, $0xb8;
	[tilespmem:$0x1F180] =	vst v63  }
0xba: {  	_ =	swait.ge [sflag:s26], $0x4000  }
0xbb: {  	[sflag:s26] =	ssyncset.done $0x0  }
0xbc: {  	[sflag:s26] =	ssyncadd.s32 $0xFFFFC000  }
0xbd: {  	_ =	swait.ge [sflag:s24], $0x4000  }
0xbe: {  	[sflag:s24] =	ssyncset.done $0x0  }
0xbf: {  	[sflag:s24] =	ssyncadd.s32 $0xFFFFC000  }
0xc0: {  	_ =	swait.ge [sflag:s23], $0x80  }
0xc1: {  	[sflag:s23] =	ssyncset.done $0x0  }
0xc2: {  	[sflag:s23] =	ssyncadd.s32 $0xFFFFFF80  }
0xc3: {  	[spmem:s3] =	stream.indirect.scatter.add.f32 [tilespmem:s22], [sflag:$0x5], $0x80, s31, s1, $0xb8;
	[tilespmem:$0x1F180] =	vst v63  }
0xc4: {  	_ =	swait.ge [sflag:s26], $0x4000  }
0xc5: {  	[sflag:s26] =	ssyncset.done $0x0  }
0xc6: {  	[sflag:s26] =	ssyncadd.s32 $0xFFFFC000  }
0xc7: {  	[bflag:$0x0] =	sbarrier.arrive $0xFFFF  }
0xc8: {  	[tilespmem:s22], [sflag:$0x5] =	stream.linear.gather [spmem:s6], $0x4000, $0x38;
	[tilespmem:$0x1F180] =	vst v63  }
0xc9: {  	_ =	swait.ge [sflag:s26], $0x4000  }
0xca: {  	[sflag:s26] =	ssyncset.done $0x0  }
0xcb: {  	s18 =	rddreg [dreg:$0x7];
	[sflag:s26] =	ssyncadd.s32 $0xFFFFC000  }
0xcc: {  	[hbm4b:s18+s4] =	stream.linear.scatter [tilespmem:s22], [sflag:$0x1], $0x4000, $0x38;
	[tilespmem:$0x1F180] =	vst v63  }
0xcd: {  	_ = 	snop  }
0xce: {  	[tilespmem:s2], [sflag:$0x5] =	stream.linear.gather [spmem:s7], $0x4000, $0x38;
	[tilespmem:$0x1F180] =	vst v63  }
0xcf: {  	_ =	swait.ge [sflag:s26], $0x4000  }
0xd0: {  	[sflag:s26] =	ssyncset.done $0x0  }
0xd1: {  	s19 =	rddreg [dreg:$0x8];
	[sflag:s26] =	ssyncadd.s32 $0xFFFFC000  }
0xd2: {  	[hbm4b:s19+s4] =	stream.linear.scatter [tilespmem:s2], [sflag:$0x2], $0x4000, $0x38;
	[tilespmem:$0x1F180] =	vst v63  }
0xd3: {  	_ =	swait.ge [sflag:s24], $0x4000  }
0xd4: {  	[sflag:s24] =	ssyncset.done $0x0  }
0xd5: {  	[sflag:s24] =	ssyncadd.s32 $0xFFFFC000  }
0xd6: {  	[tilespmem:s22], [sflag:$0x5] =	stream.linear.gather [spmem:s8], $0x4000, $0x38;
	[tilespmem:$0x1F180] =	vst v63  }
0xd7: {  	_ =	swait.ge [sflag:s26], $0x4000  }
0xd8: {  	[sflag:s26] =	ssyncset.done $0x0  }
0xd9: {  	s16 =	rddreg [dreg:$0x9];
	[sflag:s26] =	ssyncadd.s32 $0xFFFFC000  }
0xda: {  	[hbm4b:s16+s4] =	stream.linear.scatter [tilespmem:s22], [sflag:$0x1], $0x4000, $0x38;
	[tilespmem:$0x1F180] =	vst v63  }
0xdb: {  	_ =	swait.ge [sflag:s13], $0x4000  }
0xdc: {  	[sflag:s13] =	ssyncset.done $0x0  }
0xdd: {  	[sflag:s13] =	ssyncadd.s32 $0xFFFFC000  }
0xde: {  	[tilespmem:s2], [sflag:$0x5] =	stream.linear.gather [spmem:s9], $0x4000, $0x38;
	[tilespmem:$0x1F180] =	vst v63  }
0xdf: {  	_ =	swait.ge [sflag:s26], $0x4000  }
0xe0: {  	[sflag:s26] =	ssyncset.done $0x0  }
0xe1: {  	s17 =	rddreg [dreg:$0xa];
	[sflag:s26] =	ssyncadd.s32 $0xFFFFC000  }
0xe2: {  	[hbm4b:s17+s4] =	stream.linear.scatter [tilespmem:s2], [sflag:$0x2], $0x4000, $0x38;
	[tilespmem:$0x1F180] =	vst v63  }
0xe3: {  	_ =	swait.ge [sflag:s24], $0x4000  }
0xe4: {  	[sflag:s24] =	ssyncset.done $0x0  }
0xe5: {  	[sflag:s24] =	ssyncadd.s32 $0xFFFFC000  }
0xe6: {  	[tilespmem:s22], [sflag:$0x5] =	stream.linear.gather [spmem:s10], $0x4000, $0x38;
	[tilespmem:$0x1F180] =	vst v63  }
0xe7: {  	_ =	swait.ge [sflag:s26], $0x4000  }
0xe8: {  	[sflag:s26] =	ssyncset.done $0x0  }
0xe9: {  	s18 =	rddreg [dreg:$0xb];
	[sflag:s26] =	ssyncadd.s32 $0xFFFFC000  }
0xea: {  	[hbm4b:s18+s4] =	stream.linear.scatter [tilespmem:s22], [sflag:$0x1], $0x4000, $0x38;
	[tilespmem:$0x1F180] =	vst v63  }
0xeb: {  	_ =	swait.ge [sflag:s13], $0x4000  }
0xec: {  	[sflag:s13] =	ssyncset.done $0x0  }
0xed: {  	[sflag:s13] =	ssyncadd.s32 $0xFFFFC000  }
0xee: {  	_ =	swait.ge [sflag:s24], $0x4000  }
0xef: {  	s15 =	sadd.s32 $0x1, s15;
	s19 =	rddreg [dreg:$0xc]  }
0xf0: {  	p0 =	sne.s32 s15, s19  }
.Ltmp2:
0xf1: {  	_ = 	snop;
	(pc) =	sbr.rel @p0 .LBB2_1-.Ltmp2, $3  }
0xf2: {  	_ =	sdelay $0x1  }
0xf3: {  	[sflag:s24] =	ssyncset.done $0x0  }
0xf4: {  	[sflag:s24] =	ssyncadd.s32 $0xFFFFC000  }
0xf5: {  	_ =	sfence.sel $0x180000  }
0xf6: {  	[bflag:$0x0] =	sbarrier.arrive $0xFFFF  }
0xf7: {  	_ =	strace $0x90000050  }
0xf8: {  	s0 =	stileid.u32;
	[bflag:$0x2] =	sbarrier.arrive $0xFFFF  }
0xf9: {  	p0 =	sne.s32 s0, $0x0;
	s0 =	rddreg [dreg:$0x3]  }
0xfa: {  	s0 =	sadd.s32 @!p0 $0x100000, s0  }
0xfb: {  	[sflag:s0] =	ssyncadd.tile.s32 @!p0 $0x1;
	_ =	shalt  }
.Lfunc_end2:
_tile_overlayer_lowered:
.L_overlay_start_2:
0xfc: {  	(tag) =	ssettag $0x2  }
0xfd: {  	s0 =	rddreg [dreg:$0x0];
	s2 =	stileid.u32  }
0xfe: {  	s1 =	rddreg [dreg:$0x1];
	p0 =	sne.s32 s2, $0x0  }
0xff: {  	s3 =	rddreg [dreg:$0x2];
	[bflag:$0x3] =	sbarrier.arrive $0xFFFF;
	s2 =	simm.s32 @!p0 $0x1C05  }
0x100: {  	[timem:s3], [sflag:s2] =	dma.local @!p0 [hbm:s0], s1  }
0x101: {  	s0 =	simm.s32 @!p0 $0x5  }
0x102: {  	_ =	swait.ge @!p0 [sflag:s0], s1  }
0x103: {  	s1 =	ssub.s32 @!p0 $0x0, s1;
	[sflag:s0] =	ssyncset.done @!p0 $0x0  }
0x104: {  	[sflag:s0] =	ssyncadd.s32 @!p0 s1  }
0x105: {  	[bflag:$0x3] =	sbarrier.arrive $0xFFFF  }
0x106: {  	_ =	shalt  }

</sc_bundles>
